<compile_context>
chip_gen: v7x
topology: tpu7x:2x2x1
jax: 0.10.2.dev20260603
libtpu: 0.0.44.dev20260713+nightly
codegen_flags: <defaults>
</compile_context>

<pallas_src>
import functools
import jax
import jax.numpy as jnp
from jax import lax
from jax.experimental import pallas as pl
from jax.experimental.pallas import tpu as pltpu
from jax.experimental.pallas import tpu_sc as plsc

N, E = 10000, 320000
D_IN, D_EDGE, D_H, D_OUT = 128, 16, 32, 128

NC, NS = 2, 16
NW = NC * NS
C = 125
K = 80
ROWS_PER_TILE = 640
NPAD = NS * ROWS_PER_TILE



def _h_embed_body(x_ref, w_ref, b_ref, g_ref, beta_ref, h_ref):
    y = jnp.dot(x_ref[...], w_ref[...], preferred_element_type=jnp.float32)
    y = y + b_ref[...]
    m = jnp.mean(y, axis=0, keepdims=True)
    v = jnp.mean((y - m) * (y - m), axis=0, keepdims=True)
    hn = g_ref[...] * (y - m) / jnp.sqrt(v + 1e-5) + beta_ref[...]
    h_ref[...] = jnp.where(hn > 0, hn, 0.1 * hn)


def _egram_body(a_ref, g_ref, cs_ref):
    i = pl.program_id(0)
    a = a_ref[...]

    @pl.when(i == 0)
    def _():
        g_ref[...] = jnp.zeros_like(g_ref)
        cs_ref[...] = jnp.zeros_like(cs_ref)

    g_ref[...] += lax.dot_general(a, a, (((0,), (0,)), ((), ())),
                                  preferred_element_type=jnp.float32)
    cs_ref[...] += jnp.sum(a, axis=0, keepdims=True)


def _edge_table_body(a_ref, we_ref, be_ref, w_ref, b_ref, r_ref):
    y = jnp.dot(a_ref[...], we_ref[...], preferred_element_type=jnp.float32)
    y = y + be_ref[...]
    e = jnp.where(y > 0, y, 0.1 * y).astype(jnp.bfloat16)
    r_ref[...] = jnp.dot(e, w_ref[...], preferred_element_type=jnp.float32) + b_ref[...]


def _pq0_body(h_ref, wp_ref, wq_ref, p_ref, q_ref):
    h = h_ref[...]
    p_ref[...] = jnp.dot(h, wp_ref[...], preferred_element_type=jnp.float32)
    q_ref[...] = jnp.dot(h, wq_ref[...], preferred_element_type=jnp.float32)


def _pq1_body(h_ref, acc_ref, wp_ref, wq_ref, hn_ref, p_ref, q_ref):
    a = acc_ref[...]
    h = h_ref[...] + a[0, :N] + a[1, :N]
    hn_ref[...] = h
    p_ref[...] = jnp.dot(h, wp_ref[...], preferred_element_type=jnp.float32)
    q_ref[...] = jnp.dot(h, wq_ref[...], preferred_element_type=jnp.float32)


def _out_body(h_ref, acc_ref, w_ref, b_ref, g_ref, beta_ref, o_ref):
    a = acc_ref[...]
    h = h_ref[...] + a[0, :N] + a[1, :N]
    y = jnp.dot(h, w_ref[...], preferred_element_type=jnp.float32) + b_ref[...]
    m = jnp.mean(y, axis=0, keepdims=True)
    v = jnp.mean((y - m) * (y - m), axis=0, keepdims=True)
    o = g_ref[...] * (y - m) / jnp.sqrt(v + 1e-5) + beta_ref[...]
    o_ref[...] = jnp.where(o > 0, o, 0.1 * o)



def _msgpass_body(p_hbm, q_hbm, r_hbm, dst_hbm, src_hbm, out_hbm,
                  dst_all, src_all, pbuf, qbuf, rbuf, mbuf, zbuf, acc_sh,
                  sem_g0, sem_g1, sem_s0, sem_s1):
    cid = lax.axis_index("c")
    sid = lax.axis_index("s")
    wid = cid * NS + sid
    sem_g = (sem_g0, sem_g1)
    sem_s = (sem_s0, sem_s1)

    pltpu.sync_copy(dst_hbm.at[pl.ds(wid * K, K)], dst_all)
    pltpu.sync_copy(src_hbm.at[pl.ds(wid * K, K)], src_all)

    def _zrow(i, _):
        r = i // 2
        j = i - 2 * r
        zbuf[r, pl.ds(j * 16, 16)] = jnp.zeros((16,), jnp.float32)
        return 0
    lax.fori_loop(0, 2 * ROWS_PER_TILE, _zrow, 0)
    pltpu.sync_copy(zbuf, acc_sh.at[pl.ds(sid * ROWS_PER_TILE, ROWS_PER_TILE)])
    plsc.subcore_barrier()

    def _issue(k, b):
        ck = wid * K + k
        pltpu.async_copy(p_hbm.at[dst_all.at[k, 0]], pbuf.at[b], sem_g[b])
        pltpu.async_copy(q_hbm.at[src_all.at[k, 0]], qbuf.at[b], sem_g[b])
        pltpu.async_copy(r_hbm.at[ck], rbuf.at[b], sem_g[b])

    def _wait(k, b):
        pltpu.make_async_copy(p_hbm.at[dst_all.at[k, 0]], pbuf.at[b], sem_g[b]).wait()
        pltpu.make_async_copy(q_hbm.at[src_all.at[k, 0]], qbuf.at[b], sem_g[b]).wait()
        pltpu.make_async_copy(r_hbm.at[wid * K + k], rbuf.at[b], sem_g[b]).wait()

    for b in range(2):
        _issue(b, b)

    def _pair(i, _):
        k0 = i * 2
        for b in range(2):
            k = k0 + b
            _wait(k, b)

            @pl.when(k >= 2)
            def _(k=k, b=b):
                pltpu.make_async_copy(
                    mbuf.at[b], acc_sh.at[dst_all.at[k, 0]], sem_s[b]).wait()

            @plsc.parallel_loop(0, C, unroll=5)
            def _edge(c, b=b):
                for j in range(2):
                    fo = pl.ds(j * 16, 16)
                    so = pl.ds(32 + j * 16, 16)
                    lf = pbuf[b, c, fo] + qbuf[b, c, fo] + rbuf[b, c, fo]
                    ls = pbuf[b, c, so] + qbuf[b, c, so] + rbuf[b, c, so]
                    f = 1.0 / (1.0 + jnp.exp(-lf))
                    y = jnp.exp(-jnp.abs(ls))
                    t = y / (2.0 + y)
                    t2 = t * t
                    sp = jnp.maximum(ls, 0.0) + 2.0 * t * (
                        1.0 + t2 * (1.0 / 3.0 + t2 * (0.2 + t2 * (1.0 / 7.0))))
                    mbuf[b, c, fo] = f * sp

            pltpu.async_copy(
                mbuf.at[b], acc_sh.at[dst_all.at[k, 0]], sem_s[b], add=True)

            @pl.when(k + 2 < K)
            def _(k=k, b=b):
                _issue(k + 2, b)
        return 0

    lax.fori_loop(0, K // 2, _pair, 0)
    for b in range(2):
        pltpu.make_async_copy(
            mbuf.at[b], acc_sh.at[dst_all.at[K - 2 + b, 0]], sem_s[b]).wait()
    plsc.subcore_barrier()
    sl = pl.ds(sid * ROWS_PER_TILE, ROWS_PER_TILE)
    pltpu.sync_copy(acc_sh.at[sl], out_hbm.at[cid, sid])


_msgpass = functools.partial(
    pl.kernel,
    _msgpass_body,
    out_type=jax.ShapeDtypeStruct((NC, NS, ROWS_PER_TILE, D_H), jnp.float32),
    mesh=plsc.VectorSubcoreMesh(core_axis_name="c", subcore_axis_name="s"),
    scratch_types=[
        pltpu.VMEM((K, 1, C), jnp.int32),
        pltpu.VMEM((K, 1, C), jnp.int32),
        pltpu.VMEM((2, C, 2 * D_H), jnp.float32),
        pltpu.VMEM((2, C, 2 * D_H), jnp.float32),
        pltpu.VMEM((2, C, 2 * D_H), jnp.float32),
        pltpu.VMEM((2, C, D_H), jnp.float32),
        pltpu.VMEM((ROWS_PER_TILE, D_H), jnp.float32),
        pltpu.VMEM_SHARED((NPAD, D_H), jnp.float32),
        pltpu.SemaphoreType.DMA,
        pltpu.SemaphoreType.DMA,
        pltpu.SemaphoreType.DMA,
        pltpu.SemaphoreType.DMA,
    ],
    compiler_params=pltpu.CompilerParams(use_tc_tiling_on_sc=False),
)()


@jax.jit
def kernel(x, edge_index, edge_attr, W_in, b_in, g_in, beta_in, W_e, b_e,
           g_e, beta_e, Wf0, bf0, Ws0, bs0, Wf1, bf1, Ws1, bs1, W_out,
           b_out, g_out, beta_out):
    f32 = jnp.float32
    b2 = lambda a: a.reshape(1, -1)

    h0 = pl.pallas_call(
        _h_embed_body,
        out_shape=jax.ShapeDtypeStruct((N, D_H), f32),
    )(x, W_in, b2(b_in), b2(g_in), b2(beta_in))

    dst3 = edge_index[1].reshape(NW * K, 1, C)
    src3 = edge_index[0].reshape(NW * K, 1, C)

    P8 = 8
    EC8 = 800
    a8 = edge_attr.reshape(E // P8, P8 * D_EDGE)
    G8, cs8 = pl.pallas_call(
        _egram_body,
        out_shape=[jax.ShapeDtypeStruct((P8 * D_EDGE, P8 * D_EDGE), f32),
                   jax.ShapeDtypeStruct((1, P8 * D_EDGE), f32)],
        grid=(E // P8 // EC8,),
        in_specs=[pl.BlockSpec((EC8, P8 * D_EDGE), lambda i: (i, 0))],
        out_specs=[pl.BlockSpec((P8 * D_EDGE, P8 * D_EDGE), lambda i: (0, 0)),
                   pl.BlockSpec((1, P8 * D_EDGE), lambda i: (0, 0))],
    )(a8)
    G = jnp.einsum('aiaj->ij', G8.reshape(P8, D_EDGE, P8, D_EDGE))
    cs = cs8.reshape(P8, D_EDGE).sum(axis=0)
    me = (cs @ W_e) / E + b_e
    Ey2 = (jnp.einsum('ij,ik,kj->j', W_e, G, W_e)
           + 2.0 * b_e * (cs @ W_e) + E * b_e * b_e) / E
    ve = Ey2 - me * me
    scale = g_e / jnp.sqrt(ve + 1e-5)
    We_t = W_e * scale
    be_t = (b_e - me) * scale + beta_e

    eye8 = jnp.eye(P8, dtype=f32)
    W8 = jnp.kron(eye8, We_t)
    b8 = jnp.tile(be_t, P8)
    w0 = jnp.kron(eye8, jnp.concatenate([Wf0[64:96], Ws0[64:96]], axis=1)).astype(jnp.bfloat16)
    b0 = jnp.tile(jnp.concatenate([bf0, bs0]), P8)
    w1 = jnp.kron(eye8, jnp.concatenate([Wf1[64:96], Ws1[64:96]], axis=1)).astype(jnp.bfloat16)
    b1 = jnp.tile(jnp.concatenate([bf1, bs1]), P8)

    def _table(w, b):
        r = pl.pallas_call(
            _edge_table_body,
            out_shape=jax.ShapeDtypeStruct((E // P8, P8 * 2 * D_H), f32),
            grid=(E // P8 // EC8,),
            in_specs=[
                pl.BlockSpec((EC8, P8 * D_EDGE), lambda i: (i, 0)),
                pl.BlockSpec((P8 * D_EDGE, P8 * D_H), lambda i: (0, 0)),
                pl.BlockSpec((1, P8 * D_H), lambda i: (0, 0)),
                pl.BlockSpec((P8 * D_H, P8 * 2 * D_H), lambda i: (0, 0)),
                pl.BlockSpec((1, P8 * 2 * D_H), lambda i: (0, 0)),
            ],
            out_specs=pl.BlockSpec((EC8, P8 * 2 * D_H), lambda i: (i, 0)),
        )(a8, W8, b2(b8), w, b2(b))
        return r.reshape(NW * K, C, 2 * D_H)

    R0 = _table(w0, b0)
    R1 = _table(w1, b1)

    wp0 = jnp.concatenate([Wf0[0:32], Ws0[0:32]], axis=1)
    wq0 = jnp.concatenate([Wf0[32:64], Ws0[32:64]], axis=1)
    P0, Q0 = pl.pallas_call(
        _pq0_body,
        out_shape=[jax.ShapeDtypeStruct((N, 2 * D_H), f32)] * 2,
    )(h0, wp0, wq0)
    acc0 = _msgpass(P0, Q0, R0, dst3, src3).reshape(NC, NPAD, D_H)

    wp1 = jnp.concatenate([Wf1[0:32], Ws1[0:32]], axis=1)
    wq1 = jnp.concatenate([Wf1[32:64], Ws1[32:64]], axis=1)
    h1, P1, Q1 = pl.pallas_call(
        _pq1_body,
        out_shape=[jax.ShapeDtypeStruct((N, D_H), f32)] +
                  [jax.ShapeDtypeStruct((N, 2 * D_H), f32)] * 2,
    )(h0, acc0, wp1, wq1)
    acc1 = _msgpass(P1, Q1, R1, dst3, src3).reshape(NC, NPAD, D_H)

    out = pl.pallas_call(
        _out_body,
        out_shape=jax.ShapeDtypeStruct((N, D_OUT), f32),
    )(h1, acc1, W_out, b2(b_out), b2(g_out), b2(beta_out))
    return out

# --- scband reference (transcript-rebuilt; emitter-appended) ---
"""Pipeline reference for scband-graph-convolution-block-43920335569181 (READ-ONLY COPY).

The authoritative reference and input builder live on the scoring server;
editing this copy changes nothing except your own understanding.
"""

import jax, jax.numpy as jnp
import numpy as np

N, E = 10000, 320000
D_IN, D_EDGE, D_H, D_OUT = 128, 16, 32, 128


def setup_inputs(seed: int = 0) -> dict:
    key = jax.random.key(seed)
    ks = jax.random.split(key, 24)

    def lin_w(k, fi, fo):
        return (jax.random.normal(k, (fi, fo), dtype=jnp.float32) / np.sqrt(fi)).astype(jnp.float32)

    inp = {}
    inp["x"] = jax.random.normal(ks[0], (N, D_IN), dtype=jnp.float32)
    inp["edge_index"] = jax.random.randint(ks[1], (2, E), 0, N, dtype=jnp.int32)
    inp["edge_attr"] = jax.random.normal(ks[2], (E, D_EDGE), dtype=jnp.float32)
    # input embed layer: Linear(128->32) + BN(32)
    inp["W_in"] = lin_w(ks[3], D_IN, D_H); inp["b_in"] = jnp.zeros((D_H,), jnp.float32)
    inp["g_in"] = jnp.ones((D_H,), jnp.float32); inp["beta_in"] = jnp.zeros((D_H,), jnp.float32)
    # edge embed layer: Linear(16->32) + BN(32)
    inp["W_e"] = lin_w(ks[4], D_EDGE, D_H); inp["b_e"] = jnp.zeros((D_H,), jnp.float32)
    inp["g_e"] = jnp.ones((D_H,), jnp.float32); inp["beta_e"] = jnp.zeros((D_H,), jnp.float32)
    # CGConv layers: lin_f, lin_s : (32+32+32)->32
    inp["Wf0"] = lin_w(ks[5], 3 * D_H, D_H); inp["bf0"] = jnp.zeros((D_H,), jnp.float32)
    inp["Ws0"] = lin_w(ks[6], 3 * D_H, D_H); inp["bs0"] = jnp.zeros((D_H,), jnp.float32)
    inp["Wf1"] = lin_w(ks[7], 3 * D_H, D_H); inp["bf1"] = jnp.zeros((D_H,), jnp.float32)
    inp["Ws1"] = lin_w(ks[8], 3 * D_H, D_H); inp["bs1"] = jnp.zeros((D_H,), jnp.float32)
    # output layer: Linear(32->128) + BN(128)
    inp["W_out"] = lin_w(ks[9], D_H, D_OUT); inp["b_out"] = jnp.zeros((D_OUT,), jnp.float32)
    inp["g_out"] = jnp.ones((D_OUT,), jnp.float32); inp["beta_out"] = jnp.zeros((D_OUT,), jnp.float32)
    return inp


def _bn(h, g, b):
    m = jnp.mean(h, axis=0)
    v = jnp.var(h, axis=0)
    return g * (h - m) / jnp.sqrt(v + 1e-5) + b


def _lrelu(h):
    return jnp.where(h > 0, h, 0.1 * h)


def reference(x, edge_index, edge_attr, W_in, b_in, g_in, beta_in, W_e, b_e, g_e, beta_e, Wf0, bf0, Ws0, bs0, Wf1, bf1, Ws1, bs1, W_out, b_out, g_out, beta_out):
    h = _lrelu(_bn(x @ W_in + b_in, g_in, beta_in))
    e = _lrelu(_bn(edge_attr @ W_e + b_e, g_e, beta_e))
    src = edge_index[0]
    dst = edge_index[1]
    for Wf, bf, Ws, bs in ((Wf0, bf0, Ws0, bs0), (Wf1, bf1, Ws1, bs1)):
        # CGConv: x_i' = x_i + sum_j sigmoid(z W_f + b_f) * softplus(z W_s + b_s), z = [x_i, x_j, e_ij]
        z = jnp.concatenate([h[dst], h[src], e], axis=1)
        msg = jax.nn.sigmoid(z @ Wf + bf) * jax.nn.softplus(z @ Ws + bs)
        agg = jnp.zeros_like(h).at[dst].add(msg)
        h = h + agg
        # Dropout treated as identity (eval-mode determinism)
    out = _lrelu(_bn(h @ W_out + b_out, g_out, beta_out))
    return out

if __name__ == "__main__":
    import jax
    _d = setup_inputs()
    print(jax.jit(kernel)(*tuple(_d.values())))

</pallas_src>

<mosaic_0001>
#map = affine_map<(d0, d1) -> (0, 0)>
#map1 = affine_map<(d0, d1) -> (0, 0, 0)>
#map2 = affine_map<(d0, d1) -> (0, 0, 0, 0)>
module attributes {stable_mosaic.version = 14 : i64} {
  func.func @_msgpass_body(%arg0: i32, %arg1: i32, %arg2: memref<10000x64xf32, #tpu.memory_space<hbm>>, %arg3: memref<10000x64xf32, #tpu.memory_space<hbm>>, %arg4: memref<2560x125x64xf32, #tpu.memory_space<hbm>>, %arg5: memref<2560x1x125xi32, #tpu.memory_space<hbm>>, %arg6: memref<2560x1x125xi32, #tpu.memory_space<hbm>>, %arg7: memref<2x16x640x32xf32, #tpu.memory_space<hbm>>, %arg8: memref<80x1x125xi32, #tpu.memory_space<vmem>>, %arg9: memref<80x1x125xi32, #tpu.memory_space<vmem>>, %arg10: memref<2x125x64xf32, #tpu.memory_space<vmem>>, %arg11: memref<2x125x64xf32, #tpu.memory_space<vmem>>, %arg12: memref<2x125x64xf32, #tpu.memory_space<vmem>>, %arg13: memref<2x125x32xf32, #tpu.memory_space<vmem>>, %arg14: memref<640x32xf32, #tpu.memory_space<vmem>>, %arg15: memref<10240x32xf32, #tpu.memory_space<vmem_shared>>, %arg16: memref<!tpu.dma_semaphore, #tpu.memory_space<semaphore_mem>>, %arg17: memref<!tpu.dma_semaphore, #tpu.memory_space<semaphore_mem>>, %arg18: memref<!tpu.dma_semaphore, #tpu.memory_space<semaphore_mem>>, %arg19: memref<!tpu.dma_semaphore, #tpu.memory_space<semaphore_mem>>) attributes {dimension_semantics = [#tpu.dimension_semantics<core_parallel>, #tpu.dimension_semantics<subcore_parallel>], iteration_bounds = array<i64: 2, 16>, scalar_prefetch = 0 : i64, scratch_operands = 12 : i64, tpu.core_type = #tpu.core_type<sc_vector_subcore>, window_params = [{transform_indices = #map}, {transform_indices = #map}, {transform_indices = #map1}, {transform_indices = #map1}, {transform_indices = #map1}, {transform_indices = #map2}]} {
    %mul3A = arith.constant 16 : i32
    %mul3A_0 = arith.muli %arg0, %mul3A : i32
    %add3A = arith.addi %mul3A_0, %arg1 : i32
    %mul3A_1 = arith.constant 80 : i32
    %mul3A_2 = arith.muli %add3A, %mul3A_1 : i32
    "tpu.region"() ({
      %run_scoped3A = tpu.sem_alloc : memref<!tpu.dma_semaphore, #tpu.memory_space<semaphore_mem>>
      %dma_start3A_141 = arith.constant 0 : i32
      %dma_start3A_142 = arith.constant 0 : i32
      %dma_start3A_143 = tpu.memref_slice %arg5[%mul3A_2, %dma_start3A_141, %dma_start3A_142] : memref<2560x1x125xi32, #tpu.memory_space<hbm>> -> memref<80x1x125xi32, #tpu.memory_space<hbm>>
      %dma_start3A_144 = arith.constant 0 : i32
      %dma_start3A_145 = arith.constant 0 : i32
      %dma_start3A_146 = tpu.memref_slice %arg5[%mul3A_2, %dma_start3A_144, %dma_start3A_145] : memref<2560x1x125xi32, #tpu.memory_space<hbm>> -> memref<80x1x125xi32, #tpu.memory_space<hbm>>
      tpu.enqueue_dma source(%dma_start3A_146 : memref<80x1x125xi32, #tpu.memory_space<hbm>>) target(%arg8 : memref<80x1x125xi32, #tpu.memory_space<vmem>>) target_semaphore(%run_scoped3A : memref<!tpu.dma_semaphore, #tpu.memory_space<semaphore_mem>>)
      %dma_wait3A_147 = arith.constant 0 : i32
      %dma_wait3A_148 = arith.constant 0 : i32
      %dma_wait3A_149 = tpu.memref_slice %arg5[%mul3A_2, %dma_wait3A_147, %dma_wait3A_148] : memref<2560x1x125xi32, #tpu.memory_space<hbm>> -> memref<80x1x125xi32, #tpu.memory_space<hbm>>
      %dma_wait3A_150 = arith.constant 0 : i32
      %dma_wait3A_151 = arith.constant 0 : i32
      %dma_wait3A_152 = tpu.memref_slice %arg5[%mul3A_2, %dma_wait3A_150, %dma_wait3A_151] : memref<2560x1x125xi32, #tpu.memory_space<hbm>> -> memref<80x1x125xi32, #tpu.memory_space<hbm>>
      tpu.wait_dma2 semaphore(%run_scoped3A : memref<!tpu.dma_semaphore, #tpu.memory_space<semaphore_mem>>) src(%dma_wait3A_152 : memref<80x1x125xi32, #tpu.memory_space<hbm>>) dst(%arg8 : memref<80x1x125xi32, #tpu.memory_space<vmem>>)
      tpu.yield
    }) : () -> ()
    %mul3A_3 = arith.constant 80 : i32
    %mul3A_4 = arith.muli %add3A, %mul3A_3 : i32
    "tpu.region"() ({
      %run_scoped3A = tpu.sem_alloc : memref<!tpu.dma_semaphore, #tpu.memory_space<semaphore_mem>>
      %dma_start3A_141 = arith.constant 0 : i32
      %dma_start3A_142 = arith.constant 0 : i32
      %dma_start3A_143 = tpu.memref_slice %arg6[%mul3A_4, %dma_start3A_141, %dma_start3A_142] : memref<2560x1x125xi32, #tpu.memory_space<hbm>> -> memref<80x1x125xi32, #tpu.memory_space<hbm>>
      %dma_start3A_144 = arith.constant 0 : i32
      %dma_start3A_145 = arith.constant 0 : i32
      %dma_start3A_146 = tpu.memref_slice %arg6[%mul3A_4, %dma_start3A_144, %dma_start3A_145] : memref<2560x1x125xi32, #tpu.memory_space<hbm>> -> memref<80x1x125xi32, #tpu.memory_space<hbm>>
      tpu.enqueue_dma source(%dma_start3A_146 : memref<80x1x125xi32, #tpu.memory_space<hbm>>) target(%arg9 : memref<80x1x125xi32, #tpu.memory_space<vmem>>) target_semaphore(%run_scoped3A : memref<!tpu.dma_semaphore, #tpu.memory_space<semaphore_mem>>)
      %dma_wait3A_147 = arith.constant 0 : i32
      %dma_wait3A_148 = arith.constant 0 : i32
      %dma_wait3A_149 = tpu.memref_slice %arg6[%mul3A_4, %dma_wait3A_147, %dma_wait3A_148] : memref<2560x1x125xi32, #tpu.memory_space<hbm>> -> memref<80x1x125xi32, #tpu.memory_space<hbm>>
      %dma_wait3A_150 = arith.constant 0 : i32
      %dma_wait3A_151 = arith.constant 0 : i32
      %dma_wait3A_152 = tpu.memref_slice %arg6[%mul3A_4, %dma_wait3A_150, %dma_wait3A_151] : memref<2560x1x125xi32, #tpu.memory_space<hbm>> -> memref<80x1x125xi32, #tpu.memory_space<hbm>>
      tpu.wait_dma2 semaphore(%run_scoped3A : memref<!tpu.dma_semaphore, #tpu.memory_space<semaphore_mem>>) src(%dma_wait3A_152 : memref<80x1x125xi32, #tpu.memory_space<hbm>>) dst(%arg9 : memref<80x1x125xi32, #tpu.memory_space<vmem>>)
      tpu.yield
    }) : () -> ()
    %scan3A = arith.constant 0 : i32
    %scan3A_5 = arith.constant 0 : i32
    %scan3A_6 = arith.constant 1280 : i32
    %scan3A_7 = arith.addi %scan3A_5, %scan3A_6 : i32
    %scan3A_8 = arith.constant 1 : i32
    %scan3A_9 = scf.for %scan3A_141 = %scan3A_5 to %scan3A_7 step %scan3A_8 iter_args(%scan3A_142 = %scan3A) -> (i32)  : i32 {
      %jit3A = arith.constant 2 : i32
      %div3A = arith.divsi %scan3A_141, %jit3A : i32
      %sign3A = arith.constant 0 : i32
      %sign3A_143 = arith.cmpi sgt, %scan3A_141, %sign3A : i32
      %sign3A_144 = arith.extui %sign3A_143 : i1 to i32
      %sign3A_145 = arith.constant 0 : i32
      %sign3A_146 = arith.cmpi slt, %scan3A_141, %sign3A_145 : i32
      %sign3A_147 = arith.extui %sign3A_146 : i1 to i32
      %sign3A_148 = arith.subi %sign3A_144, %sign3A_147 : i32
      %sign3A_149 = arith.constant 0 : i32
      %sign3A_150 = arith.cmpi sgt, %jit3A, %sign3A_149 : i32
      %sign3A_151 = arith.extui %sign3A_150 : i1 to i32
      %sign3A_152 = arith.constant 0 : i32
      %sign3A_153 = arith.cmpi slt, %jit3A, %sign3A_152 : i32
      %sign3A_154 = arith.extui %sign3A_153 : i1 to i32
      %sign3A_155 = arith.subi %sign3A_151, %sign3A_154 : i32
      %ne3A = arith.cmpi ne, %sign3A_148, %sign3A_155 : i32
      %rem3A = arith.remsi %scan3A_141, %jit3A : i32
      %ne3A_156 = arith.constant 0 : i32
      %ne3A_157 = arith.cmpi ne, %rem3A, %ne3A_156 : i32
      %and3A = arith.andi %ne3A, %ne3A_157 : i1
      %sub3A = arith.constant 1 : i32
      %sub3A_158 = arith.subi %div3A, %sub3A : i32
      %select_n3A = arith.select %and3A, %sub3A_158, %div3A : i32
      %mul3A_159 = arith.constant 2 : i32
      %mul3A_160 = arith.muli %mul3A_159, %select_n3A : i32
      %sub3A_161 = arith.subi %scan3A_141, %mul3A_160 : i32
      %broadcast_in_dim3A = arith.constant 0.000000e+00 : f32
      %broadcast_in_dim3A_162 = vector.broadcast %broadcast_in_dim3A : f32 to vector<16xf32>
      %mul3A_163 = arith.constant 16 : i32
      %mul3A_164 = arith.muli %sub3A_161, %mul3A_163 : i32
      %swap3A = arith.index_cast %select_n3A : i32 to index
      %swap3A_165 = arith.index_cast %mul3A_164 : i32 to index
      %swap3A_166 = tpu.vector_load %arg14[%swap3A, %swap3A_165] {strides = array<i32>} : memref<640x32xf32, #tpu.memory_space<vmem>>, vector<1x16xf32>,
      %swap3A_167 = vector.shape_cast %swap3A_166 : vector<1x16xf32> to vector<16xf32>
      %swap3A_168 = vector.shape_cast %broadcast_in_dim3A_162 : vector<16xf32> to vector<1x16xf32>
      tpu.vector_store %arg14[%swap3A, %swap3A_165], %swap3A_168 {strides = array<i32>} : memref<640x32xf32, #tpu.memory_space<vmem>>, vector<1x16xf32>,
      %scan3A_169 = arith.constant 0 : i32
      scf.yield %scan3A_169 : i32
    }
    %scan3A_10 = arith.constant 1280 : i32
    %mul3A_11 = arith.constant 640 : i32
    %mul3A_12 = arith.muli %arg1, %mul3A_11 : i32
    "tpu.region"() ({
      %run_scoped3A = tpu.sem_alloc : memref<!tpu.dma_semaphore, #tpu.memory_space<semaphore_mem>>
      %dma_start3A_141 = arith.constant 0 : i32
      %dma_start3A_142 = tpu.memref_slice %arg15[%mul3A_12, %dma_start3A_141] : memref<10240x32xf32, #tpu.memory_space<vmem_shared>> -> memref<640x32xf32, #tpu.memory_space<vmem_shared>>
      %dma_start3A_143 = arith.constant 0 : i32
      %dma_start3A_144 = tpu.memref_slice %arg15[%mul3A_12, %dma_start3A_143] : memref<10240x32xf32, #tpu.memory_space<vmem_shared>> -> memref<640x32xf32, #tpu.memory_space<vmem_shared>>
      tpu.enqueue_dma source(%arg14 : memref<640x32xf32, #tpu.memory_space<vmem>>) target(%dma_start3A_144 : memref<640x32xf32, #tpu.memory_space<vmem_shared>>) target_semaphore(%run_scoped3A : memref<!tpu.dma_semaphore, #tpu.memory_space<semaphore_mem>>)
      %dma_wait3A_145 = arith.constant 0 : i32
      %dma_wait3A_146 = tpu.memref_slice %arg15[%mul3A_12, %dma_wait3A_145] : memref<10240x32xf32, #tpu.memory_space<vmem_shared>> -> memref<640x32xf32, #tpu.memory_space<vmem_shared>>
      %dma_wait3A_147 = arith.constant 0 : i32
      %dma_wait3A_148 = tpu.memref_slice %arg15[%mul3A_12, %dma_wait3A_147] : memref<10240x32xf32, #tpu.memory_space<vmem_shared>> -> memref<640x32xf32, #tpu.memory_space<vmem_shared>>
      tpu.wait_dma2 semaphore(%run_scoped3A : memref<!tpu.dma_semaphore, #tpu.memory_space<semaphore_mem>>) src(%arg14 : memref<640x32xf32, #tpu.memory_space<vmem>>) dst(%dma_wait3A_148 : memref<640x32xf32, #tpu.memory_space<vmem_shared>>)
      tpu.yield
    }) : () -> ()
    %barrier3A = arith.constant 0 : index
    tpu.barrier barrier_id(%barrier3A)
    %mul3A_13 = arith.constant 80 : i32
    %mul3A_14 = arith.muli %add3A, %mul3A_13 : i32
    %add3A_15 = arith.constant 0 : i32
    %add3A_16 = arith.addi %mul3A_14, %add3A_15 : i32
    %dma_start3A = arith.constant 0 : i32
    %dma_start3A_17 = arith.constant 0 : i32
    %dma_start3A_18 = arith.constant 0 : i32
    %dma_start3A_19 = arith.constant 0 : i32
    %dma_start3A_20 = arith.constant 0 : i32
    %dma_start3A_21 = tpu.memref_slice %arg10[%dma_start3A_18, %dma_start3A_19, %dma_start3A_20] : memref<2x125x64xf32, #tpu.memory_space<vmem>> -> memref<1x125x64xf32, #tpu.memory_space<vmem>>
    %dma_start3A_22 = tpu.memref_squeeze %dma_start3A_21 : memref<1x125x64xf32, #tpu.memory_space<vmem>> -> memref<125x64xf32, #tpu.memory_space<vmem>>
    %dma_start3A_23 = arith.constant 0 : i32
    %dma_start3A_24 = tpu.memref_slice %arg8[%dma_start3A, %dma_start3A_17, %dma_start3A_23] : memref<80x1x125xi32, #tpu.memory_space<vmem>> -> memref<1x1x125xi32, #tpu.memory_space<vmem>>
    %dma_start3A_25 = tpu.memref_squeeze %dma_start3A_24 : memref<1x1x125xi32, #tpu.memory_space<vmem>> -> memref<125xi32, #tpu.memory_space<vmem>>
    %dma_start3A_26 = arith.constant 0 : i32
    %dma_start3A_27 = arith.constant 0 : i32
    %dma_start3A_28 = tpu.memref_slice %arg2[%dma_start3A_26, %dma_start3A_27] : memref<10000x64xf32, #tpu.memory_space<hbm>> -> memref<10000x64xf32, #tpu.memory_space<hbm>>
    tpu.enqueue_indirect_dma source(%dma_start3A_28 : memref<10000x64xf32, #tpu.memory_space<hbm>>) target(%dma_start3A_22 : memref<125x64xf32, #tpu.memory_space<vmem>>) offsets(%dma_start3A_25 : memref<125xi32, #tpu.memory_space<vmem>>) semaphore(%arg16 : memref<!tpu.dma_semaphore, #tpu.memory_space<semaphore_mem>>)
    %dma_start3A_29 = arith.constant 0 : i32
    %dma_start3A_30 = arith.constant 0 : i32
    %dma_start3A_31 = arith.constant 0 : i32
    %dma_start3A_32 = arith.constant 0 : i32
    %dma_start3A_33 = arith.constant 0 : i32
    %dma_start3A_34 = tpu.memref_slice %arg11[%dma_start3A_31, %dma_start3A_32, %dma_start3A_33] : memref<2x125x64xf32, #tpu.memory_space<vmem>> -> memref<1x125x64xf32, #tpu.memory_space<vmem>>
    %dma_start3A_35 = tpu.memref_squeeze %dma_start3A_34 : memref<1x125x64xf32, #tpu.memory_space<vmem>> -> memref<125x64xf32, #tpu.memory_space<vmem>>
    %dma_start3A_36 = arith.constant 0 : i32
    %dma_start3A_37 = tpu.memref_slice %arg9[%dma_start3A_29, %dma_start3A_30, %dma_start3A_36] : memref<80x1x125xi32, #tpu.memory_space<vmem>> -> memref<1x1x125xi32, #tpu.memory_space<vmem>>
    %dma_start3A_38 = tpu.memref_squeeze %dma_start3A_37 : memref<1x1x125xi32, #tpu.memory_space<vmem>> -> memref<125xi32, #tpu.memory_space<vmem>>
    %dma_start3A_39 = arith.constant 0 : i32
    %dma_start3A_40 = arith.constant 0 : i32
    %dma_start3A_41 = tpu.memref_slice %arg3[%dma_start3A_39, %dma_start3A_40] : memref<10000x64xf32, #tpu.memory_space<hbm>> -> memref<10000x64xf32, #tpu.memory_space<hbm>>
    tpu.enqueue_indirect_dma source(%dma_start3A_41 : memref<10000x64xf32, #tpu.memory_space<hbm>>) target(%dma_start3A_35 : memref<125x64xf32, #tpu.memory_space<vmem>>) offsets(%dma_start3A_38 : memref<125xi32, #tpu.memory_space<vmem>>) semaphore(%arg16 : memref<!tpu.dma_semaphore, #tpu.memory_space<semaphore_mem>>)
    %dma_start3A_42 = arith.constant 0 : i32
    %dma_start3A_43 = arith.constant 0 : i32
    %dma_start3A_44 = arith.constant 0 : i32
    %dma_start3A_45 = tpu.memref_slice %arg12[%dma_start3A_42, %dma_start3A_43, %dma_start3A_44] : memref<2x125x64xf32, #tpu.memory_space<vmem>> -> memref<1x125x64xf32, #tpu.memory_space<vmem>>
    %dma_start3A_46 = tpu.memref_squeeze %dma_start3A_45 : memref<1x125x64xf32, #tpu.memory_space<vmem>> -> memref<125x64xf32, #tpu.memory_space<vmem>>
    %dma_start3A_47 = arith.constant 0 : i32
    %dma_start3A_48 = arith.constant 0 : i32
    %dma_start3A_49 = tpu.memref_slice %arg4[%add3A_16, %dma_start3A_47, %dma_start3A_48] : memref<2560x125x64xf32, #tpu.memory_space<hbm>> -> memref<1x125x64xf32, #tpu.memory_space<hbm>>
    %dma_start3A_50 = tpu.memref_squeeze %dma_start3A_49 : memref<1x125x64xf32, #tpu.memory_space<hbm>> -> memref<125x64xf32, #tpu.memory_space<hbm>>
    %dma_start3A_51 = arith.constant 0 : i32
    %dma_start3A_52 = arith.constant 0 : i32
    %dma_start3A_53 = tpu.memref_slice %arg12[%dma_start3A_42, %dma_start3A_51, %dma_start3A_52] : memref<2x125x64xf32, #tpu.memory_space<vmem>> -> memref<1x125x64xf32, #tpu.memory_space<vmem>>
    %dma_start3A_54 = tpu.memref_squeeze %dma_start3A_53 : memref<1x125x64xf32, #tpu.memory_space<vmem>> -> memref<125x64xf32, #tpu.memory_space<vmem>>
    %dma_start3A_55 = arith.constant 0 : i32
    %dma_start3A_56 = arith.constant 0 : i32
    %dma_start3A_57 = tpu.memref_slice %arg4[%add3A_16, %dma_start3A_55, %dma_start3A_56] : memref<2560x125x64xf32, #tpu.memory_space<hbm>> -> memref<1x125x64xf32, #tpu.memory_space<hbm>>
    %dma_start3A_58 = tpu.memref_squeeze %dma_start3A_57 : memref<1x125x64xf32, #tpu.memory_space<hbm>> -> memref<125x64xf32, #tpu.memory_space<hbm>>
    tpu.enqueue_dma source(%dma_start3A_58 : memref<125x64xf32, #tpu.memory_space<hbm>>) target(%dma_start3A_54 : memref<125x64xf32, #tpu.memory_space<vmem>>) target_semaphore(%arg16 : memref<!tpu.dma_semaphore, #tpu.memory_space<semaphore_mem>>)
    %mul3A_59 = arith.constant 80 : i32
    %mul3A_60 = arith.muli %add3A, %mul3A_59 : i32
    %add3A_61 = arith.constant 1 : i32
    %add3A_62 = arith.addi %mul3A_60, %add3A_61 : i32
    %dma_start3A_63 = arith.constant 1 : i32
    %dma_start3A_64 = arith.constant 0 : i32
    %dma_start3A_65 = arith.constant 1 : i32
    %dma_start3A_66 = arith.constant 0 : i32
    %dma_start3A_67 = arith.constant 0 : i32
    %dma_start3A_68 = tpu.memref_slice %arg10[%dma_start3A_65, %dma_start3A_66, %dma_start3A_67] : memref<2x125x64xf32, #tpu.memory_space<vmem>> -> memref<1x125x64xf32, #tpu.memory_space<vmem>>
    %dma_start3A_69 = tpu.memref_squeeze %dma_start3A_68 : memref<1x125x64xf32, #tpu.memory_space<vmem>> -> memref<125x64xf32, #tpu.memory_space<vmem>>
    %dma_start3A_70 = arith.constant 0 : i32
    %dma_start3A_71 = tpu.memref_slice %arg8[%dma_start3A_63, %dma_start3A_64, %dma_start3A_70] : memref<80x1x125xi32, #tpu.memory_space<vmem>> -> memref<1x1x125xi32, #tpu.memory_space<vmem>>
    %dma_start3A_72 = tpu.memref_squeeze %dma_start3A_71 : memref<1x1x125xi32, #tpu.memory_space<vmem>> -> memref<125xi32, #tpu.memory_space<vmem>>
    %dma_start3A_73 = arith.constant 0 : i32
    %dma_start3A_74 = arith.constant 0 : i32
    %dma_start3A_75 = tpu.memref_slice %arg2[%dma_start3A_73, %dma_start3A_74] : memref<10000x64xf32, #tpu.memory_space<hbm>> -> memref<10000x64xf32, #tpu.memory_space<hbm>>
    tpu.enqueue_indirect_dma source(%dma_start3A_75 : memref<10000x64xf32, #tpu.memory_space<hbm>>) target(%dma_start3A_69 : memref<125x64xf32, #tpu.memory_space<vmem>>) offsets(%dma_start3A_72 : memref<125xi32, #tpu.memory_space<vmem>>) semaphore(%arg17 : memref<!tpu.dma_semaphore, #tpu.memory_space<semaphore_mem>>)
    %dma_start3A_76 = arith.constant 1 : i32
    %dma_start3A_77 = arith.constant 0 : i32
    %dma_start3A_78 = arith.constant 1 : i32
    %dma_start3A_79 = arith.constant 0 : i32
    %dma_start3A_80 = arith.constant 0 : i32
    %dma_start3A_81 = tpu.memref_slice %arg11[%dma_start3A_78, %dma_start3A_79, %dma_start3A_80] : memref<2x125x64xf32, #tpu.memory_space<vmem>> -> memref<1x125x64xf32, #tpu.memory_space<vmem>>
    %dma_start3A_82 = tpu.memref_squeeze %dma_start3A_81 : memref<1x125x64xf32, #tpu.memory_space<vmem>> -> memref<125x64xf32, #tpu.memory_space<vmem>>
    %dma_start3A_83 = arith.constant 0 : i32
    %dma_start3A_84 = tpu.memref_slice %arg9[%dma_start3A_76, %dma_start3A_77, %dma_start3A_83] : memref<80x1x125xi32, #tpu.memory_space<vmem>> -> memref<1x1x125xi32, #tpu.memory_space<vmem>>
    %dma_start3A_85 = tpu.memref_squeeze %dma_start3A_84 : memref<1x1x125xi32, #tpu.memory_space<vmem>> -> memref<125xi32, #tpu.memory_space<vmem>>
    %dma_start3A_86 = arith.constant 0 : i32
    %dma_start3A_87 = arith.constant 0 : i32
    %dma_start3A_88 = tpu.memref_slice %arg3[%dma_start3A_86, %dma_start3A_87] : memref<10000x64xf32, #tpu.memory_space<hbm>> -> memref<10000x64xf32, #tpu.memory_space<hbm>>
    tpu.enqueue_indirect_dma source(%dma_start3A_88 : memref<10000x64xf32, #tpu.memory_space<hbm>>) target(%dma_start3A_82 : memref<125x64xf32, #tpu.memory_space<vmem>>) offsets(%dma_start3A_85 : memref<125xi32, #tpu.memory_space<vmem>>) semaphore(%arg17 : memref<!tpu.dma_semaphore, #tpu.memory_space<semaphore_mem>>)
    %dma_start3A_89 = arith.constant 1 : i32
    %dma_start3A_90 = arith.constant 0 : i32
    %dma_start3A_91 = arith.constant 0 : i32
    %dma_start3A_92 = tpu.memref_slice %arg12[%dma_start3A_89, %dma_start3A_90, %dma_start3A_91] : memref<2x125x64xf32, #tpu.memory_space<vmem>> -> memref<1x125x64xf32, #tpu.memory_space<vmem>>
    %dma_start3A_93 = tpu.memref_squeeze %dma_start3A_92 : memref<1x125x64xf32, #tpu.memory_space<vmem>> -> memref<125x64xf32, #tpu.memory_space<vmem>>
    %dma_start3A_94 = arith.constant 0 : i32
    %dma_start3A_95 = arith.constant 0 : i32
    %dma_start3A_96 = tpu.memref_slice %arg4[%add3A_62, %dma_start3A_94, %dma_start3A_95] : memref<2560x125x64xf32, #tpu.memory_space<hbm>> -> memref<1x125x64xf32, #tpu.memory_space<hbm>>
    %dma_start3A_97 = tpu.memref_squeeze %dma_start3A_96 : memref<1x125x64xf32, #tpu.memory_space<hbm>> -> memref<125x64xf32, #tpu.memory_space<hbm>>
    %dma_start3A_98 = arith.constant 0 : i32
    %dma_start3A_99 = arith.constant 0 : i32
    %dma_start3A_100 = tpu.memref_slice %arg12[%dma_start3A_89, %dma_start3A_98, %dma_start3A_99] : memref<2x125x64xf32, #tpu.memory_space<vmem>> -> memref<1x125x64xf32, #tpu.memory_space<vmem>>
    %dma_start3A_101 = tpu.memref_squeeze %dma_start3A_100 : memref<1x125x64xf32, #tpu.memory_space<vmem>> -> memref<125x64xf32, #tpu.memory_space<vmem>>
    %dma_start3A_102 = arith.constant 0 : i32
    %dma_start3A_103 = arith.constant 0 : i32
    %dma_start3A_104 = tpu.memref_slice %arg4[%add3A_62, %dma_start3A_102, %dma_start3A_103] : memref<2560x125x64xf32, #tpu.memory_space<hbm>> -> memref<1x125x64xf32, #tpu.memory_space<hbm>>
    %dma_start3A_105 = tpu.memref_squeeze %dma_start3A_104 : memref<1x125x64xf32, #tpu.memory_space<hbm>> -> memref<125x64xf32, #tpu.memory_space<hbm>>
    tpu.enqueue_dma source(%dma_start3A_105 : memref<125x64xf32, #tpu.memory_space<hbm>>) target(%dma_start3A_101 : memref<125x64xf32, #tpu.memory_space<vmem>>) target_semaphore(%arg17 : memref<!tpu.dma_semaphore, #tpu.memory_space<semaphore_mem>>)
    %scan3A_106 = arith.constant 0 : i32
    %scan3A_107 = arith.constant 0 : i32
    %scan3A_108 = arith.constant 40 : i32
    %scan3A_109 = arith.addi %scan3A_107, %scan3A_108 : i32
    %scan3A_110 = arith.constant 1 : i32
    %scan3A_111 = scf.for %scan3A_141 = %scan3A_107 to %scan3A_109 step %scan3A_110 iter_args(%scan3A_142 = %scan3A_106) -> (i32)  : i32 {
      %mul3A_143 = arith.constant 2 : i32
      %mul3A_144 = arith.muli %scan3A_141, %mul3A_143 : i32
      %add3A_145 = arith.constant 0 : i32
      %add3A_146 = arith.addi %mul3A_144, %add3A_145 : i32
      %dma_wait3A_147 = arith.constant 0 : i32
      %dma_wait3A_148 = arith.constant 0 : i32
      %dma_wait3A_149 = arith.constant 0 : i32
      %dma_wait3A_150 = arith.constant 0 : i32
      %dma_wait3A_151 = tpu.memref_slice %arg10[%dma_wait3A_148, %dma_wait3A_149, %dma_wait3A_150] : memref<2x125x64xf32, #tpu.memory_space<vmem>> -> memref<1x125x64xf32, #tpu.memory_space<vmem>>
      %dma_wait3A_152 = tpu.memref_squeeze %dma_wait3A_151 : memref<1x125x64xf32, #tpu.memory_space<vmem>> -> memref<125x64xf32, #tpu.memory_space<vmem>>
      %dma_wait3A_153 = arith.constant 0 : i32
      %dma_wait3A_154 = tpu.memref_slice %arg8[%add3A_146, %dma_wait3A_147, %dma_wait3A_153] : memref<80x1x125xi32, #tpu.memory_space<vmem>> -> memref<1x1x125xi32, #tpu.memory_space<vmem>>
      %dma_wait3A_155 = tpu.memref_squeeze %dma_wait3A_154 : memref<1x1x125xi32, #tpu.memory_space<vmem>> -> memref<125xi32, #tpu.memory_space<vmem>>
      %dma_wait3A_156 = arith.constant 0 : i32
      %dma_wait3A_157 = arith.constant 0 : i32
      %dma_wait3A_158 = tpu.memref_slice %arg2[%dma_wait3A_156, %dma_wait3A_157] : memref<10000x64xf32, #tpu.memory_space<hbm>> -> memref<10000x64xf32, #tpu.memory_space<hbm>>
      tpu.wait_indirect_dma semaphore(%arg16 : memref<!tpu.dma_semaphore, #tpu.memory_space<semaphore_mem>>) src(%dma_wait3A_158 : memref<10000x64xf32, #tpu.memory_space<hbm>>) dst(%dma_wait3A_152 : memref<125x64xf32, #tpu.memory_space<vmem>>)
      %dma_wait3A_159 = arith.constant 0 : i32
      %dma_wait3A_160 = arith.constant 0 : i32
      %dma_wait3A_161 = arith.constant 0 : i32
      %dma_wait3A_162 = arith.constant 0 : i32
      %dma_wait3A_163 = tpu.memref_slice %arg11[%dma_wait3A_160, %dma_wait3A_161, %dma_wait3A_162] : memref<2x125x64xf32, #tpu.memory_space<vmem>> -> memref<1x125x64xf32, #tpu.memory_space<vmem>>
      %dma_wait3A_164 = tpu.memref_squeeze %dma_wait3A_163 : memref<1x125x64xf32, #tpu.memory_space<vmem>> -> memref<125x64xf32, #tpu.memory_space<vmem>>
      %dma_wait3A_165 = arith.constant 0 : i32
      %dma_wait3A_166 = tpu.memref_slice %arg9[%add3A_146, %dma_wait3A_159, %dma_wait3A_165] : memref<80x1x125xi32, #tpu.memory_space<vmem>> -> memref<1x1x125xi32, #tpu.memory_space<vmem>>
      %dma_wait3A_167 = tpu.memref_squeeze %dma_wait3A_166 : memref<1x1x125xi32, #tpu.memory_space<vmem>> -> memref<125xi32, #tpu.memory_space<vmem>>
      %dma_wait3A_168 = arith.constant 0 : i32
      %dma_wait3A_169 = arith.constant 0 : i32
      %dma_wait3A_170 = tpu.memref_slice %arg3[%dma_wait3A_168, %dma_wait3A_169] : memref<10000x64xf32, #tpu.memory_space<hbm>> -> memref<10000x64xf32, #tpu.memory_space<hbm>>
      tpu.wait_indirect_dma semaphore(%arg16 : memref<!tpu.dma_semaphore, #tpu.memory_space<semaphore_mem>>) src(%dma_wait3A_170 : memref<10000x64xf32, #tpu.memory_space<hbm>>) dst(%dma_wait3A_164 : memref<125x64xf32, #tpu.memory_space<vmem>>)
      %mul3A_171 = arith.constant 80 : i32
      %mul3A_172 = arith.muli %add3A, %mul3A_171 : i32
      %add3A_173 = arith.addi %mul3A_172, %add3A_146 : i32
      %dma_wait3A_174 = arith.constant 0 : i32
      %dma_wait3A_175 = arith.constant 0 : i32
      %dma_wait3A_176 = arith.constant 0 : i32
      %dma_wait3A_177 = tpu.memref_slice %arg12[%dma_wait3A_174, %dma_wait3A_175, %dma_wait3A_176] : memref<2x125x64xf32, #tpu.memory_space<vmem>> -> memref<1x125x64xf32, #tpu.memory_space<vmem>>
      %dma_wait3A_178 = tpu.memref_squeeze %dma_wait3A_177 : memref<1x125x64xf32, #tpu.memory_space<vmem>> -> memref<125x64xf32, #tpu.memory_space<vmem>>
      %dma_wait3A_179 = arith.constant 0 : i32
      %dma_wait3A_180 = arith.constant 0 : i32
      %dma_wait3A_181 = tpu.memref_slice %arg4[%add3A_173, %dma_wait3A_179, %dma_wait3A_180] : memref<2560x125x64xf32, #tpu.memory_space<hbm>> -> memref<1x125x64xf32, #tpu.memory_space<hbm>>
      %dma_wait3A_182 = tpu.memref_squeeze %dma_wait3A_181 : memref<1x125x64xf32, #tpu.memory_space<hbm>> -> memref<125x64xf32, #tpu.memory_space<hbm>>
      %dma_wait3A_183 = arith.constant 0 : i32
      %dma_wait3A_184 = arith.constant 0 : i32
      %dma_wait3A_185 = tpu.memref_slice %arg12[%dma_wait3A_174, %dma_wait3A_183, %dma_wait3A_184] : memref<2x125x64xf32, #tpu.memory_space<vmem>> -> memref<1x125x64xf32, #tpu.memory_space<vmem>>
      %dma_wait3A_186 = tpu.memref_squeeze %dma_wait3A_185 : memref<1x125x64xf32, #tpu.memory_space<vmem>> -> memref<125x64xf32, #tpu.memory_space<vmem>>
      %dma_wait3A_187 = arith.constant 0 : i32
      %dma_wait3A_188 = arith.constant 0 : i32
      %dma_wait3A_189 = tpu.memref_slice %arg4[%add3A_173, %dma_wait3A_187, %dma_wait3A_188] : memref<2560x125x64xf32, #tpu.memory_space<hbm>> -> memref<1x125x64xf32, #tpu.memory_space<hbm>>
      %dma_wait3A_190 = tpu.memref_squeeze %dma_wait3A_189 : memref<1x125x64xf32, #tpu.memory_space<hbm>> -> memref<125x64xf32, #tpu.memory_space<hbm>>
      tpu.wait_dma2 semaphore(%arg16 : memref<!tpu.dma_semaphore, #tpu.memory_space<semaphore_mem>>) src(%dma_wait3A_190 : memref<125x64xf32, #tpu.memory_space<hbm>>) dst(%dma_wait3A_186 : memref<125x64xf32, #tpu.memory_space<vmem>>)
      %ge3A = arith.constant 2 : i32
      %ge3A_191 = arith.cmpi sge, %add3A_146, %ge3A : i32
      %convert_element_type3A = arith.extui %ge3A_191 : i1 to i32
      %cond3A = arith.constant 0 : i32
      %cond3A_192 = arith.cmpi ne, %convert_element_type3A, %cond3A : i32
      scf.if %cond3A_192 {
        %dma_wait3A_287 = arith.constant 0 : i32
        %dma_wait3A_288 = arith.constant 0 : i32
        %dma_wait3A_289 = arith.constant 0 : i32
        %dma_wait3A_290 = arith.constant 0 : i32
        %dma_wait3A_291 = tpu.memref_slice %arg13[%dma_wait3A_287, %dma_wait3A_289, %dma_wait3A_290] : memref<2x125x32xf32, #tpu.memory_space<vmem>> -> memref<1x125x32xf32, #tpu.memory_space<vmem>>
        %dma_wait3A_292 = tpu.memref_squeeze %dma_wait3A_291 : memref<1x125x32xf32, #tpu.memory_space<vmem>> -> memref<125x32xf32, #tpu.memory_space<vmem>>
        %dma_wait3A_293 = arith.constant 0 : i32
        %dma_wait3A_294 = tpu.memref_slice %arg8[%add3A_146, %dma_wait3A_288, %dma_wait3A_293] : memref<80x1x125xi32, #tpu.memory_space<vmem>> -> memref<1x1x125xi32, #tpu.memory_space<vmem>>
        %dma_wait3A_295 = tpu.memref_squeeze %dma_wait3A_294 : memref<1x1x125xi32, #tpu.memory_space<vmem>> -> memref<125xi32, #tpu.memory_space<vmem>>
        %dma_wait3A_296 = arith.constant 0 : i32
        %dma_wait3A_297 = arith.constant 0 : i32
        %dma_wait3A_298 = tpu.memref_slice %arg15[%dma_wait3A_296, %dma_wait3A_297] : memref<10240x32xf32, #tpu.memory_space<vmem_shared>> -> memref<10240x32xf32, #tpu.memory_space<vmem_shared>>
        tpu.wait_indirect_dma semaphore(%arg18 : memref<!tpu.dma_semaphore, #tpu.memory_space<semaphore_mem>>) src(%dma_wait3A_292 : memref<125x32xf32, #tpu.memory_space<vmem>>) dst(%dma_wait3A_298 : memref<10240x32xf32, #tpu.memory_space<vmem_shared>>)
      } else {
      }
      %parallel_loop3A = arith.constant 0 : i32
      %parallel_loop3A_193 = arith.constant 125 : i32
      %parallel_loop3A_194 = arith.constant 1 : i32
      scf.for %parallel_loop3A_287 = %parallel_loop3A to %parallel_loop3A_193 step %parallel_loop3A_194  : i32 {
        %parallel_loop3A_288 = arith.constant 0 : i32
        %parallel_loop3A_289 = arith.index_cast %parallel_loop3A_288 : i32 to index
        %parallel_loop3A_290 = arith.index_cast %parallel_loop3A_287 : i32 to index
        %parallel_loop3A_291 = arith.constant 0 : index
        %parallel_loop3A_292 = tpu.vector_load %arg10[%parallel_loop3A_289, %parallel_loop3A_290, %parallel_loop3A_291] {strides = array<i32>} : memref<2x125x64xf32, #tpu.memory_space<vmem>>, vector<1x1x16xf32>,
        %parallel_loop3A_293 = vector.shape_cast %parallel_loop3A_292 : vector<1x1x16xf32> to vector<16xf32>
        %parallel_loop3A_294 = arith.constant 0 : i32
        %parallel_loop3A_295 = arith.index_cast %parallel_loop3A_294 : i32 to index
        %parallel_loop3A_296 = arith.index_cast %parallel_loop3A_287 : i32 to index
        %parallel_loop3A_297 = arith.constant 0 : index
        %parallel_loop3A_298 = tpu.vector_load %arg11[%parallel_loop3A_295, %parallel_loop3A_296, %parallel_loop3A_297] {strides = array<i32>} : memref<2x125x64xf32, #tpu.memory_space<vmem>>, vector<1x1x16xf32>,
        %parallel_loop3A_299 = vector.shape_cast %parallel_loop3A_298 : vector<1x1x16xf32> to vector<16xf32>
        %parallel_loop3A_300 = arith.addf %parallel_loop3A_293, %parallel_loop3A_299 : vector<16xf32>
        %parallel_loop3A_301 = arith.constant 0 : i32
        %parallel_loop3A_302 = arith.index_cast %parallel_loop3A_301 : i32 to index
        %parallel_loop3A_303 = arith.index_cast %parallel_loop3A_287 : i32 to index
        %parallel_loop3A_304 = arith.constant 0 : index
        %parallel_loop3A_305 = tpu.vector_load %arg12[%parallel_loop3A_302, %parallel_loop3A_303, %parallel_loop3A_304] {strides = array<i32>} : memref<2x125x64xf32, #tpu.memory_space<vmem>>, vector<1x1x16xf32>,
        %parallel_loop3A_306 = vector.shape_cast %parallel_loop3A_305 : vector<1x1x16xf32> to vector<16xf32>
        %parallel_loop3A_307 = arith.addf %parallel_loop3A_300, %parallel_loop3A_306 : vector<16xf32>
        %parallel_loop3A_308 = arith.constant 0 : i32
        %parallel_loop3A_309 = arith.index_cast %parallel_loop3A_308 : i32 to index
        %parallel_loop3A_310 = arith.index_cast %parallel_loop3A_287 : i32 to index
        %parallel_loop3A_311 = arith.constant 32 : index
        %parallel_loop3A_312 = tpu.vector_load %arg10[%parallel_loop3A_309, %parallel_loop3A_310, %parallel_loop3A_311] {strides = array<i32>} : memref<2x125x64xf32, #tpu.memory_space<vmem>>, vector<1x1x16xf32>,
        %parallel_loop3A_313 = vector.shape_cast %parallel_loop3A_312 : vector<1x1x16xf32> to vector<16xf32>
        %parallel_loop3A_314 = arith.constant 0 : i32
        %parallel_loop3A_315 = arith.index_cast %parallel_loop3A_314 : i32 to index
        %parallel_loop3A_316 = arith.index_cast %parallel_loop3A_287 : i32 to index
        %parallel_loop3A_317 = arith.constant 32 : index
        %parallel_loop3A_318 = tpu.vector_load %arg11[%parallel_loop3A_315, %parallel_loop3A_316, %parallel_loop3A_317] {strides = array<i32>} : memref<2x125x64xf32, #tpu.memory_space<vmem>>, vector<1x1x16xf32>,
        %parallel_loop3A_319 = vector.shape_cast %parallel_loop3A_318 : vector<1x1x16xf32> to vector<16xf32>
        %parallel_loop3A_320 = arith.addf %parallel_loop3A_313, %parallel_loop3A_319 : vector<16xf32>
        %parallel_loop3A_321 = arith.constant 0 : i32
        %parallel_loop3A_322 = arith.index_cast %parallel_loop3A_321 : i32 to index
        %parallel_loop3A_323 = arith.index_cast %parallel_loop3A_287 : i32 to index
        %parallel_loop3A_324 = arith.constant 32 : index
        %parallel_loop3A_325 = tpu.vector_load %arg12[%parallel_loop3A_322, %parallel_loop3A_323, %parallel_loop3A_324] {strides = array<i32>} : memref<2x125x64xf32, #tpu.memory_space<vmem>>, vector<1x1x16xf32>,
        %parallel_loop3A_326 = vector.shape_cast %parallel_loop3A_325 : vector<1x1x16xf32> to vector<16xf32>
        %parallel_loop3A_327 = arith.addf %parallel_loop3A_320, %parallel_loop3A_326 : vector<16xf32>
        %parallel_loop3A_328 = arith.constant 0.000000e+00 : f32
        %parallel_loop3A_329 = vector.broadcast %parallel_loop3A_328 : f32 to vector<16xf32>
        %parallel_loop3A_330 = arith.subf %parallel_loop3A_329, %parallel_loop3A_307 : vector<16xf32>
        %parallel_loop3A_331 = math.exp %parallel_loop3A_330 : vector<16xf32>
        %parallel_loop3A_332 = arith.constant 1.000000e+00 : f32
        %parallel_loop3A_333 = vector.broadcast %parallel_loop3A_332 : f32 to vector<16xf32>
        %parallel_loop3A_334 = arith.addf %parallel_loop3A_333, %parallel_loop3A_331 : vector<16xf32>
        %parallel_loop3A_335 = arith.constant 1.000000e+00 : f32
        %parallel_loop3A_336 = vector.broadcast %parallel_loop3A_335 : f32 to vector<16xf32>
        %parallel_loop3A_337 = arith.divf %parallel_loop3A_336, %parallel_loop3A_334 : vector<16xf32>
        %parallel_loop3A_338 = math.absf %parallel_loop3A_327 : vector<16xf32>
        %parallel_loop3A_339 = arith.constant 0.000000e+00 : f32
        %parallel_loop3A_340 = vector.broadcast %parallel_loop3A_339 : f32 to vector<16xf32>
        %parallel_loop3A_341 = arith.subf %parallel_loop3A_340, %parallel_loop3A_338 : vector<16xf32>
        %parallel_loop3A_342 = math.exp %parallel_loop3A_341 : vector<16xf32>
        %parallel_loop3A_343 = arith.constant 2.000000e+00 : f32
        %parallel_loop3A_344 = vector.broadcast %parallel_loop3A_343 : f32 to vector<16xf32>
        %parallel_loop3A_345 = arith.addf %parallel_loop3A_344, %parallel_loop3A_342 : vector<16xf32>
        %parallel_loop3A_346 = arith.divf %parallel_loop3A_342, %parallel_loop3A_345 : vector<16xf32>
        %parallel_loop3A_347 = arith.mulf %parallel_loop3A_346, %parallel_loop3A_346 : vector<16xf32>
        %parallel_loop3A_348 = arith.constant 0.000000e+00 : f32
        %parallel_loop3A_349 = vector.broadcast %parallel_loop3A_348 : f32 to vector<16xf32>
        %parallel_loop3A_350 = arith.maximumf %parallel_loop3A_327, %parallel_loop3A_349 : vector<16xf32>
        %parallel_loop3A_351 = arith.constant 2.000000e+00 : f32
        %parallel_loop3A_352 = vector.broadcast %parallel_loop3A_351 : f32 to vector<16xf32>
        %parallel_loop3A_353 = arith.mulf %parallel_loop3A_352, %parallel_loop3A_346 : vector<16xf32>
        %parallel_loop3A_354 = arith.constant 0.142857149 : f32
        %parallel_loop3A_355 = vector.broadcast %parallel_loop3A_354 : f32 to vector<16xf32>
        %parallel_loop3A_356 = arith.mulf %parallel_loop3A_347, %parallel_loop3A_355 : vector<16xf32>
        %parallel_loop3A_357 = arith.constant 2.000000e-01 : f32
        %parallel_loop3A_358 = vector.broadcast %parallel_loop3A_357 : f32 to vector<16xf32>
        %parallel_loop3A_359 = arith.addf %parallel_loop3A_358, %parallel_loop3A_356 : vector<16xf32>
        %parallel_loop3A_360 = arith.mulf %parallel_loop3A_347, %parallel_loop3A_359 : vector<16xf32>
        %parallel_loop3A_361 = arith.constant 0.333333343 : f32
        %parallel_loop3A_362 = vector.broadcast %parallel_loop3A_361 : f32 to vector<16xf32>
        %parallel_loop3A_363 = arith.addf %parallel_loop3A_362, %parallel_loop3A_360 : vector<16xf32>
        %parallel_loop3A_364 = arith.mulf %parallel_loop3A_347, %parallel_loop3A_363 : vector<16xf32>
        %parallel_loop3A_365 = arith.constant 1.000000e+00 : f32
        %parallel_loop3A_366 = vector.broadcast %parallel_loop3A_365 : f32 to vector<16xf32>
        %parallel_loop3A_367 = arith.addf %parallel_loop3A_366, %parallel_loop3A_364 : vector<16xf32>
        %parallel_loop3A_368 = arith.mulf %parallel_loop3A_353, %parallel_loop3A_367 : vector<16xf32>
        %parallel_loop3A_369 = arith.addf %parallel_loop3A_350, %parallel_loop3A_368 : vector<16xf32>
        %parallel_loop3A_370 = arith.mulf %parallel_loop3A_337, %parallel_loop3A_369 : vector<16xf32>
        %parallel_loop3A_371 = arith.constant 0 : i32
        %parallel_loop3A_372 = arith.index_cast %parallel_loop3A_371 : i32 to index
        %parallel_loop3A_373 = arith.index_cast %parallel_loop3A_287 : i32 to index
        %parallel_loop3A_374 = arith.constant 0 : index
        %parallel_loop3A_375 = tpu.vector_load %arg13[%parallel_loop3A_372, %parallel_loop3A_373, %parallel_loop3A_374] {strides = array<i32>} : memref<2x125x32xf32, #tpu.memory_space<vmem>>, vector<1x1x16xf32>,
        %parallel_loop3A_376 = vector.shape_cast %parallel_loop3A_375 : vector<1x1x16xf32> to vector<16xf32>
        %parallel_loop3A_377 = vector.shape_cast %parallel_loop3A_370 : vector<16xf32> to vector<1x1x16xf32>
        tpu.vector_store %arg13[%parallel_loop3A_372, %parallel_loop3A_373, %parallel_loop3A_374], %parallel_loop3A_377 {strides = array<i32>} : memref<2x125x32xf32, #tpu.memory_space<vmem>>, vector<1x1x16xf32>,
        %parallel_loop3A_378 = arith.constant 0 : i32
        %parallel_loop3A_379 = arith.index_cast %parallel_loop3A_378 : i32 to index
        %parallel_loop3A_380 = arith.index_cast %parallel_loop3A_287 : i32 to index
        %parallel_loop3A_381 = arith.constant 16 : index
        %parallel_loop3A_382 = tpu.vector_load %arg10[%parallel_loop3A_379, %parallel_loop3A_380, %parallel_loop3A_381] {strides = array<i32>} : memref<2x125x64xf32, #tpu.memory_space<vmem>>, vector<1x1x16xf32>,
        %parallel_loop3A_383 = vector.shape_cast %parallel_loop3A_382 : vector<1x1x16xf32> to vector<16xf32>
        %parallel_loop3A_384 = arith.constant 0 : i32
        %parallel_loop3A_385 = arith.index_cast %parallel_loop3A_384 : i32 to index
        %parallel_loop3A_386 = arith.index_cast %parallel_loop3A_287 : i32 to index
        %parallel_loop3A_387 = arith.constant 16 : index
        %parallel_loop3A_388 = tpu.vector_load %arg11[%parallel_loop3A_385, %parallel_loop3A_386, %parallel_loop3A_387] {strides = array<i32>} : memref<2x125x64xf32, #tpu.memory_space<vmem>>, vector<1x1x16xf32>,
        %parallel_loop3A_389 = vector.shape_cast %parallel_loop3A_388 : vector<1x1x16xf32> to vector<16xf32>
        %parallel_loop3A_390 = arith.addf %parallel_loop3A_383, %parallel_loop3A_389 : vector<16xf32>
        %parallel_loop3A_391 = arith.constant 0 : i32
        %parallel_loop3A_392 = arith.index_cast %parallel_loop3A_391 : i32 to index
        %parallel_loop3A_393 = arith.index_cast %parallel_loop3A_287 : i32 to index
        %parallel_loop3A_394 = arith.constant 16 : index
        %parallel_loop3A_395 = tpu.vector_load %arg12[%parallel_loop3A_392, %parallel_loop3A_393, %parallel_loop3A_394] {strides = array<i32>} : memref<2x125x64xf32, #tpu.memory_space<vmem>>, vector<1x1x16xf32>,
        %parallel_loop3A_396 = vector.shape_cast %parallel_loop3A_395 : vector<1x1x16xf32> to vector<16xf32>
        %parallel_loop3A_397 = arith.addf %parallel_loop3A_390, %parallel_loop3A_396 : vector<16xf32>
        %parallel_loop3A_398 = arith.constant 0 : i32
        %parallel_loop3A_399 = arith.index_cast %parallel_loop3A_398 : i32 to index
        %parallel_loop3A_400 = arith.index_cast %parallel_loop3A_287 : i32 to index
        %parallel_loop3A_401 = arith.constant 48 : index
        %parallel_loop3A_402 = tpu.vector_load %arg10[%parallel_loop3A_399, %parallel_loop3A_400, %parallel_loop3A_401] {strides = array<i32>} : memref<2x125x64xf32, #tpu.memory_space<vmem>>, vector<1x1x16xf32>,
        %parallel_loop3A_403 = vector.shape_cast %parallel_loop3A_402 : vector<1x1x16xf32> to vector<16xf32>
        %parallel_loop3A_404 = arith.constant 0 : i32
        %parallel_loop3A_405 = arith.index_cast %parallel_loop3A_404 : i32 to index
        %parallel_loop3A_406 = arith.index_cast %parallel_loop3A_287 : i32 to index
        %parallel_loop3A_407 = arith.constant 48 : index
        %parallel_loop3A_408 = tpu.vector_load %arg11[%parallel_loop3A_405, %parallel_loop3A_406, %parallel_loop3A_407] {strides = array<i32>} : memref<2x125x64xf32, #tpu.memory_space<vmem>>, vector<1x1x16xf32>,
        %parallel_loop3A_409 = vector.shape_cast %parallel_loop3A_408 : vector<1x1x16xf32> to vector<16xf32>
        %parallel_loop3A_410 = arith.addf %parallel_loop3A_403, %parallel_loop3A_409 : vector<16xf32>
        %parallel_loop3A_411 = arith.constant 0 : i32
        %parallel_loop3A_412 = arith.index_cast %parallel_loop3A_411 : i32 to index
        %parallel_loop3A_413 = arith.index_cast %parallel_loop3A_287 : i32 to index
        %parallel_loop3A_414 = arith.constant 48 : index
        %parallel_loop3A_415 = tpu.vector_load %arg12[%parallel_loop3A_412, %parallel_loop3A_413, %parallel_loop3A_414] {strides = array<i32>} : memref<2x125x64xf32, #tpu.memory_space<vmem>>, vector<1x1x16xf32>,
        %parallel_loop3A_416 = vector.shape_cast %parallel_loop3A_415 : vector<1x1x16xf32> to vector<16xf32>
        %parallel_loop3A_417 = arith.addf %parallel_loop3A_410, %parallel_loop3A_416 : vector<16xf32>
        %parallel_loop3A_418 = arith.constant 0.000000e+00 : f32
        %parallel_loop3A_419 = vector.broadcast %parallel_loop3A_418 : f32 to vector<16xf32>
        %parallel_loop3A_420 = arith.subf %parallel_loop3A_419, %parallel_loop3A_397 : vector<16xf32>
        %parallel_loop3A_421 = math.exp %parallel_loop3A_420 : vector<16xf32>
        %parallel_loop3A_422 = arith.constant 1.000000e+00 : f32
        %parallel_loop3A_423 = vector.broadcast %parallel_loop3A_422 : f32 to vector<16xf32>
        %parallel_loop3A_424 = arith.addf %parallel_loop3A_423, %parallel_loop3A_421 : vector<16xf32>
        %parallel_loop3A_425 = arith.constant 1.000000e+00 : f32
        %parallel_loop3A_426 = vector.broadcast %parallel_loop3A_425 : f32 to vector<16xf32>
        %parallel_loop3A_427 = arith.divf %parallel_loop3A_426, %parallel_loop3A_424 : vector<16xf32>
        %parallel_loop3A_428 = math.absf %parallel_loop3A_417 : vector<16xf32>
        %parallel_loop3A_429 = arith.constant 0.000000e+00 : f32
        %parallel_loop3A_430 = vector.broadcast %parallel_loop3A_429 : f32 to vector<16xf32>
        %parallel_loop3A_431 = arith.subf %parallel_loop3A_430, %parallel_loop3A_428 : vector<16xf32>
        %parallel_loop3A_432 = math.exp %parallel_loop3A_431 : vector<16xf32>
        %parallel_loop3A_433 = arith.constant 2.000000e+00 : f32
        %parallel_loop3A_434 = vector.broadcast %parallel_loop3A_433 : f32 to vector<16xf32>
        %parallel_loop3A_435 = arith.addf %parallel_loop3A_434, %parallel_loop3A_432 : vector<16xf32>
        %parallel_loop3A_436 = arith.divf %parallel_loop3A_432, %parallel_loop3A_435 : vector<16xf32>
        %parallel_loop3A_437 = arith.mulf %parallel_loop3A_436, %parallel_loop3A_436 : vector<16xf32>
        %parallel_loop3A_438 = arith.constant 0.000000e+00 : f32
        %parallel_loop3A_439 = vector.broadcast %parallel_loop3A_438 : f32 to vector<16xf32>
        %parallel_loop3A_440 = arith.maximumf %parallel_loop3A_417, %parallel_loop3A_439 : vector<16xf32>
        %parallel_loop3A_441 = arith.constant 2.000000e+00 : f32
        %parallel_loop3A_442 = vector.broadcast %parallel_loop3A_441 : f32 to vector<16xf32>
        %parallel_loop3A_443 = arith.mulf %parallel_loop3A_442, %parallel_loop3A_436 : vector<16xf32>
        %parallel_loop3A_444 = arith.constant 0.142857149 : f32
        %parallel_loop3A_445 = vector.broadcast %parallel_loop3A_444 : f32 to vector<16xf32>
        %parallel_loop3A_446 = arith.mulf %parallel_loop3A_437, %parallel_loop3A_445 : vector<16xf32>
        %parallel_loop3A_447 = arith.constant 2.000000e-01 : f32
        %parallel_loop3A_448 = vector.broadcast %parallel_loop3A_447 : f32 to vector<16xf32>
        %parallel_loop3A_449 = arith.addf %parallel_loop3A_448, %parallel_loop3A_446 : vector<16xf32>
        %parallel_loop3A_450 = arith.mulf %parallel_loop3A_437, %parallel_loop3A_449 : vector<16xf32>
        %parallel_loop3A_451 = arith.constant 0.333333343 : f32
        %parallel_loop3A_452 = vector.broadcast %parallel_loop3A_451 : f32 to vector<16xf32>
        %parallel_loop3A_453 = arith.addf %parallel_loop3A_452, %parallel_loop3A_450 : vector<16xf32>
        %parallel_loop3A_454 = arith.mulf %parallel_loop3A_437, %parallel_loop3A_453 : vector<16xf32>
        %parallel_loop3A_455 = arith.constant 1.000000e+00 : f32
        %parallel_loop3A_456 = vector.broadcast %parallel_loop3A_455 : f32 to vector<16xf32>
        %parallel_loop3A_457 = arith.addf %parallel_loop3A_456, %parallel_loop3A_454 : vector<16xf32>
        %parallel_loop3A_458 = arith.mulf %parallel_loop3A_443, %parallel_loop3A_457 : vector<16xf32>
        %parallel_loop3A_459 = arith.addf %parallel_loop3A_440, %parallel_loop3A_458 : vector<16xf32>
        %parallel_loop3A_460 = arith.mulf %parallel_loop3A_427, %parallel_loop3A_459 : vector<16xf32>
        %parallel_loop3A_461 = arith.constant 0 : i32
        %parallel_loop3A_462 = arith.index_cast %parallel_loop3A_461 : i32 to index
        %parallel_loop3A_463 = arith.index_cast %parallel_loop3A_287 : i32 to index
        %parallel_loop3A_464 = arith.constant 16 : index
        %parallel_loop3A_465 = tpu.vector_load %arg13[%parallel_loop3A_462, %parallel_loop3A_463, %parallel_loop3A_464] {strides = array<i32>} : memref<2x125x32xf32, #tpu.memory_space<vmem>>, vector<1x1x16xf32>,
        %parallel_loop3A_466 = vector.shape_cast %parallel_loop3A_465 : vector<1x1x16xf32> to vector<16xf32>
        %parallel_loop3A_467 = vector.shape_cast %parallel_loop3A_460 : vector<16xf32> to vector<1x1x16xf32>
        tpu.vector_store %arg13[%parallel_loop3A_462, %parallel_loop3A_463, %parallel_loop3A_464], %parallel_loop3A_467 {strides = array<i32>} : memref<2x125x32xf32, #tpu.memory_space<vmem>>, vector<1x1x16xf32>,
      } {sc.loop_unroll_factor = 5 : i64, sc.parallel_access}
      %dma_start3A_195 = arith.constant 0 : i32
      %dma_start3A_196 = arith.constant 0 : i32
      %dma_start3A_197 = arith.constant 0 : i32
      %dma_start3A_198 = arith.constant 0 : i32
      %dma_start3A_199 = tpu.memref_slice %arg13[%dma_start3A_195, %dma_start3A_197, %dma_start3A_198] : memref<2x125x32xf32, #tpu.memory_space<vmem>> -> memref<1x125x32xf32, #tpu.memory_space<vmem>>
      %dma_start3A_200 = tpu.memref_squeeze %dma_start3A_199 : memref<1x125x32xf32, #tpu.memory_space<vmem>> -> memref<125x32xf32, #tpu.memory_space<vmem>>
      %dma_start3A_201 = arith.constant 0 : i32
      %dma_start3A_202 = tpu.memref_slice %arg8[%add3A_146, %dma_start3A_196, %dma_start3A_201] : memref<80x1x125xi32, #tpu.memory_space<vmem>> -> memref<1x1x125xi32, #tpu.memory_space<vmem>>
      %dma_start3A_203 = tpu.memref_squeeze %dma_start3A_202 : memref<1x1x125xi32, #tpu.memory_space<vmem>> -> memref<125xi32, #tpu.memory_space<vmem>>
      %dma_start3A_204 = arith.constant 0 : i32
      %dma_start3A_205 = arith.constant 0 : i32
      %dma_start3A_206 = tpu.memref_slice %arg15[%dma_start3A_204, %dma_start3A_205] : memref<10240x32xf32, #tpu.memory_space<vmem_shared>> -> memref<10240x32xf32, #tpu.memory_space<vmem_shared>>
      tpu.enqueue_indirect_dma source(%dma_start3A_200 : memref<125x32xf32, #tpu.memory_space<vmem>>) target(%dma_start3A_206 : memref<10240x32xf32, #tpu.memory_space<vmem_shared>>) offsets(%dma_start3A_203 : memref<125xi32, #tpu.memory_space<vmem>>) semaphore(%arg18 : memref<!tpu.dma_semaphore, #tpu.memory_space<semaphore_mem>>) {add = true}
      %add3A_207 = arith.constant 2 : i32
      %add3A_208 = arith.addi %add3A_146, %add3A_207 : i32
      %lt3A = arith.constant 80 : i32
      %lt3A_209 = arith.cmpi slt, %add3A_208, %lt3A : i32
      %convert_element_type3A_210 = arith.extui %lt3A_209 : i1 to i32
      %cond3A_211 = arith.constant 0 : i32
      %cond3A_212 = arith.cmpi ne, %convert_element_type3A_210, %cond3A_211 : i32
      scf.if %cond3A_212 {
        %add3A_287 = arith.constant 2 : i32
        %add3A_288 = arith.addi %add3A_146, %add3A_287 : i32
        %mul3A_289 = arith.constant 80 : i32
        %mul3A_290 = arith.muli %add3A, %mul3A_289 : i32
        %add3A_291 = arith.addi %mul3A_290, %add3A_288 : i32
        %dma_start3A_292 = arith.constant 0 : i32
        %dma_start3A_293 = arith.constant 0 : i32
        %dma_start3A_294 = arith.constant 0 : i32
        %dma_start3A_295 = arith.constant 0 : i32
        %dma_start3A_296 = tpu.memref_slice %arg10[%dma_start3A_293, %dma_start3A_294, %dma_start3A_295] : memref<2x125x64xf32, #tpu.memory_space<vmem>> -> memref<1x125x64xf32, #tpu.memory_space<vmem>>
        %dma_start3A_297 = tpu.memref_squeeze %dma_start3A_296 : memref<1x125x64xf32, #tpu.memory_space<vmem>> -> memref<125x64xf32, #tpu.memory_space<vmem>>
        %dma_start3A_298 = arith.constant 0 : i32
        %dma_start3A_299 = tpu.memref_slice %arg8[%add3A_288, %dma_start3A_292, %dma_start3A_298] : memref<80x1x125xi32, #tpu.memory_space<vmem>> -> memref<1x1x125xi32, #tpu.memory_space<vmem>>
        %dma_start3A_300 = tpu.memref_squeeze %dma_start3A_299 : memref<1x1x125xi32, #tpu.memory_space<vmem>> -> memref<125xi32, #tpu.memory_space<vmem>>
        %dma_start3A_301 = arith.constant 0 : i32
        %dma_start3A_302 = arith.constant 0 : i32
        %dma_start3A_303 = tpu.memref_slice %arg2[%dma_start3A_301, %dma_start3A_302] : memref<10000x64xf32, #tpu.memory_space<hbm>> -> memref<10000x64xf32, #tpu.memory_space<hbm>>
        tpu.enqueue_indirect_dma source(%dma_start3A_303 : memref<10000x64xf32, #tpu.memory_space<hbm>>) target(%dma_start3A_297 : memref<125x64xf32, #tpu.memory_space<vmem>>) offsets(%dma_start3A_300 : memref<125xi32, #tpu.memory_space<vmem>>) semaphore(%arg16 : memref<!tpu.dma_semaphore, #tpu.memory_space<semaphore_mem>>)
        %dma_start3A_304 = arith.constant 0 : i32
        %dma_start3A_305 = arith.constant 0 : i32
        %dma_start3A_306 = arith.constant 0 : i32
        %dma_start3A_307 = arith.constant 0 : i32
        %dma_start3A_308 = tpu.memref_slice %arg11[%dma_start3A_305, %dma_start3A_306, %dma_start3A_307] : memref<2x125x64xf32, #tpu.memory_space<vmem>> -> memref<1x125x64xf32, #tpu.memory_space<vmem>>
        %dma_start3A_309 = tpu.memref_squeeze %dma_start3A_308 : memref<1x125x64xf32, #tpu.memory_space<vmem>> -> memref<125x64xf32, #tpu.memory_space<vmem>>
        %dma_start3A_310 = arith.constant 0 : i32
        %dma_start3A_311 = tpu.memref_slice %arg9[%add3A_288, %dma_start3A_304, %dma_start3A_310] : memref<80x1x125xi32, #tpu.memory_space<vmem>> -> memref<1x1x125xi32, #tpu.memory_space<vmem>>
        %dma_start3A_312 = tpu.memref_squeeze %dma_start3A_311 : memref<1x1x125xi32, #tpu.memory_space<vmem>> -> memref<125xi32, #tpu.memory_space<vmem>>
        %dma_start3A_313 = arith.constant 0 : i32
        %dma_start3A_314 = arith.constant 0 : i32
        %dma_start3A_315 = tpu.memref_slice %arg3[%dma_start3A_313, %dma_start3A_314] : memref<10000x64xf32, #tpu.memory_space<hbm>> -> memref<10000x64xf32, #tpu.memory_space<hbm>>
        tpu.enqueue_indirect_dma source(%dma_start3A_315 : memref<10000x64xf32, #tpu.memory_space<hbm>>) target(%dma_start3A_309 : memref<125x64xf32, #tpu.memory_space<vmem>>) offsets(%dma_start3A_312 : memref<125xi32, #tpu.memory_space<vmem>>) semaphore(%arg16 : memref<!tpu.dma_semaphore, #tpu.memory_space<semaphore_mem>>)
        %dma_start3A_316 = arith.constant 0 : i32
        %dma_start3A_317 = arith.constant 0 : i32
        %dma_start3A_318 = arith.constant 0 : i32
        %dma_start3A_319 = tpu.memref_slice %arg12[%dma_start3A_316, %dma_start3A_317, %dma_start3A_318] : memref<2x125x64xf32, #tpu.memory_space<vmem>> -> memref<1x125x64xf32, #tpu.memory_space<vmem>>
        %dma_start3A_320 = tpu.memref_squeeze %dma_start3A_319 : memref<1x125x64xf32, #tpu.memory_space<vmem>> -> memref<125x64xf32, #tpu.memory_space<vmem>>
        %dma_start3A_321 = arith.constant 0 : i32
        %dma_start3A_322 = arith.constant 0 : i32
        %dma_start3A_323 = tpu.memref_slice %arg4[%add3A_291, %dma_start3A_321, %dma_start3A_322] : memref<2560x125x64xf32, #tpu.memory_space<hbm>> -> memref<1x125x64xf32, #tpu.memory_space<hbm>>
        %dma_start3A_324 = tpu.memref_squeeze %dma_start3A_323 : memref<1x125x64xf32, #tpu.memory_space<hbm>> -> memref<125x64xf32, #tpu.memory_space<hbm>>
        %dma_start3A_325 = arith.constant 0 : i32
        %dma_start3A_326 = arith.constant 0 : i32
        %dma_start3A_327 = tpu.memref_slice %arg12[%dma_start3A_316, %dma_start3A_325, %dma_start3A_326] : memref<2x125x64xf32, #tpu.memory_space<vmem>> -> memref<1x125x64xf32, #tpu.memory_space<vmem>>
        %dma_start3A_328 = tpu.memref_squeeze %dma_start3A_327 : memref<1x125x64xf32, #tpu.memory_space<vmem>> -> memref<125x64xf32, #tpu.memory_space<vmem>>
        %dma_start3A_329 = arith.constant 0 : i32
        %dma_start3A_330 = arith.constant 0 : i32
        %dma_start3A_331 = tpu.memref_slice %arg4[%add3A_291, %dma_start3A_329, %dma_start3A_330] : memref<2560x125x64xf32, #tpu.memory_space<hbm>> -> memref<1x125x64xf32, #tpu.memory_space<hbm>>
        %dma_start3A_332 = tpu.memref_squeeze %dma_start3A_331 : memref<1x125x64xf32, #tpu.memory_space<hbm>> -> memref<125x64xf32, #tpu.memory_space<hbm>>
        tpu.enqueue_dma source(%dma_start3A_332 : memref<125x64xf32, #tpu.memory_space<hbm>>) target(%dma_start3A_328 : memref<125x64xf32, #tpu.memory_space<vmem>>) target_semaphore(%arg16 : memref<!tpu.dma_semaphore, #tpu.memory_space<semaphore_mem>>)
      } else {
      }
      %add3A_213 = arith.constant 1 : i32
      %add3A_214 = arith.addi %mul3A_144, %add3A_213 : i32
      %dma_wait3A_215 = arith.constant 0 : i32
      %dma_wait3A_216 = arith.constant 1 : i32
      %dma_wait3A_217 = arith.constant 0 : i32
      %dma_wait3A_218 = arith.constant 0 : i32
      %dma_wait3A_219 = tpu.memref_slice %arg10[%dma_wait3A_216, %dma_wait3A_217, %dma_wait3A_218] : memref<2x125x64xf32, #tpu.memory_space<vmem>> -> memref<1x125x64xf32, #tpu.memory_space<vmem>>
      %dma_wait3A_220 = tpu.memref_squeeze %dma_wait3A_219 : memref<1x125x64xf32, #tpu.memory_space<vmem>> -> memref<125x64xf32, #tpu.memory_space<vmem>>
      %dma_wait3A_221 = arith.constant 0 : i32
      %dma_wait3A_222 = tpu.memref_slice %arg8[%add3A_214, %dma_wait3A_215, %dma_wait3A_221] : memref<80x1x125xi32, #tpu.memory_space<vmem>> -> memref<1x1x125xi32, #tpu.memory_space<vmem>>
      %dma_wait3A_223 = tpu.memref_squeeze %dma_wait3A_222 : memref<1x1x125xi32, #tpu.memory_space<vmem>> -> memref<125xi32, #tpu.memory_space<vmem>>
      %dma_wait3A_224 = arith.constant 0 : i32
      %dma_wait3A_225 = arith.constant 0 : i32
      %dma_wait3A_226 = tpu.memref_slice %arg2[%dma_wait3A_224, %dma_wait3A_225] : memref<10000x64xf32, #tpu.memory_space<hbm>> -> memref<10000x64xf32, #tpu.memory_space<hbm>>
      tpu.wait_indirect_dma semaphore(%arg17 : memref<!tpu.dma_semaphore, #tpu.memory_space<semaphore_mem>>) src(%dma_wait3A_226 : memref<10000x64xf32, #tpu.memory_space<hbm>>) dst(%dma_wait3A_220 : memref<125x64xf32, #tpu.memory_space<vmem>>)
      %dma_wait3A_227 = arith.constant 0 : i32
      %dma_wait3A_228 = arith.constant 1 : i32
      %dma_wait3A_229 = arith.constant 0 : i32
      %dma_wait3A_230 = arith.constant 0 : i32
      %dma_wait3A_231 = tpu.memref_slice %arg11[%dma_wait3A_228, %dma_wait3A_229, %dma_wait3A_230] : memref<2x125x64xf32, #tpu.memory_space<vmem>> -> memref<1x125x64xf32, #tpu.memory_space<vmem>>
      %dma_wait3A_232 = tpu.memref_squeeze %dma_wait3A_231 : memref<1x125x64xf32, #tpu.memory_space<vmem>> -> memref<125x64xf32, #tpu.memory_space<vmem>>
      %dma_wait3A_233 = arith.constant 0 : i32
      %dma_wait3A_234 = tpu.memref_slice %arg9[%add3A_214, %dma_wait3A_227, %dma_wait3A_233] : memref<80x1x125xi32, #tpu.memory_space<vmem>> -> memref<1x1x125xi32, #tpu.memory_space<vmem>>
      %dma_wait3A_235 = tpu.memref_squeeze %dma_wait3A_234 : memref<1x1x125xi32, #tpu.memory_space<vmem>> -> memref<125xi32, #tpu.memory_space<vmem>>
      %dma_wait3A_236 = arith.constant 0 : i32
      %dma_wait3A_237 = arith.constant 0 : i32
      %dma_wait3A_238 = tpu.memref_slice %arg3[%dma_wait3A_236, %dma_wait3A_237] : memref<10000x64xf32, #tpu.memory_space<hbm>> -> memref<10000x64xf32, #tpu.memory_space<hbm>>
      tpu.wait_indirect_dma semaphore(%arg17 : memref<!tpu.dma_semaphore, #tpu.memory_space<semaphore_mem>>) src(%dma_wait3A_238 : memref<10000x64xf32, #tpu.memory_space<hbm>>) dst(%dma_wait3A_232 : memref<125x64xf32, #tpu.memory_space<vmem>>)
      %mul3A_239 = arith.constant 80 : i32
      %mul3A_240 = arith.muli %add3A, %mul3A_239 : i32
      %add3A_241 = arith.addi %mul3A_240, %add3A_214 : i32
      %dma_wait3A_242 = arith.constant 1 : i32
      %dma_wait3A_243 = arith.constant 0 : i32
      %dma_wait3A_244 = arith.constant 0 : i32
      %dma_wait3A_245 = tpu.memref_slice %arg12[%dma_wait3A_242, %dma_wait3A_243, %dma_wait3A_244] : memref<2x125x64xf32, #tpu.memory_space<vmem>> -> memref<1x125x64xf32, #tpu.memory_space<vmem>>
      %dma_wait3A_246 = tpu.memref_squeeze %dma_wait3A_245 : memref<1x125x64xf32, #tpu.memory_space<vmem>> -> memref<125x64xf32, #tpu.memory_space<vmem>>
      %dma_wait3A_247 = arith.constant 0 : i32
      %dma_wait3A_248 = arith.constant 0 : i32
      %dma_wait3A_249 = tpu.memref_slice %arg4[%add3A_241, %dma_wait3A_247, %dma_wait3A_248] : memref<2560x125x64xf32, #tpu.memory_space<hbm>> -> memref<1x125x64xf32, #tpu.memory_space<hbm>>
      %dma_wait3A_250 = tpu.memref_squeeze %dma_wait3A_249 : memref<1x125x64xf32, #tpu.memory_space<hbm>> -> memref<125x64xf32, #tpu.memory_space<hbm>>
      %dma_wait3A_251 = arith.constant 0 : i32
      %dma_wait3A_252 = arith.constant 0 : i32
      %dma_wait3A_253 = tpu.memref_slice %arg12[%dma_wait3A_242, %dma_wait3A_251, %dma_wait3A_252] : memref<2x125x64xf32, #tpu.memory_space<vmem>> -> memref<1x125x64xf32, #tpu.memory_space<vmem>>
      %dma_wait3A_254 = tpu.memref_squeeze %dma_wait3A_253 : memref<1x125x64xf32, #tpu.memory_space<vmem>> -> memref<125x64xf32, #tpu.memory_space<vmem>>
      %dma_wait3A_255 = arith.constant 0 : i32
      %dma_wait3A_256 = arith.constant 0 : i32
      %dma_wait3A_257 = tpu.memref_slice %arg4[%add3A_241, %dma_wait3A_255, %dma_wait3A_256] : memref<2560x125x64xf32, #tpu.memory_space<hbm>> -> memref<1x125x64xf32, #tpu.memory_space<hbm>>
      %dma_wait3A_258 = tpu.memref_squeeze %dma_wait3A_257 : memref<1x125x64xf32, #tpu.memory_space<hbm>> -> memref<125x64xf32, #tpu.memory_space<hbm>>
      tpu.wait_dma2 semaphore(%arg17 : memref<!tpu.dma_semaphore, #tpu.memory_space<semaphore_mem>>) src(%dma_wait3A_258 : memref<125x64xf32, #tpu.memory_space<hbm>>) dst(%dma_wait3A_254 : memref<125x64xf32, #tpu.memory_space<vmem>>)
      %ge3A_259 = arith.constant 2 : i32
      %ge3A_260 = arith.cmpi sge, %add3A_214, %ge3A_259 : i32
      %convert_element_type3A_261 = arith.extui %ge3A_260 : i1 to i32
      %cond3A_262 = arith.constant 0 : i32
      %cond3A_263 = arith.cmpi ne, %convert_element_type3A_261, %cond3A_262 : i32
      scf.if %cond3A_263 {
        %dma_wait3A_287 = arith.constant 1 : i32
        %dma_wait3A_288 = arith.constant 0 : i32
        %dma_wait3A_289 = arith.constant 0 : i32
        %dma_wait3A_290 = arith.constant 0 : i32
        %dma_wait3A_291 = tpu.memref_slice %arg13[%dma_wait3A_287, %dma_wait3A_289, %dma_wait3A_290] : memref<2x125x32xf32, #tpu.memory_space<vmem>> -> memref<1x125x32xf32, #tpu.memory_space<vmem>>
        %dma_wait3A_292 = tpu.memref_squeeze %dma_wait3A_291 : memref<1x125x32xf32, #tpu.memory_space<vmem>> -> memref<125x32xf32, #tpu.memory_space<vmem>>
        %dma_wait3A_293 = arith.constant 0 : i32
        %dma_wait3A_294 = tpu.memref_slice %arg8[%add3A_214, %dma_wait3A_288, %dma_wait3A_293] : memref<80x1x125xi32, #tpu.memory_space<vmem>> -> memref<1x1x125xi32, #tpu.memory_space<vmem>>
        %dma_wait3A_295 = tpu.memref_squeeze %dma_wait3A_294 : memref<1x1x125xi32, #tpu.memory_space<vmem>> -> memref<125xi32, #tpu.memory_space<vmem>>
        %dma_wait3A_296 = arith.constant 0 : i32
        %dma_wait3A_297 = arith.constant 0 : i32
        %dma_wait3A_298 = tpu.memref_slice %arg15[%dma_wait3A_296, %dma_wait3A_297] : memref<10240x32xf32, #tpu.memory_space<vmem_shared>> -> memref<10240x32xf32, #tpu.memory_space<vmem_shared>>
        tpu.wait_indirect_dma semaphore(%arg19 : memref<!tpu.dma_semaphore, #tpu.memory_space<semaphore_mem>>) src(%dma_wait3A_292 : memref<125x32xf32, #tpu.memory_space<vmem>>) dst(%dma_wait3A_298 : memref<10240x32xf32, #tpu.memory_space<vmem_shared>>)
      } else {
      }
      %parallel_loop3A_264 = arith.constant 0 : i32
      %parallel_loop3A_265 = arith.constant 125 : i32
      %parallel_loop3A_266 = arith.constant 1 : i32
      scf.for %parallel_loop3A_287 = %parallel_loop3A_264 to %parallel_loop3A_265 step %parallel_loop3A_266  : i32 {
        %parallel_loop3A_288 = arith.constant 1 : i32
        %parallel_loop3A_289 = arith.index_cast %parallel_loop3A_288 : i32 to index
        %parallel_loop3A_290 = arith.index_cast %parallel_loop3A_287 : i32 to index
        %parallel_loop3A_291 = arith.constant 0 : index
        %parallel_loop3A_292 = tpu.vector_load %arg10[%parallel_loop3A_289, %parallel_loop3A_290, %parallel_loop3A_291] {strides = array<i32>} : memref<2x125x64xf32, #tpu.memory_space<vmem>>, vector<1x1x16xf32>,
        %parallel_loop3A_293 = vector.shape_cast %parallel_loop3A_292 : vector<1x1x16xf32> to vector<16xf32>
        %parallel_loop3A_294 = arith.constant 1 : i32
        %parallel_loop3A_295 = arith.index_cast %parallel_loop3A_294 : i32 to index
        %parallel_loop3A_296 = arith.index_cast %parallel_loop3A_287 : i32 to index
        %parallel_loop3A_297 = arith.constant 0 : index
        %parallel_loop3A_298 = tpu.vector_load %arg11[%parallel_loop3A_295, %parallel_loop3A_296, %parallel_loop3A_297] {strides = array<i32>} : memref<2x125x64xf32, #tpu.memory_space<vmem>>, vector<1x1x16xf32>,
        %parallel_loop3A_299 = vector.shape_cast %parallel_loop3A_298 : vector<1x1x16xf32> to vector<16xf32>
        %parallel_loop3A_300 = arith.addf %parallel_loop3A_293, %parallel_loop3A_299 : vector<16xf32>
        %parallel_loop3A_301 = arith.constant 1 : i32
        %parallel_loop3A_302 = arith.index_cast %parallel_loop3A_301 : i32 to index
        %parallel_loop3A_303 = arith.index_cast %parallel_loop3A_287 : i32 to index
        %parallel_loop3A_304 = arith.constant 0 : index
        %parallel_loop3A_305 = tpu.vector_load %arg12[%parallel_loop3A_302, %parallel_loop3A_303, %parallel_loop3A_304] {strides = array<i32>} : memref<2x125x64xf32, #tpu.memory_space<vmem>>, vector<1x1x16xf32>,
        %parallel_loop3A_306 = vector.shape_cast %parallel_loop3A_305 : vector<1x1x16xf32> to vector<16xf32>
        %parallel_loop3A_307 = arith.addf %parallel_loop3A_300, %parallel_loop3A_306 : vector<16xf32>
        %parallel_loop3A_308 = arith.constant 1 : i32
        %parallel_loop3A_309 = arith.index_cast %parallel_loop3A_308 : i32 to index
        %parallel_loop3A_310 = arith.index_cast %parallel_loop3A_287 : i32 to index
        %parallel_loop3A_311 = arith.constant 32 : index
        %parallel_loop3A_312 = tpu.vector_load %arg10[%parallel_loop3A_309, %parallel_loop3A_310, %parallel_loop3A_311] {strides = array<i32>} : memref<2x125x64xf32, #tpu.memory_space<vmem>>, vector<1x1x16xf32>,
        %parallel_loop3A_313 = vector.shape_cast %parallel_loop3A_312 : vector<1x1x16xf32> to vector<16xf32>
        %parallel_loop3A_314 = arith.constant 1 : i32
        %parallel_loop3A_315 = arith.index_cast %parallel_loop3A_314 : i32 to index
        %parallel_loop3A_316 = arith.index_cast %parallel_loop3A_287 : i32 to index
        %parallel_loop3A_317 = arith.constant 32 : index
        %parallel_loop3A_318 = tpu.vector_load %arg11[%parallel_loop3A_315, %parallel_loop3A_316, %parallel_loop3A_317] {strides = array<i32>} : memref<2x125x64xf32, #tpu.memory_space<vmem>>, vector<1x1x16xf32>,
        %parallel_loop3A_319 = vector.shape_cast %parallel_loop3A_318 : vector<1x1x16xf32> to vector<16xf32>
        %parallel_loop3A_320 = arith.addf %parallel_loop3A_313, %parallel_loop3A_319 : vector<16xf32>
        %parallel_loop3A_321 = arith.constant 1 : i32
        %parallel_loop3A_322 = arith.index_cast %parallel_loop3A_321 : i32 to index
        %parallel_loop3A_323 = arith.index_cast %parallel_loop3A_287 : i32 to index
        %parallel_loop3A_324 = arith.constant 32 : index
        %parallel_loop3A_325 = tpu.vector_load %arg12[%parallel_loop3A_322, %parallel_loop3A_323, %parallel_loop3A_324] {strides = array<i32>} : memref<2x125x64xf32, #tpu.memory_space<vmem>>, vector<1x1x16xf32>,
        %parallel_loop3A_326 = vector.shape_cast %parallel_loop3A_325 : vector<1x1x16xf32> to vector<16xf32>
        %parallel_loop3A_327 = arith.addf %parallel_loop3A_320, %parallel_loop3A_326 : vector<16xf32>
        %parallel_loop3A_328 = arith.constant 0.000000e+00 : f32
        %parallel_loop3A_329 = vector.broadcast %parallel_loop3A_328 : f32 to vector<16xf32>
        %parallel_loop3A_330 = arith.subf %parallel_loop3A_329, %parallel_loop3A_307 : vector<16xf32>
        %parallel_loop3A_331 = math.exp %parallel_loop3A_330 : vector<16xf32>
        %parallel_loop3A_332 = arith.constant 1.000000e+00 : f32
        %parallel_loop3A_333 = vector.broadcast %parallel_loop3A_332 : f32 to vector<16xf32>
        %parallel_loop3A_334 = arith.addf %parallel_loop3A_333, %parallel_loop3A_331 : vector<16xf32>
        %parallel_loop3A_335 = arith.constant 1.000000e+00 : f32
        %parallel_loop3A_336 = vector.broadcast %parallel_loop3A_335 : f32 to vector<16xf32>
        %parallel_loop3A_337 = arith.divf %parallel_loop3A_336, %parallel_loop3A_334 : vector<16xf32>
        %parallel_loop3A_338 = math.absf %parallel_loop3A_327 : vector<16xf32>
        %parallel_loop3A_339 = arith.constant 0.000000e+00 : f32
        %parallel_loop3A_340 = vector.broadcast %parallel_loop3A_339 : f32 to vector<16xf32>
        %parallel_loop3A_341 = arith.subf %parallel_loop3A_340, %parallel_loop3A_338 : vector<16xf32>
        %parallel_loop3A_342 = math.exp %parallel_loop3A_341 : vector<16xf32>
        %parallel_loop3A_343 = arith.constant 2.000000e+00 : f32
        %parallel_loop3A_344 = vector.broadcast %parallel_loop3A_343 : f32 to vector<16xf32>
        %parallel_loop3A_345 = arith.addf %parallel_loop3A_344, %parallel_loop3A_342 : vector<16xf32>
        %parallel_loop3A_346 = arith.divf %parallel_loop3A_342, %parallel_loop3A_345 : vector<16xf32>
        %parallel_loop3A_347 = arith.mulf %parallel_loop3A_346, %parallel_loop3A_346 : vector<16xf32>
        %parallel_loop3A_348 = arith.constant 0.000000e+00 : f32
        %parallel_loop3A_349 = vector.broadcast %parallel_loop3A_348 : f32 to vector<16xf32>
        %parallel_loop3A_350 = arith.maximumf %parallel_loop3A_327, %parallel_loop3A_349 : vector<16xf32>
        %parallel_loop3A_351 = arith.constant 2.000000e+00 : f32
        %parallel_loop3A_352 = vector.broadcast %parallel_loop3A_351 : f32 to vector<16xf32>
        %parallel_loop3A_353 = arith.mulf %parallel_loop3A_352, %parallel_loop3A_346 : vector<16xf32>
        %parallel_loop3A_354 = arith.constant 0.142857149 : f32
        %parallel_loop3A_355 = vector.broadcast %parallel_loop3A_354 : f32 to vector<16xf32>
        %parallel_loop3A_356 = arith.mulf %parallel_loop3A_347, %parallel_loop3A_355 : vector<16xf32>
        %parallel_loop3A_357 = arith.constant 2.000000e-01 : f32
        %parallel_loop3A_358 = vector.broadcast %parallel_loop3A_357 : f32 to vector<16xf32>
        %parallel_loop3A_359 = arith.addf %parallel_loop3A_358, %parallel_loop3A_356 : vector<16xf32>
        %parallel_loop3A_360 = arith.mulf %parallel_loop3A_347, %parallel_loop3A_359 : vector<16xf32>
        %parallel_loop3A_361 = arith.constant 0.333333343 : f32
        %parallel_loop3A_362 = vector.broadcast %parallel_loop3A_361 : f32 to vector<16xf32>
        %parallel_loop3A_363 = arith.addf %parallel_loop3A_362, %parallel_loop3A_360 : vector<16xf32>
        %parallel_loop3A_364 = arith.mulf %parallel_loop3A_347, %parallel_loop3A_363 : vector<16xf32>
        %parallel_loop3A_365 = arith.constant 1.000000e+00 : f32
        %parallel_loop3A_366 = vector.broadcast %parallel_loop3A_365 : f32 to vector<16xf32>
        %parallel_loop3A_367 = arith.addf %parallel_loop3A_366, %parallel_loop3A_364 : vector<16xf32>
        %parallel_loop3A_368 = arith.mulf %parallel_loop3A_353, %parallel_loop3A_367 : vector<16xf32>
        %parallel_loop3A_369 = arith.addf %parallel_loop3A_350, %parallel_loop3A_368 : vector<16xf32>
        %parallel_loop3A_370 = arith.mulf %parallel_loop3A_337, %parallel_loop3A_369 : vector<16xf32>
        %parallel_loop3A_371 = arith.constant 1 : i32
        %parallel_loop3A_372 = arith.index_cast %parallel_loop3A_371 : i32 to index
        %parallel_loop3A_373 = arith.index_cast %parallel_loop3A_287 : i32 to index
        %parallel_loop3A_374 = arith.constant 0 : index
        %parallel_loop3A_375 = tpu.vector_load %arg13[%parallel_loop3A_372, %parallel_loop3A_373, %parallel_loop3A_374] {strides = array<i32>} : memref<2x125x32xf32, #tpu.memory_space<vmem>>, vector<1x1x16xf32>,
        %parallel_loop3A_376 = vector.shape_cast %parallel_loop3A_375 : vector<1x1x16xf32> to vector<16xf32>
        %parallel_loop3A_377 = vector.shape_cast %parallel_loop3A_370 : vector<16xf32> to vector<1x1x16xf32>
        tpu.vector_store %arg13[%parallel_loop3A_372, %parallel_loop3A_373, %parallel_loop3A_374], %parallel_loop3A_377 {strides = array<i32>} : memref<2x125x32xf32, #tpu.memory_space<vmem>>, vector<1x1x16xf32>,
        %parallel_loop3A_378 = arith.constant 1 : i32
        %parallel_loop3A_379 = arith.index_cast %parallel_loop3A_378 : i32 to index
        %parallel_loop3A_380 = arith.index_cast %parallel_loop3A_287 : i32 to index
        %parallel_loop3A_381 = arith.constant 16 : index
        %parallel_loop3A_382 = tpu.vector_load %arg10[%parallel_loop3A_379, %parallel_loop3A_380, %parallel_loop3A_381] {strides = array<i32>} : memref<2x125x64xf32, #tpu.memory_space<vmem>>, vector<1x1x16xf32>,
        %parallel_loop3A_383 = vector.shape_cast %parallel_loop3A_382 : vector<1x1x16xf32> to vector<16xf32>
        %parallel_loop3A_384 = arith.constant 1 : i32
        %parallel_loop3A_385 = arith.index_cast %parallel_loop3A_384 : i32 to index
        %parallel_loop3A_386 = arith.index_cast %parallel_loop3A_287 : i32 to index
        %parallel_loop3A_387 = arith.constant 16 : index
        %parallel_loop3A_388 = tpu.vector_load %arg11[%parallel_loop3A_385, %parallel_loop3A_386, %parallel_loop3A_387] {strides = array<i32>} : memref<2x125x64xf32, #tpu.memory_space<vmem>>, vector<1x1x16xf32>,
        %parallel_loop3A_389 = vector.shape_cast %parallel_loop3A_388 : vector<1x1x16xf32> to vector<16xf32>
        %parallel_loop3A_390 = arith.addf %parallel_loop3A_383, %parallel_loop3A_389 : vector<16xf32>
        %parallel_loop3A_391 = arith.constant 1 : i32
        %parallel_loop3A_392 = arith.index_cast %parallel_loop3A_391 : i32 to index
        %parallel_loop3A_393 = arith.index_cast %parallel_loop3A_287 : i32 to index
        %parallel_loop3A_394 = arith.constant 16 : index
        %parallel_loop3A_395 = tpu.vector_load %arg12[%parallel_loop3A_392, %parallel_loop3A_393, %parallel_loop3A_394] {strides = array<i32>} : memref<2x125x64xf32, #tpu.memory_space<vmem>>, vector<1x1x16xf32>,
        %parallel_loop3A_396 = vector.shape_cast %parallel_loop3A_395 : vector<1x1x16xf32> to vector<16xf32>
        %parallel_loop3A_397 = arith.addf %parallel_loop3A_390, %parallel_loop3A_396 : vector<16xf32>
        %parallel_loop3A_398 = arith.constant 1 : i32
        %parallel_loop3A_399 = arith.index_cast %parallel_loop3A_398 : i32 to index
        %parallel_loop3A_400 = arith.index_cast %parallel_loop3A_287 : i32 to index
        %parallel_loop3A_401 = arith.constant 48 : index
        %parallel_loop3A_402 = tpu.vector_load %arg10[%parallel_loop3A_399, %parallel_loop3A_400, %parallel_loop3A_401] {strides = array<i32>} : memref<2x125x64xf32, #tpu.memory_space<vmem>>, vector<1x1x16xf32>,
        %parallel_loop3A_403 = vector.shape_cast %parallel_loop3A_402 : vector<1x1x16xf32> to vector<16xf32>
        %parallel_loop3A_404 = arith.constant 1 : i32
        %parallel_loop3A_405 = arith.index_cast %parallel_loop3A_404 : i32 to index
        %parallel_loop3A_406 = arith.index_cast %parallel_loop3A_287 : i32 to index
        %parallel_loop3A_407 = arith.constant 48 : index
        %parallel_loop3A_408 = tpu.vector_load %arg11[%parallel_loop3A_405, %parallel_loop3A_406, %parallel_loop3A_407] {strides = array<i32>} : memref<2x125x64xf32, #tpu.memory_space<vmem>>, vector<1x1x16xf32>,
        %parallel_loop3A_409 = vector.shape_cast %parallel_loop3A_408 : vector<1x1x16xf32> to vector<16xf32>
        %parallel_loop3A_410 = arith.addf %parallel_loop3A_403, %parallel_loop3A_409 : vector<16xf32>
        %parallel_loop3A_411 = arith.constant 1 : i32
        %parallel_loop3A_412 = arith.index_cast %parallel_loop3A_411 : i32 to index
        %parallel_loop3A_413 = arith.index_cast %parallel_loop3A_287 : i32 to index
        %parallel_loop3A_414 = arith.constant 48 : index
        %parallel_loop3A_415 = tpu.vector_load %arg12[%parallel_loop3A_412, %parallel_loop3A_413, %parallel_loop3A_414] {strides = array<i32>} : memref<2x125x64xf32, #tpu.memory_space<vmem>>, vector<1x1x16xf32>,
        %parallel_loop3A_416 = vector.shape_cast %parallel_loop3A_415 : vector<1x1x16xf32> to vector<16xf32>
        %parallel_loop3A_417 = arith.addf %parallel_loop3A_410, %parallel_loop3A_416 : vector<16xf32>
        %parallel_loop3A_418 = arith.constant 0.000000e+00 : f32
        %parallel_loop3A_419 = vector.broadcast %parallel_loop3A_418 : f32 to vector<16xf32>
        %parallel_loop3A_420 = arith.subf %parallel_loop3A_419, %parallel_loop3A_397 : vector<16xf32>
        %parallel_loop3A_421 = math.exp %parallel_loop3A_420 : vector<16xf32>
        %parallel_loop3A_422 = arith.constant 1.000000e+00 : f32
        %parallel_loop3A_423 = vector.broadcast %parallel_loop3A_422 : f32 to vector<16xf32>
        %parallel_loop3A_424 = arith.addf %parallel_loop3A_423, %parallel_loop3A_421 : vector<16xf32>
        %parallel_loop3A_425 = arith.constant 1.000000e+00 : f32
        %parallel_loop3A_426 = vector.broadcast %parallel_loop3A_425 : f32 to vector<16xf32>
        %parallel_loop3A_427 = arith.divf %parallel_loop3A_426, %parallel_loop3A_424 : vector<16xf32>
        %parallel_loop3A_428 = math.absf %parallel_loop3A_417 : vector<16xf32>
        %parallel_loop3A_429 = arith.constant 0.000000e+00 : f32
        %parallel_loop3A_430 = vector.broadcast %parallel_loop3A_429 : f32 to vector<16xf32>
        %parallel_loop3A_431 = arith.subf %parallel_loop3A_430, %parallel_loop3A_428 : vector<16xf32>
        %parallel_loop3A_432 = math.exp %parallel_loop3A_431 : vector<16xf32>
        %parallel_loop3A_433 = arith.constant 2.000000e+00 : f32
        %parallel_loop3A_434 = vector.broadcast %parallel_loop3A_433 : f32 to vector<16xf32>
        %parallel_loop3A_435 = arith.addf %parallel_loop3A_434, %parallel_loop3A_432 : vector<16xf32>
        %parallel_loop3A_436 = arith.divf %parallel_loop3A_432, %parallel_loop3A_435 : vector<16xf32>
        %parallel_loop3A_437 = arith.mulf %parallel_loop3A_436, %parallel_loop3A_436 : vector<16xf32>
        %parallel_loop3A_438 = arith.constant 0.000000e+00 : f32
        %parallel_loop3A_439 = vector.broadcast %parallel_loop3A_438 : f32 to vector<16xf32>
        %parallel_loop3A_440 = arith.maximumf %parallel_loop3A_417, %parallel_loop3A_439 : vector<16xf32>
        %parallel_loop3A_441 = arith.constant 2.000000e+00 : f32
        %parallel_loop3A_442 = vector.broadcast %parallel_loop3A_441 : f32 to vector<16xf32>
        %parallel_loop3A_443 = arith.mulf %parallel_loop3A_442, %parallel_loop3A_436 : vector<16xf32>
        %parallel_loop3A_444 = arith.constant 0.142857149 : f32
        %parallel_loop3A_445 = vector.broadcast %parallel_loop3A_444 : f32 to vector<16xf32>
        %parallel_loop3A_446 = arith.mulf %parallel_loop3A_437, %parallel_loop3A_445 : vector<16xf32>
        %parallel_loop3A_447 = arith.constant 2.000000e-01 : f32
        %parallel_loop3A_448 = vector.broadcast %parallel_loop3A_447 : f32 to vector<16xf32>
        %parallel_loop3A_449 = arith.addf %parallel_loop3A_448, %parallel_loop3A_446 : vector<16xf32>
        %parallel_loop3A_450 = arith.mulf %parallel_loop3A_437, %parallel_loop3A_449 : vector<16xf32>
        %parallel_loop3A_451 = arith.constant 0.333333343 : f32
        %parallel_loop3A_452 = vector.broadcast %parallel_loop3A_451 : f32 to vector<16xf32>
        %parallel_loop3A_453 = arith.addf %parallel_loop3A_452, %parallel_loop3A_450 : vector<16xf32>
        %parallel_loop3A_454 = arith.mulf %parallel_loop3A_437, %parallel_loop3A_453 : vector<16xf32>
        %parallel_loop3A_455 = arith.constant 1.000000e+00 : f32
        %parallel_loop3A_456 = vector.broadcast %parallel_loop3A_455 : f32 to vector<16xf32>
        %parallel_loop3A_457 = arith.addf %parallel_loop3A_456, %parallel_loop3A_454 : vector<16xf32>
        %parallel_loop3A_458 = arith.mulf %parallel_loop3A_443, %parallel_loop3A_457 : vector<16xf32>
        %parallel_loop3A_459 = arith.addf %parallel_loop3A_440, %parallel_loop3A_458 : vector<16xf32>
        %parallel_loop3A_460 = arith.mulf %parallel_loop3A_427, %parallel_loop3A_459 : vector<16xf32>
        %parallel_loop3A_461 = arith.constant 1 : i32
        %parallel_loop3A_462 = arith.index_cast %parallel_loop3A_461 : i32 to index
        %parallel_loop3A_463 = arith.index_cast %parallel_loop3A_287 : i32 to index
        %parallel_loop3A_464 = arith.constant 16 : index
        %parallel_loop3A_465 = tpu.vector_load %arg13[%parallel_loop3A_462, %parallel_loop3A_463, %parallel_loop3A_464] {strides = array<i32>} : memref<2x125x32xf32, #tpu.memory_space<vmem>>, vector<1x1x16xf32>,
        %parallel_loop3A_466 = vector.shape_cast %parallel_loop3A_465 : vector<1x1x16xf32> to vector<16xf32>
        %parallel_loop3A_467 = vector.shape_cast %parallel_loop3A_460 : vector<16xf32> to vector<1x1x16xf32>
        tpu.vector_store %arg13[%parallel_loop3A_462, %parallel_loop3A_463, %parallel_loop3A_464], %parallel_loop3A_467 {strides = array<i32>} : memref<2x125x32xf32, #tpu.memory_space<vmem>>, vector<1x1x16xf32>,
      } {sc.loop_unroll_factor = 5 : i64, sc.parallel_access}
      %dma_start3A_267 = arith.constant 1 : i32
      %dma_start3A_268 = arith.constant 0 : i32
      %dma_start3A_269 = arith.constant 0 : i32
      %dma_start3A_270 = arith.constant 0 : i32
      %dma_start3A_271 = tpu.memref_slice %arg13[%dma_start3A_267, %dma_start3A_269, %dma_start3A_270] : memref<2x125x32xf32, #tpu.memory_space<vmem>> -> memref<1x125x32xf32, #tpu.memory_space<vmem>>
      %dma_start3A_272 = tpu.memref_squeeze %dma_start3A_271 : memref<1x125x32xf32, #tpu.memory_space<vmem>> -> memref<125x32xf32, #tpu.memory_space<vmem>>
      %dma_start3A_273 = arith.constant 0 : i32
      %dma_start3A_274 = tpu.memref_slice %arg8[%add3A_214, %dma_start3A_268, %dma_start3A_273] : memref<80x1x125xi32, #tpu.memory_space<vmem>> -> memref<1x1x125xi32, #tpu.memory_space<vmem>>
      %dma_start3A_275 = tpu.memref_squeeze %dma_start3A_274 : memref<1x1x125xi32, #tpu.memory_space<vmem>> -> memref<125xi32, #tpu.memory_space<vmem>>
      %dma_start3A_276 = arith.constant 0 : i32
      %dma_start3A_277 = arith.constant 0 : i32
      %dma_start3A_278 = tpu.memref_slice %arg15[%dma_start3A_276, %dma_start3A_277] : memref<10240x32xf32, #tpu.memory_space<vmem_shared>> -> memref<10240x32xf32, #tpu.memory_space<vmem_shared>>
      tpu.enqueue_indirect_dma source(%dma_start3A_272 : memref<125x32xf32, #tpu.memory_space<vmem>>) target(%dma_start3A_278 : memref<10240x32xf32, #tpu.memory_space<vmem_shared>>) offsets(%dma_start3A_275 : memref<125xi32, #tpu.memory_space<vmem>>) semaphore(%arg19 : memref<!tpu.dma_semaphore, #tpu.memory_space<semaphore_mem>>) {add = true}
      %add3A_279 = arith.constant 2 : i32
      %add3A_280 = arith.addi %add3A_214, %add3A_279 : i32
      %lt3A_281 = arith.constant 80 : i32
      %lt3A_282 = arith.cmpi slt, %add3A_280, %lt3A_281 : i32
      %convert_element_type3A_283 = arith.extui %lt3A_282 : i1 to i32
      %cond3A_284 = arith.constant 0 : i32
      %cond3A_285 = arith.cmpi ne, %convert_element_type3A_283, %cond3A_284 : i32
      scf.if %cond3A_285 {
        %add3A_287 = arith.constant 2 : i32
        %add3A_288 = arith.addi %add3A_214, %add3A_287 : i32
        %mul3A_289 = arith.constant 80 : i32
        %mul3A_290 = arith.muli %add3A, %mul3A_289 : i32
        %add3A_291 = arith.addi %mul3A_290, %add3A_288 : i32
        %dma_start3A_292 = arith.constant 0 : i32
        %dma_start3A_293 = arith.constant 1 : i32
        %dma_start3A_294 = arith.constant 0 : i32
        %dma_start3A_295 = arith.constant 0 : i32
        %dma_start3A_296 = tpu.memref_slice %arg10[%dma_start3A_293, %dma_start3A_294, %dma_start3A_295] : memref<2x125x64xf32, #tpu.memory_space<vmem>> -> memref<1x125x64xf32, #tpu.memory_space<vmem>>
        %dma_start3A_297 = tpu.memref_squeeze %dma_start3A_296 : memref<1x125x64xf32, #tpu.memory_space<vmem>> -> memref<125x64xf32, #tpu.memory_space<vmem>>
        %dma_start3A_298 = arith.constant 0 : i32
        %dma_start3A_299 = tpu.memref_slice %arg8[%add3A_288, %dma_start3A_292, %dma_start3A_298] : memref<80x1x125xi32, #tpu.memory_space<vmem>> -> memref<1x1x125xi32, #tpu.memory_space<vmem>>
        %dma_start3A_300 = tpu.memref_squeeze %dma_start3A_299 : memref<1x1x125xi32, #tpu.memory_space<vmem>> -> memref<125xi32, #tpu.memory_space<vmem>>
        %dma_start3A_301 = arith.constant 0 : i32
        %dma_start3A_302 = arith.constant 0 : i32
        %dma_start3A_303 = tpu.memref_slice %arg2[%dma_start3A_301, %dma_start3A_302] : memref<10000x64xf32, #tpu.memory_space<hbm>> -> memref<10000x64xf32, #tpu.memory_space<hbm>>
        tpu.enqueue_indirect_dma source(%dma_start3A_303 : memref<10000x64xf32, #tpu.memory_space<hbm>>) target(%dma_start3A_297 : memref<125x64xf32, #tpu.memory_space<vmem>>) offsets(%dma_start3A_300 : memref<125xi32, #tpu.memory_space<vmem>>) semaphore(%arg17 : memref<!tpu.dma_semaphore, #tpu.memory_space<semaphore_mem>>)
        %dma_start3A_304 = arith.constant 0 : i32
        %dma_start3A_305 = arith.constant 1 : i32
        %dma_start3A_306 = arith.constant 0 : i32
        %dma_start3A_307 = arith.constant 0 : i32
        %dma_start3A_308 = tpu.memref_slice %arg11[%dma_start3A_305, %dma_start3A_306, %dma_start3A_307] : memref<2x125x64xf32, #tpu.memory_space<vmem>> -> memref<1x125x64xf32, #tpu.memory_space<vmem>>
        %dma_start3A_309 = tpu.memref_squeeze %dma_start3A_308 : memref<1x125x64xf32, #tpu.memory_space<vmem>> -> memref<125x64xf32, #tpu.memory_space<vmem>>
        %dma_start3A_310 = arith.constant 0 : i32
        %dma_start3A_311 = tpu.memref_slice %arg9[%add3A_288, %dma_start3A_304, %dma_start3A_310] : memref<80x1x125xi32, #tpu.memory_space<vmem>> -> memref<1x1x125xi32, #tpu.memory_space<vmem>>
        %dma_start3A_312 = tpu.memref_squeeze %dma_start3A_311 : memref<1x1x125xi32, #tpu.memory_space<vmem>> -> memref<125xi32, #tpu.memory_space<vmem>>
        %dma_start3A_313 = arith.constant 0 : i32
        %dma_start3A_314 = arith.constant 0 : i32
        %dma_start3A_315 = tpu.memref_slice %arg3[%dma_start3A_313, %dma_start3A_314] : memref<10000x64xf32, #tpu.memory_space<hbm>> -> memref<10000x64xf32, #tpu.memory_space<hbm>>
        tpu.enqueue_indirect_dma source(%dma_start3A_315 : memref<10000x64xf32, #tpu.memory_space<hbm>>) target(%dma_start3A_309 : memref<125x64xf32, #tpu.memory_space<vmem>>) offsets(%dma_start3A_312 : memref<125xi32, #tpu.memory_space<vmem>>) semaphore(%arg17 : memref<!tpu.dma_semaphore, #tpu.memory_space<semaphore_mem>>)
        %dma_start3A_316 = arith.constant 1 : i32
        %dma_start3A_317 = arith.constant 0 : i32
        %dma_start3A_318 = arith.constant 0 : i32
        %dma_start3A_319 = tpu.memref_slice %arg12[%dma_start3A_316, %dma_start3A_317, %dma_start3A_318] : memref<2x125x64xf32, #tpu.memory_space<vmem>> -> memref<1x125x64xf32, #tpu.memory_space<vmem>>
        %dma_start3A_320 = tpu.memref_squeeze %dma_start3A_319 : memref<1x125x64xf32, #tpu.memory_space<vmem>> -> memref<125x64xf32, #tpu.memory_space<vmem>>
        %dma_start3A_321 = arith.constant 0 : i32
        %dma_start3A_322 = arith.constant 0 : i32
        %dma_start3A_323 = tpu.memref_slice %arg4[%add3A_291, %dma_start3A_321, %dma_start3A_322] : memref<2560x125x64xf32, #tpu.memory_space<hbm>> -> memref<1x125x64xf32, #tpu.memory_space<hbm>>
        %dma_start3A_324 = tpu.memref_squeeze %dma_start3A_323 : memref<1x125x64xf32, #tpu.memory_space<hbm>> -> memref<125x64xf32, #tpu.memory_space<hbm>>
        %dma_start3A_325 = arith.constant 0 : i32
        %dma_start3A_326 = arith.constant 0 : i32
        %dma_start3A_327 = tpu.memref_slice %arg12[%dma_start3A_316, %dma_start3A_325, %dma_start3A_326] : memref<2x125x64xf32, #tpu.memory_space<vmem>> -> memref<1x125x64xf32, #tpu.memory_space<vmem>>
        %dma_start3A_328 = tpu.memref_squeeze %dma_start3A_327 : memref<1x125x64xf32, #tpu.memory_space<vmem>> -> memref<125x64xf32, #tpu.memory_space<vmem>>
        %dma_start3A_329 = arith.constant 0 : i32
        %dma_start3A_330 = arith.constant 0 : i32
        %dma_start3A_331 = tpu.memref_slice %arg4[%add3A_291, %dma_start3A_329, %dma_start3A_330] : memref<2560x125x64xf32, #tpu.memory_space<hbm>> -> memref<1x125x64xf32, #tpu.memory_space<hbm>>
        %dma_start3A_332 = tpu.memref_squeeze %dma_start3A_331 : memref<1x125x64xf32, #tpu.memory_space<hbm>> -> memref<125x64xf32, #tpu.memory_space<hbm>>
        tpu.enqueue_dma source(%dma_start3A_332 : memref<125x64xf32, #tpu.memory_space<hbm>>) target(%dma_start3A_328 : memref<125x64xf32, #tpu.memory_space<vmem>>) target_semaphore(%arg17 : memref<!tpu.dma_semaphore, #tpu.memory_space<semaphore_mem>>)
      } else {
      }
      %scan3A_286 = arith.constant 0 : i32
      scf.yield %scan3A_286 : i32
    }
    %scan3A_112 = arith.constant 40 : i32
    %dma_wait3A = arith.constant 0 : i32
    %dma_wait3A_113 = arith.constant 78 : i32
    %dma_wait3A_114 = arith.constant 0 : i32
    %dma_wait3A_115 = arith.constant 0 : i32
    %dma_wait3A_116 = arith.constant 0 : i32
    %dma_wait3A_117 = tpu.memref_slice %arg13[%dma_wait3A, %dma_wait3A_115, %dma_wait3A_116] : memref<2x125x32xf32, #tpu.memory_space<vmem>> -> memref<1x125x32xf32, #tpu.memory_space<vmem>>
    %dma_wait3A_118 = tpu.memref_squeeze %dma_wait3A_117 : memref<1x125x32xf32, #tpu.memory_space<vmem>> -> memref<125x32xf32, #tpu.memory_space<vmem>>
    %dma_wait3A_119 = arith.constant 0 : i32
    %dma_wait3A_120 = tpu.memref_slice %arg8[%dma_wait3A_113, %dma_wait3A_114, %dma_wait3A_119] : memref<80x1x125xi32, #tpu.memory_space<vmem>> -> memref<1x1x125xi32, #tpu.memory_space<vmem>>
    %dma_wait3A_121 = tpu.memref_squeeze %dma_wait3A_120 : memref<1x1x125xi32, #tpu.memory_space<vmem>> -> memref<125xi32, #tpu.memory_space<vmem>>
    %dma_wait3A_122 = arith.constant 0 : i32
    %dma_wait3A_123 = arith.constant 0 : i32
    %dma_wait3A_124 = tpu.memref_slice %arg15[%dma_wait3A_122, %dma_wait3A_123] : memref<10240x32xf32, #tpu.memory_space<vmem_shared>> -> memref<10240x32xf32, #tpu.memory_space<vmem_shared>>
    tpu.wait_indirect_dma semaphore(%arg18 : memref<!tpu.dma_semaphore, #tpu.memory_space<semaphore_mem>>) src(%dma_wait3A_118 : memref<125x32xf32, #tpu.memory_space<vmem>>) dst(%dma_wait3A_124 : memref<10240x32xf32, #tpu.memory_space<vmem_shared>>)
    %dma_wait3A_125 = arith.constant 1 : i32
    %dma_wait3A_126 = arith.constant 79 : i32
    %dma_wait3A_127 = arith.constant 0 : i32
    %dma_wait3A_128 = arith.constant 0 : i32
    %dma_wait3A_129 = arith.constant 0 : i32
    %dma_wait3A_130 = tpu.memref_slice %arg13[%dma_wait3A_125, %dma_wait3A_128, %dma_wait3A_129] : memref<2x125x32xf32, #tpu.memory_space<vmem>> -> memref<1x125x32xf32, #tpu.memory_space<vmem>>
    %dma_wait3A_131 = tpu.memref_squeeze %dma_wait3A_130 : memref<1x125x32xf32, #tpu.memory_space<vmem>> -> memref<125x32xf32, #tpu.memory_space<vmem>>
    %dma_wait3A_132 = arith.constant 0 : i32
    %dma_wait3A_133 = tpu.memref_slice %arg8[%dma_wait3A_126, %dma_wait3A_127, %dma_wait3A_132] : memref<80x1x125xi32, #tpu.memory_space<vmem>> -> memref<1x1x125xi32, #tpu.memory_space<vmem>>
    %dma_wait3A_134 = tpu.memref_squeeze %dma_wait3A_133 : memref<1x1x125xi32, #tpu.memory_space<vmem>> -> memref<125xi32, #tpu.memory_space<vmem>>
    %dma_wait3A_135 = arith.constant 0 : i32
    %dma_wait3A_136 = arith.constant 0 : i32
    %dma_wait3A_137 = tpu.memref_slice %arg15[%dma_wait3A_135, %dma_wait3A_136] : memref<10240x32xf32, #tpu.memory_space<vmem_shared>> -> memref<10240x32xf32, #tpu.memory_space<vmem_shared>>
    tpu.wait_indirect_dma semaphore(%arg19 : memref<!tpu.dma_semaphore, #tpu.memory_space<semaphore_mem>>) src(%dma_wait3A_131 : memref<125x32xf32, #tpu.memory_space<vmem>>) dst(%dma_wait3A_137 : memref<10240x32xf32, #tpu.memory_space<vmem_shared>>)
    %barrier3A_138 = arith.constant 0 : index
    tpu.barrier barrier_id(%barrier3A_138)
    %mul3A_139 = arith.constant 640 : i32
    %mul3A_140 = arith.muli %arg1, %mul3A_139 : i32
    "tpu.region"() ({
      %run_scoped3A = tpu.sem_alloc : memref<!tpu.dma_semaphore, #tpu.memory_space<semaphore_mem>>
      %dma_start3A_141 = arith.constant 0 : i32
      %dma_start3A_142 = arith.constant 0 : i32
      %dma_start3A_143 = tpu.memref_slice %arg7[%arg0, %arg1, %dma_start3A_141, %dma_start3A_142] : memref<2x16x640x32xf32, #tpu.memory_space<hbm>> -> memref<1x1x640x32xf32, #tpu.memory_space<hbm>>
      %dma_start3A_144 = tpu.memref_squeeze %dma_start3A_143 : memref<1x1x640x32xf32, #tpu.memory_space<hbm>> -> memref<640x32xf32, #tpu.memory_space<hbm>>
      %dma_start3A_145 = arith.constant 0 : i32
      %dma_start3A_146 = tpu.memref_slice %arg15[%mul3A_140, %dma_start3A_145] : memref<10240x32xf32, #tpu.memory_space<vmem_shared>> -> memref<640x32xf32, #tpu.memory_space<vmem_shared>>
      tpu.enqueue_dma source(%dma_start3A_146 : memref<640x32xf32, #tpu.memory_space<vmem_shared>>) target(%dma_start3A_144 : memref<640x32xf32, #tpu.memory_space<hbm>>) target_semaphore(%run_scoped3A : memref<!tpu.dma_semaphore, #tpu.memory_space<semaphore_mem>>)
      %dma_wait3A_147 = arith.constant 0 : i32
      %dma_wait3A_148 = arith.constant 0 : i32
      %dma_wait3A_149 = tpu.memref_slice %arg7[%arg0, %arg1, %dma_wait3A_147, %dma_wait3A_148] : memref<2x16x640x32xf32, #tpu.memory_space<hbm>> -> memref<1x1x640x32xf32, #tpu.memory_space<hbm>>
      %dma_wait3A_150 = tpu.memref_squeeze %dma_wait3A_149 : memref<1x1x640x32xf32, #tpu.memory_space<hbm>> -> memref<640x32xf32, #tpu.memory_space<hbm>>
      %dma_wait3A_151 = arith.constant 0 : i32
      %dma_wait3A_152 = tpu.memref_slice %arg15[%mul3A_140, %dma_wait3A_151] : memref<10240x32xf32, #tpu.memory_space<vmem_shared>> -> memref<640x32xf32, #tpu.memory_space<vmem_shared>>
      tpu.wait_dma2 semaphore(%run_scoped3A : memref<!tpu.dma_semaphore, #tpu.memory_space<semaphore_mem>>) src(%dma_wait3A_152 : memref<640x32xf32, #tpu.memory_space<vmem_shared>>) dst(%dma_wait3A_150 : memref<640x32xf32, #tpu.memory_space<hbm>>)
      tpu.yield
    }) : () -> ()
    return
  }
}

#map = affine_map<(d0, d1) -> (0, 0)>
#map1 = affine_map<(d0, d1) -> (0, 0, 0)>
#map2 = affine_map<(d0, d1) -> (0, 0, 0, 0)>
module attributes {stable_mosaic.version = 14 : i64} {
  func.func @_msgpass_body(%arg0: i32, %arg1: i32, %arg2: memref<10000x64xf32, #tpu.memory_space<hbm>>, %arg3: memref<10000x64xf32, #tpu.memory_space<hbm>>, %arg4: memref<2560x125x64xf32, #tpu.memory_space<hbm>>, %arg5: memref<2560x1x125xi32, #tpu.memory_space<hbm>>, %arg6: memref<2560x1x125xi32, #tpu.memory_space<hbm>>, %arg7: memref<2x16x640x32xf32, #tpu.memory_space<hbm>>, %arg8: memref<80x1x125xi32, #tpu.memory_space<vmem>>, %arg9: memref<80x1x125xi32, #tpu.memory_space<vmem>>, %arg10: memref<2x125x64xf32, #tpu.memory_space<vmem>>, %arg11: memref<2x125x64xf32, #tpu.memory_space<vmem>>, %arg12: memref<2x125x64xf32, #tpu.memory_space<vmem>>, %arg13: memref<2x125x32xf32, #tpu.memory_space<vmem>>, %arg14: memref<640x32xf32, #tpu.memory_space<vmem>>, %arg15: memref<10240x32xf32, #tpu.memory_space<vmem_shared>>, %arg16: memref<!tpu.dma_semaphore, #tpu.memory_space<semaphore_mem>>, %arg17: memref<!tpu.dma_semaphore, #tpu.memory_space<semaphore_mem>>, %arg18: memref<!tpu.dma_semaphore, #tpu.memory_space<semaphore_mem>>, %arg19: memref<!tpu.dma_semaphore, #tpu.memory_space<semaphore_mem>>) attributes {dimension_semantics = [#tpu.dimension_semantics<core_parallel>, #tpu.dimension_semantics<subcore_parallel>], iteration_bounds = array<i64: 2, 16>, scalar_prefetch = 0 : i64, scratch_operands = 12 : i64, tpu.core_type = #tpu.core_type<sc_vector_subcore>, window_params = [{transform_indices = #map}, {transform_indices = #map}, {transform_indices = #map1}, {transform_indices = #map1}, {transform_indices = #map1}, {transform_indices = #map2}]} {
    %mul3A = arith.constant 16 : i32
    %mul3A_0 = arith.muli %arg0, %mul3A : i32
    %add3A = arith.addi %mul3A_0, %arg1 : i32
    %mul3A_1 = arith.constant 80 : i32
    %mul3A_2 = arith.muli %add3A, %mul3A_1 : i32
    "tpu.region"() ({
      %run_scoped3A = tpu.sem_alloc : memref<!tpu.dma_semaphore, #tpu.memory_space<semaphore_mem>>
      %dma_start3A_141 = arith.constant 0 : i32
      %dma_start3A_142 = arith.constant 0 : i32
      %dma_start3A_143 = tpu.memref_slice %arg5[%mul3A_2, %dma_start3A_141, %dma_start3A_142] : memref<2560x1x125xi32, #tpu.memory_space<hbm>> -> memref<80x1x125xi32, #tpu.memory_space<hbm>>
      %dma_start3A_144 = arith.constant 0 : i32
      %dma_start3A_145 = arith.constant 0 : i32
      %dma_start3A_146 = tpu.memref_slice %arg5[%mul3A_2, %dma_start3A_144, %dma_start3A_145] : memref<2560x1x125xi32, #tpu.memory_space<hbm>> -> memref<80x1x125xi32, #tpu.memory_space<hbm>>
      tpu.enqueue_dma source(%dma_start3A_146 : memref<80x1x125xi32, #tpu.memory_space<hbm>>) target(%arg8 : memref<80x1x125xi32, #tpu.memory_space<vmem>>) target_semaphore(%run_scoped3A : memref<!tpu.dma_semaphore, #tpu.memory_space<semaphore_mem>>)
      %dma_wait3A_147 = arith.constant 0 : i32
      %dma_wait3A_148 = arith.constant 0 : i32
      %dma_wait3A_149 = tpu.memref_slice %arg5[%mul3A_2, %dma_wait3A_147, %dma_wait3A_148] : memref<2560x1x125xi32, #tpu.memory_space<hbm>> -> memref<80x1x125xi32, #tpu.memory_space<hbm>>
      %dma_wait3A_150 = arith.constant 0 : i32
      %dma_wait3A_151 = arith.constant 0 : i32
      %dma_wait3A_152 = tpu.memref_slice %arg5[%mul3A_2, %dma_wait3A_150, %dma_wait3A_151] : memref<2560x1x125xi32, #tpu.memory_space<hbm>> -> memref<80x1x125xi32, #tpu.memory_space<hbm>>
      tpu.wait_dma2 semaphore(%run_scoped3A : memref<!tpu.dma_semaphore, #tpu.memory_space<semaphore_mem>>) src(%dma_wait3A_152 : memref<80x1x125xi32, #tpu.memory_space<hbm>>) dst(%arg8 : memref<80x1x125xi32, #tpu.memory_space<vmem>>)
      tpu.yield
    }) : () -> ()
    %mul3A_3 = arith.constant 80 : i32
    %mul3A_4 = arith.muli %add3A, %mul3A_3 : i32
    "tpu.region"() ({
      %run_scoped3A = tpu.sem_alloc : memref<!tpu.dma_semaphore, #tpu.memory_space<semaphore_mem>>
      %dma_start3A_141 = arith.constant 0 : i32
      %dma_start3A_142 = arith.constant 0 : i32
      %dma_start3A_143 = tpu.memref_slice %arg6[%mul3A_4, %dma_start3A_141, %dma_start3A_142] : memref<2560x1x125xi32, #tpu.memory_space<hbm>> -> memref<80x1x125xi32, #tpu.memory_space<hbm>>
      %dma_start3A_144 = arith.constant 0 : i32
      %dma_start3A_145 = arith.constant 0 : i32
      %dma_start3A_146 = tpu.memref_slice %arg6[%mul3A_4, %dma_start3A_144, %dma_start3A_145] : memref<2560x1x125xi32, #tpu.memory_space<hbm>> -> memref<80x1x125xi32, #tpu.memory_space<hbm>>
      tpu.enqueue_dma source(%dma_start3A_146 : memref<80x1x125xi32, #tpu.memory_space<hbm>>) target(%arg9 : memref<80x1x125xi32, #tpu.memory_space<vmem>>) target_semaphore(%run_scoped3A : memref<!tpu.dma_semaphore, #tpu.memory_space<semaphore_mem>>)
      %dma_wait3A_147 = arith.constant 0 : i32
      %dma_wait3A_148 = arith.constant 0 : i32
      %dma_wait3A_149 = tpu.memref_slice %arg6[%mul3A_4, %dma_wait3A_147, %dma_wait3A_148] : memref<2560x1x125xi32, #tpu.memory_space<hbm>> -> memref<80x1x125xi32, #tpu.memory_space<hbm>>
      %dma_wait3A_150 = arith.constant 0 : i32
      %dma_wait3A_151 = arith.constant 0 : i32
      %dma_wait3A_152 = tpu.memref_slice %arg6[%mul3A_4, %dma_wait3A_150, %dma_wait3A_151] : memref<2560x1x125xi32, #tpu.memory_space<hbm>> -> memref<80x1x125xi32, #tpu.memory_space<hbm>>
      tpu.wait_dma2 semaphore(%run_scoped3A : memref<!tpu.dma_semaphore, #tpu.memory_space<semaphore_mem>>) src(%dma_wait3A_152 : memref<80x1x125xi32, #tpu.memory_space<hbm>>) dst(%arg9 : memref<80x1x125xi32, #tpu.memory_space<vmem>>)
      tpu.yield
    }) : () -> ()
    %scan3A = arith.constant 0 : i32
    %scan3A_5 = arith.constant 0 : i32
    %scan3A_6 = arith.constant 1280 : i32
    %scan3A_7 = arith.addi %scan3A_5, %scan3A_6 : i32
    %scan3A_8 = arith.constant 1 : i32
    %scan3A_9 = scf.for %scan3A_141 = %scan3A_5 to %scan3A_7 step %scan3A_8 iter_args(%scan3A_142 = %scan3A) -> (i32)  : i32 {
      %jit3A = arith.constant 2 : i32
      %div3A = arith.divsi %scan3A_141, %jit3A : i32
      %sign3A = arith.constant 0 : i32
      %sign3A_143 = arith.cmpi sgt, %scan3A_141, %sign3A : i32
      %sign3A_144 = arith.extui %sign3A_143 : i1 to i32
      %sign3A_145 = arith.constant 0 : i32
      %sign3A_146 = arith.cmpi slt, %scan3A_141, %sign3A_145 : i32
      %sign3A_147 = arith.extui %sign3A_146 : i1 to i32
      %sign3A_148 = arith.subi %sign3A_144, %sign3A_147 : i32
      %sign3A_149 = arith.constant 0 : i32
      %sign3A_150 = arith.cmpi sgt, %jit3A, %sign3A_149 : i32
      %sign3A_151 = arith.extui %sign3A_150 : i1 to i32
      %sign3A_152 = arith.constant 0 : i32
      %sign3A_153 = arith.cmpi slt, %jit3A, %sign3A_152 : i32
      %sign3A_154 = arith.extui %sign3A_153 : i1 to i32
      %sign3A_155 = arith.subi %sign3A_151, %sign3A_154 : i32
      %ne3A = arith.cmpi ne, %sign3A_148, %sign3A_155 : i32
      %rem3A = arith.remsi %scan3A_141, %jit3A : i32
      %ne3A_156 = arith.constant 0 : i32
      %ne3A_157 = arith.cmpi ne, %rem3A, %ne3A_156 : i32
      %and3A = arith.andi %ne3A, %ne3A_157 : i1
      %sub3A = arith.constant 1 : i32
      %sub3A_158 = arith.subi %div3A, %sub3A : i32
      %select_n3A = arith.select %and3A, %sub3A_158, %div3A : i32
      %mul3A_159 = arith.constant 2 : i32
      %mul3A_160 = arith.muli %mul3A_159, %select_n3A : i32
      %sub3A_161 = arith.subi %scan3A_141, %mul3A_160 : i32
      %broadcast_in_dim3A = arith.constant 0.000000e+00 : f32
      %broadcast_in_dim3A_162 = vector.broadcast %broadcast_in_dim3A : f32 to vector<16xf32>
      %mul3A_163 = arith.constant 16 : i32
      %mul3A_164 = arith.muli %sub3A_161, %mul3A_163 : i32
      %swap3A = arith.index_cast %select_n3A : i32 to index
      %swap3A_165 = arith.index_cast %mul3A_164 : i32 to index
      %swap3A_166 = tpu.vector_load %arg14[%swap3A, %swap3A_165] {strides = array<i32>} : memref<640x32xf32, #tpu.memory_space<vmem>>, vector<1x16xf32>,
      %swap3A_167 = vector.shape_cast %swap3A_166 : vector<1x16xf32> to vector<16xf32>
      %swap3A_168 = vector.shape_cast %broadcast_in_dim3A_162 : vector<16xf32> to vector<1x16xf32>
      tpu.vector_store %arg14[%swap3A, %swap3A_165], %swap3A_168 {strides = array<i32>} : memref<640x32xf32, #tpu.memory_space<vmem>>, vector<1x16xf32>,
      %scan3A_169 = arith.constant 0 : i32
      scf.yield %scan3A_169 : i32
    }
    %scan3A_10 = arith.constant 1280 : i32
    %mul3A_11 = arith.constant 640 : i32
    %mul3A_12 = arith.muli %arg1, %mul3A_11 : i32
    "tpu.region"() ({
      %run_scoped3A = tpu.sem_alloc : memref<!tpu.dma_semaphore, #tpu.memory_space<semaphore_mem>>
      %dma_start3A_141 = arith.constant 0 : i32
      %dma_start3A_142 = tpu.memref_slice %arg15[%mul3A_12, %dma_start3A_141] : memref<10240x32xf32, #tpu.memory_space<vmem_shared>> -> memref<640x32xf32, #tpu.memory_space<vmem_shared>>
      %dma_start3A_143 = arith.constant 0 : i32
      %dma_start3A_144 = tpu.memref_slice %arg15[%mul3A_12, %dma_start3A_143] : memref<10240x32xf32, #tpu.memory_space<vmem_shared>> -> memref<640x32xf32, #tpu.memory_space<vmem_shared>>
      tpu.enqueue_dma source(%arg14 : memref<640x32xf32, #tpu.memory_space<vmem>>) target(%dma_start3A_144 : memref<640x32xf32, #tpu.memory_space<vmem_shared>>) target_semaphore(%run_scoped3A : memref<!tpu.dma_semaphore, #tpu.memory_space<semaphore_mem>>)
      %dma_wait3A_145 = arith.constant 0 : i32
      %dma_wait3A_146 = tpu.memref_slice %arg15[%mul3A_12, %dma_wait3A_145] : memref<10240x32xf32, #tpu.memory_space<vmem_shared>> -> memref<640x32xf32, #tpu.memory_space<vmem_shared>>
      %dma_wait3A_147 = arith.constant 0 : i32
      %dma_wait3A_148 = tpu.memref_slice %arg15[%mul3A_12, %dma_wait3A_147] : memref<10240x32xf32, #tpu.memory_space<vmem_shared>> -> memref<640x32xf32, #tpu.memory_space<vmem_shared>>
      tpu.wait_dma2 semaphore(%run_scoped3A : memref<!tpu.dma_semaphore, #tpu.memory_space<semaphore_mem>>) src(%arg14 : memref<640x32xf32, #tpu.memory_space<vmem>>) dst(%dma_wait3A_148 : memref<640x32xf32, #tpu.memory_space<vmem_shared>>)
      tpu.yield
    }) : () -> ()
    %barrier3A = arith.constant 0 : index
    tpu.barrier barrier_id(%barrier3A)
    %mul3A_13 = arith.constant 80 : i32
    %mul3A_14 = arith.muli %add3A, %mul3A_13 : i32
    %add3A_15 = arith.constant 0 : i32
    %add3A_16 = arith.addi %mul3A_14, %add3A_15 : i32
    %dma_start3A = arith.constant 0 : i32
    %dma_start3A_17 = arith.constant 0 : i32
    %dma_start3A_18 = arith.constant 0 : i32
    %dma_start3A_19 = arith.constant 0 : i32
    %dma_start3A_20 = arith.constant 0 : i32
    %dma_start3A_21 = tpu.memref_slice %arg10[%dma_start3A_18, %dma_start3A_19, %dma_start3A_20] : memref<2x125x64xf32, #tpu.memory_space<vmem>> -> memref<1x125x64xf32, #tpu.memory_space<vmem>>
    %dma_start3A_22 = tpu.memref_squeeze %dma_start3A_21 : memref<1x125x64xf32, #tpu.memory_space<vmem>> -> memref<125x64xf32, #tpu.memory_space<vmem>>
    %dma_start3A_23 = arith.constant 0 : i32
    %dma_start3A_24 = tpu.memref_slice %arg8[%dma_start3A, %dma_start3A_17, %dma_start3A_23] : memref<80x1x125xi32, #tpu.memory_space<vmem>> -> memref<1x1x125xi32, #tpu.memory_space<vmem>>
    %dma_start3A_25 = tpu.memref_squeeze %dma_start3A_24 : memref<1x1x125xi32, #tpu.memory_space<vmem>> -> memref<125xi32, #tpu.memory_space<vmem>>
    %dma_start3A_26 = arith.constant 0 : i32
    %dma_start3A_27 = arith.constant 0 : i32
    %dma_start3A_28 = tpu.memref_slice %arg2[%dma_start3A_26, %dma_start3A_27] : memref<10000x64xf32, #tpu.memory_space<hbm>> -> memref<10000x64xf32, #tpu.memory_space<hbm>>
    tpu.enqueue_indirect_dma source(%dma_start3A_28 : memref<10000x64xf32, #tpu.memory_space<hbm>>) target(%dma_start3A_22 : memref<125x64xf32, #tpu.memory_space<vmem>>) offsets(%dma_start3A_25 : memref<125xi32, #tpu.memory_space<vmem>>) semaphore(%arg16 : memref<!tpu.dma_semaphore, #tpu.memory_space<semaphore_mem>>)
    %dma_start3A_29 = arith.constant 0 : i32
    %dma_start3A_30 = arith.constant 0 : i32
    %dma_start3A_31 = arith.constant 0 : i32
    %dma_start3A_32 = arith.constant 0 : i32
    %dma_start3A_33 = arith.constant 0 : i32
    %dma_start3A_34 = tpu.memref_slice %arg11[%dma_start3A_31, %dma_start3A_32, %dma_start3A_33] : memref<2x125x64xf32, #tpu.memory_space<vmem>> -> memref<1x125x64xf32, #tpu.memory_space<vmem>>
    %dma_start3A_35 = tpu.memref_squeeze %dma_start3A_34 : memref<1x125x64xf32, #tpu.memory_space<vmem>> -> memref<125x64xf32, #tpu.memory_space<vmem>>
    %dma_start3A_36 = arith.constant 0 : i32
    %dma_start3A_37 = tpu.memref_slice %arg9[%dma_start3A_29, %dma_start3A_30, %dma_start3A_36] : memref<80x1x125xi32, #tpu.memory_space<vmem>> -> memref<1x1x125xi32, #tpu.memory_space<vmem>>
    %dma_start3A_38 = tpu.memref_squeeze %dma_start3A_37 : memref<1x1x125xi32, #tpu.memory_space<vmem>> -> memref<125xi32, #tpu.memory_space<vmem>>
    %dma_start3A_39 = arith.constant 0 : i32
    %dma_start3A_40 = arith.constant 0 : i32
    %dma_start3A_41 = tpu.memref_slice %arg3[%dma_start3A_39, %dma_start3A_40] : memref<10000x64xf32, #tpu.memory_space<hbm>> -> memref<10000x64xf32, #tpu.memory_space<hbm>>
    tpu.enqueue_indirect_dma source(%dma_start3A_41 : memref<10000x64xf32, #tpu.memory_space<hbm>>) target(%dma_start3A_35 : memref<125x64xf32, #tpu.memory_space<vmem>>) offsets(%dma_start3A_38 : memref<125xi32, #tpu.memory_space<vmem>>) semaphore(%arg16 : memref<!tpu.dma_semaphore, #tpu.memory_space<semaphore_mem>>)
    %dma_start3A_42 = arith.constant 0 : i32
    %dma_start3A_43 = arith.constant 0 : i32
    %dma_start3A_44 = arith.constant 0 : i32
    %dma_start3A_45 = tpu.memref_slice %arg12[%dma_start3A_42, %dma_start3A_43, %dma_start3A_44] : memref<2x125x64xf32, #tpu.memory_space<vmem>> -> memref<1x125x64xf32, #tpu.memory_space<vmem>>
    %dma_start3A_46 = tpu.memref_squeeze %dma_start3A_45 : memref<1x125x64xf32, #tpu.memory_space<vmem>> -> memref<125x64xf32, #tpu.memory_space<vmem>>
    %dma_start3A_47 = arith.constant 0 : i32
    %dma_start3A_48 = arith.constant 0 : i32
    %dma_start3A_49 = tpu.memref_slice %arg4[%add3A_16, %dma_start3A_47, %dma_start3A_48] : memref<2560x125x64xf32, #tpu.memory_space<hbm>> -> memref<1x125x64xf32, #tpu.memory_space<hbm>>
    %dma_start3A_50 = tpu.memref_squeeze %dma_start3A_49 : memref<1x125x64xf32, #tpu.memory_space<hbm>> -> memref<125x64xf32, #tpu.memory_space<hbm>>
    %dma_start3A_51 = arith.constant 0 : i32
    %dma_start3A_52 = arith.constant 0 : i32
    %dma_start3A_53 = tpu.memref_slice %arg12[%dma_start3A_42, %dma_start3A_51, %dma_start3A_52] : memref<2x125x64xf32, #tpu.memory_space<vmem>> -> memref<1x125x64xf32, #tpu.memory_space<vmem>>
    %dma_start3A_54 = tpu.memref_squeeze %dma_start3A_53 : memref<1x125x64xf32, #tpu.memory_space<vmem>> -> memref<125x64xf32, #tpu.memory_space<vmem>>
    %dma_start3A_55 = arith.constant 0 : i32
    %dma_start3A_56 = arith.constant 0 : i32
    %dma_start3A_57 = tpu.memref_slice %arg4[%add3A_16, %dma_start3A_55, %dma_start3A_56] : memref<2560x125x64xf32, #tpu.memory_space<hbm>> -> memref<1x125x64xf32, #tpu.memory_space<hbm>>
    %dma_start3A_58 = tpu.memref_squeeze %dma_start3A_57 : memref<1x125x64xf32, #tpu.memory_space<hbm>> -> memref<125x64xf32, #tpu.memory_space<hbm>>
    tpu.enqueue_dma source(%dma_start3A_58 : memref<125x64xf32, #tpu.memory_space<hbm>>) target(%dma_start3A_54 : memref<125x64xf32, #tpu.memory_space<vmem>>) target_semaphore(%arg16 : memref<!tpu.dma_semaphore, #tpu.memory_space<semaphore_mem>>)
    %mul3A_59 = arith.constant 80 : i32
    %mul3A_60 = arith.muli %add3A, %mul3A_59 : i32
    %add3A_61 = arith.constant 1 : i32
    %add3A_62 = arith.addi %mul3A_60, %add3A_61 : i32
    %dma_start3A_63 = arith.constant 1 : i32
    %dma_start3A_64 = arith.constant 0 : i32
    %dma_start3A_65 = arith.constant 1 : i32
    %dma_start3A_66 = arith.constant 0 : i32
    %dma_start3A_67 = arith.constant 0 : i32
    %dma_start3A_68 = tpu.memref_slice %arg10[%dma_start3A_65, %dma_start3A_66, %dma_start3A_67] : memref<2x125x64xf32, #tpu.memory_space<vmem>> -> memref<1x125x64xf32, #tpu.memory_space<vmem>>
    %dma_start3A_69 = tpu.memref_squeeze %dma_start3A_68 : memref<1x125x64xf32, #tpu.memory_space<vmem>> -> memref<125x64xf32, #tpu.memory_space<vmem>>
    %dma_start3A_70 = arith.constant 0 : i32
    %dma_start3A_71 = tpu.memref_slice %arg8[%dma_start3A_63, %dma_start3A_64, %dma_start3A_70] : memref<80x1x125xi32, #tpu.memory_space<vmem>> -> memref<1x1x125xi32, #tpu.memory_space<vmem>>
    %dma_start3A_72 = tpu.memref_squeeze %dma_start3A_71 : memref<1x1x125xi32, #tpu.memory_space<vmem>> -> memref<125xi32, #tpu.memory_space<vmem>>
    %dma_start3A_73 = arith.constant 0 : i32
    %dma_start3A_74 = arith.constant 0 : i32
    %dma_start3A_75 = tpu.memref_slice %arg2[%dma_start3A_73, %dma_start3A_74] : memref<10000x64xf32, #tpu.memory_space<hbm>> -> memref<10000x64xf32, #tpu.memory_space<hbm>>
    tpu.enqueue_indirect_dma source(%dma_start3A_75 : memref<10000x64xf32, #tpu.memory_space<hbm>>) target(%dma_start3A_69 : memref<125x64xf32, #tpu.memory_space<vmem>>) offsets(%dma_start3A_72 : memref<125xi32, #tpu.memory_space<vmem>>) semaphore(%arg17 : memref<!tpu.dma_semaphore, #tpu.memory_space<semaphore_mem>>)
    %dma_start3A_76 = arith.constant 1 : i32
    %dma_start3A_77 = arith.constant 0 : i32
    %dma_start3A_78 = arith.constant 1 : i32
    %dma_start3A_79 = arith.constant 0 : i32
    %dma_start3A_80 = arith.constant 0 : i32
    %dma_start3A_81 = tpu.memref_slice %arg11[%dma_start3A_78, %dma_start3A_79, %dma_start3A_80] : memref<2x125x64xf32, #tpu.memory_space<vmem>> -> memref<1x125x64xf32, #tpu.memory_space<vmem>>
    %dma_start3A_82 = tpu.memref_squeeze %dma_start3A_81 : memref<1x125x64xf32, #tpu.memory_space<vmem>> -> memref<125x64xf32, #tpu.memory_space<vmem>>
    %dma_start3A_83 = arith.constant 0 : i32
    %dma_start3A_84 = tpu.memref_slice %arg9[%dma_start3A_76, %dma_start3A_77, %dma_start3A_83] : memref<80x1x125xi32, #tpu.memory_space<vmem>> -> memref<1x1x125xi32, #tpu.memory_space<vmem>>
    %dma_start3A_85 = tpu.memref_squeeze %dma_start3A_84 : memref<1x1x125xi32, #tpu.memory_space<vmem>> -> memref<125xi32, #tpu.memory_space<vmem>>
    %dma_start3A_86 = arith.constant 0 : i32
    %dma_start3A_87 = arith.constant 0 : i32
    %dma_start3A_88 = tpu.memref_slice %arg3[%dma_start3A_86, %dma_start3A_87] : memref<10000x64xf32, #tpu.memory_space<hbm>> -> memref<10000x64xf32, #tpu.memory_space<hbm>>
    tpu.enqueue_indirect_dma source(%dma_start3A_88 : memref<10000x64xf32, #tpu.memory_space<hbm>>) target(%dma_start3A_82 : memref<125x64xf32, #tpu.memory_space<vmem>>) offsets(%dma_start3A_85 : memref<125xi32, #tpu.memory_space<vmem>>) semaphore(%arg17 : memref<!tpu.dma_semaphore, #tpu.memory_space<semaphore_mem>>)
    %dma_start3A_89 = arith.constant 1 : i32
    %dma_start3A_90 = arith.constant 0 : i32
    %dma_start3A_91 = arith.constant 0 : i32
    %dma_start3A_92 = tpu.memref_slice %arg12[%dma_start3A_89, %dma_start3A_90, %dma_start3A_91] : memref<2x125x64xf32, #tpu.memory_space<vmem>> -> memref<1x125x64xf32, #tpu.memory_space<vmem>>
    %dma_start3A_93 = tpu.memref_squeeze %dma_start3A_92 : memref<1x125x64xf32, #tpu.memory_space<vmem>> -> memref<125x64xf32, #tpu.memory_space<vmem>>
    %dma_start3A_94 = arith.constant 0 : i32
    %dma_start3A_95 = arith.constant 0 : i32
    %dma_start3A_96 = tpu.memref_slice %arg4[%add3A_62, %dma_start3A_94, %dma_start3A_95] : memref<2560x125x64xf32, #tpu.memory_space<hbm>> -> memref<1x125x64xf32, #tpu.memory_space<hbm>>
    %dma_start3A_97 = tpu.memref_squeeze %dma_start3A_96 : memref<1x125x64xf32, #tpu.memory_space<hbm>> -> memref<125x64xf32, #tpu.memory_space<hbm>>
    %dma_start3A_98 = arith.constant 0 : i32
    %dma_start3A_99 = arith.constant 0 : i32
    %dma_start3A_100 = tpu.memref_slice %arg12[%dma_start3A_89, %dma_start3A_98, %dma_start3A_99] : memref<2x125x64xf32, #tpu.memory_space<vmem>> -> memref<1x125x64xf32, #tpu.memory_space<vmem>>
    %dma_start3A_101 = tpu.memref_squeeze %dma_start3A_100 : memref<1x125x64xf32, #tpu.memory_space<vmem>> -> memref<125x64xf32, #tpu.memory_space<vmem>>
    %dma_start3A_102 = arith.constant 0 : i32
    %dma_start3A_103 = arith.constant 0 : i32
    %dma_start3A_104 = tpu.memref_slice %arg4[%add3A_62, %dma_start3A_102, %dma_start3A_103] : memref<2560x125x64xf32, #tpu.memory_space<hbm>> -> memref<1x125x64xf32, #tpu.memory_space<hbm>>
    %dma_start3A_105 = tpu.memref_squeeze %dma_start3A_104 : memref<1x125x64xf32, #tpu.memory_space<hbm>> -> memref<125x64xf32, #tpu.memory_space<hbm>>
    tpu.enqueue_dma source(%dma_start3A_105 : memref<125x64xf32, #tpu.memory_space<hbm>>) target(%dma_start3A_101 : memref<125x64xf32, #tpu.memory_space<vmem>>) target_semaphore(%arg17 : memref<!tpu.dma_semaphore, #tpu.memory_space<semaphore_mem>>)
    %scan3A_106 = arith.constant 0 : i32
    %scan3A_107 = arith.constant 0 : i32
    %scan3A_108 = arith.constant 40 : i32
    %scan3A_109 = arith.addi %scan3A_107, %scan3A_108 : i32
    %scan3A_110 = arith.constant 1 : i32
    %scan3A_111 = scf.for %scan3A_141 = %scan3A_107 to %scan3A_109 step %scan3A_110 iter_args(%scan3A_142 = %scan3A_106) -> (i32)  : i32 {
      %mul3A_143 = arith.constant 2 : i32
      %mul3A_144 = arith.muli %scan3A_141, %mul3A_143 : i32
      %add3A_145 = arith.constant 0 : i32
      %add3A_146 = arith.addi %mul3A_144, %add3A_145 : i32
      %dma_wait3A_147 = arith.constant 0 : i32
      %dma_wait3A_148 = arith.constant 0 : i32
      %dma_wait3A_149 = arith.constant 0 : i32
      %dma_wait3A_150 = arith.constant 0 : i32
      %dma_wait3A_151 = tpu.memref_slice %arg10[%dma_wait3A_148, %dma_wait3A_149, %dma_wait3A_150] : memref<2x125x64xf32, #tpu.memory_space<vmem>> -> memref<1x125x64xf32, #tpu.memory_space<vmem>>
      %dma_wait3A_152 = tpu.memref_squeeze %dma_wait3A_151 : memref<1x125x64xf32, #tpu.memory_space<vmem>> -> memref<125x64xf32, #tpu.memory_space<vmem>>
      %dma_wait3A_153 = arith.constant 0 : i32
      %dma_wait3A_154 = tpu.memref_slice %arg8[%add3A_146, %dma_wait3A_147, %dma_wait3A_153] : memref<80x1x125xi32, #tpu.memory_space<vmem>> -> memref<1x1x125xi32, #tpu.memory_space<vmem>>
      %dma_wait3A_155 = tpu.memref_squeeze %dma_wait3A_154 : memref<1x1x125xi32, #tpu.memory_space<vmem>> -> memref<125xi32, #tpu.memory_space<vmem>>
      %dma_wait3A_156 = arith.constant 0 : i32
      %dma_wait3A_157 = arith.constant 0 : i32
      %dma_wait3A_158 = tpu.memref_slice %arg2[%dma_wait3A_156, %dma_wait3A_157] : memref<10000x64xf32, #tpu.memory_space<hbm>> -> memref<10000x64xf32, #tpu.memory_space<hbm>>
      tpu.wait_indirect_dma semaphore(%arg16 : memref<!tpu.dma_semaphore, #tpu.memory_space<semaphore_mem>>) src(%dma_wait3A_158 : memref<10000x64xf32, #tpu.memory_space<hbm>>) dst(%dma_wait3A_152 : memref<125x64xf32, #tpu.memory_space<vmem>>)
      %dma_wait3A_159 = arith.constant 0 : i32
      %dma_wait3A_160 = arith.constant 0 : i32
      %dma_wait3A_161 = arith.constant 0 : i32
      %dma_wait3A_162 = arith.constant 0 : i32
      %dma_wait3A_163 = tpu.memref_slice %arg11[%dma_wait3A_160, %dma_wait3A_161, %dma_wait3A_162] : memref<2x125x64xf32, #tpu.memory_space<vmem>> -> memref<1x125x64xf32, #tpu.memory_space<vmem>>
      %dma_wait3A_164 = tpu.memref_squeeze %dma_wait3A_163 : memref<1x125x64xf32, #tpu.memory_space<vmem>> -> memref<125x64xf32, #tpu.memory_space<vmem>>
      %dma_wait3A_165 = arith.constant 0 : i32
      %dma_wait3A_166 = tpu.memref_slice %arg9[%add3A_146, %dma_wait3A_159, %dma_wait3A_165] : memref<80x1x125xi32, #tpu.memory_space<vmem>> -> memref<1x1x125xi32, #tpu.memory_space<vmem>>
      %dma_wait3A_167 = tpu.memref_squeeze %dma_wait3A_166 : memref<1x1x125xi32, #tpu.memory_space<vmem>> -> memref<125xi32, #tpu.memory_space<vmem>>
      %dma_wait3A_168 = arith.constant 0 : i32
      %dma_wait3A_169 = arith.constant 0 : i32
      %dma_wait3A_170 = tpu.memref_slice %arg3[%dma_wait3A_168, %dma_wait3A_169] : memref<10000x64xf32, #tpu.memory_space<hbm>> -> memref<10000x64xf32, #tpu.memory_space<hbm>>
      tpu.wait_indirect_dma semaphore(%arg16 : memref<!tpu.dma_semaphore, #tpu.memory_space<semaphore_mem>>) src(%dma_wait3A_170 : memref<10000x64xf32, #tpu.memory_space<hbm>>) dst(%dma_wait3A_164 : memref<125x64xf32, #tpu.memory_space<vmem>>)
      %mul3A_171 = arith.constant 80 : i32
      %mul3A_172 = arith.muli %add3A, %mul3A_171 : i32
      %add3A_173 = arith.addi %mul3A_172, %add3A_146 : i32
      %dma_wait3A_174 = arith.constant 0 : i32
      %dma_wait3A_175 = arith.constant 0 : i32
      %dma_wait3A_176 = arith.constant 0 : i32
      %dma_wait3A_177 = tpu.memref_slice %arg12[%dma_wait3A_174, %dma_wait3A_175, %dma_wait3A_176] : memref<2x125x64xf32, #tpu.memory_space<vmem>> -> memref<1x125x64xf32, #tpu.memory_space<vmem>>
      %dma_wait3A_178 = tpu.memref_squeeze %dma_wait3A_177 : memref<1x125x64xf32, #tpu.memory_space<vmem>> -> memref<125x64xf32, #tpu.memory_space<vmem>>
      %dma_wait3A_179 = arith.constant 0 : i32
      %dma_wait3A_180 = arith.constant 0 : i32
      %dma_wait3A_181 = tpu.memref_slice %arg4[%add3A_173, %dma_wait3A_179, %dma_wait3A_180] : memref<2560x125x64xf32, #tpu.memory_space<hbm>> -> memref<1x125x64xf32, #tpu.memory_space<hbm>>
      %dma_wait3A_182 = tpu.memref_squeeze %dma_wait3A_181 : memref<1x125x64xf32, #tpu.memory_space<hbm>> -> memref<125x64xf32, #tpu.memory_space<hbm>>
      %dma_wait3A_183 = arith.constant 0 : i32
      %dma_wait3A_184 = arith.constant 0 : i32
      %dma_wait3A_185 = tpu.memref_slice %arg12[%dma_wait3A_174, %dma_wait3A_183, %dma_wait3A_184] : memref<2x125x64xf32, #tpu.memory_space<vmem>> -> memref<1x125x64xf32, #tpu.memory_space<vmem>>
      %dma_wait3A_186 = tpu.memref_squeeze %dma_wait3A_185 : memref<1x125x64xf32, #tpu.memory_space<vmem>> -> memref<125x64xf32, #tpu.memory_space<vmem>>
      %dma_wait3A_187 = arith.constant 0 : i32
      %dma_wait3A_188 = arith.constant 0 : i32
      %dma_wait3A_189 = tpu.memref_slice %arg4[%add3A_173, %dma_wait3A_187, %dma_wait3A_188] : memref<2560x125x64xf32, #tpu.memory_space<hbm>> -> memref<1x125x64xf32, #tpu.memory_space<hbm>>
      %dma_wait3A_190 = tpu.memref_squeeze %dma_wait3A_189 : memref<1x125x64xf32, #tpu.memory_space<hbm>> -> memref<125x64xf32, #tpu.memory_space<hbm>>
      tpu.wait_dma2 semaphore(%arg16 : memref<!tpu.dma_semaphore, #tpu.memory_space<semaphore_mem>>) src(%dma_wait3A_190 : memref<125x64xf32, #tpu.memory_space<hbm>>) dst(%dma_wait3A_186 : memref<125x64xf32, #tpu.memory_space<vmem>>)
      %ge3A = arith.constant 2 : i32
      %ge3A_191 = arith.cmpi sge, %add3A_146, %ge3A : i32
      %convert_element_type3A = arith.extui %ge3A_191 : i1 to i32
      %cond3A = arith.constant 0 : i32
      %cond3A_192 = arith.cmpi ne, %convert_element_type3A, %cond3A : i32
      scf.if %cond3A_192 {
        %dma_wait3A_287 = arith.constant 0 : i32
        %dma_wait3A_288 = arith.constant 0 : i32
        %dma_wait3A_289 = arith.constant 0 : i32
        %dma_wait3A_290 = arith.constant 0 : i32
        %dma_wait3A_291 = tpu.memref_slice %arg13[%dma_wait3A_287, %dma_wait3A_289, %dma_wait3A_290] : memref<2x125x32xf32, #tpu.memory_space<vmem>> -> memref<1x125x32xf32, #tpu.memory_space<vmem>>
        %dma_wait3A_292 = tpu.memref_squeeze %dma_wait3A_291 : memref<1x125x32xf32, #tpu.memory_space<vmem>> -> memref<125x32xf32, #tpu.memory_space<vmem>>
        %dma_wait3A_293 = arith.constant 0 : i32
        %dma_wait3A_294 = tpu.memref_slice %arg8[%add3A_146, %dma_wait3A_288, %dma_wait3A_293] : memref<80x1x125xi32, #tpu.memory_space<vmem>> -> memref<1x1x125xi32, #tpu.memory_space<vmem>>
        %dma_wait3A_295 = tpu.memref_squeeze %dma_wait3A_294 : memref<1x1x125xi32, #tpu.memory_space<vmem>> -> memref<125xi32, #tpu.memory_space<vmem>>
        %dma_wait3A_296 = arith.constant 0 : i32
        %dma_wait3A_297 = arith.constant 0 : i32
        %dma_wait3A_298 = tpu.memref_slice %arg15[%dma_wait3A_296, %dma_wait3A_297] : memref<10240x32xf32, #tpu.memory_space<vmem_shared>> -> memref<10240x32xf32, #tpu.memory_space<vmem_shared>>
        tpu.wait_indirect_dma semaphore(%arg18 : memref<!tpu.dma_semaphore, #tpu.memory_space<semaphore_mem>>) src(%dma_wait3A_292 : memref<125x32xf32, #tpu.memory_space<vmem>>) dst(%dma_wait3A_298 : memref<10240x32xf32, #tpu.memory_space<vmem_shared>>)
      } else {
      }
      %parallel_loop3A = arith.constant 0 : i32
      %parallel_loop3A_193 = arith.constant 125 : i32
      %parallel_loop3A_194 = arith.constant 1 : i32
      scf.for %parallel_loop3A_287 = %parallel_loop3A to %parallel_loop3A_193 step %parallel_loop3A_194  : i32 {
        %parallel_loop3A_288 = arith.constant 0 : i32
        %parallel_loop3A_289 = arith.index_cast %parallel_loop3A_288 : i32 to index
        %parallel_loop3A_290 = arith.index_cast %parallel_loop3A_287 : i32 to index
        %parallel_loop3A_291 = arith.constant 0 : index
        %parallel_loop3A_292 = tpu.vector_load %arg10[%parallel_loop3A_289, %parallel_loop3A_290, %parallel_loop3A_291] {strides = array<i32>} : memref<2x125x64xf32, #tpu.memory_space<vmem>>, vector<1x1x16xf32>,
        %parallel_loop3A_293 = vector.shape_cast %parallel_loop3A_292 : vector<1x1x16xf32> to vector<16xf32>
        %parallel_loop3A_294 = arith.constant 0 : i32
        %parallel_loop3A_295 = arith.index_cast %parallel_loop3A_294 : i32 to index
        %parallel_loop3A_296 = arith.index_cast %parallel_loop3A_287 : i32 to index
        %parallel_loop3A_297 = arith.constant 0 : index
        %parallel_loop3A_298 = tpu.vector_load %arg11[%parallel_loop3A_295, %parallel_loop3A_296, %parallel_loop3A_297] {strides = array<i32>} : memref<2x125x64xf32, #tpu.memory_space<vmem>>, vector<1x1x16xf32>,
        %parallel_loop3A_299 = vector.shape_cast %parallel_loop3A_298 : vector<1x1x16xf32> to vector<16xf32>
        %parallel_loop3A_300 = arith.addf %parallel_loop3A_293, %parallel_loop3A_299 : vector<16xf32>
        %parallel_loop3A_301 = arith.constant 0 : i32
        %parallel_loop3A_302 = arith.index_cast %parallel_loop3A_301 : i32 to index
        %parallel_loop3A_303 = arith.index_cast %parallel_loop3A_287 : i32 to index
        %parallel_loop3A_304 = arith.constant 0 : index
        %parallel_loop3A_305 = tpu.vector_load %arg12[%parallel_loop3A_302, %parallel_loop3A_303, %parallel_loop3A_304] {strides = array<i32>} : memref<2x125x64xf32, #tpu.memory_space<vmem>>, vector<1x1x16xf32>,
        %parallel_loop3A_306 = vector.shape_cast %parallel_loop3A_305 : vector<1x1x16xf32> to vector<16xf32>
        %parallel_loop3A_307 = arith.addf %parallel_loop3A_300, %parallel_loop3A_306 : vector<16xf32>
        %parallel_loop3A_308 = arith.constant 0 : i32
        %parallel_loop3A_309 = arith.index_cast %parallel_loop3A_308 : i32 to index
        %parallel_loop3A_310 = arith.index_cast %parallel_loop3A_287 : i32 to index
        %parallel_loop3A_311 = arith.constant 32 : index
        %parallel_loop3A_312 = tpu.vector_load %arg10[%parallel_loop3A_309, %parallel_loop3A_310, %parallel_loop3A_311] {strides = array<i32>} : memref<2x125x64xf32, #tpu.memory_space<vmem>>, vector<1x1x16xf32>,
        %parallel_loop3A_313 = vector.shape_cast %parallel_loop3A_312 : vector<1x1x16xf32> to vector<16xf32>
        %parallel_loop3A_314 = arith.constant 0 : i32
        %parallel_loop3A_315 = arith.index_cast %parallel_loop3A_314 : i32 to index
        %parallel_loop3A_316 = arith.index_cast %parallel_loop3A_287 : i32 to index
        %parallel_loop3A_317 = arith.constant 32 : index
        %parallel_loop3A_318 = tpu.vector_load %arg11[%parallel_loop3A_315, %parallel_loop3A_316, %parallel_loop3A_317] {strides = array<i32>} : memref<2x125x64xf32, #tpu.memory_space<vmem>>, vector<1x1x16xf32>,
        %parallel_loop3A_319 = vector.shape_cast %parallel_loop3A_318 : vector<1x1x16xf32> to vector<16xf32>
        %parallel_loop3A_320 = arith.addf %parallel_loop3A_313, %parallel_loop3A_319 : vector<16xf32>
        %parallel_loop3A_321 = arith.constant 0 : i32
        %parallel_loop3A_322 = arith.index_cast %parallel_loop3A_321 : i32 to index
        %parallel_loop3A_323 = arith.index_cast %parallel_loop3A_287 : i32 to index
        %parallel_loop3A_324 = arith.constant 32 : index
        %parallel_loop3A_325 = tpu.vector_load %arg12[%parallel_loop3A_322, %parallel_loop3A_323, %parallel_loop3A_324] {strides = array<i32>} : memref<2x125x64xf32, #tpu.memory_space<vmem>>, vector<1x1x16xf32>,
        %parallel_loop3A_326 = vector.shape_cast %parallel_loop3A_325 : vector<1x1x16xf32> to vector<16xf32>
        %parallel_loop3A_327 = arith.addf %parallel_loop3A_320, %parallel_loop3A_326 : vector<16xf32>
        %parallel_loop3A_328 = arith.constant 0.000000e+00 : f32
        %parallel_loop3A_329 = vector.broadcast %parallel_loop3A_328 : f32 to vector<16xf32>
        %parallel_loop3A_330 = arith.subf %parallel_loop3A_329, %parallel_loop3A_307 : vector<16xf32>
        %parallel_loop3A_331 = math.exp %parallel_loop3A_330 : vector<16xf32>
        %parallel_loop3A_332 = arith.constant 1.000000e+00 : f32
        %parallel_loop3A_333 = vector.broadcast %parallel_loop3A_332 : f32 to vector<16xf32>
        %parallel_loop3A_334 = arith.addf %parallel_loop3A_333, %parallel_loop3A_331 : vector<16xf32>
        %parallel_loop3A_335 = arith.constant 1.000000e+00 : f32
        %parallel_loop3A_336 = vector.broadcast %parallel_loop3A_335 : f32 to vector<16xf32>
        %parallel_loop3A_337 = arith.divf %parallel_loop3A_336, %parallel_loop3A_334 : vector<16xf32>
        %parallel_loop3A_338 = math.absf %parallel_loop3A_327 : vector<16xf32>
        %parallel_loop3A_339 = arith.constant 0.000000e+00 : f32
        %parallel_loop3A_340 = vector.broadcast %parallel_loop3A_339 : f32 to vector<16xf32>
        %parallel_loop3A_341 = arith.subf %parallel_loop3A_340, %parallel_loop3A_338 : vector<16xf32>
        %parallel_loop3A_342 = math.exp %parallel_loop3A_341 : vector<16xf32>
        %parallel_loop3A_343 = arith.constant 2.000000e+00 : f32
        %parallel_loop3A_344 = vector.broadcast %parallel_loop3A_343 : f32 to vector<16xf32>
        %parallel_loop3A_345 = arith.addf %parallel_loop3A_344, %parallel_loop3A_342 : vector<16xf32>
        %parallel_loop3A_346 = arith.divf %parallel_loop3A_342, %parallel_loop3A_345 : vector<16xf32>
        %parallel_loop3A_347 = arith.mulf %parallel_loop3A_346, %parallel_loop3A_346 : vector<16xf32>
        %parallel_loop3A_348 = arith.constant 0.000000e+00 : f32
        %parallel_loop3A_349 = vector.broadcast %parallel_loop3A_348 : f32 to vector<16xf32>
        %parallel_loop3A_350 = arith.maximumf %parallel_loop3A_327, %parallel_loop3A_349 : vector<16xf32>
        %parallel_loop3A_351 = arith.constant 2.000000e+00 : f32
        %parallel_loop3A_352 = vector.broadcast %parallel_loop3A_351 : f32 to vector<16xf32>
        %parallel_loop3A_353 = arith.mulf %parallel_loop3A_352, %parallel_loop3A_346 : vector<16xf32>
        %parallel_loop3A_354 = arith.constant 0.142857149 : f32
        %parallel_loop3A_355 = vector.broadcast %parallel_loop3A_354 : f32 to vector<16xf32>
        %parallel_loop3A_356 = arith.mulf %parallel_loop3A_347, %parallel_loop3A_355 : vector<16xf32>
        %parallel_loop3A_357 = arith.constant 2.000000e-01 : f32
        %parallel_loop3A_358 = vector.broadcast %parallel_loop3A_357 : f32 to vector<16xf32>
        %parallel_loop3A_359 = arith.addf %parallel_loop3A_358, %parallel_loop3A_356 : vector<16xf32>
        %parallel_loop3A_360 = arith.mulf %parallel_loop3A_347, %parallel_loop3A_359 : vector<16xf32>
        %parallel_loop3A_361 = arith.constant 0.333333343 : f32
        %parallel_loop3A_362 = vector.broadcast %parallel_loop3A_361 : f32 to vector<16xf32>
        %parallel_loop3A_363 = arith.addf %parallel_loop3A_362, %parallel_loop3A_360 : vector<16xf32>
        %parallel_loop3A_364 = arith.mulf %parallel_loop3A_347, %parallel_loop3A_363 : vector<16xf32>
        %parallel_loop3A_365 = arith.constant 1.000000e+00 : f32
        %parallel_loop3A_366 = vector.broadcast %parallel_loop3A_365 : f32 to vector<16xf32>
        %parallel_loop3A_367 = arith.addf %parallel_loop3A_366, %parallel_loop3A_364 : vector<16xf32>
        %parallel_loop3A_368 = arith.mulf %parallel_loop3A_353, %parallel_loop3A_367 : vector<16xf32>
        %parallel_loop3A_369 = arith.addf %parallel_loop3A_350, %parallel_loop3A_368 : vector<16xf32>
        %parallel_loop3A_370 = arith.mulf %parallel_loop3A_337, %parallel_loop3A_369 : vector<16xf32>
        %parallel_loop3A_371 = arith.constant 0 : i32
        %parallel_loop3A_372 = arith.index_cast %parallel_loop3A_371 : i32 to index
        %parallel_loop3A_373 = arith.index_cast %parallel_loop3A_287 : i32 to index
        %parallel_loop3A_374 = arith.constant 0 : index
        %parallel_loop3A_375 = tpu.vector_load %arg13[%parallel_loop3A_372, %parallel_loop3A_373, %parallel_loop3A_374] {strides = array<i32>} : memref<2x125x32xf32, #tpu.memory_space<vmem>>, vector<1x1x16xf32>,
        %parallel_loop3A_376 = vector.shape_cast %parallel_loop3A_375 : vector<1x1x16xf32> to vector<16xf32>
        %parallel_loop3A_377 = vector.shape_cast %parallel_loop3A_370 : vector<16xf32> to vector<1x1x16xf32>
        tpu.vector_store %arg13[%parallel_loop3A_372, %parallel_loop3A_373, %parallel_loop3A_374], %parallel_loop3A_377 {strides = array<i32>} : memref<2x125x32xf32, #tpu.memory_space<vmem>>, vector<1x1x16xf32>,
        %parallel_loop3A_378 = arith.constant 0 : i32
        %parallel_loop3A_379 = arith.index_cast %parallel_loop3A_378 : i32 to index
        %parallel_loop3A_380 = arith.index_cast %parallel_loop3A_287 : i32 to index
        %parallel_loop3A_381 = arith.constant 16 : index
        %parallel_loop3A_382 = tpu.vector_load %arg10[%parallel_loop3A_379, %parallel_loop3A_380, %parallel_loop3A_381] {strides = array<i32>} : memref<2x125x64xf32, #tpu.memory_space<vmem>>, vector<1x1x16xf32>,
        %parallel_loop3A_383 = vector.shape_cast %parallel_loop3A_382 : vector<1x1x16xf32> to vector<16xf32>
        %parallel_loop3A_384 = arith.constant 0 : i32
        %parallel_loop3A_385 = arith.index_cast %parallel_loop3A_384 : i32 to index
        %parallel_loop3A_386 = arith.index_cast %parallel_loop3A_287 : i32 to index
        %parallel_loop3A_387 = arith.constant 16 : index
        %parallel_loop3A_388 = tpu.vector_load %arg11[%parallel_loop3A_385, %parallel_loop3A_386, %parallel_loop3A_387] {strides = array<i32>} : memref<2x125x64xf32, #tpu.memory_space<vmem>>, vector<1x1x16xf32>,
        %parallel_loop3A_389 = vector.shape_cast %parallel_loop3A_388 : vector<1x1x16xf32> to vector<16xf32>
        %parallel_loop3A_390 = arith.addf %parallel_loop3A_383, %parallel_loop3A_389 : vector<16xf32>
        %parallel_loop3A_391 = arith.constant 0 : i32
        %parallel_loop3A_392 = arith.index_cast %parallel_loop3A_391 : i32 to index
        %parallel_loop3A_393 = arith.index_cast %parallel_loop3A_287 : i32 to index
        %parallel_loop3A_394 = arith.constant 16 : index
        %parallel_loop3A_395 = tpu.vector_load %arg12[%parallel_loop3A_392, %parallel_loop3A_393, %parallel_loop3A_394] {strides = array<i32>} : memref<2x125x64xf32, #tpu.memory_space<vmem>>, vector<1x1x16xf32>,
        %parallel_loop3A_396 = vector.shape_cast %parallel_loop3A_395 : vector<1x1x16xf32> to vector<16xf32>
        %parallel_loop3A_397 = arith.addf %parallel_loop3A_390, %parallel_loop3A_396 : vector<16xf32>
        %parallel_loop3A_398 = arith.constant 0 : i32
        %parallel_loop3A_399 = arith.index_cast %parallel_loop3A_398 : i32 to index
        %parallel_loop3A_400 = arith.index_cast %parallel_loop3A_287 : i32 to index
        %parallel_loop3A_401 = arith.constant 48 : index
        %parallel_loop3A_402 = tpu.vector_load %arg10[%parallel_loop3A_399, %parallel_loop3A_400, %parallel_loop3A_401] {strides = array<i32>} : memref<2x125x64xf32, #tpu.memory_space<vmem>>, vector<1x1x16xf32>,
        %parallel_loop3A_403 = vector.shape_cast %parallel_loop3A_402 : vector<1x1x16xf32> to vector<16xf32>
        %parallel_loop3A_404 = arith.constant 0 : i32
        %parallel_loop3A_405 = arith.index_cast %parallel_loop3A_404 : i32 to index
        %parallel_loop3A_406 = arith.index_cast %parallel_loop3A_287 : i32 to index
        %parallel_loop3A_407 = arith.constant 48 : index
        %parallel_loop3A_408 = tpu.vector_load %arg11[%parallel_loop3A_405, %parallel_loop3A_406, %parallel_loop3A_407] {strides = array<i32>} : memref<2x125x64xf32, #tpu.memory_space<vmem>>, vector<1x1x16xf32>,
        %parallel_loop3A_409 = vector.shape_cast %parallel_loop3A_408 : vector<1x1x16xf32> to vector<16xf32>
        %parallel_loop3A_410 = arith.addf %parallel_loop3A_403, %parallel_loop3A_409 : vector<16xf32>
        %parallel_loop3A_411 = arith.constant 0 : i32
        %parallel_loop3A_412 = arith.index_cast %parallel_loop3A_411 : i32 to index
        %parallel_loop3A_413 = arith.index_cast %parallel_loop3A_287 : i32 to index
        %parallel_loop3A_414 = arith.constant 48 : index
        %parallel_loop3A_415 = tpu.vector_load %arg12[%parallel_loop3A_412, %parallel_loop3A_413, %parallel_loop3A_414] {strides = array<i32>} : memref<2x125x64xf32, #tpu.memory_space<vmem>>, vector<1x1x16xf32>,
        %parallel_loop3A_416 = vector.shape_cast %parallel_loop3A_415 : vector<1x1x16xf32> to vector<16xf32>
        %parallel_loop3A_417 = arith.addf %parallel_loop3A_410, %parallel_loop3A_416 : vector<16xf32>
        %parallel_loop3A_418 = arith.constant 0.000000e+00 : f32
        %parallel_loop3A_419 = vector.broadcast %parallel_loop3A_418 : f32 to vector<16xf32>
        %parallel_loop3A_420 = arith.subf %parallel_loop3A_419, %parallel_loop3A_397 : vector<16xf32>
        %parallel_loop3A_421 = math.exp %parallel_loop3A_420 : vector<16xf32>
        %parallel_loop3A_422 = arith.constant 1.000000e+00 : f32
        %parallel_loop3A_423 = vector.broadcast %parallel_loop3A_422 : f32 to vector<16xf32>
        %parallel_loop3A_424 = arith.addf %parallel_loop3A_423, %parallel_loop3A_421 : vector<16xf32>
        %parallel_loop3A_425 = arith.constant 1.000000e+00 : f32
        %parallel_loop3A_426 = vector.broadcast %parallel_loop3A_425 : f32 to vector<16xf32>
        %parallel_loop3A_427 = arith.divf %parallel_loop3A_426, %parallel_loop3A_424 : vector<16xf32>
        %parallel_loop3A_428 = math.absf %parallel_loop3A_417 : vector<16xf32>
        %parallel_loop3A_429 = arith.constant 0.000000e+00 : f32
        %parallel_loop3A_430 = vector.broadcast %parallel_loop3A_429 : f32 to vector<16xf32>
        %parallel_loop3A_431 = arith.subf %parallel_loop3A_430, %parallel_loop3A_428 : vector<16xf32>
        %parallel_loop3A_432 = math.exp %parallel_loop3A_431 : vector<16xf32>
        %parallel_loop3A_433 = arith.constant 2.000000e+00 : f32
        %parallel_loop3A_434 = vector.broadcast %parallel_loop3A_433 : f32 to vector<16xf32>
        %parallel_loop3A_435 = arith.addf %parallel_loop3A_434, %parallel_loop3A_432 : vector<16xf32>
        %parallel_loop3A_436 = arith.divf %parallel_loop3A_432, %parallel_loop3A_435 : vector<16xf32>
        %parallel_loop3A_437 = arith.mulf %parallel_loop3A_436, %parallel_loop3A_436 : vector<16xf32>
        %parallel_loop3A_438 = arith.constant 0.000000e+00 : f32
        %parallel_loop3A_439 = vector.broadcast %parallel_loop3A_438 : f32 to vector<16xf32>
        %parallel_loop3A_440 = arith.maximumf %parallel_loop3A_417, %parallel_loop3A_439 : vector<16xf32>
        %parallel_loop3A_441 = arith.constant 2.000000e+00 : f32
        %parallel_loop3A_442 = vector.broadcast %parallel_loop3A_441 : f32 to vector<16xf32>
        %parallel_loop3A_443 = arith.mulf %parallel_loop3A_442, %parallel_loop3A_436 : vector<16xf32>
        %parallel_loop3A_444 = arith.constant 0.142857149 : f32
        %parallel_loop3A_445 = vector.broadcast %parallel_loop3A_444 : f32 to vector<16xf32>
        %parallel_loop3A_446 = arith.mulf %parallel_loop3A_437, %parallel_loop3A_445 : vector<16xf32>
        %parallel_loop3A_447 = arith.constant 2.000000e-01 : f32
        %parallel_loop3A_448 = vector.broadcast %parallel_loop3A_447 : f32 to vector<16xf32>
        %parallel_loop3A_449 = arith.addf %parallel_loop3A_448, %parallel_loop3A_446 : vector<16xf32>
        %parallel_loop3A_450 = arith.mulf %parallel_loop3A_437, %parallel_loop3A_449 : vector<16xf32>
        %parallel_loop3A_451 = arith.constant 0.333333343 : f32
        %parallel_loop3A_452 = vector.broadcast %parallel_loop3A_451 : f32 to vector<16xf32>
        %parallel_loop3A_453 = arith.addf %parallel_loop3A_452, %parallel_loop3A_450 : vector<16xf32>
        %parallel_loop3A_454 = arith.mulf %parallel_loop3A_437, %parallel_loop3A_453 : vector<16xf32>
        %parallel_loop3A_455 = arith.constant 1.000000e+00 : f32
        %parallel_loop3A_456 = vector.broadcast %parallel_loop3A_455 : f32 to vector<16xf32>
        %parallel_loop3A_457 = arith.addf %parallel_loop3A_456, %parallel_loop3A_454 : vector<16xf32>
        %parallel_loop3A_458 = arith.mulf %parallel_loop3A_443, %parallel_loop3A_457 : vector<16xf32>
        %parallel_loop3A_459 = arith.addf %parallel_loop3A_440, %parallel_loop3A_458 : vector<16xf32>
        %parallel_loop3A_460 = arith.mulf %parallel_loop3A_427, %parallel_loop3A_459 : vector<16xf32>
        %parallel_loop3A_461 = arith.constant 0 : i32
        %parallel_loop3A_462 = arith.index_cast %parallel_loop3A_461 : i32 to index
        %parallel_loop3A_463 = arith.index_cast %parallel_loop3A_287 : i32 to index
        %parallel_loop3A_464 = arith.constant 16 : index
        %parallel_loop3A_465 = tpu.vector_load %arg13[%parallel_loop3A_462, %parallel_loop3A_463, %parallel_loop3A_464] {strides = array<i32>} : memref<2x125x32xf32, #tpu.memory_space<vmem>>, vector<1x1x16xf32>,
        %parallel_loop3A_466 = vector.shape_cast %parallel_loop3A_465 : vector<1x1x16xf32> to vector<16xf32>
        %parallel_loop3A_467 = vector.shape_cast %parallel_loop3A_460 : vector<16xf32> to vector<1x1x16xf32>
        tpu.vector_store %arg13[%parallel_loop3A_462, %parallel_loop3A_463, %parallel_loop3A_464], %parallel_loop3A_467 {strides = array<i32>} : memref<2x125x32xf32, #tpu.memory_space<vmem>>, vector<1x1x16xf32>,
      } {sc.loop_unroll_factor = 5 : i64, sc.parallel_access}
      %dma_start3A_195 = arith.constant 0 : i32
      %dma_start3A_196 = arith.constant 0 : i32
      %dma_start3A_197 = arith.constant 0 : i32
      %dma_start3A_198 = arith.constant 0 : i32
      %dma_start3A_199 = tpu.memref_slice %arg13[%dma_start3A_195, %dma_start3A_197, %dma_start3A_198] : memref<2x125x32xf32, #tpu.memory_space<vmem>> -> memref<1x125x32xf32, #tpu.memory_space<vmem>>
      %dma_start3A_200 = tpu.memref_squeeze %dma_start3A_199 : memref<1x125x32xf32, #tpu.memory_space<vmem>> -> memref<125x32xf32, #tpu.memory_space<vmem>>
      %dma_start3A_201 = arith.constant 0 : i32
      %dma_start3A_202 = tpu.memref_slice %arg8[%add3A_146, %dma_start3A_196, %dma_start3A_201] : memref<80x1x125xi32, #tpu.memory_space<vmem>> -> memref<1x1x125xi32, #tpu.memory_space<vmem>>
      %dma_start3A_203 = tpu.memref_squeeze %dma_start3A_202 : memref<1x1x125xi32, #tpu.memory_space<vmem>> -> memref<125xi32, #tpu.memory_space<vmem>>
      %dma_start3A_204 = arith.constant 0 : i32
      %dma_start3A_205 = arith.constant 0 : i32
      %dma_start3A_206 = tpu.memref_slice %arg15[%dma_start3A_204, %dma_start3A_205] : memref<10240x32xf32, #tpu.memory_space<vmem_shared>> -> memref<10240x32xf32, #tpu.memory_space<vmem_shared>>
      tpu.enqueue_indirect_dma source(%dma_start3A_200 : memref<125x32xf32, #tpu.memory_space<vmem>>) target(%dma_start3A_206 : memref<10240x32xf32, #tpu.memory_space<vmem_shared>>) offsets(%dma_start3A_203 : memref<125xi32, #tpu.memory_space<vmem>>) semaphore(%arg18 : memref<!tpu.dma_semaphore, #tpu.memory_space<semaphore_mem>>) {add = true}
      %add3A_207 = arith.constant 2 : i32
      %add3A_208 = arith.addi %add3A_146, %add3A_207 : i32
      %lt3A = arith.constant 80 : i32
      %lt3A_209 = arith.cmpi slt, %add3A_208, %lt3A : i32
      %convert_element_type3A_210 = arith.extui %lt3A_209 : i1 to i32
      %cond3A_211 = arith.constant 0 : i32
      %cond3A_212 = arith.cmpi ne, %convert_element_type3A_210, %cond3A_211 : i32
      scf.if %cond3A_212 {
        %add3A_287 = arith.constant 2 : i32
        %add3A_288 = arith.addi %add3A_146, %add3A_287 : i32
        %mul3A_289 = arith.constant 80 : i32
        %mul3A_290 = arith.muli %add3A, %mul3A_289 : i32
        %add3A_291 = arith.addi %mul3A_290, %add3A_288 : i32
        %dma_start3A_292 = arith.constant 0 : i32
        %dma_start3A_293 = arith.constant 0 : i32
        %dma_start3A_294 = arith.constant 0 : i32
        %dma_start3A_295 = arith.constant 0 : i32
        %dma_start3A_296 = tpu.memref_slice %arg10[%dma_start3A_293, %dma_start3A_294, %dma_start3A_295] : memref<2x125x64xf32, #tpu.memory_space<vmem>> -> memref<1x125x64xf32, #tpu.memory_space<vmem>>
        %dma_start3A_297 = tpu.memref_squeeze %dma_start3A_296 : memref<1x125x64xf32, #tpu.memory_space<vmem>> -> memref<125x64xf32, #tpu.memory_space<vmem>>
        %dma_start3A_298 = arith.constant 0 : i32
        %dma_start3A_299 = tpu.memref_slice %arg8[%add3A_288, %dma_start3A_292, %dma_start3A_298] : memref<80x1x125xi32, #tpu.memory_space<vmem>> -> memref<1x1x125xi32, #tpu.memory_space<vmem>>
        %dma_start3A_300 = tpu.memref_squeeze %dma_start3A_299 : memref<1x1x125xi32, #tpu.memory_space<vmem>> -> memref<125xi32, #tpu.memory_space<vmem>>
        %dma_start3A_301 = arith.constant 0 : i32
        %dma_start3A_302 = arith.constant 0 : i32
        %dma_start3A_303 = tpu.memref_slice %arg2[%dma_start3A_301, %dma_start3A_302] : memref<10000x64xf32, #tpu.memory_space<hbm>> -> memref<10000x64xf32, #tpu.memory_space<hbm>>
        tpu.enqueue_indirect_dma source(%dma_start3A_303 : memref<10000x64xf32, #tpu.memory_space<hbm>>) target(%dma_start3A_297 : memref<125x64xf32, #tpu.memory_space<vmem>>) offsets(%dma_start3A_300 : memref<125xi32, #tpu.memory_space<vmem>>) semaphore(%arg16 : memref<!tpu.dma_semaphore, #tpu.memory_space<semaphore_mem>>)
        %dma_start3A_304 = arith.constant 0 : i32
        %dma_start3A_305 = arith.constant 0 : i32
        %dma_start3A_306 = arith.constant 0 : i32
        %dma_start3A_307 = arith.constant 0 : i32
        %dma_start3A_308 = tpu.memref_slice %arg11[%dma_start3A_305, %dma_start3A_306, %dma_start3A_307] : memref<2x125x64xf32, #tpu.memory_space<vmem>> -> memref<1x125x64xf32, #tpu.memory_space<vmem>>
        %dma_start3A_309 = tpu.memref_squeeze %dma_start3A_308 : memref<1x125x64xf32, #tpu.memory_space<vmem>> -> memref<125x64xf32, #tpu.memory_space<vmem>>
        %dma_start3A_310 = arith.constant 0 : i32
        %dma_start3A_311 = tpu.memref_slice %arg9[%add3A_288, %dma_start3A_304, %dma_start3A_310] : memref<80x1x125xi32, #tpu.memory_space<vmem>> -> memref<1x1x125xi32, #tpu.memory_space<vmem>>
        %dma_start3A_312 = tpu.memref_squeeze %dma_start3A_311 : memref<1x1x125xi32, #tpu.memory_space<vmem>> -> memref<125xi32, #tpu.memory_space<vmem>>
        %dma_start3A_313 = arith.constant 0 : i32
        %dma_start3A_314 = arith.constant 0 : i32
        %dma_start3A_315 = tpu.memref_slice %arg3[%dma_start3A_313, %dma_start3A_314] : memref<10000x64xf32, #tpu.memory_space<hbm>> -> memref<10000x64xf32, #tpu.memory_space<hbm>>
        tpu.enqueue_indirect_dma source(%dma_start3A_315 : memref<10000x64xf32, #tpu.memory_space<hbm>>) target(%dma_start3A_309 : memref<125x64xf32, #tpu.memory_space<vmem>>) offsets(%dma_start3A_312 : memref<125xi32, #tpu.memory_space<vmem>>) semaphore(%arg16 : memref<!tpu.dma_semaphore, #tpu.memory_space<semaphore_mem>>)
        %dma_start3A_316 = arith.constant 0 : i32
        %dma_start3A_317 = arith.constant 0 : i32
        %dma_start3A_318 = arith.constant 0 : i32
        %dma_start3A_319 = tpu.memref_slice %arg12[%dma_start3A_316, %dma_start3A_317, %dma_start3A_318] : memref<2x125x64xf32, #tpu.memory_space<vmem>> -> memref<1x125x64xf32, #tpu.memory_space<vmem>>
        %dma_start3A_320 = tpu.memref_squeeze %dma_start3A_319 : memref<1x125x64xf32, #tpu.memory_space<vmem>> -> memref<125x64xf32, #tpu.memory_space<vmem>>
        %dma_start3A_321 = arith.constant 0 : i32
        %dma_start3A_322 = arith.constant 0 : i32
        %dma_start3A_323 = tpu.memref_slice %arg4[%add3A_291, %dma_start3A_321, %dma_start3A_322] : memref<2560x125x64xf32, #tpu.memory_space<hbm>> -> memref<1x125x64xf32, #tpu.memory_space<hbm>>
        %dma_start3A_324 = tpu.memref_squeeze %dma_start3A_323 : memref<1x125x64xf32, #tpu.memory_space<hbm>> -> memref<125x64xf32, #tpu.memory_space<hbm>>
        %dma_start3A_325 = arith.constant 0 : i32
        %dma_start3A_326 = arith.constant 0 : i32
        %dma_start3A_327 = tpu.memref_slice %arg12[%dma_start3A_316, %dma_start3A_325, %dma_start3A_326] : memref<2x125x64xf32, #tpu.memory_space<vmem>> -> memref<1x125x64xf32, #tpu.memory_space<vmem>>
        %dma_start3A_328 = tpu.memref_squeeze %dma_start3A_327 : memref<1x125x64xf32, #tpu.memory_space<vmem>> -> memref<125x64xf32, #tpu.memory_space<vmem>>
        %dma_start3A_329 = arith.constant 0 : i32
        %dma_start3A_330 = arith.constant 0 : i32
        %dma_start3A_331 = tpu.memref_slice %arg4[%add3A_291, %dma_start3A_329, %dma_start3A_330] : memref<2560x125x64xf32, #tpu.memory_space<hbm>> -> memref<1x125x64xf32, #tpu.memory_space<hbm>>
        %dma_start3A_332 = tpu.memref_squeeze %dma_start3A_331 : memref<1x125x64xf32, #tpu.memory_space<hbm>> -> memref<125x64xf32, #tpu.memory_space<hbm>>
        tpu.enqueue_dma source(%dma_start3A_332 : memref<125x64xf32, #tpu.memory_space<hbm>>) target(%dma_start3A_328 : memref<125x64xf32, #tpu.memory_space<vmem>>) target_semaphore(%arg16 : memref<!tpu.dma_semaphore, #tpu.memory_space<semaphore_mem>>)
      } else {
      }
      %add3A_213 = arith.constant 1 : i32
      %add3A_214 = arith.addi %mul3A_144, %add3A_213 : i32
      %dma_wait3A_215 = arith.constant 0 : i32
      %dma_wait3A_216 = arith.constant 1 : i32
      %dma_wait3A_217 = arith.constant 0 : i32
      %dma_wait3A_218 = arith.constant 0 : i32
      %dma_wait3A_219 = tpu.memref_slice %arg10[%dma_wait3A_216, %dma_wait3A_217, %dma_wait3A_218] : memref<2x125x64xf32, #tpu.memory_space<vmem>> -> memref<1x125x64xf32, #tpu.memory_space<vmem>>
      %dma_wait3A_220 = tpu.memref_squeeze %dma_wait3A_219 : memref<1x125x64xf32, #tpu.memory_space<vmem>> -> memref<125x64xf32, #tpu.memory_space<vmem>>
      %dma_wait3A_221 = arith.constant 0 : i32
      %dma_wait3A_222 = tpu.memref_slice %arg8[%add3A_214, %dma_wait3A_215, %dma_wait3A_221] : memref<80x1x125xi32, #tpu.memory_space<vmem>> -> memref<1x1x125xi32, #tpu.memory_space<vmem>>
      %dma_wait3A_223 = tpu.memref_squeeze %dma_wait3A_222 : memref<1x1x125xi32, #tpu.memory_space<vmem>> -> memref<125xi32, #tpu.memory_space<vmem>>
      %dma_wait3A_224 = arith.constant 0 : i32
      %dma_wait3A_225 = arith.constant 0 : i32
      %dma_wait3A_226 = tpu.memref_slice %arg2[%dma_wait3A_224, %dma_wait3A_225] : memref<10000x64xf32, #tpu.memory_space<hbm>> -> memref<10000x64xf32, #tpu.memory_space<hbm>>
      tpu.wait_indirect_dma semaphore(%arg17 : memref<!tpu.dma_semaphore, #tpu.memory_space<semaphore_mem>>) src(%dma_wait3A_226 : memref<10000x64xf32, #tpu.memory_space<hbm>>) dst(%dma_wait3A_220 : memref<125x64xf32, #tpu.memory_space<vmem>>)
      %dma_wait3A_227 = arith.constant 0 : i32
      %dma_wait3A_228 = arith.constant 1 : i32
      %dma_wait3A_229 = arith.constant 0 : i32
      %dma_wait3A_230 = arith.constant 0 : i32
      %dma_wait3A_231 = tpu.memref_slice %arg11[%dma_wait3A_228, %dma_wait3A_229, %dma_wait3A_230] : memref<2x125x64xf32, #tpu.memory_space<vmem>> -> memref<1x125x64xf32, #tpu.memory_space<vmem>>
      %dma_wait3A_232 = tpu.memref_squeeze %dma_wait3A_231 : memref<1x125x64xf32, #tpu.memory_space<vmem>> -> memref<125x64xf32, #tpu.memory_space<vmem>>
      %dma_wait3A_233 = arith.constant 0 : i32
      %dma_wait3A_234 = tpu.memref_slice %arg9[%add3A_214, %dma_wait3A_227, %dma_wait3A_233] : memref<80x1x125xi32, #tpu.memory_space<vmem>> -> memref<1x1x125xi32, #tpu.memory_space<vmem>>
      %dma_wait3A_235 = tpu.memref_squeeze %dma_wait3A_234 : memref<1x1x125xi32, #tpu.memory_space<vmem>> -> memref<125xi32, #tpu.memory_space<vmem>>
      %dma_wait3A_236 = arith.constant 0 : i32
      %dma_wait3A_237 = arith.constant 0 : i32
      %dma_wait3A_238 = tpu.memref_slice %arg3[%dma_wait3A_236, %dma_wait3A_237] : memref<10000x64xf32, #tpu.memory_space<hbm>> -> memref<10000x64xf32, #tpu.memory_space<hbm>>
      tpu.wait_indirect_dma semaphore(%arg17 : memref<!tpu.dma_semaphore, #tpu.memory_space<semaphore_mem>>) src(%dma_wait3A_238 : memref<10000x64xf32, #tpu.memory_space<hbm>>) dst(%dma_wait3A_232 : memref<125x64xf32, #tpu.memory_space<vmem>>)
      %mul3A_239 = arith.constant 80 : i32
      %mul3A_240 = arith.muli %add3A, %mul3A_239 : i32
      %add3A_241 = arith.addi %mul3A_240, %add3A_214 : i32
      %dma_wait3A_242 = arith.constant 1 : i32
      %dma_wait3A_243 = arith.constant 0 : i32
      %dma_wait3A_244 = arith.constant 0 : i32
      %dma_wait3A_245 = tpu.memref_slice %arg12[%dma_wait3A_242, %dma_wait3A_243, %dma_wait3A_244] : memref<2x125x64xf32, #tpu.memory_space<vmem>> -> memref<1x125x64xf32, #tpu.memory_space<vmem>>
      %dma_wait3A_246 = tpu.memref_squeeze %dma_wait3A_245 : memref<1x125x64xf32, #tpu.memory_space<vmem>> -> memref<125x64xf32, #tpu.memory_space<vmem>>
      %dma_wait3A_247 = arith.constant 0 : i32
      %dma_wait3A_248 = arith.constant 0 : i32
      %dma_wait3A_249 = tpu.memref_slice %arg4[%add3A_241, %dma_wait3A_247, %dma_wait3A_248] : memref<2560x125x64xf32, #tpu.memory_space<hbm>> -> memref<1x125x64xf32, #tpu.memory_space<hbm>>
      %dma_wait3A_250 = tpu.memref_squeeze %dma_wait3A_249 : memref<1x125x64xf32, #tpu.memory_space<hbm>> -> memref<125x64xf32, #tpu.memory_space<hbm>>
      %dma_wait3A_251 = arith.constant 0 : i32
      %dma_wait3A_252 = arith.constant 0 : i32
      %dma_wait3A_253 = tpu.memref_slice %arg12[%dma_wait3A_242, %dma_wait3A_251, %dma_wait3A_252] : memref<2x125x64xf32, #tpu.memory_space<vmem>> -> memref<1x125x64xf32, #tpu.memory_space<vmem>>
      %dma_wait3A_254 = tpu.memref_squeeze %dma_wait3A_253 : memref<1x125x64xf32, #tpu.memory_space<vmem>> -> memref<125x64xf32, #tpu.memory_space<vmem>>
      %dma_wait3A_255 = arith.constant 0 : i32
      %dma_wait3A_256 = arith.constant 0 : i32
      %dma_wait3A_257 = tpu.memref_slice %arg4[%add3A_241, %dma_wait3A_255, %dma_wait3A_256] : memref<2560x125x64xf32, #tpu.memory_space<hbm>> -> memref<1x125x64xf32, #tpu.memory_space<hbm>>
      %dma_wait3A_258 = tpu.memref_squeeze %dma_wait3A_257 : memref<1x125x64xf32, #tpu.memory_space<hbm>> -> memref<125x64xf32, #tpu.memory_space<hbm>>
      tpu.wait_dma2 semaphore(%arg17 : memref<!tpu.dma_semaphore, #tpu.memory_space<semaphore_mem>>) src(%dma_wait3A_258 : memref<125x64xf32, #tpu.memory_space<hbm>>) dst(%dma_wait3A_254 : memref<125x64xf32, #tpu.memory_space<vmem>>)
      %ge3A_259 = arith.constant 2 : i32
      %ge3A_260 = arith.cmpi sge, %add3A_214, %ge3A_259 : i32
      %convert_element_type3A_261 = arith.extui %ge3A_260 : i1 to i32
      %cond3A_262 = arith.constant 0 : i32
      %cond3A_263 = arith.cmpi ne, %convert_element_type3A_261, %cond3A_262 : i32
      scf.if %cond3A_263 {
        %dma_wait3A_287 = arith.constant 1 : i32
        %dma_wait3A_288 = arith.constant 0 : i32
        %dma_wait3A_289 = arith.constant 0 : i32
        %dma_wait3A_290 = arith.constant 0 : i32
        %dma_wait3A_291 = tpu.memref_slice %arg13[%dma_wait3A_287, %dma_wait3A_289, %dma_wait3A_290] : memref<2x125x32xf32, #tpu.memory_space<vmem>> -> memref<1x125x32xf32, #tpu.memory_space<vmem>>
        %dma_wait3A_292 = tpu.memref_squeeze %dma_wait3A_291 : memref<1x125x32xf32, #tpu.memory_space<vmem>> -> memref<125x32xf32, #tpu.memory_space<vmem>>
        %dma_wait3A_293 = arith.constant 0 : i32
        %dma_wait3A_294 = tpu.memref_slice %arg8[%add3A_214, %dma_wait3A_288, %dma_wait3A_293] : memref<80x1x125xi32, #tpu.memory_space<vmem>> -> memref<1x1x125xi32, #tpu.memory_space<vmem>>
        %dma_wait3A_295 = tpu.memref_squeeze %dma_wait3A_294 : memref<1x1x125xi32, #tpu.memory_space<vmem>> -> memref<125xi32, #tpu.memory_space<vmem>>
        %dma_wait3A_296 = arith.constant 0 : i32
        %dma_wait3A_297 = arith.constant 0 : i32
        %dma_wait3A_298 = tpu.memref_slice %arg15[%dma_wait3A_296, %dma_wait3A_297] : memref<10240x32xf32, #tpu.memory_space<vmem_shared>> -> memref<10240x32xf32, #tpu.memory_space<vmem_shared>>
        tpu.wait_indirect_dma semaphore(%arg19 : memref<!tpu.dma_semaphore, #tpu.memory_space<semaphore_mem>>) src(%dma_wait3A_292 : memref<125x32xf32, #tpu.memory_space<vmem>>) dst(%dma_wait3A_298 : memref<10240x32xf32, #tpu.memory_space<vmem_shared>>)
      } else {
      }
      %parallel_loop3A_264 = arith.constant 0 : i32
      %parallel_loop3A_265 = arith.constant 125 : i32
      %parallel_loop3A_266 = arith.constant 1 : i32
      scf.for %parallel_loop3A_287 = %parallel_loop3A_264 to %parallel_loop3A_265 step %parallel_loop3A_266  : i32 {
        %parallel_loop3A_288 = arith.constant 1 : i32
        %parallel_loop3A_289 = arith.index_cast %parallel_loop3A_288 : i32 to index
        %parallel_loop3A_290 = arith.index_cast %parallel_loop3A_287 : i32 to index
        %parallel_loop3A_291 = arith.constant 0 : index
        %parallel_loop3A_292 = tpu.vector_load %arg10[%parallel_loop3A_289, %parallel_loop3A_290, %parallel_loop3A_291] {strides = array<i32>} : memref<2x125x64xf32, #tpu.memory_space<vmem>>, vector<1x1x16xf32>,
        %parallel_loop3A_293 = vector.shape_cast %parallel_loop3A_292 : vector<1x1x16xf32> to vector<16xf32>
        %parallel_loop3A_294 = arith.constant 1 : i32
        %parallel_loop3A_295 = arith.index_cast %parallel_loop3A_294 : i32 to index
        %parallel_loop3A_296 = arith.index_cast %parallel_loop3A_287 : i32 to index
        %parallel_loop3A_297 = arith.constant 0 : index
        %parallel_loop3A_298 = tpu.vector_load %arg11[%parallel_loop3A_295, %parallel_loop3A_296, %parallel_loop3A_297] {strides = array<i32>} : memref<2x125x64xf32, #tpu.memory_space<vmem>>, vector<1x1x16xf32>,
        %parallel_loop3A_299 = vector.shape_cast %parallel_loop3A_298 : vector<1x1x16xf32> to vector<16xf32>
        %parallel_loop3A_300 = arith.addf %parallel_loop3A_293, %parallel_loop3A_299 : vector<16xf32>
        %parallel_loop3A_301 = arith.constant 1 : i32
        %parallel_loop3A_302 = arith.index_cast %parallel_loop3A_301 : i32 to index
        %parallel_loop3A_303 = arith.index_cast %parallel_loop3A_287 : i32 to index
        %parallel_loop3A_304 = arith.constant 0 : index
        %parallel_loop3A_305 = tpu.vector_load %arg12[%parallel_loop3A_302, %parallel_loop3A_303, %parallel_loop3A_304] {strides = array<i32>} : memref<2x125x64xf32, #tpu.memory_space<vmem>>, vector<1x1x16xf32>,
        %parallel_loop3A_306 = vector.shape_cast %parallel_loop3A_305 : vector<1x1x16xf32> to vector<16xf32>
        %parallel_loop3A_307 = arith.addf %parallel_loop3A_300, %parallel_loop3A_306 : vector<16xf32>
        %parallel_loop3A_308 = arith.constant 1 : i32
        %parallel_loop3A_309 = arith.index_cast %parallel_loop3A_308 : i32 to index
        %parallel_loop3A_310 = arith.index_cast %parallel_loop3A_287 : i32 to index
        %parallel_loop3A_311 = arith.constant 32 : index
        %parallel_loop3A_312 = tpu.vector_load %arg10[%parallel_loop3A_309, %parallel_loop3A_310, %parallel_loop3A_311] {strides = array<i32>} : memref<2x125x64xf32, #tpu.memory_space<vmem>>, vector<1x1x16xf32>,
        %parallel_loop3A_313 = vector.shape_cast %parallel_loop3A_312 : vector<1x1x16xf32> to vector<16xf32>
        %parallel_loop3A_314 = arith.constant 1 : i32
        %parallel_loop3A_315 = arith.index_cast %parallel_loop3A_314 : i32 to index
        %parallel_loop3A_316 = arith.index_cast %parallel_loop3A_287 : i32 to index
        %parallel_loop3A_317 = arith.constant 32 : index
        %parallel_loop3A_318 = tpu.vector_load %arg11[%parallel_loop3A_315, %parallel_loop3A_316, %parallel_loop3A_317] {strides = array<i32>} : memref<2x125x64xf32, #tpu.memory_space<vmem>>, vector<1x1x16xf32>,
        %parallel_loop3A_319 = vector.shape_cast %parallel_loop3A_318 : vector<1x1x16xf32> to vector<16xf32>
        %parallel_loop3A_320 = arith.addf %parallel_loop3A_313, %parallel_loop3A_319 : vector<16xf32>
        %parallel_loop3A_321 = arith.constant 1 : i32
        %parallel_loop3A_322 = arith.index_cast %parallel_loop3A_321 : i32 to index
        %parallel_loop3A_323 = arith.index_cast %parallel_loop3A_287 : i32 to index
        %parallel_loop3A_324 = arith.constant 32 : index
        %parallel_loop3A_325 = tpu.vector_load %arg12[%parallel_loop3A_322, %parallel_loop3A_323, %parallel_loop3A_324] {strides = array<i32>} : memref<2x125x64xf32, #tpu.memory_space<vmem>>, vector<1x1x16xf32>,
        %parallel_loop3A_326 = vector.shape_cast %parallel_loop3A_325 : vector<1x1x16xf32> to vector<16xf32>
        %parallel_loop3A_327 = arith.addf %parallel_loop3A_320, %parallel_loop3A_326 : vector<16xf32>
        %parallel_loop3A_328 = arith.constant 0.000000e+00 : f32
        %parallel_loop3A_329 = vector.broadcast %parallel_loop3A_328 : f32 to vector<16xf32>
        %parallel_loop3A_330 = arith.subf %parallel_loop3A_329, %parallel_loop3A_307 : vector<16xf32>
        %parallel_loop3A_331 = math.exp %parallel_loop3A_330 : vector<16xf32>
        %parallel_loop3A_332 = arith.constant 1.000000e+00 : f32
        %parallel_loop3A_333 = vector.broadcast %parallel_loop3A_332 : f32 to vector<16xf32>
        %parallel_loop3A_334 = arith.addf %parallel_loop3A_333, %parallel_loop3A_331 : vector<16xf32>
        %parallel_loop3A_335 = arith.constant 1.000000e+00 : f32
        %parallel_loop3A_336 = vector.broadcast %parallel_loop3A_335 : f32 to vector<16xf32>
        %parallel_loop3A_337 = arith.divf %parallel_loop3A_336, %parallel_loop3A_334 : vector<16xf32>
        %parallel_loop3A_338 = math.absf %parallel_loop3A_327 : vector<16xf32>
        %parallel_loop3A_339 = arith.constant 0.000000e+00 : f32
        %parallel_loop3A_340 = vector.broadcast %parallel_loop3A_339 : f32 to vector<16xf32>
        %parallel_loop3A_341 = arith.subf %parallel_loop3A_340, %parallel_loop3A_338 : vector<16xf32>
        %parallel_loop3A_342 = math.exp %parallel_loop3A_341 : vector<16xf32>
        %parallel_loop3A_343 = arith.constant 2.000000e+00 : f32
        %parallel_loop3A_344 = vector.broadcast %parallel_loop3A_343 : f32 to vector<16xf32>
        %parallel_loop3A_345 = arith.addf %parallel_loop3A_344, %parallel_loop3A_342 : vector<16xf32>
        %parallel_loop3A_346 = arith.divf %parallel_loop3A_342, %parallel_loop3A_345 : vector<16xf32>
        %parallel_loop3A_347 = arith.mulf %parallel_loop3A_346, %parallel_loop3A_346 : vector<16xf32>
        %parallel_loop3A_348 = arith.constant 0.000000e+00 : f32
        %parallel_loop3A_349 = vector.broadcast %parallel_loop3A_348 : f32 to vector<16xf32>
        %parallel_loop3A_350 = arith.maximumf %parallel_loop3A_327, %parallel_loop3A_349 : vector<16xf32>
        %parallel_loop3A_351 = arith.constant 2.000000e+00 : f32
        %parallel_loop3A_352 = vector.broadcast %parallel_loop3A_351 : f32 to vector<16xf32>
        %parallel_loop3A_353 = arith.mulf %parallel_loop3A_352, %parallel_loop3A_346 : vector<16xf32>
        %parallel_loop3A_354 = arith.constant 0.142857149 : f32
        %parallel_loop3A_355 = vector.broadcast %parallel_loop3A_354 : f32 to vector<16xf32>
        %parallel_loop3A_356 = arith.mulf %parallel_loop3A_347, %parallel_loop3A_355 : vector<16xf32>
        %parallel_loop3A_357 = arith.constant 2.000000e-01 : f32
        %parallel_loop3A_358 = vector.broadcast %parallel_loop3A_357 : f32 to vector<16xf32>
        %parallel_loop3A_359 = arith.addf %parallel_loop3A_358, %parallel_loop3A_356 : vector<16xf32>
        %parallel_loop3A_360 = arith.mulf %parallel_loop3A_347, %parallel_loop3A_359 : vector<16xf32>
        %parallel_loop3A_361 = arith.constant 0.333333343 : f32
        %parallel_loop3A_362 = vector.broadcast %parallel_loop3A_361 : f32 to vector<16xf32>
        %parallel_loop3A_363 = arith.addf %parallel_loop3A_362, %parallel_loop3A_360 : vector<16xf32>
        %parallel_loop3A_364 = arith.mulf %parallel_loop3A_347, %parallel_loop3A_363 : vector<16xf32>
        %parallel_loop3A_365 = arith.constant 1.000000e+00 : f32
        %parallel_loop3A_366 = vector.broadcast %parallel_loop3A_365 : f32 to vector<16xf32>
        %parallel_loop3A_367 = arith.addf %parallel_loop3A_366, %parallel_loop3A_364 : vector<16xf32>
        %parallel_loop3A_368 = arith.mulf %parallel_loop3A_353, %parallel_loop3A_367 : vector<16xf32>
        %parallel_loop3A_369 = arith.addf %parallel_loop3A_350, %parallel_loop3A_368 : vector<16xf32>
        %parallel_loop3A_370 = arith.mulf %parallel_loop3A_337, %parallel_loop3A_369 : vector<16xf32>
        %parallel_loop3A_371 = arith.constant 1 : i32
        %parallel_loop3A_372 = arith.index_cast %parallel_loop3A_371 : i32 to index
        %parallel_loop3A_373 = arith.index_cast %parallel_loop3A_287 : i32 to index
        %parallel_loop3A_374 = arith.constant 0 : index
        %parallel_loop3A_375 = tpu.vector_load %arg13[%parallel_loop3A_372, %parallel_loop3A_373, %parallel_loop3A_374] {strides = array<i32>} : memref<2x125x32xf32, #tpu.memory_space<vmem>>, vector<1x1x16xf32>,
        %parallel_loop3A_376 = vector.shape_cast %parallel_loop3A_375 : vector<1x1x16xf32> to vector<16xf32>
        %parallel_loop3A_377 = vector.shape_cast %parallel_loop3A_370 : vector<16xf32> to vector<1x1x16xf32>
        tpu.vector_store %arg13[%parallel_loop3A_372, %parallel_loop3A_373, %parallel_loop3A_374], %parallel_loop3A_377 {strides = array<i32>} : memref<2x125x32xf32, #tpu.memory_space<vmem>>, vector<1x1x16xf32>,
        %parallel_loop3A_378 = arith.constant 1 : i32
        %parallel_loop3A_379 = arith.index_cast %parallel_loop3A_378 : i32 to index
        %parallel_loop3A_380 = arith.index_cast %parallel_loop3A_287 : i32 to index
        %parallel_loop3A_381 = arith.constant 16 : index
        %parallel_loop3A_382 = tpu.vector_load %arg10[%parallel_loop3A_379, %parallel_loop3A_380, %parallel_loop3A_381] {strides = array<i32>} : memref<2x125x64xf32, #tpu.memory_space<vmem>>, vector<1x1x16xf32>,
        %parallel_loop3A_383 = vector.shape_cast %parallel_loop3A_382 : vector<1x1x16xf32> to vector<16xf32>
        %parallel_loop3A_384 = arith.constant 1 : i32
        %parallel_loop3A_385 = arith.index_cast %parallel_loop3A_384 : i32 to index
        %parallel_loop3A_386 = arith.index_cast %parallel_loop3A_287 : i32 to index
        %parallel_loop3A_387 = arith.constant 16 : index
        %parallel_loop3A_388 = tpu.vector_load %arg11[%parallel_loop3A_385, %parallel_loop3A_386, %parallel_loop3A_387] {strides = array<i32>} : memref<2x125x64xf32, #tpu.memory_space<vmem>>, vector<1x1x16xf32>,
        %parallel_loop3A_389 = vector.shape_cast %parallel_loop3A_388 : vector<1x1x16xf32> to vector<16xf32>
        %parallel_loop3A_390 = arith.addf %parallel_loop3A_383, %parallel_loop3A_389 : vector<16xf32>
        %parallel_loop3A_391 = arith.constant 1 : i32
        %parallel_loop3A_392 = arith.index_cast %parallel_loop3A_391 : i32 to index
        %parallel_loop3A_393 = arith.index_cast %parallel_loop3A_287 : i32 to index
        %parallel_loop3A_394 = arith.constant 16 : index
        %parallel_loop3A_395 = tpu.vector_load %arg12[%parallel_loop3A_392, %parallel_loop3A_393, %parallel_loop3A_394] {strides = array<i32>} : memref<2x125x64xf32, #tpu.memory_space<vmem>>, vector<1x1x16xf32>,
        %parallel_loop3A_396 = vector.shape_cast %parallel_loop3A_395 : vector<1x1x16xf32> to vector<16xf32>
        %parallel_loop3A_397 = arith.addf %parallel_loop3A_390, %parallel_loop3A_396 : vector<16xf32>
        %parallel_loop3A_398 = arith.constant 1 : i32
        %parallel_loop3A_399 = arith.index_cast %parallel_loop3A_398 : i32 to index
        %parallel_loop3A_400 = arith.index_cast %parallel_loop3A_287 : i32 to index
        %parallel_loop3A_401 = arith.constant 48 : index
        %parallel_loop3A_402 = tpu.vector_load %arg10[%parallel_loop3A_399, %parallel_loop3A_400, %parallel_loop3A_401] {strides = array<i32>} : memref<2x125x64xf32, #tpu.memory_space<vmem>>, vector<1x1x16xf32>,
        %parallel_loop3A_403 = vector.shape_cast %parallel_loop3A_402 : vector<1x1x16xf32> to vector<16xf32>
        %parallel_loop3A_404 = arith.constant 1 : i32
        %parallel_loop3A_405 = arith.index_cast %parallel_loop3A_404 : i32 to index
        %parallel_loop3A_406 = arith.index_cast %parallel_loop3A_287 : i32 to index
        %parallel_loop3A_407 = arith.constant 48 : index
        %parallel_loop3A_408 = tpu.vector_load %arg11[%parallel_loop3A_405, %parallel_loop3A_406, %parallel_loop3A_407] {strides = array<i32>} : memref<2x125x64xf32, #tpu.memory_space<vmem>>, vector<1x1x16xf32>,
        %parallel_loop3A_409 = vector.shape_cast %parallel_loop3A_408 : vector<1x1x16xf32> to vector<16xf32>
        %parallel_loop3A_410 = arith.addf %parallel_loop3A_403, %parallel_loop3A_409 : vector<16xf32>
        %parallel_loop3A_411 = arith.constant 1 : i32
        %parallel_loop3A_412 = arith.index_cast %parallel_loop3A_411 : i32 to index
        %parallel_loop3A_413 = arith.index_cast %parallel_loop3A_287 : i32 to index
        %parallel_loop3A_414 = arith.constant 48 : index
        %parallel_loop3A_415 = tpu.vector_load %arg12[%parallel_loop3A_412, %parallel_loop3A_413, %parallel_loop3A_414] {strides = array<i32>} : memref<2x125x64xf32, #tpu.memory_space<vmem>>, vector<1x1x16xf32>,
        %parallel_loop3A_416 = vector.shape_cast %parallel_loop3A_415 : vector<1x1x16xf32> to vector<16xf32>
        %parallel_loop3A_417 = arith.addf %parallel_loop3A_410, %parallel_loop3A_416 : vector<16xf32>
        %parallel_loop3A_418 = arith.constant 0.000000e+00 : f32
        %parallel_loop3A_419 = vector.broadcast %parallel_loop3A_418 : f32 to vector<16xf32>
        %parallel_loop3A_420 = arith.subf %parallel_loop3A_419, %parallel_loop3A_397 : vector<16xf32>
        %parallel_loop3A_421 = math.exp %parallel_loop3A_420 : vector<16xf32>
        %parallel_loop3A_422 = arith.constant 1.000000e+00 : f32
        %parallel_loop3A_423 = vector.broadcast %parallel_loop3A_422 : f32 to vector<16xf32>
        %parallel_loop3A_424 = arith.addf %parallel_loop3A_423, %parallel_loop3A_421 : vector<16xf32>
        %parallel_loop3A_425 = arith.constant 1.000000e+00 : f32
        %parallel_loop3A_426 = vector.broadcast %parallel_loop3A_425 : f32 to vector<16xf32>
        %parallel_loop3A_427 = arith.divf %parallel_loop3A_426, %parallel_loop3A_424 : vector<16xf32>
        %parallel_loop3A_428 = math.absf %parallel_loop3A_417 : vector<16xf32>
        %parallel_loop3A_429 = arith.constant 0.000000e+00 : f32
        %parallel_loop3A_430 = vector.broadcast %parallel_loop3A_429 : f32 to vector<16xf32>
        %parallel_loop3A_431 = arith.subf %parallel_loop3A_430, %parallel_loop3A_428 : vector<16xf32>
        %parallel_loop3A_432 = math.exp %parallel_loop3A_431 : vector<16xf32>
        %parallel_loop3A_433 = arith.constant 2.000000e+00 : f32
        %parallel_loop3A_434 = vector.broadcast %parallel_loop3A_433 : f32 to vector<16xf32>
        %parallel_loop3A_435 = arith.addf %parallel_loop3A_434, %parallel_loop3A_432 : vector<16xf32>
        %parallel_loop3A_436 = arith.divf %parallel_loop3A_432, %parallel_loop3A_435 : vector<16xf32>
        %parallel_loop3A_437 = arith.mulf %parallel_loop3A_436, %parallel_loop3A_436 : vector<16xf32>
        %parallel_loop3A_438 = arith.constant 0.000000e+00 : f32
        %parallel_loop3A_439 = vector.broadcast %parallel_loop3A_438 : f32 to vector<16xf32>
        %parallel_loop3A_440 = arith.maximumf %parallel_loop3A_417, %parallel_loop3A_439 : vector<16xf32>
        %parallel_loop3A_441 = arith.constant 2.000000e+00 : f32
        %parallel_loop3A_442 = vector.broadcast %parallel_loop3A_441 : f32 to vector<16xf32>
        %parallel_loop3A_443 = arith.mulf %parallel_loop3A_442, %parallel_loop3A_436 : vector<16xf32>
        %parallel_loop3A_444 = arith.constant 0.142857149 : f32
        %parallel_loop3A_445 = vector.broadcast %parallel_loop3A_444 : f32 to vector<16xf32>
        %parallel_loop3A_446 = arith.mulf %parallel_loop3A_437, %parallel_loop3A_445 : vector<16xf32>
        %parallel_loop3A_447 = arith.constant 2.000000e-01 : f32
        %parallel_loop3A_448 = vector.broadcast %parallel_loop3A_447 : f32 to vector<16xf32>
        %parallel_loop3A_449 = arith.addf %parallel_loop3A_448, %parallel_loop3A_446 : vector<16xf32>
        %parallel_loop3A_450 = arith.mulf %parallel_loop3A_437, %parallel_loop3A_449 : vector<16xf32>
        %parallel_loop3A_451 = arith.constant 0.333333343 : f32
        %parallel_loop3A_452 = vector.broadcast %parallel_loop3A_451 : f32 to vector<16xf32>
        %parallel_loop3A_453 = arith.addf %parallel_loop3A_452, %parallel_loop3A_450 : vector<16xf32>
        %parallel_loop3A_454 = arith.mulf %parallel_loop3A_437, %parallel_loop3A_453 : vector<16xf32>
        %parallel_loop3A_455 = arith.constant 1.000000e+00 : f32
        %parallel_loop3A_456 = vector.broadcast %parallel_loop3A_455 : f32 to vector<16xf32>
        %parallel_loop3A_457 = arith.addf %parallel_loop3A_456, %parallel_loop3A_454 : vector<16xf32>
        %parallel_loop3A_458 = arith.mulf %parallel_loop3A_443, %parallel_loop3A_457 : vector<16xf32>
        %parallel_loop3A_459 = arith.addf %parallel_loop3A_440, %parallel_loop3A_458 : vector<16xf32>
        %parallel_loop3A_460 = arith.mulf %parallel_loop3A_427, %parallel_loop3A_459 : vector<16xf32>
        %parallel_loop3A_461 = arith.constant 1 : i32
        %parallel_loop3A_462 = arith.index_cast %parallel_loop3A_461 : i32 to index
        %parallel_loop3A_463 = arith.index_cast %parallel_loop3A_287 : i32 to index
        %parallel_loop3A_464 = arith.constant 16 : index
        %parallel_loop3A_465 = tpu.vector_load %arg13[%parallel_loop3A_462, %parallel_loop3A_463, %parallel_loop3A_464] {strides = array<i32>} : memref<2x125x32xf32, #tpu.memory_space<vmem>>, vector<1x1x16xf32>,
        %parallel_loop3A_466 = vector.shape_cast %parallel_loop3A_465 : vector<1x1x16xf32> to vector<16xf32>
        %parallel_loop3A_467 = vector.shape_cast %parallel_loop3A_460 : vector<16xf32> to vector<1x1x16xf32>
        tpu.vector_store %arg13[%parallel_loop3A_462, %parallel_loop3A_463, %parallel_loop3A_464], %parallel_loop3A_467 {strides = array<i32>} : memref<2x125x32xf32, #tpu.memory_space<vmem>>, vector<1x1x16xf32>,
      } {sc.loop_unroll_factor = 5 : i64, sc.parallel_access}
      %dma_start3A_267 = arith.constant 1 : i32
      %dma_start3A_268 = arith.constant 0 : i32
      %dma_start3A_269 = arith.constant 0 : i32
      %dma_start3A_270 = arith.constant 0 : i32
      %dma_start3A_271 = tpu.memref_slice %arg13[%dma_start3A_267, %dma_start3A_269, %dma_start3A_270] : memref<2x125x32xf32, #tpu.memory_space<vmem>> -> memref<1x125x32xf32, #tpu.memory_space<vmem>>
      %dma_start3A_272 = tpu.memref_squeeze %dma_start3A_271 : memref<1x125x32xf32, #tpu.memory_space<vmem>> -> memref<125x32xf32, #tpu.memory_space<vmem>>
      %dma_start3A_273 = arith.constant 0 : i32
      %dma_start3A_274 = tpu.memref_slice %arg8[%add3A_214, %dma_start3A_268, %dma_start3A_273] : memref<80x1x125xi32, #tpu.memory_space<vmem>> -> memref<1x1x125xi32, #tpu.memory_space<vmem>>
      %dma_start3A_275 = tpu.memref_squeeze %dma_start3A_274 : memref<1x1x125xi32, #tpu.memory_space<vmem>> -> memref<125xi32, #tpu.memory_space<vmem>>
      %dma_start3A_276 = arith.constant 0 : i32
      %dma_start3A_277 = arith.constant 0 : i32
      %dma_start3A_278 = tpu.memref_slice %arg15[%dma_start3A_276, %dma_start3A_277] : memref<10240x32xf32, #tpu.memory_space<vmem_shared>> -> memref<10240x32xf32, #tpu.memory_space<vmem_shared>>
      tpu.enqueue_indirect_dma source(%dma_start3A_272 : memref<125x32xf32, #tpu.memory_space<vmem>>) target(%dma_start3A_278 : memref<10240x32xf32, #tpu.memory_space<vmem_shared>>) offsets(%dma_start3A_275 : memref<125xi32, #tpu.memory_space<vmem>>) semaphore(%arg19 : memref<!tpu.dma_semaphore, #tpu.memory_space<semaphore_mem>>) {add = true}
      %add3A_279 = arith.constant 2 : i32
      %add3A_280 = arith.addi %add3A_214, %add3A_279 : i32
      %lt3A_281 = arith.constant 80 : i32
      %lt3A_282 = arith.cmpi slt, %add3A_280, %lt3A_281 : i32
      %convert_element_type3A_283 = arith.extui %lt3A_282 : i1 to i32
      %cond3A_284 = arith.constant 0 : i32
      %cond3A_285 = arith.cmpi ne, %convert_element_type3A_283, %cond3A_284 : i32
      scf.if %cond3A_285 {
        %add3A_287 = arith.constant 2 : i32
        %add3A_288 = arith.addi %add3A_214, %add3A_287 : i32
        %mul3A_289 = arith.constant 80 : i32
        %mul3A_290 = arith.muli %add3A, %mul3A_289 : i32
        %add3A_291 = arith.addi %mul3A_290, %add3A_288 : i32
        %dma_start3A_292 = arith.constant 0 : i32
        %dma_start3A_293 = arith.constant 1 : i32
        %dma_start3A_294 = arith.constant 0 : i32
        %dma_start3A_295 = arith.constant 0 : i32
        %dma_start3A_296 = tpu.memref_slice %arg10[%dma_start3A_293, %dma_start3A_294, %dma_start3A_295] : memref<2x125x64xf32, #tpu.memory_space<vmem>> -> memref<1x125x64xf32, #tpu.memory_space<vmem>>
        %dma_start3A_297 = tpu.memref_squeeze %dma_start3A_296 : memref<1x125x64xf32, #tpu.memory_space<vmem>> -> memref<125x64xf32, #tpu.memory_space<vmem>>
        %dma_start3A_298 = arith.constant 0 : i32
        %dma_start3A_299 = tpu.memref_slice %arg8[%add3A_288, %dma_start3A_292, %dma_start3A_298] : memref<80x1x125xi32, #tpu.memory_space<vmem>> -> memref<1x1x125xi32, #tpu.memory_space<vmem>>
        %dma_start3A_300 = tpu.memref_squeeze %dma_start3A_299 : memref<1x1x125xi32, #tpu.memory_space<vmem>> -> memref<125xi32, #tpu.memory_space<vmem>>
        %dma_start3A_301 = arith.constant 0 : i32
        %dma_start3A_302 = arith.constant 0 : i32
        %dma_start3A_303 = tpu.memref_slice %arg2[%dma_start3A_301, %dma_start3A_302] : memref<10000x64xf32, #tpu.memory_space<hbm>> -> memref<10000x64xf32, #tpu.memory_space<hbm>>
        tpu.enqueue_indirect_dma source(%dma_start3A_303 : memref<10000x64xf32, #tpu.memory_space<hbm>>) target(%dma_start3A_297 : memref<125x64xf32, #tpu.memory_space<vmem>>) offsets(%dma_start3A_300 : memref<125xi32, #tpu.memory_space<vmem>>) semaphore(%arg17 : memref<!tpu.dma_semaphore, #tpu.memory_space<semaphore_mem>>)
        %dma_start3A_304 = arith.constant 0 : i32
        %dma_start3A_305 = arith.constant 1 : i32
        %dma_start3A_306 = arith.constant 0 : i32
        %dma_start3A_307 = arith.constant 0 : i32
        %dma_start3A_308 = tpu.memref_slice %arg11[%dma_start3A_305, %dma_start3A_306, %dma_start3A_307] : memref<2x125x64xf32, #tpu.memory_space<vmem>> -> memref<1x125x64xf32, #tpu.memory_space<vmem>>
        %dma_start3A_309 = tpu.memref_squeeze %dma_start3A_308 : memref<1x125x64xf32, #tpu.memory_space<vmem>> -> memref<125x64xf32, #tpu.memory_space<vmem>>
        %dma_start3A_310 = arith.constant 0 : i32
        %dma_start3A_311 = tpu.memref_slice %arg9[%add3A_288, %dma_start3A_304, %dma_start3A_310] : memref<80x1x125xi32, #tpu.memory_space<vmem>> -> memref<1x1x125xi32, #tpu.memory_space<vmem>>
        %dma_start3A_312 = tpu.memref_squeeze %dma_start3A_311 : memref<1x1x125xi32, #tpu.memory_space<vmem>> -> memref<125xi32, #tpu.memory_space<vmem>>
        %dma_start3A_313 = arith.constant 0 : i32
        %dma_start3A_314 = arith.constant 0 : i32
        %dma_start3A_315 = tpu.memref_slice %arg3[%dma_start3A_313, %dma_start3A_314] : memref<10000x64xf32, #tpu.memory_space<hbm>> -> memref<10000x64xf32, #tpu.memory_space<hbm>>
        tpu.enqueue_indirect_dma source(%dma_start3A_315 : memref<10000x64xf32, #tpu.memory_space<hbm>>) target(%dma_start3A_309 : memref<125x64xf32, #tpu.memory_space<vmem>>) offsets(%dma_start3A_312 : memref<125xi32, #tpu.memory_space<vmem>>) semaphore(%arg17 : memref<!tpu.dma_semaphore, #tpu.memory_space<semaphore_mem>>)
        %dma_start3A_316 = arith.constant 1 : i32
        %dma_start3A_317 = arith.constant 0 : i32
        %dma_start3A_318 = arith.constant 0 : i32
        %dma_start3A_319 = tpu.memref_slice %arg12[%dma_start3A_316, %dma_start3A_317, %dma_start3A_318] : memref<2x125x64xf32, #tpu.memory_space<vmem>> -> memref<1x125x64xf32, #tpu.memory_space<vmem>>
        %dma_start3A_320 = tpu.memref_squeeze %dma_start3A_319 : memref<1x125x64xf32, #tpu.memory_space<vmem>> -> memref<125x64xf32, #tpu.memory_space<vmem>>
        %dma_start3A_321 = arith.constant 0 : i32
        %dma_start3A_322 = arith.constant 0 : i32
        %dma_start3A_323 = tpu.memref_slice %arg4[%add3A_291, %dma_start3A_321, %dma_start3A_322] : memref<2560x125x64xf32, #tpu.memory_space<hbm>> -> memref<1x125x64xf32, #tpu.memory_space<hbm>>
        %dma_start3A_324 = tpu.memref_squeeze %dma_start3A_323 : memref<1x125x64xf32, #tpu.memory_space<hbm>> -> memref<125x64xf32, #tpu.memory_space<hbm>>
        %dma_start3A_325 = arith.constant 0 : i32
        %dma_start3A_326 = arith.constant 0 : i32
        %dma_start3A_327 = tpu.memref_slice %arg12[%dma_start3A_316, %dma_start3A_325, %dma_start3A_326] : memref<2x125x64xf32, #tpu.memory_space<vmem>> -> memref<1x125x64xf32, #tpu.memory_space<vmem>>
        %dma_start3A_328 = tpu.memref_squeeze %dma_start3A_327 : memref<1x125x64xf32, #tpu.memory_space<vmem>> -> memref<125x64xf32, #tpu.memory_space<vmem>>
        %dma_start3A_329 = arith.constant 0 : i32
        %dma_start3A_330 = arith.constant 0 : i32
        %dma_start3A_331 = tpu.memref_slice %arg4[%add3A_291, %dma_start3A_329, %dma_start3A_330] : memref<2560x125x64xf32, #tpu.memory_space<hbm>> -> memref<1x125x64xf32, #tpu.memory_space<hbm>>
        %dma_start3A_332 = tpu.memref_squeeze %dma_start3A_331 : memref<1x125x64xf32, #tpu.memory_space<hbm>> -> memref<125x64xf32, #tpu.memory_space<hbm>>
        tpu.enqueue_dma source(%dma_start3A_332 : memref<125x64xf32, #tpu.memory_space<hbm>>) target(%dma_start3A_328 : memref<125x64xf32, #tpu.memory_space<vmem>>) target_semaphore(%arg17 : memref<!tpu.dma_semaphore, #tpu.memory_space<semaphore_mem>>)
      } else {
      }
      %scan3A_286 = arith.constant 0 : i32
      scf.yield %scan3A_286 : i32
    }
    %scan3A_112 = arith.constant 40 : i32
    %dma_wait3A = arith.constant 0 : i32
    %dma_wait3A_113 = arith.constant 78 : i32
    %dma_wait3A_114 = arith.constant 0 : i32
    %dma_wait3A_115 = arith.constant 0 : i32
    %dma_wait3A_116 = arith.constant 0 : i32
    %dma_wait3A_117 = tpu.memref_slice %arg13[%dma_wait3A, %dma_wait3A_115, %dma_wait3A_116] : memref<2x125x32xf32, #tpu.memory_space<vmem>> -> memref<1x125x32xf32, #tpu.memory_space<vmem>>
    %dma_wait3A_118 = tpu.memref_squeeze %dma_wait3A_117 : memref<1x125x32xf32, #tpu.memory_space<vmem>> -> memref<125x32xf32, #tpu.memory_space<vmem>>
    %dma_wait3A_119 = arith.constant 0 : i32
    %dma_wait3A_120 = tpu.memref_slice %arg8[%dma_wait3A_113, %dma_wait3A_114, %dma_wait3A_119] : memref<80x1x125xi32, #tpu.memory_space<vmem>> -> memref<1x1x125xi32, #tpu.memory_space<vmem>>
    %dma_wait3A_121 = tpu.memref_squeeze %dma_wait3A_120 : memref<1x1x125xi32, #tpu.memory_space<vmem>> -> memref<125xi32, #tpu.memory_space<vmem>>
    %dma_wait3A_122 = arith.constant 0 : i32
    %dma_wait3A_123 = arith.constant 0 : i32
    %dma_wait3A_124 = tpu.memref_slice %arg15[%dma_wait3A_122, %dma_wait3A_123] : memref<10240x32xf32, #tpu.memory_space<vmem_shared>> -> memref<10240x32xf32, #tpu.memory_space<vmem_shared>>
    tpu.wait_indirect_dma semaphore(%arg18 : memref<!tpu.dma_semaphore, #tpu.memory_space<semaphore_mem>>) src(%dma_wait3A_118 : memref<125x32xf32, #tpu.memory_space<vmem>>) dst(%dma_wait3A_124 : memref<10240x32xf32, #tpu.memory_space<vmem_shared>>)
    %dma_wait3A_125 = arith.constant 1 : i32
    %dma_wait3A_126 = arith.constant 79 : i32
    %dma_wait3A_127 = arith.constant 0 : i32
    %dma_wait3A_128 = arith.constant 0 : i32
    %dma_wait3A_129 = arith.constant 0 : i32
    %dma_wait3A_130 = tpu.memref_slice %arg13[%dma_wait3A_125, %dma_wait3A_128, %dma_wait3A_129] : memref<2x125x32xf32, #tpu.memory_space<vmem>> -> memref<1x125x32xf32, #tpu.memory_space<vmem>>
    %dma_wait3A_131 = tpu.memref_squeeze %dma_wait3A_130 : memref<1x125x32xf32, #tpu.memory_space<vmem>> -> memref<125x32xf32, #tpu.memory_space<vmem>>
    %dma_wait3A_132 = arith.constant 0 : i32
    %dma_wait3A_133 = tpu.memref_slice %arg8[%dma_wait3A_126, %dma_wait3A_127, %dma_wait3A_132] : memref<80x1x125xi32, #tpu.memory_space<vmem>> -> memref<1x1x125xi32, #tpu.memory_space<vmem>>
    %dma_wait3A_134 = tpu.memref_squeeze %dma_wait3A_133 : memref<1x1x125xi32, #tpu.memory_space<vmem>> -> memref<125xi32, #tpu.memory_space<vmem>>
    %dma_wait3A_135 = arith.constant 0 : i32
    %dma_wait3A_136 = arith.constant 0 : i32
    %dma_wait3A_137 = tpu.memref_slice %arg15[%dma_wait3A_135, %dma_wait3A_136] : memref<10240x32xf32, #tpu.memory_space<vmem_shared>> -> memref<10240x32xf32, #tpu.memory_space<vmem_shared>>
    tpu.wait_indirect_dma semaphore(%arg19 : memref<!tpu.dma_semaphore, #tpu.memory_space<semaphore_mem>>) src(%dma_wait3A_131 : memref<125x32xf32, #tpu.memory_space<vmem>>) dst(%dma_wait3A_137 : memref<10240x32xf32, #tpu.memory_space<vmem_shared>>)
    %barrier3A_138 = arith.constant 0 : index
    tpu.barrier barrier_id(%barrier3A_138)
    %mul3A_139 = arith.constant 640 : i32
    %mul3A_140 = arith.muli %arg1, %mul3A_139 : i32
    "tpu.region"() ({
      %run_scoped3A = tpu.sem_alloc : memref<!tpu.dma_semaphore, #tpu.memory_space<semaphore_mem>>
      %dma_start3A_141 = arith.constant 0 : i32
      %dma_start3A_142 = arith.constant 0 : i32
      %dma_start3A_143 = tpu.memref_slice %arg7[%arg0, %arg1, %dma_start3A_141, %dma_start3A_142] : memref<2x16x640x32xf32, #tpu.memory_space<hbm>> -> memref<1x1x640x32xf32, #tpu.memory_space<hbm>>
      %dma_start3A_144 = tpu.memref_squeeze %dma_start3A_143 : memref<1x1x640x32xf32, #tpu.memory_space<hbm>> -> memref<640x32xf32, #tpu.memory_space<hbm>>
      %dma_start3A_145 = arith.constant 0 : i32
      %dma_start3A_146 = tpu.memref_slice %arg15[%mul3A_140, %dma_start3A_145] : memref<10240x32xf32, #tpu.memory_space<vmem_shared>> -> memref<640x32xf32, #tpu.memory_space<vmem_shared>>
      tpu.enqueue_dma source(%dma_start3A_146 : memref<640x32xf32, #tpu.memory_space<vmem_shared>>) target(%dma_start3A_144 : memref<640x32xf32, #tpu.memory_space<hbm>>) target_semaphore(%run_scoped3A : memref<!tpu.dma_semaphore, #tpu.memory_space<semaphore_mem>>)
      %dma_wait3A_147 = arith.constant 0 : i32
      %dma_wait3A_148 = arith.constant 0 : i32
      %dma_wait3A_149 = tpu.memref_slice %arg7[%arg0, %arg1, %dma_wait3A_147, %dma_wait3A_148] : memref<2x16x640x32xf32, #tpu.memory_space<hbm>> -> memref<1x1x640x32xf32, #tpu.memory_space<hbm>>
      %dma_wait3A_150 = tpu.memref_squeeze %dma_wait3A_149 : memref<1x1x640x32xf32, #tpu.memory_space<hbm>> -> memref<640x32xf32, #tpu.memory_space<hbm>>
      %dma_wait3A_151 = arith.constant 0 : i32
      %dma_wait3A_152 = tpu.memref_slice %arg15[%mul3A_140, %dma_wait3A_151] : memref<10240x32xf32, #tpu.memory_space<vmem_shared>> -> memref<640x32xf32, #tpu.memory_space<vmem_shared>>
      tpu.wait_dma2 semaphore(%run_scoped3A : memref<!tpu.dma_semaphore, #tpu.memory_space<semaphore_mem>>) src(%dma_wait3A_152 : memref<640x32xf32, #tpu.memory_space<vmem_shared>>) dst(%dma_wait3A_150 : memref<640x32xf32, #tpu.memory_space<hbm>>)
      tpu.yield
    }) : () -> ()
    return
  }
}

module attributes {stable_mosaic.version = 14 : i64} {
  func.func @_egram_body(%arg0: i32, %arg1: memref<800x128xf32, #tpu.memory_space<vmem>>, %arg2: memref<128x128xf32, #tpu.memory_space<vmem>>, %arg3: memref<1x128xf32, #tpu.memory_space<vmem>>) attributes {dimension_semantics = [#tpu.dimension_semantics<arbitrary>], iteration_bounds = array<i64: 50>, scalar_prefetch = 0 : i64, scratch_operands = 0 : i64, tpu.core_type = #tpu.core_type<tc>, window_params = [{transform_indices = @transform_0, window_bounds = array<i64: 800, 128>}, {pipeline_mode = #tpu.pipeline_mode<synchronous>, transform_indices = @transform_1, window_bounds = array<i64: 128, 128>}, {pipeline_mode = #tpu.pipeline_mode<synchronous>, transform_indices = @transform_2, window_bounds = array<i64: 1, 128>}]} {
    %get3A = arith.constant 0 : index
    %get3A_0 = arith.constant 0 : index
    %get3A_1 = vector.load %arg1[%get3A, %get3A_0] : memref<800x128xf32, #tpu.memory_space<vmem>>, vector<800x128xf32>
    %eq3A = arith.constant 0 : i32
    %eq3A_2 = arith.cmpi eq, %arg0, %eq3A : i32
    %convert_element_type3A = arith.extui %eq3A_2 : i1 to i32
    %cond3A = arith.constant 0 : i32
    %cond3A_3 = arith.cmpi ne, %convert_element_type3A, %cond3A : i32
    scf.if %cond3A_3 {
      %broadcast_in_dim3A_18 = arith.constant 0.000000e+00 : f32
      %broadcast_in_dim3A_19 = vector.broadcast %broadcast_in_dim3A_18 : f32 to vector<128x128xf32>
      %swap3A_20 = arith.constant 0 : index
      %swap3A_21 = arith.constant 0 : index
      %swap3A_22 = vector.load %arg2[%swap3A_20, %swap3A_21] : memref<128x128xf32, #tpu.memory_space<vmem>>, vector<128x128xf32>
      tpu.vector_store %arg2[%swap3A_20, %swap3A_21], %broadcast_in_dim3A_19 {strides = array<i32>} : memref<128x128xf32, #tpu.memory_space<vmem>>, vector<128x128xf32>,
      %broadcast_in_dim3A_23 = arith.constant 0.000000e+00 : f32
      %broadcast_in_dim3A_24 = vector.broadcast %broadcast_in_dim3A_23 : f32 to vector<1x128xf32>
      %swap3A_25 = arith.constant 0 : index
      %swap3A_26 = arith.constant 0 : index
      %swap3A_27 = vector.load %arg3[%swap3A_25, %swap3A_26] : memref<1x128xf32, #tpu.memory_space<vmem>>, vector<1x128xf32>
      tpu.vector_store %arg3[%swap3A_25, %swap3A_26], %broadcast_in_dim3A_24 {strides = array<i32>} : memref<1x128xf32, #tpu.memory_space<vmem>>, vector<1x128xf32>,
    } else {
    }
    %get3A_4 = arith.constant 0 : index
    %get3A_5 = arith.constant 0 : index
    %get3A_6 = vector.load %arg2[%get3A_4, %get3A_5] : memref<128x128xf32, #tpu.memory_space<vmem>>, vector<128x128xf32>
    %dot_general3A = arith.constant dense<0.000000e+00> : vector<128x128xf32>
    %dot_general3A_7 = tpu.matmul %get3A_1, %get3A_1, %dot_general3A {dimension_numbers = #tpu.dot_dimension_numbers<[0], [0], [1], [1], [0, 1, 1, 1], [], []>, transpose_lhs_hint = false} : vector<800x128xf32>, vector<800x128xf32>, vector<128x128xf32> -> vector<128x128xf32>
    %add3A = arith.addf %get3A_6, %dot_general3A_7 : vector<128x128xf32>
    %swap3A = arith.constant 0 : index
    %swap3A_8 = arith.constant 0 : index
    %swap3A_9 = vector.load %arg2[%swap3A, %swap3A_8] : memref<128x128xf32, #tpu.memory_space<vmem>>, vector<128x128xf32>
    tpu.vector_store %arg2[%swap3A, %swap3A_8], %add3A {strides = array<i32>} : memref<128x128xf32, #tpu.memory_space<vmem>>, vector<128x128xf32>,
    %get3A_10 = arith.constant 0 : index
    %get3A_11 = arith.constant 0 : index
    %get3A_12 = vector.load %arg3[%get3A_10, %get3A_11] : memref<1x128xf32, #tpu.memory_space<vmem>>, vector<1x128xf32>
    %reduce_sum3A = arith.constant dense<0.000000e+00> : vector<128xf32>
    %reduce_sum3A_13 = vector.multi_reduction <add>, %get3A_1, %reduce_sum3A [0] : vector<800x128xf32> to vector<128xf32>
    %broadcast_in_dim3A = vector.shape_cast %reduce_sum3A_13 : vector<128xf32> to vector<1x128xf32>
    %add3A_14 = arith.addf %get3A_12, %broadcast_in_dim3A : vector<1x128xf32>
    %swap3A_15 = arith.constant 0 : index
    %swap3A_16 = arith.constant 0 : index
    %swap3A_17 = vector.load %arg3[%swap3A_15, %swap3A_16] : memref<1x128xf32, #tpu.memory_space<vmem>>, vector<1x128xf32>
    tpu.vector_store %arg3[%swap3A_15, %swap3A_16], %add3A_14 {strides = array<i32>} : memref<1x128xf32, #tpu.memory_space<vmem>>, vector<1x128xf32>,
    return
  }
  func.func @transform_0(%arg0: i32) -> (i32, i32) {
    %c0_i32 = arith.constant 0 : i32
    %c0_i32_0 = arith.constant 0 : i32
    return %arg0, %c0_i32 : i32, i32
  }
  func.func @transform_1(%arg0: i32) -> (i32, i32) {
    %c0_i32 = arith.constant 0 : i32
    %c0_i32_0 = arith.constant 0 : i32
    %c0_i32_1 = arith.constant 0 : i32
    return %c0_i32, %c0_i32_0 : i32, i32
  }
  func.func @transform_2(%arg0: i32) -> (i32, i32) {
    %c0_i32 = arith.constant 0 : i32
    %c0_i32_0 = arith.constant 0 : i32
    %c0_i32_1 = arith.constant 0 : i32
    return %c0_i32, %c0_i32_0 : i32, i32
  }
}

module attributes {stable_mosaic.version = 14 : i64} {
  func.func @_edge_table_body(%arg0: i32, %arg1: memref<800x128xf32, #tpu.memory_space<vmem>>, %arg2: memref<128x256xf32, #tpu.memory_space<vmem>>, %arg3: memref<1x256xf32, #tpu.memory_space<vmem>>, %arg4: memref<256x512xbf16, #tpu.memory_space<vmem>>, %arg5: memref<1x512xf32, #tpu.memory_space<vmem>>, %arg6: memref<800x512xf32, #tpu.memory_space<vmem>>) attributes {dimension_semantics = [#tpu.dimension_semantics<arbitrary>], iteration_bounds = array<i64: 50>, scalar_prefetch = 0 : i64, scratch_operands = 0 : i64, tpu.core_type = #tpu.core_type<tc>, window_params = [{transform_indices = @transform_0, window_bounds = array<i64: 800, 128>}, {pipeline_mode = #tpu.pipeline_mode<synchronous>, transform_indices = @transform_1, window_bounds = array<i64: 128, 256>}, {pipeline_mode = #tpu.pipeline_mode<synchronous>, transform_indices = @transform_2, window_bounds = array<i64: 1, 256>}, {pipeline_mode = #tpu.pipeline_mode<synchronous>, transform_indices = @transform_3, window_bounds = array<i64: 256, 512>}, {pipeline_mode = #tpu.pipeline_mode<synchronous>, transform_indices = @transform_4, window_bounds = array<i64: 1, 512>}, {transform_indices = @transform_5, window_bounds = array<i64: 800, 512>}]} {
    %get3A = arith.constant 0 : index
    %get3A_0 = arith.constant 0 : index
    %get3A_1 = vector.load %arg1[%get3A, %get3A_0] : memref<800x128xf32, #tpu.memory_space<vmem>>, vector<800x128xf32>
    %get3A_2 = arith.constant 0 : index
    %get3A_3 = arith.constant 0 : index
    %get3A_4 = vector.load %arg2[%get3A_2, %get3A_3] : memref<128x256xf32, #tpu.memory_space<vmem>>, vector<128x256xf32>
    %dot_general3A = arith.constant dense<0.000000e+00> : vector<800x256xf32>
    %dot_general3A_5 = tpu.matmul %get3A_1, %get3A_4, %dot_general3A {dimension_numbers = #tpu.dot_dimension_numbers<[1], [0], [0], [1], [0, 0, 1, 1], [], []>, transpose_lhs_hint = false} : vector<800x128xf32>, vector<128x256xf32>, vector<800x256xf32> -> vector<800x256xf32>
    %get3A_6 = arith.constant 0 : index
    %get3A_7 = arith.constant 0 : index
    %get3A_8 = vector.load %arg3[%get3A_6, %get3A_7] : memref<1x256xf32, #tpu.memory_space<vmem>>, vector<1x256xf32>
    %add3A = vector.broadcast %get3A_8 : vector<1x256xf32> to vector<800x256xf32>
    %add3A_9 = arith.addf %dot_general3A_5, %add3A : vector<800x256xf32>
    %gt3A = arith.constant 0.000000e+00 : f32
    %gt3A_10 = vector.broadcast %gt3A : f32 to vector<800x256xf32>
    %gt3A_11 = arith.cmpf ogt, %add3A_9, %gt3A_10 : vector<800x256xf32>
    %mul3A = arith.constant 1.000000e-01 : f32
    %mul3A_12 = vector.broadcast %mul3A : f32 to vector<800x256xf32>
    %mul3A_13 = arith.mulf %mul3A_12, %add3A_9 : vector<800x256xf32>
    %select_n3A = arith.select %gt3A_11, %add3A_9, %mul3A_13 : vector<800x256xi1>, vector<800x256xf32>
    %convert_element_type3A = arith.truncf %select_n3A : vector<800x256xf32> to vector<800x256xbf16>
    %get3A_14 = arith.constant 0 : index
    %get3A_15 = arith.constant 0 : index
    %get3A_16 = vector.load %arg4[%get3A_14, %get3A_15] : memref<256x512xbf16, #tpu.memory_space<vmem>>, vector<256x512xbf16>
    %dot_general3A_17 = arith.constant dense<0.000000e+00> : vector<800x512xf32>
    %dot_general3A_18 = tpu.matmul %convert_element_type3A, %get3A_16, %dot_general3A_17 {dimension_numbers = #tpu.dot_dimension_numbers<[1], [0], [0], [1], [0, 0, 1, 1], [], []>, transpose_lhs_hint = false} : vector<800x256xbf16>, vector<256x512xbf16>, vector<800x512xf32> -> vector<800x512xf32>
    %get3A_19 = arith.constant 0 : index
    %get3A_20 = arith.constant 0 : index
    %get3A_21 = vector.load %arg5[%get3A_19, %get3A_20] : memref<1x512xf32, #tpu.memory_space<vmem>>, vector<1x512xf32>
    %add3A_22 = vector.broadcast %get3A_21 : vector<1x512xf32> to vector<800x512xf32>
    %add3A_23 = arith.addf %dot_general3A_18, %add3A_22 : vector<800x512xf32>
    %swap3A = arith.constant 0 : index
    %swap3A_24 = arith.constant 0 : index
    %swap3A_25 = vector.load %arg6[%swap3A, %swap3A_24] : memref<800x512xf32, #tpu.memory_space<vmem>>, vector<800x512xf32>
    tpu.vector_store %arg6[%swap3A, %swap3A_24], %add3A_23 {strides = array<i32>} : memref<800x512xf32, #tpu.memory_space<vmem>>, vector<800x512xf32>,
    return
  }
  func.func @transform_0(%arg0: i32) -> (i32, i32) {
    %c0_i32 = arith.constant 0 : i32
    %c0_i32_0 = arith.constant 0 : i32
    return %arg0, %c0_i32 : i32, i32
  }
  func.func @transform_1(%arg0: i32) -> (i32, i32) {
    %c0_i32 = arith.constant 0 : i32
    %c0_i32_0 = arith.constant 0 : i32
    %c0_i32_1 = arith.constant 0 : i32
    return %c0_i32, %c0_i32_0 : i32, i32
  }
  func.func @transform_2(%arg0: i32) -> (i32, i32) {
    %c0_i32 = arith.constant 0 : i32
    %c0_i32_0 = arith.constant 0 : i32
    %c0_i32_1 = arith.constant 0 : i32
    return %c0_i32, %c0_i32_0 : i32, i32
  }
  func.func @transform_3(%arg0: i32) -> (i32, i32) {
    %c0_i32 = arith.constant 0 : i32
    %c0_i32_0 = arith.constant 0 : i32
    %c0_i32_1 = arith.constant 0 : i32
    return %c0_i32, %c0_i32_0 : i32, i32
  }
  func.func @transform_4(%arg0: i32) -> (i32, i32) {
    %c0_i32 = arith.constant 0 : i32
    %c0_i32_0 = arith.constant 0 : i32
    %c0_i32_1 = arith.constant 0 : i32
    return %c0_i32, %c0_i32_0 : i32, i32
  }
  func.func @transform_5(%arg0: i32) -> (i32, i32) {
    %c0_i32 = arith.constant 0 : i32
    %c0_i32_0 = arith.constant 0 : i32
    return %arg0, %c0_i32 : i32, i32
  }
}

module attributes {stable_mosaic.version = 14 : i64} {
  func.func @_h_embed_body(%arg0: memref<10000x128xf32, #tpu.memory_space<vmem>>, %arg1: memref<128x32xf32, #tpu.memory_space<vmem>>, %arg2: memref<1x32xf32, #tpu.memory_space<vmem>>, %arg3: memref<1x32xf32, #tpu.memory_space<vmem>>, %arg4: memref<1x32xf32, #tpu.memory_space<vmem>>, %arg5: memref<10000x32xf32, #tpu.memory_space<vmem>>) attributes {dimension_semantics = [], scalar_prefetch = 0 : i64, scratch_operands = 0 : i64, tpu.core_type = #tpu.core_type<tc>} {
    %get3A = arith.constant 0 : index
    %get3A_0 = arith.constant 0 : index
    %get3A_1 = vector.load %arg0[%get3A, %get3A_0] : memref<10000x128xf32, #tpu.memory_space<vmem>>, vector<10000x128xf32>
    %get3A_2 = arith.constant 0 : index
    %get3A_3 = arith.constant 0 : index
    %get3A_4 = vector.load %arg1[%get3A_2, %get3A_3] : memref<128x32xf32, #tpu.memory_space<vmem>>, vector<128x32xf32>
    %dot_general3A = arith.constant dense<0.000000e+00> : vector<10000x32xf32>
    %dot_general3A_5 = tpu.matmul %get3A_1, %get3A_4, %dot_general3A {dimension_numbers = #tpu.dot_dimension_numbers<[1], [0], [0], [1], [0, 0, 1, 1], [], []>, transpose_lhs_hint = false} : vector<10000x128xf32>, vector<128x32xf32>, vector<10000x32xf32> -> vector<10000x32xf32>
    %get3A_6 = arith.constant 0 : index
    %get3A_7 = arith.constant 0 : index
    %get3A_8 = vector.load %arg2[%get3A_6, %get3A_7] : memref<1x32xf32, #tpu.memory_space<vmem>>, vector<1x32xf32>
    %add3A = vector.broadcast %get3A_8 : vector<1x32xf32> to vector<10000x32xf32>
    %add3A_9 = arith.addf %dot_general3A_5, %add3A : vector<10000x32xf32>
    %reduce_sum3A = arith.constant dense<0.000000e+00> : vector<32xf32>
    %reduce_sum3A_10 = vector.multi_reduction <add>, %add3A_9, %reduce_sum3A [0] : vector<10000x32xf32> to vector<32xf32>
    %broadcast_in_dim3A = vector.shape_cast %reduce_sum3A_10 : vector<32xf32> to vector<1x32xf32>
    %div3A = arith.constant 1.000000e+04 : f32
    %div3A_11 = vector.broadcast %div3A : f32 to vector<1x32xf32>
    %div3A_12 = arith.divf %broadcast_in_dim3A, %div3A_11 : vector<1x32xf32>
    %sub3A = vector.broadcast %div3A_12 : vector<1x32xf32> to vector<10000x32xf32>
    %sub3A_13 = arith.subf %add3A_9, %sub3A : vector<10000x32xf32>
    %sub3A_14 = vector.broadcast %div3A_12 : vector<1x32xf32> to vector<10000x32xf32>
    %sub3A_15 = arith.subf %add3A_9, %sub3A_14 : vector<10000x32xf32>
    %mul3A = arith.mulf %sub3A_13, %sub3A_15 : vector<10000x32xf32>
    %reduce_sum3A_16 = arith.constant dense<0.000000e+00> : vector<32xf32>
    %reduce_sum3A_17 = vector.multi_reduction <add>, %mul3A, %reduce_sum3A_16 [0] : vector<10000x32xf32> to vector<32xf32>
    %broadcast_in_dim3A_18 = vector.shape_cast %reduce_sum3A_17 : vector<32xf32> to vector<1x32xf32>
    %div3A_19 = arith.constant 1.000000e+04 : f32
    %div3A_20 = vector.broadcast %div3A_19 : f32 to vector<1x32xf32>
    %div3A_21 = arith.divf %broadcast_in_dim3A_18, %div3A_20 : vector<1x32xf32>
    %get3A_22 = arith.constant 0 : index
    %get3A_23 = arith.constant 0 : index
    %get3A_24 = vector.load %arg3[%get3A_22, %get3A_23] : memref<1x32xf32, #tpu.memory_space<vmem>>, vector<1x32xf32>
    %sub3A_25 = vector.broadcast %div3A_12 : vector<1x32xf32> to vector<10000x32xf32>
    %sub3A_26 = arith.subf %add3A_9, %sub3A_25 : vector<10000x32xf32>
    %mul3A_27 = vector.broadcast %get3A_24 : vector<1x32xf32> to vector<10000x32xf32>
    %mul3A_28 = arith.mulf %mul3A_27, %sub3A_26 : vector<10000x32xf32>
    %add3A_29 = arith.constant 9.99999974E-6 : f32
    %add3A_30 = vector.broadcast %add3A_29 : f32 to vector<1x32xf32>
    %add3A_31 = arith.addf %div3A_21, %add3A_30 : vector<1x32xf32>
    %sqrt3A = math.sqrt %add3A_31 : vector<1x32xf32>
    %div3A_32 = vector.broadcast %sqrt3A : vector<1x32xf32> to vector<10000x32xf32>
    %div3A_33 = arith.divf %mul3A_28, %div3A_32 : vector<10000x32xf32>
    %get3A_34 = arith.constant 0 : index
    %get3A_35 = arith.constant 0 : index
    %get3A_36 = vector.load %arg4[%get3A_34, %get3A_35] : memref<1x32xf32, #tpu.memory_space<vmem>>, vector<1x32xf32>
    %add3A_37 = vector.broadcast %get3A_36 : vector<1x32xf32> to vector<10000x32xf32>
    %add3A_38 = arith.addf %div3A_33, %add3A_37 : vector<10000x32xf32>
    %gt3A = arith.constant 0.000000e+00 : f32
    %gt3A_39 = vector.broadcast %gt3A : f32 to vector<10000x32xf32>
    %gt3A_40 = arith.cmpf ogt, %add3A_38, %gt3A_39 : vector<10000x32xf32>
    %mul3A_41 = arith.constant 1.000000e-01 : f32
    %mul3A_42 = vector.broadcast %mul3A_41 : f32 to vector<10000x32xf32>
    %mul3A_43 = arith.mulf %mul3A_42, %add3A_38 : vector<10000x32xf32>
    %select_n3A = arith.select %gt3A_40, %add3A_38, %mul3A_43 : vector<10000x32xi1>, vector<10000x32xf32>
    %swap3A = arith.constant 0 : index
    %swap3A_44 = arith.constant 0 : index
    %swap3A_45 = vector.load %arg5[%swap3A, %swap3A_44] : memref<10000x32xf32, #tpu.memory_space<vmem>>, vector<10000x32xf32>
    tpu.vector_store %arg5[%swap3A, %swap3A_44], %select_n3A {strides = array<i32>} : memref<10000x32xf32, #tpu.memory_space<vmem>>, vector<10000x32xf32>,
    return
  }
}

module attributes {stable_mosaic.version = 14 : i64} {
  func.func @_pq0_body(%arg0: memref<10000x32xf32, #tpu.memory_space<vmem>>, %arg1: memref<32x64xf32, #tpu.memory_space<vmem>>, %arg2: memref<32x64xf32, #tpu.memory_space<vmem>>, %arg3: memref<10000x64xf32, #tpu.memory_space<vmem>>, %arg4: memref<10000x64xf32, #tpu.memory_space<vmem>>) attributes {dimension_semantics = [], scalar_prefetch = 0 : i64, scratch_operands = 0 : i64, tpu.core_type = #tpu.core_type<tc>} {
    %get3A = arith.constant 0 : index
    %get3A_0 = arith.constant 0 : index
    %get3A_1 = vector.load %arg0[%get3A, %get3A_0] : memref<10000x32xf32, #tpu.memory_space<vmem>>, vector<10000x32xf32>
    %get3A_2 = arith.constant 0 : index
    %get3A_3 = arith.constant 0 : index
    %get3A_4 = vector.load %arg1[%get3A_2, %get3A_3] : memref<32x64xf32, #tpu.memory_space<vmem>>, vector<32x64xf32>
    %dot_general3A = arith.constant dense<0.000000e+00> : vector<10000x64xf32>
    %dot_general3A_5 = tpu.matmul %get3A_1, %get3A_4, %dot_general3A {dimension_numbers = #tpu.dot_dimension_numbers<[1], [0], [0], [1], [0, 0, 1, 1], [], []>, transpose_lhs_hint = false} : vector<10000x32xf32>, vector<32x64xf32>, vector<10000x64xf32> -> vector<10000x64xf32>
    %swap3A = arith.constant 0 : index
    %swap3A_6 = arith.constant 0 : index
    %swap3A_7 = vector.load %arg3[%swap3A, %swap3A_6] : memref<10000x64xf32, #tpu.memory_space<vmem>>, vector<10000x64xf32>
    tpu.vector_store %arg3[%swap3A, %swap3A_6], %dot_general3A_5 {strides = array<i32>} : memref<10000x64xf32, #tpu.memory_space<vmem>>, vector<10000x64xf32>,
    %get3A_8 = arith.constant 0 : index
    %get3A_9 = arith.constant 0 : index
    %get3A_10 = vector.load %arg2[%get3A_8, %get3A_9] : memref<32x64xf32, #tpu.memory_space<vmem>>, vector<32x64xf32>
    %dot_general3A_11 = arith.constant dense<0.000000e+00> : vector<10000x64xf32>
    %dot_general3A_12 = tpu.matmul %get3A_1, %get3A_10, %dot_general3A_11 {dimension_numbers = #tpu.dot_dimension_numbers<[1], [0], [0], [1], [0, 0, 1, 1], [], []>, transpose_lhs_hint = false} : vector<10000x32xf32>, vector<32x64xf32>, vector<10000x64xf32> -> vector<10000x64xf32>
    %swap3A_13 = arith.constant 0 : index
    %swap3A_14 = arith.constant 0 : index
    %swap3A_15 = vector.load %arg4[%swap3A_13, %swap3A_14] : memref<10000x64xf32, #tpu.memory_space<vmem>>, vector<10000x64xf32>
    tpu.vector_store %arg4[%swap3A_13, %swap3A_14], %dot_general3A_12 {strides = array<i32>} : memref<10000x64xf32, #tpu.memory_space<vmem>>, vector<10000x64xf32>,
    return
  }
}

module attributes {stable_mosaic.version = 14 : i64} {
  func.func @_pq1_body(%arg0: memref<10000x32xf32, #tpu.memory_space<vmem>>, %arg1: memref<2x10240x32xf32, #tpu.memory_space<vmem>>, %arg2: memref<32x64xf32, #tpu.memory_space<vmem>>, %arg3: memref<32x64xf32, #tpu.memory_space<vmem>>, %arg4: memref<10000x32xf32, #tpu.memory_space<vmem>>, %arg5: memref<10000x64xf32, #tpu.memory_space<vmem>>, %arg6: memref<10000x64xf32, #tpu.memory_space<vmem>>) attributes {dimension_semantics = [], scalar_prefetch = 0 : i64, scratch_operands = 0 : i64, tpu.core_type = #tpu.core_type<tc>} {
    %get3A = arith.constant 0 : index
    %get3A_0 = arith.constant 0 : index
    %get3A_1 = arith.constant 0 : index
    %get3A_2 = vector.load %arg1[%get3A, %get3A_0, %get3A_1] : memref<2x10240x32xf32, #tpu.memory_space<vmem>>, vector<2x10240x32xf32>
    %get3A_3 = arith.constant 0 : index
    %get3A_4 = arith.constant 0 : index
    %get3A_5 = vector.load %arg0[%get3A_3, %get3A_4] : memref<10000x32xf32, #tpu.memory_space<vmem>>, vector<10000x32xf32>
    %slice3A = vector.extract_strided_slice %get3A_2 {offsets = [0, 0, 0], sizes = [1, 10000, 32], strides = [1, 1, 1]} : vector<2x10240x32xf32> to vector<1x10000x32xf32>
    %squeeze3A = vector.shape_cast %slice3A : vector<1x10000x32xf32> to vector<10000x32xf32>
    %add3A = arith.addf %get3A_5, %squeeze3A : vector<10000x32xf32>
    %slice3A_6 = vector.extract_strided_slice %get3A_2 {offsets = [1, 0, 0], sizes = [1, 10000, 32], strides = [1, 1, 1]} : vector<2x10240x32xf32> to vector<1x10000x32xf32>
    %squeeze3A_7 = vector.shape_cast %slice3A_6 : vector<1x10000x32xf32> to vector<10000x32xf32>
    %add3A_8 = arith.addf %add3A, %squeeze3A_7 : vector<10000x32xf32>
    %swap3A = arith.constant 0 : index
    %swap3A_9 = arith.constant 0 : index
    %swap3A_10 = vector.load %arg4[%swap3A, %swap3A_9] : memref<10000x32xf32, #tpu.memory_space<vmem>>, vector<10000x32xf32>
    tpu.vector_store %arg4[%swap3A, %swap3A_9], %add3A_8 {strides = array<i32>} : memref<10000x32xf32, #tpu.memory_space<vmem>>, vector<10000x32xf32>,
    %get3A_11 = arith.constant 0 : index
    %get3A_12 = arith.constant 0 : index
    %get3A_13 = vector.load %arg2[%get3A_11, %get3A_12] : memref<32x64xf32, #tpu.memory_space<vmem>>, vector<32x64xf32>
    %dot_general3A = arith.constant dense<0.000000e+00> : vector<10000x64xf32>
    %dot_general3A_14 = tpu.matmul %add3A_8, %get3A_13, %dot_general3A {dimension_numbers = #tpu.dot_dimension_numbers<[1], [0], [0], [1], [0, 0, 1, 1], [], []>, transpose_lhs_hint = false} : vector<10000x32xf32>, vector<32x64xf32>, vector<10000x64xf32> -> vector<10000x64xf32>
    %swap3A_15 = arith.constant 0 : index
    %swap3A_16 = arith.constant 0 : index
    %swap3A_17 = vector.load %arg5[%swap3A_15, %swap3A_16] : memref<10000x64xf32, #tpu.memory_space<vmem>>, vector<10000x64xf32>
    tpu.vector_store %arg5[%swap3A_15, %swap3A_16], %dot_general3A_14 {strides = array<i32>} : memref<10000x64xf32, #tpu.memory_space<vmem>>, vector<10000x64xf32>,
    %get3A_18 = arith.constant 0 : index
    %get3A_19 = arith.constant 0 : index
    %get3A_20 = vector.load %arg3[%get3A_18, %get3A_19] : memref<32x64xf32, #tpu.memory_space<vmem>>, vector<32x64xf32>
    %dot_general3A_21 = arith.constant dense<0.000000e+00> : vector<10000x64xf32>
    %dot_general3A_22 = tpu.matmul %add3A_8, %get3A_20, %dot_general3A_21 {dimension_numbers = #tpu.dot_dimension_numbers<[1], [0], [0], [1], [0, 0, 1, 1], [], []>, transpose_lhs_hint = false} : vector<10000x32xf32>, vector<32x64xf32>, vector<10000x64xf32> -> vector<10000x64xf32>
    %swap3A_23 = arith.constant 0 : index
    %swap3A_24 = arith.constant 0 : index
    %swap3A_25 = vector.load %arg6[%swap3A_23, %swap3A_24] : memref<10000x64xf32, #tpu.memory_space<vmem>>, vector<10000x64xf32>
    tpu.vector_store %arg6[%swap3A_23, %swap3A_24], %dot_general3A_22 {strides = array<i32>} : memref<10000x64xf32, #tpu.memory_space<vmem>>, vector<10000x64xf32>,
    return
  }
}

module attributes {stable_mosaic.version = 14 : i64} {
  func.func @_out_body(%arg0: memref<10000x32xf32, #tpu.memory_space<vmem>>, %arg1: memref<2x10240x32xf32, #tpu.memory_space<vmem>>, %arg2: memref<32x128xf32, #tpu.memory_space<vmem>>, %arg3: memref<1x128xf32, #tpu.memory_space<vmem>>, %arg4: memref<1x128xf32, #tpu.memory_space<vmem>>, %arg5: memref<1x128xf32, #tpu.memory_space<vmem>>, %arg6: memref<10000x128xf32, #tpu.memory_space<vmem>>) attributes {dimension_semantics = [], scalar_prefetch = 0 : i64, scratch_operands = 0 : i64, tpu.core_type = #tpu.core_type<tc>} {
    %get3A = arith.constant 0 : index
    %get3A_0 = arith.constant 0 : index
    %get3A_1 = arith.constant 0 : index
    %get3A_2 = vector.load %arg1[%get3A, %get3A_0, %get3A_1] : memref<2x10240x32xf32, #tpu.memory_space<vmem>>, vector<2x10240x32xf32>
    %get3A_3 = arith.constant 0 : index
    %get3A_4 = arith.constant 0 : index
    %get3A_5 = vector.load %arg0[%get3A_3, %get3A_4] : memref<10000x32xf32, #tpu.memory_space<vmem>>, vector<10000x32xf32>
    %slice3A = vector.extract_strided_slice %get3A_2 {offsets = [0, 0, 0], sizes = [1, 10000, 32], strides = [1, 1, 1]} : vector<2x10240x32xf32> to vector<1x10000x32xf32>
    %squeeze3A = vector.shape_cast %slice3A : vector<1x10000x32xf32> to vector<10000x32xf32>
    %add3A = arith.addf %get3A_5, %squeeze3A : vector<10000x32xf32>
    %slice3A_6 = vector.extract_strided_slice %get3A_2 {offsets = [1, 0, 0], sizes = [1, 10000, 32], strides = [1, 1, 1]} : vector<2x10240x32xf32> to vector<1x10000x32xf32>
    %squeeze3A_7 = vector.shape_cast %slice3A_6 : vector<1x10000x32xf32> to vector<10000x32xf32>
    %add3A_8 = arith.addf %add3A, %squeeze3A_7 : vector<10000x32xf32>
    %get3A_9 = arith.constant 0 : index
    %get3A_10 = arith.constant 0 : index
    %get3A_11 = vector.load %arg2[%get3A_9, %get3A_10] : memref<32x128xf32, #tpu.memory_space<vmem>>, vector<32x128xf32>
    %dot_general3A = arith.constant dense<0.000000e+00> : vector<10000x128xf32>
    %dot_general3A_12 = tpu.matmul %add3A_8, %get3A_11, %dot_general3A {dimension_numbers = #tpu.dot_dimension_numbers<[1], [0], [0], [1], [0, 0, 1, 1], [], []>, transpose_lhs_hint = false} : vector<10000x32xf32>, vector<32x128xf32>, vector<10000x128xf32> -> vector<10000x128xf32>
    %get3A_13 = arith.constant 0 : index
    %get3A_14 = arith.constant 0 : index
    %get3A_15 = vector.load %arg3[%get3A_13, %get3A_14] : memref<1x128xf32, #tpu.memory_space<vmem>>, vector<1x128xf32>
    %add3A_16 = vector.broadcast %get3A_15 : vector<1x128xf32> to vector<10000x128xf32>
    %add3A_17 = arith.addf %dot_general3A_12, %add3A_16 : vector<10000x128xf32>
    %reduce_sum3A = arith.constant dense<0.000000e+00> : vector<128xf32>
    %reduce_sum3A_18 = vector.multi_reduction <add>, %add3A_17, %reduce_sum3A [0] : vector<10000x128xf32> to vector<128xf32>
    %broadcast_in_dim3A = vector.shape_cast %reduce_sum3A_18 : vector<128xf32> to vector<1x128xf32>
    %div3A = arith.constant 1.000000e+04 : f32
    %div3A_19 = vector.broadcast %div3A : f32 to vector<1x128xf32>
    %div3A_20 = arith.divf %broadcast_in_dim3A, %div3A_19 : vector<1x128xf32>
    %sub3A = vector.broadcast %div3A_20 : vector<1x128xf32> to vector<10000x128xf32>
    %sub3A_21 = arith.subf %add3A_17, %sub3A : vector<10000x128xf32>
    %sub3A_22 = vector.broadcast %div3A_20 : vector<1x128xf32> to vector<10000x128xf32>
    %sub3A_23 = arith.subf %add3A_17, %sub3A_22 : vector<10000x128xf32>
    %mul3A = arith.mulf %sub3A_21, %sub3A_23 : vector<10000x128xf32>
    %reduce_sum3A_24 = arith.constant dense<0.000000e+00> : vector<128xf32>
    %reduce_sum3A_25 = vector.multi_reduction <add>, %mul3A, %reduce_sum3A_24 [0] : vector<10000x128xf32> to vector<128xf32>
    %broadcast_in_dim3A_26 = vector.shape_cast %reduce_sum3A_25 : vector<128xf32> to vector<1x128xf32>
    %div3A_27 = arith.constant 1.000000e+04 : f32
    %div3A_28 = vector.broadcast %div3A_27 : f32 to vector<1x128xf32>
    %div3A_29 = arith.divf %broadcast_in_dim3A_26, %div3A_28 : vector<1x128xf32>
    %get3A_30 = arith.constant 0 : index
    %get3A_31 = arith.constant 0 : index
    %get3A_32 = vector.load %arg4[%get3A_30, %get3A_31] : memref<1x128xf32, #tpu.memory_space<vmem>>, vector<1x128xf32>
    %sub3A_33 = vector.broadcast %div3A_20 : vector<1x128xf32> to vector<10000x128xf32>
    %sub3A_34 = arith.subf %add3A_17, %sub3A_33 : vector<10000x128xf32>
    %mul3A_35 = vector.broadcast %get3A_32 : vector<1x128xf32> to vector<10000x128xf32>
    %mul3A_36 = arith.mulf %mul3A_35, %sub3A_34 : vector<10000x128xf32>
    %add3A_37 = arith.constant 9.99999974E-6 : f32
    %add3A_38 = vector.broadcast %add3A_37 : f32 to vector<1x128xf32>
    %add3A_39 = arith.addf %div3A_29, %add3A_38 : vector<1x128xf32>
    %sqrt3A = math.sqrt %add3A_39 : vector<1x128xf32>
    %div3A_40 = vector.broadcast %sqrt3A : vector<1x128xf32> to vector<10000x128xf32>
    %div3A_41 = arith.divf %mul3A_36, %div3A_40 : vector<10000x128xf32>
    %get3A_42 = arith.constant 0 : index
    %get3A_43 = arith.constant 0 : index
    %get3A_44 = vector.load %arg5[%get3A_42, %get3A_43] : memref<1x128xf32, #tpu.memory_space<vmem>>, vector<1x128xf32>
    %add3A_45 = vector.broadcast %get3A_44 : vector<1x128xf32> to vector<10000x128xf32>
    %add3A_46 = arith.addf %div3A_41, %add3A_45 : vector<10000x128xf32>
    %gt3A = arith.constant 0.000000e+00 : f32
    %gt3A_47 = vector.broadcast %gt3A : f32 to vector<10000x128xf32>
    %gt3A_48 = arith.cmpf ogt, %add3A_46, %gt3A_47 : vector<10000x128xf32>
    %mul3A_49 = arith.constant 1.000000e-01 : f32
    %mul3A_50 = vector.broadcast %mul3A_49 : f32 to vector<10000x128xf32>
    %mul3A_51 = arith.mulf %mul3A_50, %add3A_46 : vector<10000x128xf32>
    %select_n3A = arith.select %gt3A_48, %add3A_46, %mul3A_51 : vector<10000x128xi1>, vector<10000x128xf32>
    %swap3A = arith.constant 0 : index
    %swap3A_52 = arith.constant 0 : index
    %swap3A_53 = vector.load %arg6[%swap3A, %swap3A_52] : memref<10000x128xf32, #tpu.memory_space<vmem>>, vector<10000x128xf32>
    tpu.vector_store %arg6[%swap3A, %swap3A_52], %select_n3A {strides = array<i32>} : memref<10000x128xf32, #tpu.memory_space<vmem>>, vector<10000x128xf32>,
    return
  }
}

</mosaic_0001>

<sc_bundles>
// kernel: kernel.11.cloned.1.call-start
scs
__scs_entry_jumppad:
0x0: {  	(pc) =	sbr.rel $0x88, $3  }
0x1: {  	(tag) =	ssettag $0x0;
	lr =	simm.s32 $0x1  }
0x2: {  	[smem:$0x3F8A] =	sst lr;
	_ =	strace $0xD0000000  }
0x3: {  	_ = 	snop  }
0x4: {  	_ = 	snop  }
0x5: {  	_ = 	snop  }
0x6: {  	_ = 	snop  }
0x7: {  	_ = 	snop  }
__scs_overlays_trampoline_lowered:
0x8: {  	[smem:$0x3F99] =	sst s0  }
0x9: {  	[smem:$0x3F9A] =	sst s1  }
0xa: {  	[smem:$0x3F9B] =	sst s2  }
0xb: {  	[smem:$0x3F9C] =	sst s3  }
0xc: {  	[smem:$0x3F9D] =	sst s4  }
0xd: {  	[smem:$0x3F9E] =	sst s5  }
0xe: {  	[smem:$0x3F9F] =	sst s6  }
0xf: {  	[smem:$0x3FA0] =	sst s7  }
0x10: {  	[smem:$0x3FA1] =	sst s8  }
0x11: {  	[smem:$0x3FA2] =	sst s9;
	s0 =	simm.s32 @!p0 $0x0  }
0x12: {  	s1 =	sld [smem:$0x3F88];
	s0 =	simm.s32 @p0 $0x1  }
0x13: {  	[smem:$0x3FA3] =	sst s0;
	s0 =	simm.s32 @!p1 $0x0  }
0x14: {  	s2 =	sld [smem:$0x3F87];
	s0 =	simm.s32 @p1 $0x1  }
0x15: {  	[smem:$0x3FA4] =	sst s0;
	s0 =	simm.s32 @!p2 $0x0  }
0x16: {  	s3 =	sld [smem:$0x3FDB];
	s0 =	simm.s32 @p2 $0x1  }
0x17: {  	s4 =	simm.s32 $0x1BF5;
	[smem:$0x3FA6] =	sst s0  }
0x18: {  	s0 =	sld [smem:$0x3F89];
	_ =	swait.ge [sflag:s4], $0x0  }
0x19: {  	s7 =	sld [smem:$0x3F8A]  }
0x1a: {  	s8 =	sadd.s32 $0xFFFFE003, lr  }
0x1b: {  	s9 =	sadd.s32 $0xFFFFFEF7, lr;
	s5 =	simm.s32 $0xFFFFFFFF;
	p2 =	slt.u32 s8, $0xFFFFF086  }
0x1c: {  	p1 =	slt.u32 s9, $0xF7A;
	s5 =	simm.s32 @!p2 $0x0  }
0x1d: {  	s5 =	simm.s32 @p1 $0x1;
	p0 =	seq.s32 s7, s2  }
0x1e: {  	s7 =	smul.u32 @!p0 $0xF7A, s2;
	p2 =	seq.s32 @!p0 s5, $0x0  }
0x1f: {  	s9 =	smul.u32 $0xF7A, s1;
	s8 =	simm.s32 @!p0 $0x1BF5;
	p2 =	por !p2, p0  }
0x20: {  	[sflag:s8] =	ssyncset.s32 @!p0 $0xFFFFF086;
	s6 =	sadd.s32 @!p0 s3, s7;
	s7 =	simm.s32 @!p0 $0x108  }
0x21: {  	s3 =	sadd.s32 s3, s9;
	s6 =	sadd.s32 @!p0 $0x88, s6;
	s7 =	simm.s32 @p2 $0x1082  }
0x22: {  	[simem:s7], [sflag:s8] =	dma.local @!p0 [hbm:s6], $0xF7A  }
0x23: {  	s9 =	sor.u32 $0xD0000000, s2;
	s6 =	simm.s32 $0x108;
	_ =	swait.ge @!p0 [sflag:s8], $0x0  }
0x24: {  	s3 =	sadd.s32 $0x88, s3;
	s6 =	simm.s32 @!p1 $0x1082;
	[sflag:s4] =	ssyncset.s32 $0xFFFFF086  }
0x25: {  	[simem:s6], [sflag:s4] =	dma.local [hbm:s3], $0xF7A  }
0x26: {  	[smem:$0x3F8A] =	sst s1;
	(tag) =	ssettag s2;
	_ =	strace s9  }
0x27: {  	s1 =	sld [smem:$0x3F9A]  }
0x28: {  	s2 =	sld [smem:$0x3F9B]  }
0x29: {  	s4 =	sld [smem:$0x3F9D]  }
0x2a: {  	p0 =	seq.s32 s5, $0x0;
	s5 =	sld [smem:$0x3F9E]  }
0x2b: {  	s6 =	sld [smem:$0x3F9F]  }
0x2c: {  	s7 =	sld [smem:$0x3FA0]  }
0x2d: {  	s3 =	simm.s32 $0x108;
	s8 =	sld [smem:$0x3FA1]  }
0x2e: {  	s3 =	simm.s32 @!p0 $0x1082;
	s9 =	sld [smem:$0x3FA2]  }
0x2f: {  	lr =	sadd.s32 s0, s3;
	s0 =	sld [smem:$0x3F99]  }
0x30: {  	s3 =	sld [smem:$0x3F9C]  }
0x31: {  	[smem:$0x3FA5] =	sst s10  }
0x32: {  	s10 =	sld [smem:$0x3FA3];
	_ =	sdelay $0x3  }
0x33: {  	p0 =	seq.s32 s10, $0x1;
	s10 =	sld [smem:$0x3FA5];
	_ =	sdelay $0x3  }
0x34: {  	[smem:$0x3FA5] =	sst s10  }
0x35: {  	s10 =	sld [smem:$0x3FA4];
	_ =	sdelay $0x3  }
0x36: {  	p1 =	seq.s32 s10, $0x1;
	s10 =	sld [smem:$0x3FA5];
	_ =	sdelay $0x3  }
0x37: {  	[smem:$0x3FA5] =	sst s10  }
0x38: {  	s10 =	sld [smem:$0x3FA6]  }
0x39: {  	_ = 	snop;
	(pc) =	sbr.ind lr, $3  }
0x3a: {  	_ = 	snop  }
0x3b: {  	_ = 	snop  }
0x3c: {  	p2 =	seq.s32 s10, $0x1;
	s10 =	sld [smem:$0x3FA5]  }
0x3d: {  	_ =	shalt  }
0x3e: {  	_ =	shalt  }
0x3f: {  	_ =	shalt  }
0x40: {  	_ =	shalt  }
0x41: {  	_ =	shalt  }
0x42: {  	_ =	shalt  }
0x43: {  	_ =	shalt  }
0x44: {  	_ =	shalt  }
0x45: {  	_ =	shalt  }
0x46: {  	_ =	shalt  }
0x47: {  	_ =	shalt  }
0x48: {  	_ =	shalt  }
0x49: {  	_ =	shalt  }
0x4a: {  	_ =	shalt  }
0x4b: {  	_ =	shalt  }
0x4c: {  	_ =	shalt  }
0x4d: {  	_ =	shalt  }
0x4e: {  	_ =	shalt  }
0x4f: {  	_ =	shalt  }
0x50: {  	_ =	shalt  }
0x51: {  	_ =	shalt  }
0x52: {  	_ =	shalt  }
0x53: {  	_ =	shalt  }
0x54: {  	_ =	shalt  }
0x55: {  	_ =	shalt  }
0x56: {  	_ =	shalt  }
0x57: {  	_ =	shalt  }
0x58: {  	_ =	shalt  }
0x59: {  	_ =	shalt  }
0x5a: {  	_ =	shalt  }
0x5b: {  	_ =	shalt  }
0x5c: {  	_ =	shalt  }
0x5d: {  	_ =	shalt  }
0x5e: {  	_ =	shalt  }
0x5f: {  	_ =	shalt  }
0x60: {  	_ =	shalt  }
0x61: {  	_ =	shalt  }
0x62: {  	_ =	shalt  }
0x63: {  	_ =	shalt  }
0x64: {  	_ =	shalt  }
0x65: {  	_ =	shalt  }
0x66: {  	_ =	shalt  }
0x67: {  	_ =	shalt  }
0x68: {  	_ =	shalt  }
0x69: {  	_ =	shalt  }
0x6a: {  	_ =	shalt  }
0x6b: {  	_ =	shalt  }
0x6c: {  	_ =	shalt  }
0x6d: {  	_ =	shalt  }
0x6e: {  	_ =	shalt  }
0x6f: {  	_ =	shalt  }
0x70: {  	_ =	shalt  }
0x71: {  	_ =	shalt  }
0x72: {  	_ =	shalt  }
0x73: {  	_ =	shalt  }
0x74: {  	_ =	shalt  }
0x75: {  	_ =	shalt  }
0x76: {  	_ =	shalt  }
0x77: {  	_ =	shalt  }
0x78: {  	_ =	shalt  }
0x79: {  	_ =	shalt  }
0x7a: {  	_ =	shalt  }
0x7b: {  	_ =	shalt  }
0x7c: {  	_ =	shalt  }
0x7d: {  	_ =	shalt  }
0x7e: {  	_ =	shalt  }
0x7f: {  	_ =	shalt  }
0x80: {  	_ =	shalt  }
0x81: {  	_ =	shalt  }
0x82: {  	_ =	shalt  }
0x83: {  	_ =	shalt  }
0x84: {  	_ =	shalt  }
0x85: {  	_ =	shalt  }
0x86: {  	_ =	shalt  }
0x87: {  	_ =	shalt  }
.Lfunc_end0:
.L_simem_size_0:
called_computation.2_lowered:
.L_overlay_start_0:
0x88: {  	s2 =	sld [smem:$0x3FD9]  }
0x89: {  	s3 =	sld [smem:$0x3FFE];
	_ =	sdelay $0x1  }
0x8a: {  	s1 =	srdreg.scid  }
0x8b: {  	s0 =	sand.u32 $0x1, s1  }
0x8c: {  	s16 =	sshll.u32 s0, $0xA;
	s2 =	sadd.s32 s3, s2  }
0x8d: {  	s2 =	sadd.s32 s2, s16  }
0x8e: {  	[smem:$0x3FB1] =	sst s2  }
0x8f: {  	_ = 	snop  }
0x90: {  	(tm) =	ssettm $0x1  }
0x91: {  	s17 =	sld [smem:$0x3FFB];
	_ =	sdelay $0x3  }
0x92: {  	_ =	strace s17  }
0x93: {  	s2 =	sld [smem:$0x3FFC];
	_ =	sdelay $0x3  }
0x94: {  	_ =	strace s2  }
0x95: {  	s2 =	sld [smem:$0x3FFD];
	_ =	sdelay $0x3  }
0x96: {  	_ =	strace s2  }
0x97: {  	_ =	strace $0x8FFFFFFF  }
0x98: {  	s18 =	sld [smem:$0x3FDB];
	_ =	sdelay $0x1  }
0x99: {  	s19 =	simm.s32 $_scs_section_size  }
0x9a: {  	s4 =	simm.s32 $_size__tile_overlayer_lowered;
	s5 =	simm.s32 $_tile_overlayer_lowered  }
0x9b: {  	s22 =	simm.s32 $0x1BFF;
	s21 =	sshll.u32 s5, $0x1;
	s2 =	sadd.s32 s19, s18  }
0x9c: {  	s6 =	simm.s32 $0x0;
	s20 =	sshll.u32 s4, $0x1;
	s4 =	sadd.s32 s21, s2  }
0x9d: {  	[timem:s6], [sflag:s22] =	dma.local [hbm:s4], s20  }
0x9e: {  	_ =	swait.ge [sflag:s22], s20  }
0x9f: {  	s3 =	ssub.s32 $0x0, s20;
	[sflag:s22] =	ssyncset.done $0x0  }
0xa0: {  	[sflag:s22] =	ssyncadd.s32 s3;
	_ =	sdelay $0x1  }
0xa1: {  	s23 =	simm.s32 $0x1B8B  }
0xa2: {  	_ =	swait.ge [sflag:s23], $0x1  }
0xa3: {  	[sflag:s23] =	ssyncset.done $0x0  }
0xa4: {  	s25 =	simm.s32 $0x1B8E;
	s24 =	sld [smem:$0x3FFE];
	[sflag:s23] =	ssyncadd.s32 $0xFFFFFFFF  }
0xa5: {  	s26 =	simm.s32 $execute0_lowered;
	[smem:$0x3FD2] =	sst s25  }
0xa6: {  	s4 =	sshll.u32 s26, $0x1;
	_ =	strace $0x80000049;
	[dreg:$0x1] =	wrdreg $0xFFFFFFFF  }
0xa7: {  	s28 =	simm.s32 $_size_execute0_lowered;
	s2 =	sadd.s32 s2, s4;
	[dreg:$0x0] =	wrdreg $0x0  }
0xa8: {  	s4 =	sshll.u32 s28, $0x1;
	[dreg:$0x2] =	wrdreg s2  }
0xa9: {  	[dreg:$0x3] =	wrdreg s4  }
0xaa: {  	[dreg:$0x4] =	wrdreg $0xC0  }
0xab: {  	_ =	task [dreg:s6], $0x5FFFF  }
0xac: {  	[dreg:$0x1] =	wrdreg $0xFFFFFFFF  }
0xad: {  	[dreg:$0x0] =	wrdreg $0x60  }
0xae: {  	[dreg:$0x2] =	wrdreg s24  }
0xaf: {  	[dreg:$0x3] =	wrdreg $0x17AC00  }
0xb0: {  	[dreg:$0x4] =	wrdreg $0xA  }
0xb1: {  	_ =	task.clear_ibuf [dreg:s6], $0x5FFFF;
	_ =	strace $0x90000049  }
0xb2: {  	s29 =	simm.s32 $0xA;
	_ =	strace $0x8000004B  }
0xb3: {  	_ =	swait.ge [sflag:s29], $0x1  }
0xb4: {  	[sflag:s29] =	ssyncadd.s32 $0xFFFFFFFF  }
0xb5: {  	_ =	strace $0x9000004B  }
0xb6: {  	_ =	sfence  }
0xb7: {  	s30 =	sld [smem:$0x0];
	_ =	sdelay $0x2  }
0xb8: {  	s31 =	sshll.u32 s1, $0xD;
	s1 =	sshrl.u32 s1, $0x2  }
0xb9: {  	s3 =	sand.u32 $0x4000, s31;
	s1 =	sadd.s32 s1, s30  }
0xba: {  	s0 =	sor.u32 s3, s0;
	s1 =	sshll.u32 s1, $0x11  }
0xbb: {  	s0 =	sor.u32 s1, s0  }
0xbc: {  	s0 =	sadd.s32 $0x8F2B, s0  }
0xbd: {  	[sflag:s0] =	ssyncadd.remote.s32 $0x1  }
0xbe: {  	_ =	sfence.sel $0xFFFF  }
0xbf: {  	[dreg:$0x0] =	wrdreg $0xFFFFFFFF;
	(pc) =	sbr.abs _section_cstart, $3  }
0xc0: {  	[dreg:$0x1] =	wrdreg $0xFFFFFFFF  }
0xc1: {  	_ =	task.clear_ibuf [dreg:s6], $0x2FFFF;
	_ =	strace $0x9FFFFFFF  }
0xc2: {  	(tm) =	ssettm $0x7FFFFFFF  }
0xc3: {  	_ =	shalt  }
tec
execute0_lowered:
.L_overlay_start_1:
0x0: {  	(tag) =	ssettag $0x1  }
0x1: {  	s1 =	rddreg [dreg:$0x0]  }
0x2: {  	s0 =	srdreg.scid;
	s2 =	rddreg [dreg:$0x1]  }
0x3: {  	s13 =	stileid.u32;
	s3 =	simm.s32 $0x0;
	s15 =	simm.s32 $0x5  }
0x4: {  	s18 =	simm.s32 $0x7D;
	s28 =	simm.s32 $0x1;
	s29 =	simm.s32 $0x10B80  }
0x5: {  	s30 =	simm.s32 $0x2;
	s31 =	simm.s32 $0x11B20;
	s19 =	simm.s32 $0x4  }
0x6: {  	s20 =	simm.s32 $0x0;
	[smem:$0x7FF] =	sst s3;
	s10 =	smul.u32 $0x5000, s13  }
0x7: {  	s0 =	sand.u32 $0x1, s0;
	s5 =	sadd.s32 $0x58A400, s1;
	s6 =	sadd.s32 $0x319400, s1  }
0x8: {  	s22 =	smul.u32 $0x14000, s13;
	s4 =	sshll.u32 s0, $0x4;
	_ =	strace $0x8000004A  }
0x9: {  	s9 =	smul.u32 $0x50000, s0;
	s0 =	ssub.s32 $0x2, s0;
	s8 =	sor.u32 s13, s4  }
0xa: {  	s4 =	sadd.s32 $0x59DE00, s1;
	s21 =	sshrl.u32 s0, $0x1;
	s7 =	smul.u32 $0x500, s8  }
0xb: {  	s9 =	sadd.s32 s10, s9;
	s12 =	smul.u32 $0x9C400, s8;
	s0 =	ssub.s32 s0, s21  }
0xc: {  	s9 =	sshrl.u32 s9, $0x3;
	s14 =	smax.u32 s0, $0x1;
	s0 =	simm.s32 $0x3  }
0xd: {  	s11 =	sadd.s32 s7, s1;
	s7 =	smul.u32 $0x50, s8;
	s1 =	sadd.s32 s9, s1  }
0xe: {  	s8 =	smul.u32 $0x13880, s8;
	s24 =	sshrl.u32 s12, $0x3;
	s9 =	sshrl.u32 s22, $0x2  }
0xf: {  	s23 =	sadd.s32 $0x5BB800, s11;
	s11 =	sadd.s32 $0x5B1800, s11;
	s25 =	sadd.s32 s6, s24  }
.Ltmp0:
0x10: {  	s10 =	sadd.s32 s9, s2;
	[dreg:$0x3] =	wrdreg s23;
	(pc) =	sbr.rel .LBB2_1-.Ltmp0, $4  }
0x11: {  	s1 =	sadd.s32 $0xA8400, s1;
	s9 =	simm.s32 $0x2800;
	[dreg:$0x4] =	wrdreg s11  }
0x12: {  	s8 =	sadd.s32 s6, s8;
	s26 =	sadd.s32 $0x3E8, s25;
	[dreg:$0x7] =	wrdreg s1  }
0x13: {  	s11 =	simm.s32 $0x12AC0;
	s23 =	simm.s32 $0x6F40;
	[dreg:$0x5] =	wrdreg s8  }
0x14: {  	v0 =	vimm.f32 $0.0e+00;
	s25 =	simm.s32 $0xADC0;
	[dreg:$0x6] =	wrdreg s26;
	s26 =	simm.s32 $0xEC40  }
.LBB2_10:
0x15: {  	_ =	swait.ge [sflag:s0], $0xFA0  }
0x16: {  	[sflag:s0] =	ssyncset.done $0x0  }
0x17: {  	[sflag:s0] =	ssyncadd.s32 $0xFFFFF060  }
0x18: {  	_ =	swait.ge [sflag:s19], $0xFA0  }
0x19: {  	s1 =	stileid.u32;
	[sflag:s19] =	ssyncset.done $0x0  }
0x1a: {  	s8 =	sshrl.u32 s10, $0x3;
	s20 =	sadd.s32 $0x1, s20;
	[sflag:s19] =	ssyncadd.s32 $0xFFFFF060  }
0x1b: {  	s1 =	sshll.u32 s1, $0x6;
	p0 =	sne.s32 s20, s14;
	[bflag:$0x0] =	sbarrier.arrive $0xFFFF  }
.Ltmp1:
0x1c: {  	s1 =	sor.u32 $0x1C05, s1;
	s9 =	rddreg [dreg:$0x7];
	(pc) =	sbr.rel @!p0 .LBB2_11-.Ltmp1, $4  }
0x1d: {  	[hbm:s9], [sflag:s1] =	dma.local [spmem:s8], $0xA00  }
0x1e: {  	_ =	swait.ge [sflag:s15], $0xA00  }
0x1f: {  	[sflag:s15] =	ssyncset.done $0x0  }
0x20: {  	s11 =	simm.s32 $0x12AC0;
	s9 =	simm.s32 $0x2800;
	[sflag:s15] =	ssyncadd.s32 $0xFFFFF600  }
.LBB2_1:
0x21: {  	s1 =	rddreg [dreg:$0x3]  }
0x22: {  	[tilespmem:s3], [sflag:$0x5] =	stream.linear.gather [hbm4b:s1+s3], $0x2800, $0x38;
	[tilespmem:$0x1CAC0] =	vst v63  }
0x23: {  	_ =	swait.ge [sflag:s15], $0x2800  }
0x24: {  	[sflag:s15] =	ssyncset.done $0x0  }
0x25: {  	s24 =	rddreg [dreg:$0x4];
	[sflag:s15] =	ssyncadd.s32 $0xFFFFD800  }
0x26: {  	[tilespmem:s9], [sflag:$0x5] =	stream.linear.gather [hbm4b:s24+s3], $0x2800, $0x38;
	[tilespmem:$0x1CAC0] =	vst v63  }
0x27: {  	_ =	swait.ge [sflag:s15], $0x2800  }
0x28: {  	[sflag:s15] =	ssyncset.done $0x0  }
0x29: {  	[sflag:s15] =	ssyncadd.s32 $0xFFFFD800  }
0x2a: {  	s8 =	simm.s32 $0x12AC0;
	s1 =	simm.s32 $0x1;
	[tilespmem:s11+$0x0] =	vst v0  }
.LBB2_2:
0x2b: {  	p0 =	sne.s32 s1, $0x4FF  }
.Ltmp2:
0x2c: {  	_ = 	snop;
	(pc) =	sbr.rel @p0 .LBB2_2-.Ltmp2, $3  }
0x2d: {  	_ =	sdelay $0x1  }
0x2e: {  	s1 =	sadd.s32 $0x1, s1;
	s8 =	sadd.s32 $0x10, s8  }
0x2f: {  	[tilespmem:s8+$0x0] =	vst v0  }
0x30: {  	[spmem:s10] =	stream.linear.scatter [tilespmem:s11], [sflag:$0x5], $0x5000, $0x38;
	[tilespmem:$0x1CAC0] =	vst v63  }
0x31: {  	_ =	swait.ge [sflag:s15], $0x5000  }
0x32: {  	[sflag:s15] =	ssyncset.done $0x0  }
0x33: {  	[sflag:s15] =	ssyncadd.s32 $0xFFFFB000  }
0x34: {  	s21 =	simm.s32 $0x0;
	s1 =	simm.s32 $0x5000;
	[bflag:$0x0] =	sbarrier.arrive $0xFFFF  }
0x35: {  	[tilespmem:s1], [sflag:$0x1] =	stream.indirect.gather [hbm4b:s4+s18], $0x40, s21, s18, $0xb8;
	[tilespmem:$0x1CAC0] =	vst v63  }
0x36: {  	s13 =	simm.s32 $0x8E80  }
0x37: {  	[tilespmem:s13], [sflag:$0x1] =	stream.indirect.gather [hbm4b:s5+s18], $0x40, s9, s18, $0xb8;
	[tilespmem:$0x1CAC0] =	vst v63  }
0x38: {  	s8 =	simm.s32 $0xCD00;
	s16 =	rddreg [dreg:$0x5]  }
0x39: {  	[tilespmem:s8], [sflag:$0x1] =	stream.linear.gather [hbm4b:s16+s21], $0x1F40, $0x38;
	[tilespmem:$0x1CAC0] =	vst v63  }
0x3a: {  	s17 =	simm.s32 $0x80  }
0x3b: {  	[tilespmem:s23], [sflag:$0x2] =	stream.indirect.gather [hbm4b:s4+s18], $0x40, s17, s18, $0xb8;
	[tilespmem:$0x1CAC0] =	vst v63  }
0x3c: {  	s22 =	simm.s32 $0x2880  }
0x3d: {  	[tilespmem:s25], [sflag:$0x2] =	stream.indirect.gather [hbm4b:s5+s18], $0x40, s22, s18, $0xb8;
	[tilespmem:$0x1CAC0] =	vst v63  }
0x3e: {  	s24 =	rddreg [dreg:$0x6]  }
0x3f: {  	[tilespmem:s26], [sflag:$0x2] =	stream.linear.gather [hbm4b:s24+s21], $0x1F40, $0x38;
	[tilespmem:$0x1CAC0] =	vst v63  }
.LBB2_4:
0x40: {  	_ =	swait.ge [sflag:s28], $0x1F40  }
0x41: {  	[sflag:s28] =	ssyncset.done $0x0  }
0x42: {  	[sflag:s28] =	ssyncadd.s32 $0xFFFFE0C0  }
0x43: {  	_ =	swait.ge [sflag:s28], $0x1F40  }
0x44: {  	[sflag:s28] =	ssyncset.done $0x0  }
0x45: {  	[sflag:s28] =	ssyncadd.s32 $0xFFFFE0C0  }
0x46: {  	_ =	swait.ge [sflag:s28], $0x1F40  }
0x47: {  	p0 =	seq.s32 s21, $0x0;
	[sflag:s28] =	ssyncset.done $0x0  }
0x48: {  	s1 =	simm.s32 @!p0 $0x3;
	[sflag:s28] =	ssyncadd.s32 $0xFFFFE0C0  }
0x49: {  	_ =	swait.ge @!p0 [sflag:s1], $0xFA0  }
0x4a: {  	[sflag:s1] =	ssyncset.done @!p0 $0x0  }
0x4b: {  	s11 =	simm.s32 $0x50A0;
	[sflag:s1] =	ssyncadd.s32 @!p0 $0xFFFFF060  }
0x4c: {  	s9 =	simm.s32 $0x8F20;
	v1 =	vld [tilespmem:s11+$0x80]  }
0x4d: {  	v2 =	vld [tilespmem:s9+$0x80]  }
0x4e: {  	s8 =	simm.s32 $0xCDA0  }
0x4f: {  	v3 =	vld [tilespmem:s8+$0x80];
	_ =	sdelay $0x1  }
0x50: {  	v4 =	vld [tilespmem:s11+$0xFFFFFF80]  }
0x51: {  	v5 =	vld [tilespmem:s11+$0xFFFFFFC0];
	v1 =	vadd.f32 v2, v1  }
0x52: {  	v8 =	vld [tilespmem:s9+$0x0]  }
0x53: {  	v9 =	vld [tilespmem:s11+$0x40];
	v6 =	vadd.f32 v3, v1  }
0x54: {  	v10 =	vld [tilespmem:s8+$0xFFFFFF80]  }
0x55: {  	v2 =	vld [tilespmem:s9+$0xFFFFFF80];
	v7 =	vand.u32 $0x7FFFFFFF, v6  }
0x56: {  	v1 =	vld [tilespmem:s9+$0xFFFFFFC0];
	v7 =	vsub.f32 $0.0e+00, v7  }
0x57: {  	v11 =	vld [tilespmem:s8+$0xFFFFFFC0]  }
0x58: {  	v3 =	vld [tilespmem:s11+$0x0];
	v7 =	vmul.f32 $1.442695020e+00, v7  }
0x59: {  	v12 =	vld [tilespmem:s9+$0x40]  }
0x5a: {  	v2 =	vadd.f32 v2, v4;
	v4 =	vld [tilespmem:s8+$0x0];
	(erf) = vpow2.f32 v7  }
0x5b: {  	v1 =	vadd.f32 v1, v5;
	v5 =	vld [tilespmem:s8+$0x40]  }
0x5c: {  	v13 =	vld [tilespmem:s11+$0xFFFFFFE0];
	v10 =	vadd.f32 v10, v2  }
0x5d: {  	v16 =	vld [tilespmem:s8+$0x60];
	v2 =	vadd.f32 v8, v3;
	v3 =	vadd.f32 v11, v1  }
0x5e: {  	v18 =	vld [tilespmem:s9+$0xFFFFFFE0];
	v1 =	vadd.f32 v12, v9;
	v11 =	vand.u32 $0x7FFFFFFF, v10  }
0x5f: {  	v12 =	vld [tilespmem:s11+$0x60];
	v2 =	vadd.f32 v4, v2;
	v4 =	vsub.f32 $0.0e+00, v11;
	v11 =	vand.u32 $0x7FFFFFFF, v3  }
0x60: {  	v1 =	vadd.f32 v5, v1;
	v5 =	vsub.f32 $0.0e+00, v11;
	v11 =	vld [tilespmem:s9+$0x60]  }
0x61: {  	v8 =	vld [tilespmem:s11+$0xFFFFFFA0];
	v4 =	vmul.f32 $1.442695020e+00, v4;
	v14 =	vand.u32 $0x7FFFFFFF, v2  }
0x62: {  	v7 =	vld [tilespmem:s9+$0xFFFFFF60];
	v14 =	vsub.f32 $0.0e+00, v14  }
0x63: {  	v9 =	vld [tilespmem:s9+$0xFFFFFFA0];
	v15 =	vand.u32 $0x7FFFFFFF, v1;
	v5 =	vmul.f32 $1.442695020e+00, v5;
	(erf) = vpow2.f32 v4;
	v17 =	vpop (erf)  }
0x64: {  	v4 =	vld [tilespmem:s11+$0x20];
	v15 =	vsub.f32 $0.0e+00, v15;
	v19 =	vadd.f32 $2.000000000e+00, v17  }
0x65: {  	(erf) = vpow2.f32 v5;
	v5 =	vmul.f32 $1.442695020e+00, v14;
	v14 =	vld [tilespmem:s11+$0xFFFFFF60];
	v11 =	vadd.f32 v11, v12  }
0x66: {  	v12 =	vld [tilespmem:s9+$0x20];
	v15 =	vmul.f32 $1.442695020e+00, v15;
	(erf) = vrcp.f32 v19  }
0x67: {  	v19 =	vld [tilespmem:s8+$0xFFFFFF60];
	(erf) = vpow2.f32 v5;
	v5 =	vadd.f32 v16, v11  }
0x68: {  	v11 =	vld [tilespmem:s8+$0xFFFFFFA0];
	(erf) = vpow2.f32 v15  }
0x69: {  	v16 =	vld [tilespmem:s8+$0x20];
	v5 =	vsub.f32 $0.0e+00, v5  }
0x6a: {  	v8 =	vadd.f32 v9, v8;
	v15 =	vld [tilespmem:s8+$0xFFFFFFE0]  }
0x6b: {  	v9 =	vadd.f32 v18, v13;
	v7 =	vadd.f32 v7, v14;
	v5 =	vmul.f32 $1.442695020e+00, v5  }
0x6c: {  	v4 =	vadd.f32 v12, v4;
	v13 =	vpop (erf)  }
0x6d: {  	v12 =	vadd.f32 $2.000000000e+00, v13;
	v7 =	vadd.f32 v19, v7;
	(erf) = vpow2.f32 v5  }
0x6e: {  	v8 =	vadd.f32 v11, v8;
	v11 =	vpop (erf);
	v4 =	vadd.f32 v16, v4  }
0x6f: {  	v5 =	vadd.f32 v15, v9;
	v14 =	vadd.f32 $2.000000000e+00, v11;
	v9 =	vpop (erf)  }
0x70: {  	v8 =	vsub.f32 $0.0e+00, v8;
	(erf) = vrcp.f32 v12;
	v9 =	vmul.f32 v9, v17;
	v15 =	vpop (erf)  }
0x71: {  	v7 =	vsub.f32 $0.0e+00, v7;
	(erf) = vrcp.f32 v14;
	v12 =	vadd.f32 $2.000000000e+00, v15;
	v16 =	vpop (erf)  }
0x72: {  	v8 =	vmul.f32 $1.442695020e+00, v8;
	v17 =	vmul.f32 v9, v9;
	v14 =	vadd.f32 $2.000000000e+00, v16  }
0x73: {  	v7 =	vmul.f32 $1.442695020e+00, v7;
	v5 =	vsub.f32 $0.0e+00, v5;
	(erf) = vrcp.f32 v12  }
0x74: {  	v12 =	vmul.f32 $1.428571490e-01, v17;
	(erf) = vrcp.f32 v14  }
0x75: {  	v4 =	vsub.f32 $0.0e+00, v4;
	v5 =	vmul.f32 $1.442695020e+00, v5;
	(erf) = vpow2.f32 v7  }
0x76: {  	v7 =	vadd.f32 $2.000000030e-01, v12;
	(erf) = vpow2.f32 v8;
	v8 =	vpop (erf)  }
0x77: {  	v4 =	vmul.f32 $1.442695020e+00, v4;
	(erf) = vpow2.f32 v5;
	v5 =	vadd.f32 $1.000000000e+00, v8  }
0x78: {  	v7 =	vmul.f32 v7, v17  }
0x79: {  	(erf) = vpow2.f32 v4  }
0x7a: {  	(erf) = vrcp.f32 v5;
	v4 =	vadd.f32 $3.333333430e-01, v7  }
0x7b: {  	v5 =	vpop (erf)  }
0x7c: {  	v5 =	vmul.f32 v5, v13;
	v7 =	vpop (erf);
	v4 =	vmul.f32 v4, v17  }
0x7d: {  	v7 =	vmul.f32 v7, v11;
	v8 =	vpop (erf)  }
0x7e: {  	v9 =	vadd.f32 v9, v9;
	v11 =	vmul.f32 v5, v5;
	v12 =	vpop (erf);
	v4 =	vadd.f32 $1.000000000e+00, v4  }
0x7f: {  	v8 =	vmul.f32 v8, v15;
	v13 =	vmul.f32 v7, v7;
	v14 =	vpop (erf)  }
0x80: {  	v15 =	vmul.f32 $1.428571490e-01, v11;
	v17 =	vpop (erf);
	v4 =	vmul.f32 v4, v9  }
0x81: {  	v6 =	vmax.f32 v6, $0.0e+00;
	v9 =	vmul.f32 v8, v8;
	v18 =	vpop (erf)  }
0x82: {  	v19 =	vmul.f32 $1.428571490e-01, v13;
	v20 =	vpop (erf);
	v15 =	vadd.f32 $2.000000030e-01, v15;
	v4 =	vadd.f32 v4, v6  }
0x83: {  	v6 =	vmax.f32 v10, $0.0e+00;
	v10 =	vadd.f32 $1.000000000e+00, v14;
	v14 =	vmul.f32 $1.428571490e-01, v9;
	v21 =	vpop (erf)  }
0x84: {  	v19 =	vadd.f32 $2.000000030e-01, v19;
	v15 =	vmul.f32 v15, v11;
	v4 =	vmul.f32 v4, v21  }
0x85: {  	s24 =	simm.s32 $0x10BD0;
	v12 =	vmul.f32 v12, v16;
	v14 =	vadd.f32 $2.000000030e-01, v14  }
0x86: {  	(erf) = vrcp.f32 v10;
	v10 =	vmul.f32 v19, v13;
	v15 =	vadd.f32 $3.333333430e-01, v15;
	[tilespmem:s24+$0x30] =	vst v4  }
0x87: {  	v16 =	vadd.f32 $1.000000000e+00, v17;
	v17 =	vadd.f32 $1.000000000e+00, v18;
	v4 =	vmul.f32 v12, v12;
	v18 =	vld [tilespmem:s11+$0x90]  }
0x88: {  	v14 =	vmul.f32 v14, v9;
	v10 =	vadd.f32 $3.333333430e-01, v10;
	v11 =	vmul.f32 v15, v11;
	v15 =	vld [tilespmem:s9+$0x90]  }
0x89: {  	v5 =	vadd.f32 v5, v5;
	(erf) = vrcp.f32 v16;
	v16 =	vmul.f32 $1.428571490e-01, v4  }
0x8a: {  	v14 =	vadd.f32 $3.333333430e-01, v14;
	v10 =	vmul.f32 v10, v13;
	v13 =	vld [tilespmem:s8+$0x90];
	v11 =	vadd.f32 $1.000000000e+00, v11  }
0x8b: {  	v7 =	vadd.f32 v7, v7;
	(erf) = vrcp.f32 v17;
	v16 =	vadd.f32 $2.000000030e-01, v16  }
0x8c: {  	v9 =	vmul.f32 v14, v9;
	v10 =	vadd.f32 $1.000000000e+00, v10;
	v5 =	vmul.f32 v11, v5  }
0x8d: {  	v3 =	vmax.f32 v3, $0.0e+00;
	v11 =	vadd.f32 v8, v8;
	v8 =	vadd.f32 v15, v18  }
0x8e: {  	v9 =	vadd.f32 $1.000000000e+00, v9;
	v7 =	vmul.f32 v10, v7;
	v5 =	vadd.f32 v5, v6  }
0x8f: {  	s1 =	simm.s32 $0x9060;
	v10 =	vmul.f32 v16, v4;
	v14 =	vpop (erf);
	v6 =	vadd.f32 $1.000000000e+00, v20;
	v8 =	vadd.f32 v13, v8  }
0x90: {  	s12 =	simm.s32 $0x51E0;
	v24 =	vld [tilespmem:s1+$0xFFFFFFC0];
	v9 =	vmul.f32 v9, v11;
	v3 =	vadd.f32 v7, v3;
	v5 =	vmul.f32 v5, v14  }
0x91: {  	v25 =	vld [tilespmem:s12+$0x40];
	v7 =	vadd.f32 $3.333333430e-01, v10;
	(erf) = vrcp.f32 v6;
	v10 =	vand.u32 $0x7FFFFFFF, v8  }
0x92: {  	v28 =	vld [tilespmem:s1+$0x40];
	v2 =	vmax.f32 v2, $0.0e+00;
	[tilespmem:s24+$0xFFFFFFB0] =	vst v5;
	v5 =	vsub.f32 $0.0e+00, v10  }
0x93: {  	v11 =	vld [tilespmem:s9+$0x70];
	v2 =	vadd.f32 v9, v2;
	v4 =	vmul.f32 v7, v4;
	v6 =	vpop (erf)  }
0x94: {  	v3 =	vmul.f32 v3, v6;
	v6 =	vpop (erf);
	v7 =	vld [tilespmem:s11+$0xFFFFFF90];
	v5 =	vmul.f32 $1.442695020e+00, v5  }
0x95: {  	v4 =	vadd.f32 $1.000000000e+00, v4;
	v2 =	vmul.f32 v2, v6;
	v6 =	vadd.f32 v12, v12;
	v12 =	vld [tilespmem:s8+$0x70]  }
0x96: {  	[tilespmem:s24+$0xFFFFFFD0] =	vst v3;
	v3 =	vld [tilespmem:s9+$0xFFFFFF90];
	(erf) = vpow2.f32 v5  }
0x97: {  	v9 =	vld [tilespmem:s11+$0xFFFFFFD0];
	v4 =	vmul.f32 v4, v6  }
0x98: {  	v1 =	vmax.f32 v1, $0.0e+00;
	[tilespmem:s24+$0xFFFFFFF0] =	vst v2;
	v2 =	vld [tilespmem:s9+$0xFFFFFFD0]  }
0x99: {  	v6 =	vld [tilespmem:s8+$0xFFFFFF90];
	v1 =	vadd.f32 v4, v1  }
0x9a: {  	v4 =	vld [tilespmem:s11+$0x70];
	v10 =	vpop (erf)  }
0x9b: {  	v5 =	vld [tilespmem:s11+$0x10];
	v1 =	vmul.f32 v1, v10  }
0x9c: {  	v10 =	vld [tilespmem:s8+$0xFFFFFFD0];
	v3 =	vadd.f32 v3, v7  }
0x9d: {  	[tilespmem:s24+$0x10] =	vst v1;
	v1 =	vld [tilespmem:s9+$0x10]  }
0x9e: {  	v3 =	vadd.f32 v6, v3;
	v6 =	vld [tilespmem:s8+$0x10]  }
0x9f: {  	v2 =	vadd.f32 v2, v9;
	v7 =	vld [tilespmem:s11+$0x50];
	v4 =	vadd.f32 v11, v4;
	v13 =	vpop (erf)  }
0xa0: {  	v9 =	vld [tilespmem:s9+$0x50];
	v11 =	vadd.f32 $2.000000000e+00, v13  }
0xa1: {  	v31 =	vld [tilespmem:s12+$0x60];
	v15 =	vand.u32 $0x7FFFFFFF, v3;
	v2 =	vadd.f32 v10, v2;
	v4 =	vadd.f32 v12, v4  }
0xa2: {  	v14 =	vld [tilespmem:s8+$0x50];
	(erf) = vrcp.f32 v11;
	v11 =	vsub.f32 $0.0e+00, v15  }
0xa3: {  	v19 =	vld [tilespmem:s12+$0xFFFFFF80];
	v4 =	vsub.f32 $0.0e+00, v4;
	v1 =	vadd.f32 v1, v5;
	v15 =	vand.u32 $0x7FFFFFFF, v2  }
0xa4: {  	v10 =	vld [tilespmem:s11+$0xFFFFFF70];
	v5 =	vmul.f32 $1.442695020e+00, v11;
	v11 =	vsub.f32 $0.0e+00, v15  }
0xa5: {  	v7 =	vadd.f32 v9, v7;
	v4 =	vmul.f32 $1.442695020e+00, v4;
	v6 =	vadd.f32 v6, v1;
	v1 =	vld [tilespmem:s12+$0x80]  }
0xa6: {  	(erf) = vpow2.f32 v5;
	v5 =	vmul.f32 $1.442695020e+00, v11;
	v11 =	vld [tilespmem:s1+$0x80]  }
0xa7: {  	s16 =	simm.s32 $0xCEE0;
	v12 =	vld [tilespmem:s9+$0xFFFFFF70];
	v14 =	vadd.f32 v14, v7;
	v7 =	vand.u32 $0x7FFFFFFF, v6;
	(erf) = vpow2.f32 v4  }
0xa8: {  	(erf) = vpow2.f32 v5;
	v5 =	vsub.f32 $0.0e+00, v7;
	v7 =	vld [tilespmem:s16+$0x80]  }
0xa9: {  	v20 =	vld [tilespmem:s1+$0xFFFFFF80]  }
0xaa: {  	v44 =	vld [tilespmem:s8+$0xFFFFFF70]  }
0xab: {  	v16 =	vld [tilespmem:s11+$0xFFFFFFB0];
	v17 =	vand.u32 $0x7FFFFFFF, v14;
	v5 =	vmul.f32 $1.442695020e+00, v5;
	v18 =	vpop (erf);
	v1 =	vadd.f32 v11, v1  }
0xac: {  	v9 =	vld [tilespmem:s9+$0xFFFFFFB0];
	v17 =	vsub.f32 $0.0e+00, v17;
	v13 =	vmul.f32 v18, v13  }
0xad: {  	v15 =	vld [tilespmem:s9+$0xFFFFFFF0];
	(erf) = vpow2.f32 v5;
	v18 =	vadd.f32 v12, v10;
	v5 =	vadd.f32 v7, v1  }
0xae: {  	v25 =	vadd.f32 v28, v25;
	v4 =	vld [tilespmem:s11+$0xFFFFFFF0];
	v11 =	vmul.f32 $1.442695020e+00, v17;
	v23 =	vmul.f32 v13, v13  }
0xaf: {  	v39 =	vld [tilespmem:s8+$0xFFFFFFB0];
	v13 =	vadd.f32 v13, v13;
	v18 =	vadd.f32 v44, v18;
	v10 =	vpop (erf);
	v21 =	vand.u32 $0x7FFFFFFF, v5  }
0xb0: {  	v17 =	vld [tilespmem:s12+$0xFFFFFFC0];
	v1 =	vmul.f32 $1.428571490e-01, v23;
	v12 =	vadd.f32 $2.000000000e+00, v10;
	v22 =	vpop (erf);
	v26 =	vsub.f32 $0.0e+00, v21  }
0xb1: {  	(erf) = vpow2.f32 v11;
	v7 =	vld [tilespmem:s12+$0x0];
	v21 =	vadd.f32 v9, v16;
	v22 =	vadd.f32 $1.000000000e+00, v22  }
0xb2: {  	v11 =	vld [tilespmem:s1+$0x0];
	v18 =	vsub.f32 $0.0e+00, v18;
	v27 =	vpop (erf);
	v1 =	vadd.f32 $2.000000030e-01, v1;
	(erf) = vrcp.f32 v12  }
0xb3: {  	v12 =	vadd.f32 $2.000000000e+00, v27;
	(erf) = vrcp.f32 v22;
	v22 =	vadd.f32 v15, v4;
	v15 =	vld [tilespmem:s16+$0xFFFFFFC0]  }
0xb4: {  	v9 =	vld [tilespmem:s16+$0xFFFFFF80];
	v16 =	vmul.f32 $1.442695020e+00, v26;
	v21 =	vadd.f32 v39, v21;
	v4 =	vmul.f32 v1, v23  }
0xb5: {  	(erf) = vrcp.f32 v12;
	v1 =	vmax.f32 v3, $0.0e+00;
	v12 =	vadd.f32 v20, v19;
	v19 =	vld [tilespmem:s16+$0x0]  }
0xb6: {  	v34 =	vld [tilespmem:s16+$0x60];
	v3 =	vmax.f32 v2, $0.0e+00;
	v2 =	vadd.f32 v24, v17;
	(erf) = vpow2.f32 v16  }
0xb7: {  	v17 =	vld [tilespmem:s16+$0x40];
	v20 =	vpop (erf);
	v16 =	vadd.f32 $3.333333430e-01, v4;
	v4 =	vmax.f32 v6, $0.0e+00;
	v6 =	vadd.f32 v11, v7  }
0xb8: {  	v36 =	vld [tilespmem:s12+$0x20];
	v8 =	vmax.f32 v8, $0.0e+00;
	v11 =	vadd.f32 $2.000000000e+00, v20;
	v15 =	vadd.f32 v15, v2  }
0xb9: {  	v18 =	vmul.f32 $1.442695020e+00, v18;
	v9 =	vadd.f32 v9, v12;
	v16 =	vmul.f32 v16, v23;
	v23 =	vld [tilespmem:s12+$0xFFFFFFA0]  }
0xba: {  	v7 =	vpop (erf);
	(erf) = vrcp.f32 v11;
	v11 =	vld [tilespmem:s1+$0xFFFFFFA0];
	v29 =	vadd.f32 v19, v6;
	v6 =	vand.u32 $0x7FFFFFFF, v15  }
0xbb: {  	v28 =	vld [tilespmem:s12+$0xFFFFFFE0];
	v21 =	vsub.f32 $0.0e+00, v21;
	v2 =	vand.u32 $0x7FFFFFFF, v9;
	v16 =	vadd.f32 $1.000000000e+00, v16  }
0xbc: {  	v19 =	vsub.f32 $0.0e+00, v2;
	v2 =	vmax.f32 v14, $0.0e+00;
	v12 =	vadd.f32 v17, v25;
	v17 =	vld [tilespmem:s1+$0x60];
	v30 =	vpop (erf)  }
0xbd: {  	v25 =	vld [tilespmem:s1+$0xFFFFFFE0];
	v14 =	vsub.f32 $0.0e+00, v6;
	v13 =	vmul.f32 v16, v13;
	v16 =	vand.u32 $0x7FFFFFFF, v29;
	v6 =	vpop (erf)  }
0xbe: {  	v58 =	vld [tilespmem:s12+$0xFFFFFF60];
	v19 =	vmul.f32 $1.442695020e+00, v19;
	v33 =	vand.u32 $0x7FFFFFFF, v12;
	v16 =	vsub.f32 $0.0e+00, v16;
	v32 =	vpop (erf)  }
0xbf: {  	v40 =	vld [tilespmem:s8+$0xFFFFFFF0];
	v14 =	vmul.f32 $1.442695020e+00, v14;
	v23 =	vadd.f32 v11, v23;
	v8 =	vadd.f32 v13, v8;
	v35 =	vpop (erf)  }
0xc0: {  	v59 =	vld [tilespmem:s16+$0xFFFFFFE0];
	(erf) = vpow2.f32 v19;
	v13 =	vsub.f32 $0.0e+00, v33;
	v37 =	vadd.f32 $2.000000000e+00, v35  }
0xc1: {  	v24 =	vld [tilespmem:s1+$0xFFFFFF60];
	v17 =	vadd.f32 v17, v31;
	(erf) = vpow2.f32 v14;
	v14 =	vmul.f32 $1.442695020e+00, v16  }
0xc2: {  	v25 =	vadd.f32 v25, v28;
	v28 =	vld [tilespmem:s16+$0xFFFFFF60];
	v11 =	vmul.f32 $1.442695020e+00, v13;
	(erf) = vrcp.f32 v37  }
0xc3: {  	v16 =	vmax.f32 v9, $0.0e+00;
	v9 =	vld [tilespmem:s16+$0xFFFFFFA0];
	v31 =	vadd.f32 v34, v17;
	(erf) = vpow2.f32 v14  }
0xc4: {  	v22 =	vadd.f32 v40, v22;
	v21 =	vmul.f32 $1.442695020e+00, v21;
	v19 =	vld [tilespmem:s1+$0x20];
	v13 =	vpop (erf);
	(erf) = vpow2.f32 v11  }
0xc5: {  	v26 =	vadd.f32 $2.000000000e+00, v7;
	v13 =	vmul.f32 v13, v20;
	v20 =	vsub.f32 $0.0e+00, v31  }
0xc6: {  	v24 =	vadd.f32 v24, v58;
	v17 =	vmax.f32 v15, $0.0e+00;
	v15 =	vmul.f32 v30, v10;
	v30 =	vld [tilespmem:s16+$0x20]  }
0xc7: {  	v22 =	vsub.f32 $0.0e+00, v22;
	v25 =	vadd.f32 v59, v25;
	v20 =	vmul.f32 $1.442695020e+00, v20  }
0xc8: {  	v24 =	vadd.f32 v28, v24;
	v23 =	vadd.f32 v9, v23;
	(erf) = vrcp.f32 v26  }
0xc9: {  	v14 =	vmul.f32 v32, v27;
	v26 =	vadd.f32 v19, v36;
	v27 =	vpop (erf);
	(erf) = vpow2.f32 v20  }
0xca: {  	v22 =	vmul.f32 $1.442695020e+00, v22;
	v24 =	vsub.f32 $0.0e+00, v24;
	v23 =	vsub.f32 $0.0e+00, v23;
	v28 =	vpop (erf)  }
0xcb: {  	v6 =	vmul.f32 v8, v6;
	v26 =	vadd.f32 v30, v26;
	v60 =	vadd.f32 $2.000000000e+00, v27;
	v30 =	vpop (erf)  }
0xcc: {  	v24 =	vmul.f32 $1.442695020e+00, v24;
	v62 =	vadd.f32 $2.000000000e+00, v28;
	v30 =	vmul.f32 v30, v35;
	v63 =	vpop (erf)  }
0xcd: {  	v61 =	vld [tilespmem:s9+$0x30];
	v23 =	vmul.f32 $1.442695020e+00, v23;
	(erf) = vrcp.f32 v60;
	v45 =	vadd.f32 $2.000000000e+00, v63;
	v46 =	vpop (erf)  }
0xce: {  	v31 =	vld [tilespmem:s11+$0x30];
	(erf) = vrcp.f32 v62;
	v38 =	vmul.f32 v30, v30;
	v47 =	vadd.f32 $2.000000000e+00, v46  }
0xcf: {  	v25 =	vsub.f32 $0.0e+00, v25;
	v11 =	vmul.f32 v15, v15;
	(erf) = vrcp.f32 v45  }
0xd0: {  	v49 =	vld [tilespmem:s8+$0x30];
	v48 =	vmul.f32 $1.428571490e-01, v38;
	(erf) = vrcp.f32 v47  }
0xd1: {  	v25 =	vmul.f32 $1.442695020e+00, v25;
	v26 =	vsub.f32 $0.0e+00, v26;
	(erf) = vpow2.f32 v24;
	v24 =	vpop (erf)  }
0xd2: {  	v10 =	vmul.f32 v14, v14;
	v32 =	vadd.f32 $2.000000030e-01, v48;
	(erf) = vpow2.f32 v23;
	v23 =	vpop (erf)  }
0xd3: {  	v31 =	vadd.f32 v61, v31;
	v26 =	vmul.f32 $1.442695020e+00, v26;
	v23 =	vadd.f32 $1.000000000e+00, v23  }
0xd4: {  	(erf) = vpow2.f32 v25;
	v25 =	vmul.f32 v32, v38  }
0xd5: {  	v9 =	vmul.f32 v13, v13;
	(erf) = vpow2.f32 v26;
	v26 =	vadd.f32 v49, v31  }
0xd6: {  	v19 =	vmul.f32 $1.428571490e-01, v11;
	v20 =	vmul.f32 $1.428571490e-01, v10;
	v25 =	vadd.f32 $3.333333430e-01, v25  }
0xd7: {  	v7 =	vmul.f32 v24, v7;
	(erf) = vrcp.f32 v23;
	v26 =	vsub.f32 $0.0e+00, v26;
	v23 =	vpop (erf)  }
0xd8: {  	v5 =	vmax.f32 v5, $0.0e+00;
	v23 =	vmul.f32 v23, v27;
	v27 =	vpop (erf);
	v25 =	vmul.f32 v25, v38  }
0xd9: {  	v30 =	vadd.f32 v30, v30;
	v26 =	vmul.f32 $1.442695020e+00, v26;
	v27 =	vmul.f32 v27, v28;
	v28 =	vpop (erf)  }
0xda: {  	v31 =	vmul.f32 v23, v23;
	v50 =	vpop (erf);
	v25 =	vadd.f32 $1.000000000e+00, v25;
	v28 =	vmul.f32 v28, v63  }
0xdb: {  	v12 =	vmax.f32 v12, $0.0e+00;
	v51 =	vmul.f32 v27, v27;
	v32 =	vmul.f32 v50, v46  }
0xdc: {  	v29 =	vmax.f32 v29, $0.0e+00;
	v52 =	vpop (erf);
	v25 =	vmul.f32 v25, v30;
	v30 =	vmul.f32 $1.428571490e-01, v31  }
0xdd: {  	v23 =	vadd.f32 v23, v23;
	v34 =	vadd.f32 $1.000000000e+00, v52;
	v53 =	vpop (erf);
	v54 =	vmul.f32 v28, v28  }
0xde: {  	v55 =	vpop (erf);
	v56 =	vmul.f32 v32, v32;
	v57 =	vmul.f32 $1.428571490e-01, v51;
	v30 =	vadd.f32 $2.000000030e-01, v30  }
0xdf: {  	v35 =	vadd.f32 $1.000000000e+00, v53;
	v58 =	vpop (erf);
	v5 =	vadd.f32 v25, v5;
	v25 =	vmul.f32 $1.428571490e-01, v54  }
0xe0: {  	v59 =	vpop (erf);
	v60 =	vmul.f32 $1.428571490e-01, v56;
	v39 =	vadd.f32 $2.000000030e-01, v57;
	v30 =	vmul.f32 v30, v31  }
0xe1: {  	(erf) = vrcp.f32 v34;
	v5 =	vmul.f32 v5, v59;
	v25 =	vadd.f32 $2.000000030e-01, v25  }
0xe2: {  	s17 =	simm.s32 $0x10C70;
	v34 =	vadd.f32 $2.000000030e-01, v60;
	v39 =	vmul.f32 v39, v51;
	v30 =	vadd.f32 $3.333333430e-01, v30  }
0xe3: {  	v37 =	vadd.f32 $1.000000000e+00, v55;
	(erf) = vrcp.f32 v35;
	v25 =	vmul.f32 v25, v54;
	[tilespmem:s17+$0x30] =	vst v5  }
0xe4: {  	v34 =	vmul.f32 v34, v56;
	v5 =	vadd.f32 $3.333333430e-01, v39;
	v61 =	vld [tilespmem:s12+$0x90];
	v30 =	vmul.f32 v30, v31  }
0xe5: {  	v27 =	vadd.f32 v27, v27;
	(erf) = vrcp.f32 v37;
	v62 =	vld [tilespmem:s1+$0x90];
	v25 =	vadd.f32 $3.333333430e-01, v25  }
0xe6: {  	v31 =	vadd.f32 $3.333333430e-01, v34;
	v5 =	vmul.f32 v5, v51;
	v30 =	vadd.f32 $1.000000000e+00, v30  }
0xe7: {  	v28 =	vadd.f32 v28, v28;
	v40 =	vadd.f32 $1.000000000e+00, v58;
	v63 =	vld [tilespmem:s16+$0x90];
	v25 =	vmul.f32 v25, v54  }
0xe8: {  	v31 =	vmul.f32 v31, v56;
	v5 =	vadd.f32 $1.000000000e+00, v5;
	v23 =	vmul.f32 v30, v23  }
0xe9: {  	v32 =	vadd.f32 v32, v32;
	(erf) = vrcp.f32 v40;
	v25 =	vadd.f32 $1.000000000e+00, v25  }
0xea: {  	v30 =	vadd.f32 $1.000000000e+00, v31;
	v5 =	vmul.f32 v5, v27;
	v27 =	vadd.f32 v62, v61  }
0xeb: {  	(erf) = vpow2.f32 v18;
	v16 =	vadd.f32 v23, v16;
	v25 =	vmul.f32 v25, v28  }
0xec: {  	v28 =	vmul.f32 v30, v32;
	v17 =	vadd.f32 v5, v17;
	v5 =	vadd.f32 v63, v27;
	v23 =	vpop (erf)  }
0xed: {  	v19 =	vadd.f32 $2.000000030e-01, v19;
	(erf) = vpow2.f32 v21;
	v16 =	vmul.f32 v16, v23;
	v24 =	vpop (erf)  }
0xee: {  	v27 =	vld [tilespmem:s12+$0x70];
	v23 =	vadd.f32 v25, v29;
	v17 =	vmul.f32 v17, v24;
	v24 =	vand.u32 $0x7FFFFFFF, v5  }
0xef: {  	v12 =	vadd.f32 v28, v12;
	(erf) = vpow2.f32 v22;
	v28 =	vld [tilespmem:s1+$0x70];
	v25 =	vpop (erf);
	[tilespmem:s17+$0xFFFFFFB0] =	vst v16;
	v18 =	vsub.f32 $0.0e+00, v24  }
0xf0: {  	v20 =	vadd.f32 $2.000000030e-01, v20;
	(erf) = vpow2.f32 v26;
	v16 =	vmul.f32 v23, v25;
	v21 =	vld [tilespmem:s12+$0xFFFFFF90]  }
0xf1: {  	v25 =	vadd.f32 v14, v14;
	v14 =	vmul.f32 v19, v11;
	[tilespmem:s17+$0xFFFFFFD0] =	vst v17;
	v17 =	vld [tilespmem:s1+$0xFFFFFF90];
	v18 =	vmul.f32 $1.442695020e+00, v18  }
0xf2: {  	v20 =	vmul.f32 v20, v10;
	v23 =	vpop (erf);
	v22 =	vld [tilespmem:s12+$0xFFFFFFD0];
	[tilespmem:s17+$0xFFFFFFF0] =	vst v16;
	v16 =	vmul.f32 $1.428571490e-01, v9  }
0xf3: {  	v24 =	vld [tilespmem:s1+$0xFFFFFFD0];
	v14 =	vadd.f32 $3.333333430e-01, v14;
	v12 =	vmul.f32 v12, v23;
	(erf) = vpow2.f32 v18  }
0xf4: {  	v15 =	vadd.f32 v15, v15;
	v19 =	vadd.f32 v13, v13;
	v23 =	vmul.f32 v7, v7;
	v18 =	vld [tilespmem:s12+$0x10]  }
0xf5: {  	v11 =	vmul.f32 v14, v11;
	v14 =	vadd.f32 $3.333333430e-01, v20;
	[tilespmem:s17+$0x10] =	vst v12;
	v12 =	vadd.f32 $2.000000030e-01, v16;
	v16 =	vld [tilespmem:s1+$0x10]  }
0xf6: {  	v7 =	vadd.f32 v7, v7;
	v27 =	vadd.f32 v28, v27;
	v20 =	vpop (erf);
	v13 =	vmul.f32 $1.428571490e-01, v23  }
0xf7: {  	v20 =	vadd.f32 $1.000000000e+00, v20;
	v8 =	vadd.f32 v17, v21;
	v21 =	vld [tilespmem:s16+$0xFFFFFF90];
	v12 =	vmul.f32 v12, v9  }
0xf8: {  	v26 =	vld [tilespmem:s12+$0x50];
	v13 =	vadd.f32 $2.000000030e-01, v13;
	v22 =	vadd.f32 v24, v22;
	v24 =	vpop (erf)  }
0xf9: {  	v17 =	vld [tilespmem:s1+$0x50];
	v10 =	vmul.f32 v14, v10;
	v24 =	vadd.f32 $1.000000000e+00, v24;
	v14 =	vpop (erf);
	v12 =	vadd.f32 $3.333333430e-01, v12  }
0xfa: {  	(erf) = vrcp.f32 v20;
	v20 =	vld [tilespmem:s16+$0xFFFFFFD0];
	v18 =	vadd.f32 v16, v18;
	v16 =	vadd.f32 $1.000000000e+00, v14;
	v14 =	vpop (erf)  }
0xfb: {  	v13 =	vmul.f32 v13, v23;
	(erf) = vrcp.f32 v24;
	v24 =	vld [tilespmem:s16+$0x70];
	v29 =	vadd.f32 $1.000000000e+00, v14  }
0xfc: {  	v12 =	vmul.f32 v12, v9;
	v9 =	vadd.f32 v21, v8;
	v14 =	vpop (erf);
	(erf) = vrcp.f32 v16  }
0xfd: {  	v30 =	vld [tilespmem:s16+$0x10];
	v13 =	vadd.f32 $3.333333430e-01, v13;
	v8 =	vadd.f32 $2.000000000e+00, v14;
	(erf) = vrcp.f32 v29  }
0xfe: {  	v26 =	vadd.f32 v17, v26;
	v21 =	vld [tilespmem:s16+$0x50];
	v29 =	vadd.f32 $1.000000000e+00, v10;
	v10 =	vand.u32 $0x7FFFFFFF, v9  }
0xff: {  	v16 =	vadd.f32 $1.000000000e+00, v11;
	v11 =	vld [tilespmem:s12+$0xFFFFFF70];
	(erf) = vrcp.f32 v8;
	v8 =	vsub.f32 $0.0e+00, v10  }
0x100: {  	v17 =	vmul.f32 v13, v23;
	v23 =	vld [tilespmem:s1+$0xFFFFFF70];
	v10 =	vadd.f32 v20, v22;
	v20 =	vadd.f32 v24, v27  }
0x101: {  	v13 =	vld [tilespmem:s12+$0xFFFFFFB0];
	v16 =	vmul.f32 v16, v15;
	v15 =	vmul.f32 v29, v25;
	v25 =	vadd.f32 $1.000000000e+00, v12  }
0x102: {  	v24 =	vld [tilespmem:s1+$0xFFFFFFB0];
	v12 =	vadd.f32 v30, v18;
	v27 =	vmul.f32 $1.442695020e+00, v8;
	v18 =	vand.u32 $0x7FFFFFFF, v10  }
0x103: {  	v22 =	vld [tilespmem:s12+$0xFFFFFFF0];
	v8 =	vadd.f32 v21, v26;
	v29 =	vsub.f32 $0.0e+00, v20;
	v21 =	vmul.f32 v25, v19;
	v19 =	vpop (erf)  }
0x104: {  	s8 =	simm.s32 $0xCEE0;
	s9 =	simm.s32 $0x9060;
	[tilespmem:s24+$0x40] =	vst v6;
	v25 =	vld [tilespmem:s1+$0xFFFFFFF0];
	v6 =	vand.u32 $0x7FFFFFFF, v12;
	v26 =	vsub.f32 $0.0e+00, v18;
	v20 =	vpop (erf);
	(erf) = vpow2.f32 v27  }
0x105: {  	s22 =	sshll.u32 s21, $0x1;
	s11 =	simm.s32 $0x5;
	v28 =	vand.u32 $0x7FFFFFFF, v8;
	v27 =	vsub.f32 $0.0e+00, v6;
	v6 =	vld [tilespmem:s12+$0x30];
	v29 =	vmul.f32 $1.442695020e+00, v29;
	s12 =	simm.s32 $0x5320;
	v18 =	vpop (erf)  }
.LBB2_5:
0x106: {  	v30 =	vld [tilespmem:s12+$0x80];
	v11 =	vadd.f32 v23, v11;
	v32 =	vmul.f32 $1.442695020e+00, v26;
	v26 =	vsub.f32 $0.0e+00, v28;
	s1 =	sadd.s32 $0x140, s1;
	v28 =	vpop (erf)  }
0x107: {  	v31 =	vld [tilespmem:s1+$0x80];
	v13 =	vadd.f32 v24, v13;
	v24 =	vmul.f32 $1.442695020e+00, v27;
	(erf) = vpow2.f32 v29  }
0x108: {  	s11 =	sadd.s32 $0x5, s11;
	s16 =	sadd.s32 $0x140, s16;
	v29 =	vadd.f32 $1.000000000e+00, v17;
	v27 =	vld [tilespmem:s12+$0xFFFFFF80];
	v26 =	vmul.f32 $1.442695020e+00, v26;
	(erf) = vpow2.f32 v32;
	v23 =	vpop (erf)  }
0x109: {  	p1 =	slt.u32 s11, $0x78;
	v32 =	vld [tilespmem:s16+$0x80];
	v17 =	vadd.f32 v25, v22;
	v14 =	vmul.f32 v23, v14;
	(erf) = vpow2.f32 v24  }
0x10a: {  	v9 =	vmax.f32 v9, $0.0e+00;
	v7 =	vmul.f32 v29, v7;
	v22 =	vld [tilespmem:s1+$0xFFFFFF80];
	(erf) = vpow2.f32 v26  }
0x10b: {  	v10 =	vmax.f32 v10, $0.0e+00;
	v12 =	vmax.f32 v12, $0.0e+00;
	v23 =	vld [tilespmem:s12+$0xFFFFFFC0];
	v24 =	vmul.f32 v14, v14  }
0x10c: {  	v8 =	vmax.f32 v8, $0.0e+00;
	v16 =	vadd.f32 v16, v1;
	v1 =	vmovc v9;
	v25 =	vld [tilespmem:s1+$0xFFFFFFC0];
	v26 =	vadd.f32 v31, v30  }
0x10d: {  	v15 =	vadd.f32 v15, v3;
	v21 =	vadd.f32 v21, v4;
	v29 =	vld [tilespmem:s12+$0x0];
	v30 =	vmul.f32 $1.428571490e-01, v24;
	v31 =	vpop (erf)  }
0x10e: {  	v3 =	vmovc v10;
	v4 =	vmovc v12;
	v16 =	vmul.f32 v16, v19;
	v33 =	vld [tilespmem:s1+$0x0];
	v9 =	vadd.f32 v32, v26;
	v32 =	vadd.f32 $2.000000000e+00, v31  }
0x10f: {  	v15 =	vmul.f32 v15, v20;
	v10 =	vadd.f32 v22, v27;
	v12 =	vld [tilespmem:s12+$0x40];
	v19 =	vadd.f32 $2.000000030e-01, v30  }
0x110: {  	v20 =	vld [tilespmem:s1+$0x40];
	v22 =	vand.u32 $0x7FFFFFFF, v9;
	(erf) = vrcp.f32 v32;
	v26 =	vpop (erf);
	[tilespmem:s24+$0xFFFFFFC0] =	vst v16;
	v16 =	vadd.f32 v7, v2  }
0x111: {  	v27 =	vld [tilespmem:s16+$0xFFFFFF80];
	v35 =	vsub.f32 $0.0e+00, v22;
	v22 =	vadd.f32 $1.000000000e+00, v26;
	v34 =	vmul.f32 v19, v24;
	v26 =	vpop (erf);
	[tilespmem:s24+$0xFFFFFFE0] =	vst v15  }
0x112: {  	v18 =	vmul.f32 v21, v18;
	v15 =	vadd.f32 v25, v23;
	v19 =	vld [tilespmem:s16+$0xFFFFFFC0];
	v23 =	vadd.f32 $2.000000000e+00, v26;
	v25 =	vpop (erf)  }
0x113: {  	v21 =	vld [tilespmem:s16+$0x0];
	v30 =	vmul.f32 $1.442695020e+00, v35;
	v32 =	vadd.f32 $3.333333430e-01, v34;
	v7 =	vpop (erf);
	(erf) = vrcp.f32 v22  }
0x114: {  	v2 =	vmovc v8;
	v22 =	vadd.f32 v33, v29;
	v33 =	vadd.f32 $2.000000000e+00, v25;
	v29 =	vld [tilespmem:s16+$0x40];
	(erf) = vrcp.f32 v23;
	[tilespmem:s24+$0x0] =	vst v18  }
0x115: {  	v8 =	vld [tilespmem:s1+$0xFFFFFF60];
	v12 =	vadd.f32 v20, v12;
	(erf) = vpow2.f32 v30;
	v18 =	vmul.f32 v32, v24  }
0x116: {  	v23 =	vadd.f32 $2.000000000e+00, v7;
	v10 =	vadd.f32 v27, v10;
	v20 =	vld [tilespmem:s12+$0xFFFFFFA0];
	(erf) = vrcp.f32 v33  }
0x117: {  	v14 =	vadd.f32 v14, v14;
	v16 =	vmul.f32 v16, v28;
	v24 =	vld [tilespmem:s1+$0xFFFFFFA0];
	v18 =	vadd.f32 $1.000000000e+00, v18  }
0x118: {  	v15 =	vadd.f32 v19, v15;
	v27 =	vand.u32 $0x7FFFFFFF, v10;
	v19 =	vld [tilespmem:s12+$0xFFFFFFE0];
	v21 =	vadd.f32 v21, v22  }
0x119: {  	v22 =	vsub.f32 $0.0e+00, v27;
	v27 =	vld [tilespmem:s1+$0xFFFFFFE0];
	v12 =	vadd.f32 v29, v12;
	v14 =	vmul.f32 v18, v14;
	v28 =	vpop (erf);
	[tilespmem:s24+$0x20] =	vst v16;
	s24 =	smov.u32 s17  }
0x11a: {  	v5 =	vmax.f32 v5, $0.0e+00;
	v16 =	vand.u32 $0x7FFFFFFF, v15;
	v18 =	vand.u32 $0x7FFFFFFF, v21;
	v29 =	vld [tilespmem:s12+$0x20]  }
0x11b: {  	v16 =	vsub.f32 $0.0e+00, v16;
	v30 =	vand.u32 $0x7FFFFFFF, v12;
	v32 =	vld [tilespmem:s12+$0x60];
	v5 =	vadd.f32 v14, v5  }
0x11c: {  	v39 =	vmul.f32 $1.442695020e+00, v22;
	v18 =	vsub.f32 $0.0e+00, v18;
	v22 =	vsub.f32 $0.0e+00, v30;
	v30 =	vld [tilespmem:s1+$0x60];
	v33 =	vpop (erf)  }
0x11d: {  	v24 =	vadd.f32 v24, v20;
	v16 =	vmul.f32 $1.442695020e+00, v16;
	v34 =	vld [tilespmem:s1+$0x20];
	v20 =	vmul.f32 v5, v33;
	v33 =	vpop (erf)  }
0x11e: {  	v35 =	vmul.f32 $1.442695020e+00, v18;
	v27 =	vadd.f32 v27, v19;
	v22 =	vmul.f32 $1.442695020e+00, v22;
	v36 =	vld [tilespmem:s16+$0x60];
	v37 =	vpop (erf)  }
0x11f: {  	v5 =	vmax.f32 v10, $0.0e+00;
	v38 =	vld [tilespmem:s12+$0xFFFFFF60];
	v10 =	vadd.f32 $2.000000000e+00, v37;
	(erf) = vpow2.f32 v39;
	[tilespmem:s17+$0x40] =	vst v20;
	v14 =	vpop (erf)  }
0x120: {  	v18 =	vmax.f32 v21, $0.0e+00;
	v20 =	vmax.f32 v15, $0.0e+00;
	v39 =	vld [tilespmem:s16+$0xFFFFFF60];
	(erf) = vpow2.f32 v16  }
0x121: {  	v19 =	vmax.f32 v12, $0.0e+00;
	v21 =	vld [tilespmem:s16+$0xFFFFFFA0];
	v12 =	vadd.f32 v30, v32;
	(erf) = vrcp.f32 v10  }
0x122: {  	v15 =	vmul.f32 v28, v31;
	v30 =	vld [tilespmem:s16+$0xFFFFFFE0];
	v29 =	vadd.f32 v34, v29;
	(erf) = vpow2.f32 v35  }
0x123: {  	v16 =	vmul.f32 v33, v26;
	v28 =	vld [tilespmem:s16+$0x20];
	v10 =	vadd.f32 v36, v12;
	(erf) = vpow2.f32 v22  }
0x124: {  	v14 =	vmul.f32 v14, v25;
	v8 =	vadd.f32 v8, v38;
	v25 =	vld [tilespmem:s9+$0x30];
	(erf) = vrcp.f32 v23;
	s9 =	smov.u32 s1  }
0x125: {  	v12 =	vmul.f32 v15, v15;
	v22 =	vsub.f32 $0.0e+00, v10;
	v23 =	vld [tilespmem:s8+$0xFFFFFF70];
	v10 =	vmul.f32 v16, v16  }
0x126: {  	v26 =	vadd.f32 v39, v8;
	v24 =	vadd.f32 v21, v24;
	v31 =	vld [tilespmem:s8+$0xFFFFFFB0];
	v8 =	vmul.f32 v14, v14  }
0x127: {  	v27 =	vadd.f32 v30, v27;
	v22 =	vmul.f32 $1.442695020e+00, v22;
	v30 =	vmul.f32 $1.428571490e-01, v12;
	v32 =	vld [tilespmem:s8+$0xFFFFFFF0]  }
0x128: {  	v21 =	vmul.f32 $1.428571490e-01, v10;
	v26 =	vsub.f32 $0.0e+00, v26;
	v28 =	vadd.f32 v28, v29;
	v29 =	vpop (erf);
	v33 =	vld [tilespmem:s8+$0x30];
	s8 =	smov.u32 s16  }
0x129: {  	v24 =	vsub.f32 $0.0e+00, v24;
	v39 =	vadd.f32 $2.000000000e+00, v29;
	v35 =	vpop (erf);
	(erf) = vpow2.f32 v22  }
0x12a: {  	v27 =	vsub.f32 $0.0e+00, v27;
	v26 =	vmul.f32 $1.442695020e+00, v26;
	v41 =	vadd.f32 $2.000000000e+00, v35;
	v36 =	vpop (erf)  }
0x12b: {  	v28 =	vsub.f32 $0.0e+00, v28;
	v36 =	vmul.f32 v36, v37;
	(erf) = vrcp.f32 v39;
	v34 =	vpop (erf)  }
0x12c: {  	v24 =	vmul.f32 $1.442695020e+00, v24;
	v37 =	vadd.f32 $2.000000000e+00, v34;
	(erf) = vrcp.f32 v41;
	v38 =	vpop (erf)  }
0x12d: {  	v27 =	vmul.f32 $1.442695020e+00, v27;
	v39 =	vadd.f32 $2.000000000e+00, v38;
	v40 =	vmul.f32 v36, v36;
	v22 =	vpop (erf)  }
0x12e: {  	v6 =	vadd.f32 v25, v6;
	v28 =	vmul.f32 $1.442695020e+00, v28;
	(erf) = vrcp.f32 v37  }
0x12f: {  	v11 =	vadd.f32 v23, v11;
	v25 =	vmul.f32 $1.428571490e-01, v40;
	(erf) = vrcp.f32 v39  }
0x130: {  	v13 =	vadd.f32 v31, v13;
	v17 =	vadd.f32 v32, v17;
	(erf) = vpow2.f32 v26  }
0x131: {  	v6 =	vadd.f32 v33, v6;
	v23 =	vadd.f32 $2.000000030e-01, v25;
	(erf) = vpow2.f32 v24  }
0x132: {  	v11 =	vsub.f32 $0.0e+00, v11;
	v13 =	vsub.f32 $0.0e+00, v13;
	(erf) = vpow2.f32 v27;
	v24 =	vpop (erf)  }
0x133: {  	v24 =	vadd.f32 $1.000000000e+00, v24;
	v23 =	vmul.f32 v23, v40;
	(erf) = vpow2.f32 v28  }
0x134: {  	v11 =	vmul.f32 $1.442695020e+00, v11;
	v17 =	vsub.f32 $0.0e+00, v17;
	v26 =	vsub.f32 $0.0e+00, v6;
	v25 =	vpop (erf)  }
0x135: {  	v25 =	vmul.f32 v25, v29;
	v23 =	vadd.f32 $3.333333430e-01, v23;
	v6 =	vpop (erf);
	(erf) = vrcp.f32 v24  }
0x136: {  	v13 =	vmul.f32 $1.442695020e+00, v13;
	v24 =	vmul.f32 v6, v35;
	v6 =	vadd.f32 $2.000000030e-01, v30  }
0x137: {  	v27 =	vmul.f32 v25, v25;
	v25 =	vadd.f32 v25, v25;
	v23 =	vmul.f32 v23, v40;
	v28 =	vpop (erf)  }
0x138: {  	v29 =	vmul.f32 v24, v24;
	v24 =	vadd.f32 v24, v24;
	v28 =	vmul.f32 v28, v34;
	v30 =	vpop (erf)  }
0x139: {  	v37 =	vadd.f32 v36, v36;
	v30 =	vmul.f32 v30, v38;
	v23 =	vadd.f32 $1.000000000e+00, v23;
	v32 =	vpop (erf)  }
0x13a: {  	v33 =	vmul.f32 $1.428571490e-01, v27;
	v32 =	vadd.f32 $1.000000000e+00, v32;
	v34 =	vmul.f32 v28, v28;
	v35 =	vpop (erf)  }
0x13b: {  	v35 =	vadd.f32 $1.000000000e+00, v35;
	v36 =	vmul.f32 v30, v30;
	v23 =	vmul.f32 v23, v37;
	v31 =	vpop (erf)  }
0x13c: {  	v9 =	vmax.f32 v9, $0.0e+00;
	v37 =	vmul.f32 $1.428571490e-01, v29;
	v38 =	vmul.f32 $1.428571490e-01, v34;
	v39 =	vpop (erf)  }
0x13d: {  	v33 =	vadd.f32 $2.000000030e-01, v33;
	v40 =	vmul.f32 $1.428571490e-01, v36;
	v9 =	vadd.f32 v23, v9  }
0x13e: {  	v23 =	vadd.f32 $2.000000030e-01, v37;
	v37 =	vadd.f32 $2.000000030e-01, v38;
	(erf) = vrcp.f32 v32;
	v32 =	vpop (erf)  }
0x13f: {  	v33 =	vmul.f32 v33, v27;
	v38 =	vadd.f32 $2.000000030e-01, v40;
	v9 =	vmul.f32 v9, v32  }
0x140: {  	s17 =	sadd.s32 $0xA0, s17;
	v31 =	vadd.f32 $1.000000000e+00, v31;
	v23 =	vmul.f32 v23, v29;
	v32 =	vmul.f32 v37, v34  }
0x141: {  	v33 =	vadd.f32 $3.333333430e-01, v33;
	v37 =	vadd.f32 $1.000000000e+00, v39;
	v38 =	vmul.f32 v38, v36;
	[tilespmem:s17+$0x30] =	vst v9  }
0x142: {  	v9 =	vadd.f32 $3.333333430e-01, v23;
	v23 =	vadd.f32 $3.333333430e-01, v32;
	v32 =	vld [tilespmem:s12+$0x90];
	(erf) = vrcp.f32 v35  }
0x143: {  	v27 =	vmul.f32 v33, v27;
	v33 =	vadd.f32 $3.333333430e-01, v38;
	v35 =	vld [tilespmem:s1+$0x90];
	(erf) = vrcp.f32 v31  }
0x144: {  	v28 =	vadd.f32 v28, v28;
	v9 =	vmul.f32 v9, v29;
	(erf) = vrcp.f32 v37  }
0x145: {  	v27 =	vadd.f32 $1.000000000e+00, v27;
	v23 =	vmul.f32 v23, v34;
	v33 =	vmul.f32 v33, v36;
	v31 =	vld [tilespmem:s16+$0x90]  }
0x146: {  	v17 =	vmul.f32 $1.442695020e+00, v17;
	v30 =	vadd.f32 v30, v30;
	v9 =	vadd.f32 $1.000000000e+00, v9  }
0x147: {  	v25 =	vmul.f32 v27, v25;
	v23 =	vadd.f32 $1.000000000e+00, v23;
	v27 =	vadd.f32 $1.000000000e+00, v33;
	v29 =	vpop (erf)  }
0x148: {  	v26 =	vmul.f32 $1.442695020e+00, v26;
	v9 =	vmul.f32 v9, v24;
	v24 =	vadd.f32 v35, v32  }
0x149: {  	v25 =	vadd.f32 v25, v5;
	v28 =	vmul.f32 v23, v28;
	v27 =	vmul.f32 v27, v30  }
0x14a: {  	v7 =	vmul.f32 v22, v7;
	v9 =	vadd.f32 v9, v20;
	v5 =	vadd.f32 v31, v24  }
0x14b: {  	v24 =	vmul.f32 v25, v29;
	v18 =	vadd.f32 v28, v18;
	v19 =	vadd.f32 v27, v19;
	v22 =	vpop (erf)  }
0x14c: {  	v9 =	vmul.f32 v9, v22;
	v22 =	vand.u32 $0x7FFFFFFF, v5;
	v23 =	vpop (erf);
	(erf) = vpow2.f32 v11  }
0x14d: {  	[tilespmem:s17+$0xFFFFFFB0] =	vst v24;
	v11 =	vmul.f32 v18, v23;
	v18 =	vsub.f32 $0.0e+00, v22;
	v20 =	vpop (erf);
	(erf) = vpow2.f32 v13  }
0x14e: {  	v13 =	vld [tilespmem:s12+$0xFFFFFF90];
	[tilespmem:s17+$0xFFFFFFD0] =	vst v9;
	v9 =	vmul.f32 v19, v20;
	v19 =	vadd.f32 $2.000000030e-01, v21;
	(erf) = vpow2.f32 v17  }
0x14f: {  	v15 =	vadd.f32 v15, v15;
	v17 =	vld [tilespmem:s1+$0xFFFFFF90];
	[tilespmem:s17+$0xFFFFFFF0] =	vst v11;
	v11 =	vmul.f32 $1.442695020e+00, v18;
	(erf) = vpow2.f32 v26  }
0x150: {  	v20 =	vadd.f32 v16, v16;
	v16 =	vmul.f32 v7, v7;
	v18 =	vld [tilespmem:s12+$0xFFFFFFD0];
	[tilespmem:s17+$0x10] =	vst v9;
	v9 =	vmul.f32 $1.428571490e-01, v8  }
0x151: {  	v6 =	vmul.f32 v6, v12;
	v25 =	vadd.f32 v14, v14;
	v21 =	vld [tilespmem:s1+$0xFFFFFFD0];
	(erf) = vpow2.f32 v11  }
0x152: {  	v24 =	vmul.f32 v19, v10;
	v19 =	vmul.f32 $1.428571490e-01, v16;
	v11 =	vld [tilespmem:s12+$0x10];
	v9 =	vadd.f32 $2.000000030e-01, v9  }
0x153: {  	v6 =	vadd.f32 $3.333333430e-01, v6;
	v7 =	vadd.f32 v7, v7;
	v22 =	vld [tilespmem:s1+$0x10]  }
0x154: {  	v19 =	vadd.f32 $2.000000030e-01, v19;
	v13 =	vadd.f32 v17, v13;
	v17 =	vld [tilespmem:s12+$0x50];
	v9 =	vmul.f32 v9, v8  }
0x155: {  	v6 =	vmul.f32 v6, v12;
	v27 =	vadd.f32 $3.333333430e-01, v24;
	v23 =	vld [tilespmem:s1+$0x50];
	v14 =	vpop (erf)  }
0x156: {  	v19 =	vmul.f32 v19, v16;
	v24 =	vld [tilespmem:s16+$0xFFFFFF90];
	v18 =	vadd.f32 v21, v18;
	v14 =	vadd.f32 $1.000000000e+00, v14;
	v21 =	vpop (erf)  }
0x157: {  	v10 =	vmul.f32 v27, v10;
	v9 =	vadd.f32 $3.333333430e-01, v9;
	v26 =	vld [tilespmem:s12+$0x70];
	v21 =	vadd.f32 $1.000000000e+00, v21;
	v12 =	vpop (erf)  }
0x158: {  	v22 =	vadd.f32 v22, v11;
	v27 =	vld [tilespmem:s1+$0x70];
	v11 =	vadd.f32 $1.000000000e+00, v12;
	(erf) = vrcp.f32 v14;
	v12 =	vpop (erf)  }
0x159: {  	v19 =	vadd.f32 $3.333333430e-01, v19;
	v28 =	vld [tilespmem:s16+$0xFFFFFFD0];
	v12 =	vadd.f32 $1.000000000e+00, v12;
	(erf) = vrcp.f32 v21  }
0x15a: {  	v8 =	vmul.f32 v9, v8;
	v21 =	vadd.f32 v23, v17;
	v29 =	vld [tilespmem:s16+$0x70];
	v14 =	vpop (erf);
	(erf) = vrcp.f32 v11  }
0x15b: {  	v9 =	vadd.f32 v24, v13;
	v30 =	vld [tilespmem:s16+$0x10];
	v13 =	vadd.f32 $2.000000000e+00, v14;
	(erf) = vrcp.f32 v12  }
0x15c: {  	v6 =	vadd.f32 $1.000000000e+00, v6;
	v17 =	vmul.f32 v19, v16;
	v12 =	vadd.f32 $1.000000000e+00, v10;
	v31 =	vld [tilespmem:s16+$0x50]  }
0x15d: {  	v11 =	vld [tilespmem:s12+$0xFFFFFF70];
	v10 =	vand.u32 $0x7FFFFFFF, v9;
	v19 =	vadd.f32 v27, v26;
	(erf) = vrcp.f32 v13  }
0x15e: {  	v16 =	vmul.f32 v6, v15;
	v23 =	vld [tilespmem:s1+$0xFFFFFF70];
	v24 =	vsub.f32 $0.0e+00, v10;
	v10 =	vadd.f32 v28, v18  }
.Ltmp3:
0x15f: {  	v15 =	vmul.f32 v12, v20;
	v18 =	vadd.f32 $1.000000000e+00, v8;
	v13 =	vld [tilespmem:s12+$0xFFFFFFB0];
	v6 =	vadd.f32 v29, v19;
	(pc) =	sbr.rel @p1 .LBB2_5-.Ltmp3, $4  }
0x160: {  	v27 =	vmul.f32 $1.442695020e+00, v24;
	v24 =	vld [tilespmem:s1+$0xFFFFFFB0];
	v26 =	vand.u32 $0x7FFFFFFF, v10;
	v12 =	vadd.f32 v30, v22  }
0x161: {  	v22 =	vld [tilespmem:s12+$0xFFFFFFF0];
	v8 =	vadd.f32 v31, v21;
	v29 =	vsub.f32 $0.0e+00, v6;
	v21 =	vmul.f32 v18, v25;
	v19 =	vpop (erf)  }
0x162: {  	v26 =	vsub.f32 $0.0e+00, v26;
	v25 =	vld [tilespmem:s1+$0xFFFFFFF0];
	v6 =	vand.u32 $0x7FFFFFFF, v12;
	(erf) = vpow2.f32 v27;
	v20 =	vpop (erf)  }
0x163: {  	v27 =	vsub.f32 $0.0e+00, v6;
	v6 =	vld [tilespmem:s12+$0x30];
	v28 =	vand.u32 $0x7FFFFFFF, v8;
	v29 =	vmul.f32 $1.442695020e+00, v29;
	s12 =	sadd.s32 $0x140, s12;
	v18 =	vpop (erf)  }
0x164: {  	v26 =	vmul.f32 $1.442695020e+00, v26  }
0x165: {  	(erf) = vpow2.f32 v29  }
0x166: {  	v27 =	vmul.f32 $1.442695020e+00, v27;
	(erf) = vpow2.f32 v26  }
0x167: {  	v26 =	vsub.f32 $0.0e+00, v28;
	_ =	sdelay $0x1  }
0x168: {  	(erf) = vpow2.f32 v27;
	v26 =	vmul.f32 $1.442695020e+00, v26  }
0x169: {  	v27 =	vpop (erf)  }
0x16a: {  	v28 =	vpop (erf);
	(erf) = vpow2.f32 v26  }
0x16b: {  	v14 =	vmul.f32 v28, v14  }
0x16c: {  	v17 =	vadd.f32 $1.000000000e+00, v17;
	v26 =	vpop (erf)  }
0x16d: {  	v11 =	vadd.f32 v23, v11;
	v28 =	vadd.f32 $2.000000000e+00, v26;
	v30 =	vmul.f32 v14, v14;
	v29 =	vpop (erf)  }
0x16e: {  	v13 =	vadd.f32 v24, v13;
	v24 =	vld [tilespmem:s8+$0xFFFFFF70];
	v7 =	vmul.f32 v17, v7;
	v29 =	vadd.f32 $1.000000000e+00, v29;
	v31 =	vpop (erf)  }
0x16f: {  	v17 =	vld [tilespmem:s8+$0xFFFFFFF0];
	(erf) = vrcp.f32 v28;
	v23 =	vmul.f32 $1.428571490e-01, v30;
	v28 =	vadd.f32 $2.000000000e+00, v31  }
0x170: {  	v1 =	vadd.f32 v16, v1;
	v3 =	vadd.f32 v15, v3;
	(erf) = vrcp.f32 v29;
	v29 =	vld [tilespmem:s9+$0x30]  }
0x171: {  	v22 =	vadd.f32 v25, v22;
	v25 =	vpop (erf);
	v23 =	vadd.f32 $2.000000030e-01, v23;
	(erf) = vrcp.f32 v28;
	v28 =	vld [tilespmem:s8+$0xFFFFFFB0]  }
0x172: {  	v4 =	vadd.f32 v21, v4;
	v1 =	vmul.f32 v1, v19;
	v16 =	vadd.f32 $2.000000000e+00, v25  }
0x173: {  	v3 =	vmul.f32 v3, v20;
	v11 =	vadd.f32 v24, v11;
	v15 =	vmul.f32 v23, v30;
	v21 =	vpop (erf);
	v23 =	vld [tilespmem:s8+$0x30]  }
0x174: {  	v2 =	vadd.f32 v7, v2;
	(erf) = vrcp.f32 v16;
	v19 =	vadd.f32 $2.000000000e+00, v21  }
0x175: {  	v4 =	vmul.f32 v4, v18;
	v17 =	vadd.f32 v17, v22;
	v11 =	vsub.f32 $0.0e+00, v11  }
0x176: {  	(erf) = vrcp.f32 v19;
	v6 =	vadd.f32 v29, v6;
	v13 =	vadd.f32 v28, v13  }
0x177: {  	v17 =	vsub.f32 $0.0e+00, v17;
	v11 =	vmul.f32 $1.442695020e+00, v11;
	v15 =	vadd.f32 $3.333333430e-01, v15  }
0x178: {  	v2 =	vmul.f32 v2, v27;
	v16 =	vpop (erf);
	v6 =	vadd.f32 v23, v6;
	v13 =	vsub.f32 $0.0e+00, v13  }
0x179: {  	v17 =	vmul.f32 $1.442695020e+00, v17;
	(erf) = vpow2.f32 v11;
	v18 =	vpop (erf)  }
0x17a: {  	v15 =	vmul.f32 v15, v30;
	v6 =	vsub.f32 $0.0e+00, v6;
	v19 =	vpop (erf);
	v13 =	vmul.f32 $1.442695020e+00, v13  }
0x17b: {  	v16 =	vmul.f32 v16, v26;
	v19 =	vmul.f32 v19, v31  }
0x17c: {  	v6 =	vmul.f32 $1.442695020e+00, v6;
	(erf) = vpow2.f32 v13  }
0x17d: {  	v11 =	vpop (erf);
	v13 =	vmul.f32 v16, v16;
	(erf) = vpow2.f32 v17  }
0x17e: {  	v14 =	vadd.f32 v14, v14;
	v11 =	vmul.f32 v11, v25;
	(erf) = vpow2.f32 v6  }
0x17f: {  	v6 =	vadd.f32 $1.000000000e+00, v15;
	v15 =	vmul.f32 v19, v19;
	v17 =	vmul.f32 $1.428571490e-01, v13;
	v20 =	vpop (erf)  }
0x180: {  	v9 =	vmax.f32 v9, $0.0e+00;
	v22 =	vmul.f32 v11, v11;
	v20 =	vmul.f32 v20, v21  }
0x181: {  	v6 =	vmul.f32 v6, v14;
	v14 =	vmul.f32 $1.428571490e-01, v15;
	v17 =	vadd.f32 $2.000000030e-01, v17  }
0x182: {  	v5 =	vmax.f32 v5, $0.0e+00;
	v23 =	vpop (erf);
	v7 =	vmul.f32 $1.428571490e-01, v22;
	v21 =	vmul.f32 v20, v20  }
0x183: {  	v23 =	vadd.f32 $1.000000000e+00, v23;
	v14 =	vadd.f32 $2.000000030e-01, v14;
	v17 =	vmul.f32 v17, v13  }
0x184: {  	v5 =	vadd.f32 v6, v5;
	v6 =	vadd.f32 $2.000000030e-01, v7;
	v7 =	vmul.f32 $1.428571490e-01, v21  }
0x185: {  	v11 =	vadd.f32 v11, v11;
	v14 =	vmul.f32 v14, v15;
	v17 =	vadd.f32 $3.333333430e-01, v17;
	v24 =	vpop (erf)  }
0x186: {  	(erf) = vrcp.f32 v23;
	v7 =	vadd.f32 $2.000000030e-01, v7;
	v24 =	vadd.f32 $1.000000000e+00, v24;
	v25 =	vpop (erf)  }
0x187: {  	v6 =	vmul.f32 v6, v22;
	v14 =	vadd.f32 $3.333333430e-01, v14;
	v25 =	vadd.f32 $1.000000000e+00, v25;
	v23 =	vpop (erf)  }
0x188: {  	v7 =	vmul.f32 v7, v21;
	v23 =	vadd.f32 $1.000000000e+00, v23;
	(erf) = vrcp.f32 v24  }
0x189: {  	v13 =	vmul.f32 v17, v13;
	v6 =	vadd.f32 $3.333333430e-01, v6;
	(erf) = vrcp.f32 v25  }
0x18a: {  	v14 =	vmul.f32 v14, v15;
	v7 =	vadd.f32 $3.333333430e-01, v7;
	(erf) = vrcp.f32 v23  }
0x18b: {  	v15 =	vadd.f32 v16, v16;
	v6 =	vmul.f32 v6, v22;
	v13 =	vadd.f32 $1.000000000e+00, v13  }
0x18c: {  	v16 =	vadd.f32 v19, v19;
	v14 =	vadd.f32 $1.000000000e+00, v14;
	v7 =	vmul.f32 v7, v21  }
0x18d: {  	[tilespmem:s24+$0xFFFFFFC0] =	vst v1;
	v1 =	vadd.f32 v20, v20;
	v13 =	vmul.f32 v13, v15;
	v6 =	vadd.f32 $1.000000000e+00, v6  }
0x18e: {  	[tilespmem:s24+$0x0] =	vst v4;
	v4 =	vmul.f32 v5, v18;
	v14 =	vmul.f32 v14, v16;
	v7 =	vadd.f32 $1.000000000e+00, v7  }
0x18f: {  	v10 =	vmax.f32 v10, $0.0e+00;
	[tilespmem:s24+$0xFFFFFFE0] =	vst v3;
	v3 =	vmul.f32 v6, v11;
	v6 =	vadd.f32 v13, v9  }
0x190: {  	v12 =	vmax.f32 v12, $0.0e+00;
	v5 =	vpop (erf);
	v1 =	vmul.f32 v7, v1;
	v7 =	vadd.f32 v14, v10  }
0x191: {  	v8 =	vmax.f32 v8, $0.0e+00;
	[tilespmem:s24+$0x20] =	vst v2;
	v3 =	vadd.f32 v3, v12;
	v5 =	vmul.f32 v6, v5;
	v2 =	vpop (erf)  }
0x192: {  	[tilespmem:s17+$0x40] =	vst v4;
	v1 =	vadd.f32 v1, v8;
	v4 =	vpop (erf);
	v2 =	vmul.f32 v7, v2  }
0x193: {  	[tilespmem:s17+$0xFFFFFFC0] =	vst v5;
	v6 =	vpop (erf);
	v3 =	vmul.f32 v3, v4  }
0x194: {  	[tilespmem:s17+$0xFFFFFFE0] =	vst v2;
	v1 =	vmul.f32 v1, v6  }
0x195: {  	s1 =	sshll.u32 s21, $0x8;
	p1 =	seq.s32 s21, $0x27;
	[tilespmem:s17+$0x0] =	vst v3  }
0x196: {  	s11 =	simm.s32 @!p1 $0x5000;
	s24 =	sand.u32 $0x3FFFFF00, s1;
	s1 =	sadd.s32 @!p1 $0x2, s22;
	[tilespmem:s17+$0x20] =	vst v1  }
0x197: {  	[spmem:s2] =	stream.indirect.scatter.add.f32 [tilespmem:s29], [sflag:$0x3], $0x20, s24, s18, $0xb8;
	[tilespmem:$0x1CAC0] =	vst v63  }
0x198: {  	s9 =	simm.s32 @!p1 $0x7D;
	s8 =	sshll.u32 @!p1 s1, $0x7;
	s1 =	sadd.s32 @!p1 s7, s1  }
0x199: {  	[tilespmem:s11], [sflag:$0x1] =	stream.indirect.gather @!p1 [hbm4b:s4+s9], $0x40, s8, s9, $0xb8;
	[tilespmem:$0x1CAC0] =	vst v63  }
0x19a: {  	s1 =	smul.u32 @!p1 $0x3E8, s1;
	s8 =	sadd.s32 @!p1 $0x2800, s8;
	s11 =	simm.s32 @!p1 $0x8E80  }
0x19b: {  	[tilespmem:s11], [sflag:$0x1] =	stream.indirect.gather @!p1 [hbm4b:s5+s9], $0x40, s8, s9, $0xb8;
	[tilespmem:$0x1CAC0] =	vst v63  }
0x19c: {  	s1 =	sadd.s32 @!p1 s6, s1;
	s8 =	simm.s32 @!p1 $0x0;
	s9 =	simm.s32 @!p1 $0xCD00  }
0x19d: {  	[tilespmem:s9], [sflag:$0x1] =	stream.linear.gather @!p1 [hbm4b:s1+s8], $0x1F40, $0x38;
	[tilespmem:$0x1CAC0] =	vst v63  }
0x19e: {  	_ =	swait.ge [sflag:s30], $0x1F40  }
0x19f: {  	[sflag:s30] =	ssyncset.done $0x0  }
0x1a0: {  	[sflag:s30] =	ssyncadd.s32 $0xFFFFE0C0  }
0x1a1: {  	_ =	swait.ge [sflag:s30], $0x1F40  }
0x1a2: {  	[sflag:s30] =	ssyncset.done $0x0  }
0x1a3: {  	[sflag:s30] =	ssyncadd.s32 $0xFFFFE0C0  }
0x1a4: {  	_ =	swait.ge [sflag:s30], $0x1F40  }
0x1a5: {  	[sflag:s30] =	ssyncset.done $0x0  }
0x1a6: {  	s1 =	simm.s32 @!p0 $0x4;
	[sflag:s30] =	ssyncadd.s32 $0xFFFFE0C0  }
0x1a7: {  	_ =	swait.ge @!p0 [sflag:s1], $0xFA0  }
0x1a8: {  	[sflag:s1] =	ssyncset.done @!p0 $0x0  }
0x1a9: {  	s9 =	simm.s32 $0x7070;
	[sflag:s1] =	ssyncadd.s32 @!p0 $0xFFFFF060  }
0x1aa: {  	s8 =	simm.s32 $0xAEF0;
	v1 =	vld [tilespmem:s9+$0xFFFFFFF0]  }
0x1ab: {  	v2 =	vld [tilespmem:s8+$0xFFFFFFF0]  }
0x1ac: {  	s12 =	simm.s32 $0xED70  }
0x1ad: {  	v3 =	vld [tilespmem:s12+$0xFFFFFFF0];
	_ =	sdelay $0x1  }
0x1ae: {  	v4 =	vld [tilespmem:s9+$0xFFFFFEF0]  }
0x1af: {  	v5 =	vld [tilespmem:s9+$0xFFFFFF30];
	v1 =	vadd.f32 v2, v1  }
0x1b0: {  	v8 =	vld [tilespmem:s8+$0xFFFFFF70]  }
0x1b1: {  	v9 =	vld [tilespmem:s9+$0xFFFFFFB0];
	v6 =	vadd.f32 v3, v1  }
0x1b2: {  	v10 =	vld [tilespmem:s12+$0xFFFFFEF0]  }
0x1b3: {  	v2 =	vld [tilespmem:s8+$0xFFFFFEF0];
	v7 =	vand.u32 $0x7FFFFFFF, v6  }
0x1b4: {  	v1 =	vld [tilespmem:s8+$0xFFFFFF30];
	v7 =	vsub.f32 $0.0e+00, v7  }
0x1b5: {  	v11 =	vld [tilespmem:s12+$0xFFFFFF30]  }
0x1b6: {  	v3 =	vld [tilespmem:s9+$0xFFFFFF70];
	v7 =	vmul.f32 $1.442695020e+00, v7  }
0x1b7: {  	v12 =	vld [tilespmem:s8+$0xFFFFFFB0]  }
0x1b8: {  	v2 =	vadd.f32 v2, v4;
	v4 =	vld [tilespmem:s12+$0xFFFFFF70];
	(erf) = vpow2.f32 v7  }
0x1b9: {  	v1 =	vadd.f32 v1, v5;
	v5 =	vld [tilespmem:s12+$0xFFFFFFB0]  }
0x1ba: {  	v13 =	vld [tilespmem:s9+$0xFFFFFF50];
	v10 =	vadd.f32 v10, v2  }
0x1bb: {  	v16 =	vld [tilespmem:s12+$0xFFFFFFD0];
	v2 =	vadd.f32 v8, v3;
	v3 =	vadd.f32 v11, v1  }
0x1bc: {  	v18 =	vld [tilespmem:s8+$0xFFFFFF50];
	v1 =	vadd.f32 v12, v9;
	v11 =	vand.u32 $0x7FFFFFFF, v10  }
0x1bd: {  	v12 =	vld [tilespmem:s9+$0xFFFFFFD0];
	v2 =	vadd.f32 v4, v2;
	v4 =	vsub.f32 $0.0e+00, v11;
	v11 =	vand.u32 $0x7FFFFFFF, v3  }
0x1be: {  	v1 =	vadd.f32 v5, v1;
	v5 =	vsub.f32 $0.0e+00, v11;
	v11 =	vld [tilespmem:s8+$0xFFFFFFD0]  }
0x1bf: {  	v8 =	vld [tilespmem:s9+$0xFFFFFF10];
	v4 =	vmul.f32 $1.442695020e+00, v4;
	v14 =	vand.u32 $0x7FFFFFFF, v2  }
0x1c0: {  	v7 =	vld [tilespmem:s8+$0xFFFFFED0];
	v14 =	vsub.f32 $0.0e+00, v14  }
0x1c1: {  	v9 =	vld [tilespmem:s8+$0xFFFFFF10];
	v15 =	vand.u32 $0x7FFFFFFF, v1;
	v5 =	vmul.f32 $1.442695020e+00, v5;
	(erf) = vpow2.f32 v4;
	v17 =	vpop (erf)  }
0x1c2: {  	v4 =	vld [tilespmem:s9+$0xFFFFFF90];
	v15 =	vsub.f32 $0.0e+00, v15;
	v19 =	vadd.f32 $2.000000000e+00, v17  }
0x1c3: {  	(erf) = vpow2.f32 v5;
	v5 =	vmul.f32 $1.442695020e+00, v14;
	v14 =	vld [tilespmem:s9+$0xFFFFFED0];
	v11 =	vadd.f32 v11, v12  }
0x1c4: {  	v12 =	vld [tilespmem:s8+$0xFFFFFF90];
	v15 =	vmul.f32 $1.442695020e+00, v15;
	(erf) = vrcp.f32 v19  }
0x1c5: {  	v19 =	vld [tilespmem:s12+$0xFFFFFED0];
	(erf) = vpow2.f32 v5;
	v5 =	vadd.f32 v16, v11  }
0x1c6: {  	v11 =	vld [tilespmem:s12+$0xFFFFFF10];
	(erf) = vpow2.f32 v15  }
0x1c7: {  	v16 =	vld [tilespmem:s12+$0xFFFFFF90];
	v5 =	vsub.f32 $0.0e+00, v5  }
0x1c8: {  	v8 =	vadd.f32 v9, v8;
	v15 =	vld [tilespmem:s12+$0xFFFFFF50]  }
0x1c9: {  	v9 =	vadd.f32 v18, v13;
	v7 =	vadd.f32 v7, v14;
	v5 =	vmul.f32 $1.442695020e+00, v5  }
0x1ca: {  	v4 =	vadd.f32 v12, v4;
	v13 =	vpop (erf)  }
0x1cb: {  	v12 =	vadd.f32 $2.000000000e+00, v13;
	v7 =	vadd.f32 v19, v7;
	(erf) = vpow2.f32 v5  }
0x1cc: {  	v8 =	vadd.f32 v11, v8;
	v11 =	vpop (erf);
	v4 =	vadd.f32 v16, v4  }
0x1cd: {  	v5 =	vadd.f32 v15, v9;
	v14 =	vadd.f32 $2.000000000e+00, v11;
	v9 =	vpop (erf)  }
0x1ce: {  	v8 =	vsub.f32 $0.0e+00, v8;
	(erf) = vrcp.f32 v12;
	v9 =	vmul.f32 v9, v17;
	v15 =	vpop (erf)  }
0x1cf: {  	v7 =	vsub.f32 $0.0e+00, v7;
	(erf) = vrcp.f32 v14;
	v12 =	vadd.f32 $2.000000000e+00, v15;
	v16 =	vpop (erf)  }
0x1d0: {  	v8 =	vmul.f32 $1.442695020e+00, v8;
	v17 =	vmul.f32 v9, v9;
	v14 =	vadd.f32 $2.000000000e+00, v16  }
0x1d1: {  	v7 =	vmul.f32 $1.442695020e+00, v7;
	v5 =	vsub.f32 $0.0e+00, v5;
	(erf) = vrcp.f32 v12  }
0x1d2: {  	v12 =	vmul.f32 $1.428571490e-01, v17;
	(erf) = vrcp.f32 v14  }
0x1d3: {  	v4 =	vsub.f32 $0.0e+00, v4;
	v5 =	vmul.f32 $1.442695020e+00, v5;
	(erf) = vpow2.f32 v7  }
0x1d4: {  	v7 =	vadd.f32 $2.000000030e-01, v12;
	(erf) = vpow2.f32 v8;
	v8 =	vpop (erf)  }
0x1d5: {  	v4 =	vmul.f32 $1.442695020e+00, v4;
	(erf) = vpow2.f32 v5;
	v5 =	vadd.f32 $1.000000000e+00, v8  }
0x1d6: {  	v7 =	vmul.f32 v7, v17  }
0x1d7: {  	(erf) = vpow2.f32 v4  }
0x1d8: {  	(erf) = vrcp.f32 v5;
	v4 =	vadd.f32 $3.333333430e-01, v7  }
0x1d9: {  	v5 =	vpop (erf)  }
0x1da: {  	v5 =	vmul.f32 v5, v13;
	v7 =	vpop (erf);
	v4 =	vmul.f32 v4, v17  }
0x1db: {  	v7 =	vmul.f32 v7, v11;
	v8 =	vpop (erf)  }
0x1dc: {  	v9 =	vadd.f32 v9, v9;
	v11 =	vmul.f32 v5, v5;
	v12 =	vpop (erf);
	v4 =	vadd.f32 $1.000000000e+00, v4  }
0x1dd: {  	v8 =	vmul.f32 v8, v15;
	v13 =	vmul.f32 v7, v7;
	v14 =	vpop (erf)  }
0x1de: {  	v15 =	vmul.f32 $1.428571490e-01, v11;
	v17 =	vpop (erf);
	v4 =	vmul.f32 v4, v9  }
0x1df: {  	v6 =	vmax.f32 v6, $0.0e+00;
	v18 =	vpop (erf)  }
0x1e0: {  	v19 =	vmul.f32 $1.428571490e-01, v13;
	v20 =	vpop (erf);
	v15 =	vadd.f32 $2.000000030e-01, v15;
	v4 =	vadd.f32 v4, v6  }
0x1e1: {  	v9 =	vmul.f32 v8, v8;
	v6 =	vmax.f32 v10, $0.0e+00;
	v10 =	vadd.f32 $1.000000000e+00, v14;
	v21 =	vpop (erf)  }
0x1e2: {  	v19 =	vadd.f32 $2.000000030e-01, v19;
	v15 =	vmul.f32 v15, v11;
	v4 =	vmul.f32 v4, v21  }
0x1e3: {  	s1 =	simm.s32 $0x11BB0;
	v12 =	vmul.f32 v12, v16;
	v16 =	vadd.f32 $1.000000000e+00, v17;
	v14 =	vmul.f32 $1.428571490e-01, v9  }
0x1e4: {  	(erf) = vrcp.f32 v10;
	v10 =	vmul.f32 v19, v13;
	v15 =	vadd.f32 $3.333333430e-01, v15;
	[tilespmem:s1+$0xFFFFFFF0] =	vst v4  }
0x1e5: {  	v17 =	vadd.f32 $1.000000000e+00, v18;
	v14 =	vadd.f32 $2.000000030e-01, v14;
	v18 =	vld [tilespmem:s9+$0x0]  }
0x1e6: {  	v4 =	vmul.f32 v12, v12;
	v10 =	vadd.f32 $3.333333430e-01, v10;
	v11 =	vmul.f32 v15, v11;
	v15 =	vld [tilespmem:s8+$0x0]  }
0x1e7: {  	v5 =	vadd.f32 v5, v5;
	(erf) = vrcp.f32 v16;
	v14 =	vmul.f32 v14, v9  }
0x1e8: {  	v16 =	vmul.f32 $1.428571490e-01, v4;
	v10 =	vmul.f32 v10, v13;
	v13 =	vld [tilespmem:s12+$0x0];
	v11 =	vadd.f32 $1.000000000e+00, v11  }
0x1e9: {  	v7 =	vadd.f32 v7, v7;
	(erf) = vrcp.f32 v17;
	v14 =	vadd.f32 $3.333333430e-01, v14  }
0x1ea: {  	v16 =	vadd.f32 $2.000000030e-01, v16;
	v10 =	vadd.f32 $1.000000000e+00, v10;
	v5 =	vmul.f32 v11, v5  }
0x1eb: {  	v11 =	vadd.f32 v8, v8;
	v8 =	vadd.f32 v15, v18  }
0x1ec: {  	v3 =	vmax.f32 v3, $0.0e+00;
	v9 =	vmul.f32 v14, v9;
	v5 =	vadd.f32 v5, v6  }
0x1ed: {  	s16 =	simm.s32 $0xB030;
	v7 =	vmul.f32 v10, v7;
	v10 =	vmul.f32 v16, v4;
	v14 =	vpop (erf);
	v8 =	vadd.f32 v13, v8  }
0x1ee: {  	s13 =	simm.s32 $0x71B0;
	v24 =	vld [tilespmem:s16+$0xFFFFFF30];
	v9 =	vadd.f32 $1.000000000e+00, v9;
	v6 =	vadd.f32 $1.000000000e+00, v20;
	v5 =	vmul.f32 v5, v14  }
0x1ef: {  	v25 =	vld [tilespmem:s13+$0xFFFFFFB0];
	v3 =	vadd.f32 v7, v3;
	v7 =	vadd.f32 $3.333333430e-01, v10;
	v10 =	vand.u32 $0x7FFFFFFF, v8  }
0x1f0: {  	v28 =	vld [tilespmem:s16+$0xFFFFFFB0];
	v9 =	vmul.f32 v9, v11;
	[tilespmem:s1+$0xFFFFFF70] =	vst v5;
	v5 =	vsub.f32 $0.0e+00, v10  }
0x1f1: {  	s17 =	simm.s32 $0xEEB0;
	v31 =	vld [tilespmem:s13+$0xFFFFFFD0];
	v2 =	vmax.f32 v2, $0.0e+00;
	(erf) = vrcp.f32 v6;
	v4 =	vmul.f32 v7, v4  }
0x1f2: {  	v34 =	vld [tilespmem:s17+$0xFFFFFFD0];
	v2 =	vadd.f32 v9, v2;
	v6 =	vpop (erf);
	v5 =	vmul.f32 $1.442695020e+00, v5  }
0x1f3: {  	v11 =	vld [tilespmem:s8+$0xFFFFFFE0];
	v3 =	vmul.f32 v3, v6;
	v6 =	vpop (erf);
	v4 =	vadd.f32 $1.000000000e+00, v4  }
0x1f4: {  	v7 =	vld [tilespmem:s9+$0xFFFFFF00];
	v2 =	vmul.f32 v2, v6;
	v6 =	vadd.f32 v12, v12;
	(erf) = vpow2.f32 v5  }
0x1f5: {  	[tilespmem:s1+$0xFFFFFF90] =	vst v3;
	v3 =	vld [tilespmem:s8+$0xFFFFFF00]  }
0x1f6: {  	v9 =	vld [tilespmem:s9+$0xFFFFFF40];
	v4 =	vmul.f32 v4, v6  }
0x1f7: {  	v1 =	vmax.f32 v1, $0.0e+00;
	v6 =	vld [tilespmem:s12+$0xFFFFFF00]  }
0x1f8: {  	v1 =	vadd.f32 v4, v1;
	v4 =	vld [tilespmem:s9+$0xFFFFFFE0]  }
0x1f9: {  	[tilespmem:s1+$0xFFFFFFB0] =	vst v2;
	v2 =	vld [tilespmem:s8+$0xFFFFFF40]  }
0x1fa: {  	v12 =	vld [tilespmem:s12+$0xFFFFFFE0];
	v10 =	vpop (erf)  }
0x1fb: {  	v1 =	vmul.f32 v1, v10;
	v10 =	vld [tilespmem:s12+$0xFFFFFF40];
	v3 =	vadd.f32 v3, v7  }
0x1fc: {  	v5 =	vld [tilespmem:s9+$0xFFFFFF80]  }
0x1fd: {  	[tilespmem:s1+$0xFFFFFFD0] =	vst v1;
	v1 =	vld [tilespmem:s8+$0xFFFFFF80];
	v3 =	vadd.f32 v6, v3;
	v4 =	vadd.f32 v11, v4;
	v13 =	vpop (erf)  }
0x1fe: {  	v2 =	vadd.f32 v2, v9;
	v7 =	vld [tilespmem:s9+$0xFFFFFFC0];
	v11 =	vadd.f32 $2.000000000e+00, v13  }
0x1ff: {  	v9 =	vld [tilespmem:s8+$0xFFFFFFC0];
	v15 =	vand.u32 $0x7FFFFFFF, v3;
	v4 =	vadd.f32 v12, v4  }
0x200: {  	v6 =	vld [tilespmem:s12+$0xFFFFFF80];
	v2 =	vadd.f32 v10, v2;
	(erf) = vrcp.f32 v11;
	v11 =	vsub.f32 $0.0e+00, v15  }
0x201: {  	v14 =	vld [tilespmem:s12+$0xFFFFFFC0];
	v4 =	vsub.f32 $0.0e+00, v4  }
0x202: {  	v19 =	vld [tilespmem:s13+$0xFFFFFEF0];
	v1 =	vadd.f32 v1, v5;
	v15 =	vand.u32 $0x7FFFFFFF, v2;
	v5 =	vmul.f32 $1.442695020e+00, v11  }
0x203: {  	v20 =	vld [tilespmem:s16+$0xFFFFFEF0];
	v4 =	vmul.f32 $1.442695020e+00, v4;
	v11 =	vsub.f32 $0.0e+00, v15  }
0x204: {  	v10 =	vld [tilespmem:s9+$0xFFFFFEE0];
	v7 =	vadd.f32 v9, v7;
	(erf) = vpow2.f32 v5  }
0x205: {  	v6 =	vadd.f32 v6, v1;
	v1 =	vld [tilespmem:s13+$0xFFFFFFF0];
	v5 =	vmul.f32 $1.442695020e+00, v11;
	(erf) = vpow2.f32 v4  }
0x206: {  	v14 =	vadd.f32 v14, v7;
	v11 =	vld [tilespmem:s16+$0xFFFFFFF0]  }
0x207: {  	v12 =	vld [tilespmem:s8+$0xFFFFFEE0];
	v7 =	vand.u32 $0x7FFFFFFF, v6;
	(erf) = vpow2.f32 v5  }
0x208: {  	v17 =	vand.u32 $0x7FFFFFFF, v14;
	v5 =	vsub.f32 $0.0e+00, v7;
	v7 =	vld [tilespmem:s17+$0xFFFFFFF0]  }
0x209: {  	v44 =	vld [tilespmem:s12+$0xFFFFFEE0];
	v17 =	vsub.f32 $0.0e+00, v17;
	v18 =	vpop (erf)  }
0x20a: {  	v16 =	vld [tilespmem:s9+$0xFFFFFF20];
	v5 =	vmul.f32 $1.442695020e+00, v5;
	v13 =	vmul.f32 v18, v13  }
0x20b: {  	v15 =	vld [tilespmem:s8+$0xFFFFFF60];
	v1 =	vadd.f32 v11, v1;
	v11 =	vmul.f32 $1.442695020e+00, v17  }
0x20c: {  	v25 =	vadd.f32 v28, v25;
	v4 =	vld [tilespmem:s9+$0xFFFFFF60];
	(erf) = vpow2.f32 v5;
	v23 =	vmul.f32 v13, v13  }
0x20d: {  	v9 =	vld [tilespmem:s8+$0xFFFFFF20];
	v18 =	vadd.f32 v12, v10;
	v5 =	vadd.f32 v7, v1;
	v10 =	vpop (erf)  }
0x20e: {  	v17 =	vld [tilespmem:s13+$0xFFFFFF30];
	(erf) = vpow2.f32 v11;
	v1 =	vmul.f32 $1.428571490e-01, v23;
	v12 =	vadd.f32 $2.000000000e+00, v10;
	v22 =	vpop (erf)  }
0x20f: {  	v7 =	vld [tilespmem:s13+$0xFFFFFF70];
	v13 =	vadd.f32 v13, v13;
	v21 =	vand.u32 $0x7FFFFFFF, v5;
	v22 =	vadd.f32 $1.000000000e+00, v22  }
0x210: {  	v11 =	vld [tilespmem:s16+$0xFFFFFF70];
	v26 =	vsub.f32 $0.0e+00, v21;
	v27 =	vpop (erf);
	v1 =	vadd.f32 $2.000000030e-01, v1;
	(erf) = vrcp.f32 v12  }
0x211: {  	v12 =	vadd.f32 $2.000000000e+00, v27;
	(erf) = vrcp.f32 v22;
	v22 =	vadd.f32 v15, v4;
	v15 =	vld [tilespmem:s17+$0xFFFFFF30]  }
0x212: {  	v21 =	vadd.f32 v9, v16;
	v9 =	vld [tilespmem:s17+$0xFFFFFEF0];
	v16 =	vmul.f32 $1.442695020e+00, v26;
	v4 =	vmul.f32 v1, v23  }
0x213: {  	(erf) = vrcp.f32 v12;
	v1 =	vmax.f32 v3, $0.0e+00;
	v12 =	vadd.f32 v20, v19;
	v19 =	vld [tilespmem:s17+$0xFFFFFF70]  }
0x214: {  	v39 =	vld [tilespmem:s12+$0xFFFFFF20];
	v3 =	vmax.f32 v2, $0.0e+00;
	v2 =	vadd.f32 v24, v17;
	(erf) = vpow2.f32 v16  }
0x215: {  	v17 =	vld [tilespmem:s17+$0xFFFFFFB0];
	v20 =	vpop (erf);
	v16 =	vadd.f32 $3.333333430e-01, v4;
	v4 =	vmax.f32 v6, $0.0e+00;
	v6 =	vadd.f32 v11, v7  }
0x216: {  	v36 =	vld [tilespmem:s13+$0xFFFFFF90];
	v8 =	vmax.f32 v8, $0.0e+00;
	v11 =	vadd.f32 $2.000000000e+00, v20;
	v15 =	vadd.f32 v15, v2  }
0x217: {  	v18 =	vadd.f32 v44, v18;
	v9 =	vadd.f32 v9, v12;
	v16 =	vmul.f32 v16, v23;
	v23 =	vld [tilespmem:s13+$0xFFFFFF10]  }
0x218: {  	v7 =	vpop (erf);
	(erf) = vrcp.f32 v11;
	v11 =	vld [tilespmem:s16+$0xFFFFFF10];
	v29 =	vadd.f32 v19, v6;
	v6 =	vand.u32 $0x7FFFFFFF, v15  }
0x219: {  	v28 =	vld [tilespmem:s13+$0xFFFFFF50];
	v21 =	vadd.f32 v39, v21;
	v2 =	vand.u32 $0x7FFFFFFF, v9;
	v16 =	vadd.f32 $1.000000000e+00, v16  }
0x21a: {  	v19 =	vsub.f32 $0.0e+00, v2;
	v2 =	vmax.f32 v14, $0.0e+00;
	v12 =	vadd.f32 v17, v25;
	v17 =	vld [tilespmem:s16+$0xFFFFFFD0];
	v30 =	vpop (erf)  }
0x21b: {  	v25 =	vld [tilespmem:s16+$0xFFFFFF50];
	v14 =	vsub.f32 $0.0e+00, v6;
	v13 =	vmul.f32 v16, v13;
	v16 =	vand.u32 $0x7FFFFFFF, v29;
	v6 =	vpop (erf)  }
0x21c: {  	v58 =	vld [tilespmem:s13+$0xFFFFFED0];
	v19 =	vmul.f32 $1.442695020e+00, v19;
	v33 =	vand.u32 $0x7FFFFFFF, v12;
	v16 =	vsub.f32 $0.0e+00, v16;
	v32 =	vpop (erf)  }
0x21d: {  	v59 =	vld [tilespmem:s17+$0xFFFFFF50];
	v14 =	vmul.f32 $1.442695020e+00, v14;
	v23 =	vadd.f32 v11, v23;
	v8 =	vadd.f32 v13, v8;
	v35 =	vpop (erf)  }
0x21e: {  	v40 =	vld [tilespmem:s12+$0xFFFFFF60];
	(erf) = vpow2.f32 v19;
	v13 =	vsub.f32 $0.0e+00, v33;
	v37 =	vadd.f32 $2.000000000e+00, v35  }
0x21f: {  	v24 =	vld [tilespmem:s16+$0xFFFFFED0];
	v17 =	vadd.f32 v17, v31;
	(erf) = vpow2.f32 v14;
	v14 =	vmul.f32 $1.442695020e+00, v16  }
0x220: {  	v25 =	vadd.f32 v25, v28;
	v28 =	vld [tilespmem:s17+$0xFFFFFED0];
	v11 =	vmul.f32 $1.442695020e+00, v13;
	(erf) = vrcp.f32 v37  }
0x221: {  	v16 =	vmax.f32 v9, $0.0e+00;
	v9 =	vld [tilespmem:s17+$0xFFFFFF10];
	v31 =	vadd.f32 v34, v17;
	(erf) = vpow2.f32 v14  }
0x222: {  	v18 =	vsub.f32 $0.0e+00, v18;
	v21 =	vsub.f32 $0.0e+00, v21;
	v19 =	vld [tilespmem:s16+$0xFFFFFF90];
	v13 =	vpop (erf);
	(erf) = vpow2.f32 v11  }
0x223: {  	v26 =	vadd.f32 $2.000000000e+00, v7;
	v13 =	vmul.f32 v13, v20;
	v20 =	vsub.f32 $0.0e+00, v31  }
0x224: {  	v24 =	vadd.f32 v24, v58;
	v17 =	vmax.f32 v15, $0.0e+00;
	v15 =	vmul.f32 v30, v10;
	v30 =	vld [tilespmem:s17+$0xFFFFFF90]  }
0x225: {  	v22 =	vadd.f32 v40, v22;
	v25 =	vadd.f32 v59, v25;
	v20 =	vmul.f32 $1.442695020e+00, v20  }
0x226: {  	v24 =	vadd.f32 v28, v24;
	v23 =	vadd.f32 v9, v23;
	(erf) = vrcp.f32 v26  }
0x227: {  	v14 =	vmul.f32 v32, v27;
	v26 =	vadd.f32 v19, v36;
	v27 =	vpop (erf);
	(erf) = vpow2.f32 v20  }
0x228: {  	v24 =	vsub.f32 $0.0e+00, v24;
	v23 =	vsub.f32 $0.0e+00, v23;
	v28 =	vpop (erf)  }
0x229: {  	v18 =	vmul.f32 $1.442695020e+00, v18;
	v26 =	vadd.f32 v30, v26;
	v60 =	vadd.f32 $2.000000000e+00, v27;
	v30 =	vpop (erf)  }
0x22a: {  	v24 =	vmul.f32 $1.442695020e+00, v24;
	v62 =	vadd.f32 $2.000000000e+00, v28;
	v30 =	vmul.f32 v30, v35;
	v63 =	vpop (erf)  }
0x22b: {  	v23 =	vmul.f32 $1.442695020e+00, v23;
	(erf) = vrcp.f32 v60;
	v45 =	vadd.f32 $2.000000000e+00, v63;
	v46 =	vpop (erf)  }
0x22c: {  	(erf) = vrcp.f32 v62;
	v38 =	vmul.f32 v30, v30;
	v47 =	vadd.f32 $2.000000000e+00, v46  }
0x22d: {  	v21 =	vmul.f32 $1.442695020e+00, v21;
	v22 =	vsub.f32 $0.0e+00, v22;
	(erf) = vrcp.f32 v45  }
0x22e: {  	v25 =	vsub.f32 $0.0e+00, v25;
	v48 =	vmul.f32 $1.428571490e-01, v38;
	(erf) = vrcp.f32 v47  }
0x22f: {  	v22 =	vmul.f32 $1.442695020e+00, v22;
	v26 =	vsub.f32 $0.0e+00, v26;
	(erf) = vpow2.f32 v24;
	v24 =	vpop (erf)  }
0x230: {  	v61 =	vld [tilespmem:s8+$0xFFFFFFA0];
	v25 =	vmul.f32 $1.442695020e+00, v25;
	v32 =	vadd.f32 $2.000000030e-01, v48;
	(erf) = vpow2.f32 v23;
	v23 =	vpop (erf)  }
0x231: {  	v31 =	vld [tilespmem:s9+$0xFFFFFFA0];
	v11 =	vmul.f32 v15, v15;
	v26 =	vmul.f32 $1.442695020e+00, v26;
	v23 =	vadd.f32 $1.000000000e+00, v23  }
0x232: {  	v5 =	vmax.f32 v5, $0.0e+00;
	(erf) = vpow2.f32 v25;
	v25 =	vmul.f32 v32, v38  }
0x233: {  	v49 =	vld [tilespmem:s12+$0xFFFFFFA0];
	v12 =	vmax.f32 v12, $0.0e+00;
	v10 =	vmul.f32 v14, v14;
	v9 =	vmul.f32 v13, v13  }
0x234: {  	v19 =	vmul.f32 $1.428571490e-01, v11;
	(erf) = vpow2.f32 v26;
	v25 =	vadd.f32 $3.333333430e-01, v25  }
0x235: {  	v29 =	vmax.f32 v29, $0.0e+00;
	v20 =	vmul.f32 $1.428571490e-01, v10;
	(erf) = vrcp.f32 v23;
	v23 =	vpop (erf)  }
0x236: {  	v31 =	vadd.f32 v61, v31;
	v23 =	vmul.f32 v23, v27;
	v27 =	vpop (erf);
	v25 =	vmul.f32 v25, v38  }
0x237: {  	v30 =	vadd.f32 v30, v30;
	v7 =	vmul.f32 v24, v7;
	v27 =	vmul.f32 v27, v28;
	v28 =	vpop (erf)  }
0x238: {  	v26 =	vadd.f32 v49, v31;
	v31 =	vmul.f32 v23, v23;
	v50 =	vpop (erf);
	v25 =	vadd.f32 $1.000000000e+00, v25  }
0x239: {  	v19 =	vadd.f32 $2.000000030e-01, v19;
	v28 =	vmul.f32 v28, v63;
	v32 =	vmul.f32 v50, v46  }
0x23a: {  	v20 =	vadd.f32 $2.000000030e-01, v20;
	v25 =	vmul.f32 v25, v30;
	v30 =	vmul.f32 $1.428571490e-01, v31  }
0x23b: {  	v23 =	vadd.f32 v23, v23;
	v51 =	vmul.f32 v27, v27;
	v52 =	vpop (erf);
	v54 =	vmul.f32 v28, v28  }
0x23c: {  	v34 =	vadd.f32 $1.000000000e+00, v52;
	v53 =	vpop (erf);
	v56 =	vmul.f32 v32, v32;
	v30 =	vadd.f32 $2.000000030e-01, v30  }
0x23d: {  	v55 =	vpop (erf);
	v57 =	vmul.f32 $1.428571490e-01, v51;
	v5 =	vadd.f32 v25, v5;
	v25 =	vmul.f32 $1.428571490e-01, v54  }
0x23e: {  	v27 =	vadd.f32 v27, v27;
	v58 =	vpop (erf);
	v60 =	vmul.f32 $1.428571490e-01, v56;
	v30 =	vmul.f32 v30, v31  }
0x23f: {  	(erf) = vrcp.f32 v34;
	v59 =	vpop (erf);
	v39 =	vadd.f32 $2.000000030e-01, v57;
	v25 =	vadd.f32 $2.000000030e-01, v25  }
0x240: {  	v5 =	vmul.f32 v5, v59;
	v34 =	vadd.f32 $2.000000030e-01, v60;
	v30 =	vadd.f32 $3.333333430e-01, v30  }
0x241: {  	s8 =	simm.s32 $0x11C50;
	v35 =	vadd.f32 $1.000000000e+00, v53;
	v39 =	vmul.f32 v39, v51;
	v25 =	vmul.f32 v25, v54  }
0x242: {  	v37 =	vadd.f32 $1.000000000e+00, v55;
	[tilespmem:s8+$0xFFFFFFF0] =	vst v5;
	v34 =	vmul.f32 v34, v56;
	v30 =	vmul.f32 v30, v31  }
0x243: {  	(erf) = vrcp.f32 v35;
	v5 =	vadd.f32 $3.333333430e-01, v39;
	v61 =	vld [tilespmem:s13+$0x0];
	v25 =	vadd.f32 $3.333333430e-01, v25  }
0x244: {  	(erf) = vrcp.f32 v37;
	v62 =	vld [tilespmem:s16+$0x0];
	v31 =	vadd.f32 $3.333333430e-01, v34;
	v30 =	vadd.f32 $1.000000000e+00, v30  }
0x245: {  	v40 =	vadd.f32 $1.000000000e+00, v58;
	v5 =	vmul.f32 v5, v51;
	v25 =	vmul.f32 v25, v54  }
0x246: {  	v28 =	vadd.f32 v28, v28;
	v63 =	vld [tilespmem:s17+$0x0];
	v31 =	vmul.f32 v31, v56;
	v23 =	vmul.f32 v30, v23  }
0x247: {  	v32 =	vadd.f32 v32, v32;
	(erf) = vrcp.f32 v40;
	v5 =	vadd.f32 $1.000000000e+00, v5  }
0x248: {  	(erf) = vpow2.f32 v18;
	v25 =	vadd.f32 $1.000000000e+00, v25;
	v30 =	vadd.f32 $1.000000000e+00, v31  }
0x249: {  	v5 =	vmul.f32 v5, v27;
	v27 =	vadd.f32 v62, v61;
	v16 =	vadd.f32 v23, v16  }
0x24a: {  	v26 =	vsub.f32 $0.0e+00, v26;
	v25 =	vmul.f32 v25, v28;
	v28 =	vmul.f32 v30, v32;
	v23 =	vpop (erf)  }
0x24b: {  	v17 =	vadd.f32 v5, v17;
	v5 =	vadd.f32 v63, v27;
	v16 =	vmul.f32 v16, v23  }
0x24c: {  	v26 =	vmul.f32 $1.442695020e+00, v26;
	v27 =	vld [tilespmem:s13+$0xFFFFFFE0];
	(erf) = vpow2.f32 v21;
	v23 =	vadd.f32 v25, v29;
	v24 =	vpop (erf)  }
0x24d: {  	v12 =	vadd.f32 v28, v12;
	v28 =	vld [tilespmem:s16+$0xFFFFFFE0];
	v17 =	vmul.f32 v17, v24;
	v24 =	vand.u32 $0x7FFFFFFF, v5;
	[tilespmem:s8+$0xFFFFFF70] =	vst v16  }
0x24e: {  	v20 =	vmul.f32 v20, v10;
	(erf) = vpow2.f32 v22;
	v25 =	vpop (erf);
	v18 =	vsub.f32 $0.0e+00, v24;
	v21 =	vld [tilespmem:s13+$0xFFFFFF00]  }
0x24f: {  	(erf) = vpow2.f32 v26;
	v16 =	vmul.f32 v23, v25;
	[tilespmem:s8+$0xFFFFFF90] =	vst v17;
	v17 =	vld [tilespmem:s16+$0xFFFFFF00]  }
0x250: {  	v25 =	vadd.f32 v14, v14;
	v14 =	vmul.f32 v19, v11;
	v23 =	vpop (erf);
	v18 =	vmul.f32 $1.442695020e+00, v18;
	v22 =	vld [tilespmem:s13+$0xFFFFFF40]  }
0x251: {  	[tilespmem:s8+$0xFFFFFFB0] =	vst v16;
	v16 =	vmul.f32 $1.428571490e-01, v9;
	v24 =	vld [tilespmem:s16+$0xFFFFFF40];
	v12 =	vmul.f32 v12, v23  }
0x252: {  	v14 =	vadd.f32 $3.333333430e-01, v14;
	v23 =	vmul.f32 v7, v7;
	(erf) = vpow2.f32 v18;
	v18 =	vld [tilespmem:s13+$0xFFFFFF80]  }
0x253: {  	v19 =	vadd.f32 v13, v13;
	[tilespmem:s8+$0xFFFFFFD0] =	vst v12;
	v12 =	vadd.f32 $2.000000030e-01, v16;
	v16 =	vld [tilespmem:s16+$0xFFFFFF80]  }
0x254: {  	v11 =	vmul.f32 v14, v11;
	v14 =	vadd.f32 $3.333333430e-01, v20;
	v13 =	vmul.f32 $1.428571490e-01, v23;
	v26 =	vld [tilespmem:s13+$0xFFFFFFC0]  }
0x255: {  	v6 =	vmul.f32 v8, v6;
	v15 =	vadd.f32 v15, v15;
	v8 =	vadd.f32 v17, v21;
	v17 =	vld [tilespmem:s16+$0xFFFFFFC0]  }
0x256: {  	v27 =	vadd.f32 v28, v27;
	v20 =	vpop (erf);
	v21 =	vld [tilespmem:s17+$0xFFFFFF00];
	v13 =	vadd.f32 $2.000000030e-01, v13;
	v12 =	vmul.f32 v12, v9  }
0x257: {  	v20 =	vadd.f32 $1.000000000e+00, v20;
	v10 =	vmul.f32 v14, v10;
	v22 =	vadd.f32 v24, v22;
	v24 =	vpop (erf)  }
0x258: {  	v24 =	vadd.f32 $1.000000000e+00, v24;
	v14 =	vpop (erf);
	v13 =	vmul.f32 v13, v23;
	v12 =	vadd.f32 $3.333333430e-01, v12  }
0x259: {  	(erf) = vrcp.f32 v20;
	v20 =	vld [tilespmem:s17+$0xFFFFFF40];
	v16 =	vadd.f32 v16, v18;
	v18 =	vadd.f32 $1.000000000e+00, v14;
	v14 =	vpop (erf)  }
0x25a: {  	(erf) = vrcp.f32 v24;
	v24 =	vld [tilespmem:s17+$0xFFFFFFE0];
	v29 =	vadd.f32 $1.000000000e+00, v14;
	v13 =	vadd.f32 $3.333333430e-01, v13  }
0x25b: {  	v30 =	vld [tilespmem:s17+$0xFFFFFF80];
	v26 =	vadd.f32 v17, v26;
	v12 =	vmul.f32 v12, v9;
	v9 =	vadd.f32 v21, v8;
	v14 =	vpop (erf)  }
0x25c: {  	(erf) = vrcp.f32 v18;
	v18 =	vadd.f32 $1.000000000e+00, v11;
	v8 =	vadd.f32 $2.000000000e+00, v14  }
0x25d: {  	v21 =	vld [tilespmem:s17+$0xFFFFFFC0];
	(erf) = vrcp.f32 v29;
	v29 =	vadd.f32 $1.000000000e+00, v10;
	v10 =	vand.u32 $0x7FFFFFFF, v9  }
0x25e: {  	v17 =	vmul.f32 v13, v23;
	(erf) = vrcp.f32 v8;
	v8 =	vsub.f32 $0.0e+00, v10  }
0x25f: {  	v11 =	vld [tilespmem:s13+$0xFFFFFEE0];
	v18 =	vmul.f32 v18, v15;
	v10 =	vadd.f32 v20, v22;
	v20 =	vadd.f32 v24, v27  }
0x260: {  	v23 =	vld [tilespmem:s16+$0xFFFFFEE0];
	v15 =	vmul.f32 v29, v25;
	v25 =	vadd.f32 $1.000000000e+00, v12;
	v12 =	vadd.f32 v30, v16  }
0x261: {  	v13 =	vld [tilespmem:s13+$0xFFFFFF20];
	v27 =	vmul.f32 $1.442695020e+00, v8;
	v16 =	vand.u32 $0x7FFFFFFF, v10  }
0x262: {  	v24 =	vld [tilespmem:s16+$0xFFFFFF20];
	v8 =	vadd.f32 v21, v26;
	v26 =	vsub.f32 $0.0e+00, v16;
	v16 =	vand.u32 $0x7FFFFFFF, v12  }
0x263: {  	v22 =	vld [tilespmem:s13+$0xFFFFFF60];
	v29 =	vsub.f32 $0.0e+00, v20;
	v21 =	vmul.f32 v25, v19;
	v19 =	vpop (erf)  }
0x264: {  	s11 =	simm.s32 $0xB030;
	s9 =	simm.s32 $0xEEB0;
	v7 =	vadd.f32 v7, v7;
	v25 =	vld [tilespmem:s16+$0xFFFFFF60];
	v20 =	vpop (erf);
	(erf) = vpow2.f32 v27  }
0x265: {  	s12 =	simm.s32 $0x5;
	[tilespmem:s1+$0x0] =	vst v6;
	v6 =	vld [tilespmem:s13+$0xFFFFFFA0];
	s13 =	simm.s32 $0x72F0;
	v28 =	vand.u32 $0x7FFFFFFF, v8;
	v27 =	vsub.f32 $0.0e+00, v16;
	v29 =	vmul.f32 $1.442695020e+00, v29;
	v16 =	vpop (erf)  }
.LBB2_7:
0x266: {  	v30 =	vld [tilespmem:s13+$0xFFFFFFF0];
	v11 =	vadd.f32 v23, v11;
	v32 =	vmul.f32 $1.442695020e+00, v26;
	v26 =	vsub.f32 $0.0e+00, v28;
	s16 =	sadd.s32 $0x140, s16;
	v28 =	vpop (erf)  }
0x267: {  	v31 =	vld [tilespmem:s16+$0xFFFFFFF0];
	v13 =	vadd.f32 v24, v13;
	v24 =	vmul.f32 $1.442695020e+00, v27;
	(erf) = vpow2.f32 v29  }
0x268: {  	s12 =	sadd.s32 $0x5, s12;
	s17 =	sadd.s32 $0x140, s17;
	v29 =	vadd.f32 $1.000000000e+00, v17;
	v27 =	vld [tilespmem:s13+$0xFFFFFEF0];
	v26 =	vmul.f32 $1.442695020e+00, v26;
	(erf) = vpow2.f32 v32;
	v23 =	vpop (erf)  }
0x269: {  	p0 =	slt.u32 s12, $0x78;
	v32 =	vld [tilespmem:s17+$0xFFFFFFF0];
	v17 =	vadd.f32 v25, v22;
	v14 =	vmul.f32 v23, v14;
	(erf) = vpow2.f32 v24  }
0x26a: {  	v9 =	vmax.f32 v9, $0.0e+00;
	v7 =	vmul.f32 v29, v7;
	v22 =	vld [tilespmem:s16+$0xFFFFFEF0];
	(erf) = vpow2.f32 v26  }
0x26b: {  	v10 =	vmax.f32 v10, $0.0e+00;
	v12 =	vmax.f32 v12, $0.0e+00;
	v23 =	vld [tilespmem:s13+$0xFFFFFF30];
	v24 =	vmul.f32 v14, v14  }
0x26c: {  	v8 =	vmax.f32 v8, $0.0e+00;
	v18 =	vadd.f32 v18, v1;
	v1 =	vmovc v9;
	v25 =	vld [tilespmem:s16+$0xFFFFFF30];
	v26 =	vadd.f32 v31, v30  }
0x26d: {  	v15 =	vadd.f32 v15, v3;
	v21 =	vadd.f32 v21, v4;
	v29 =	vld [tilespmem:s13+$0xFFFFFF70];
	v30 =	vmul.f32 $1.428571490e-01, v24;
	v31 =	vpop (erf)  }
0x26e: {  	v3 =	vmovc v10;
	v4 =	vmovc v12;
	v18 =	vmul.f32 v18, v19;
	v33 =	vld [tilespmem:s16+$0xFFFFFF70];
	v9 =	vadd.f32 v32, v26;
	v32 =	vadd.f32 $2.000000000e+00, v31  }
0x26f: {  	v15 =	vmul.f32 v15, v20;
	v10 =	vadd.f32 v22, v27;
	v12 =	vld [tilespmem:s13+$0xFFFFFFB0];
	v19 =	vadd.f32 $2.000000030e-01, v30  }
0x270: {  	v20 =	vld [tilespmem:s16+$0xFFFFFFB0];
	v22 =	vand.u32 $0x7FFFFFFF, v9;
	(erf) = vrcp.f32 v32;
	v26 =	vpop (erf);
	[tilespmem:s1+$0xFFFFFF80] =	vst v18;
	v18 =	vadd.f32 v7, v2  }
0x271: {  	v27 =	vld [tilespmem:s17+$0xFFFFFEF0];
	v35 =	vsub.f32 $0.0e+00, v22;
	v22 =	vadd.f32 $1.000000000e+00, v26;
	v34 =	vmul.f32 v19, v24;
	v26 =	vpop (erf);
	[tilespmem:s1+$0xFFFFFFA0] =	vst v15  }
0x272: {  	v16 =	vmul.f32 v21, v16;
	v15 =	vadd.f32 v25, v23;
	v19 =	vld [tilespmem:s17+$0xFFFFFF30];
	v23 =	vadd.f32 $2.000000000e+00, v26;
	v25 =	vpop (erf)  }
0x273: {  	v21 =	vld [tilespmem:s17+$0xFFFFFF70];
	v30 =	vmul.f32 $1.442695020e+00, v35;
	v32 =	vadd.f32 $3.333333430e-01, v34;
	v7 =	vpop (erf);
	(erf) = vrcp.f32 v22  }
0x274: {  	v2 =	vmovc v8;
	v22 =	vadd.f32 v33, v29;
	v33 =	vadd.f32 $2.000000000e+00, v25;
	v29 =	vld [tilespmem:s17+$0xFFFFFFB0];
	(erf) = vrcp.f32 v23;
	[tilespmem:s1+$0xFFFFFFC0] =	vst v16  }
0x275: {  	v8 =	vld [tilespmem:s16+$0xFFFFFED0];
	v12 =	vadd.f32 v20, v12;
	(erf) = vpow2.f32 v30;
	v16 =	vmul.f32 v32, v24  }
0x276: {  	v23 =	vadd.f32 $2.000000000e+00, v7;
	v10 =	vadd.f32 v27, v10;
	v20 =	vld [tilespmem:s13+$0xFFFFFF10];
	(erf) = vrcp.f32 v33  }
0x277: {  	v14 =	vadd.f32 v14, v14;
	v18 =	vmul.f32 v18, v28;
	v24 =	vld [tilespmem:s16+$0xFFFFFF10];
	v30 =	vadd.f32 $1.000000000e+00, v16  }
0x278: {  	v15 =	vadd.f32 v19, v15;
	v27 =	vand.u32 $0x7FFFFFFF, v10;
	v19 =	vld [tilespmem:s13+$0xFFFFFF50];
	v21 =	vadd.f32 v21, v22  }
0x279: {  	v22 =	vsub.f32 $0.0e+00, v27;
	v27 =	vld [tilespmem:s16+$0xFFFFFF50];
	v12 =	vadd.f32 v29, v12;
	v14 =	vmul.f32 v30, v14;
	v16 =	vpop (erf);
	[tilespmem:s1+$0xFFFFFFE0] =	vst v18;
	s1 =	smov.u32 s8  }
0x27a: {  	v5 =	vmax.f32 v5, $0.0e+00;
	v18 =	vand.u32 $0x7FFFFFFF, v15;
	v28 =	vand.u32 $0x7FFFFFFF, v21;
	v29 =	vld [tilespmem:s13+$0xFFFFFF90]  }
0x27b: {  	v18 =	vsub.f32 $0.0e+00, v18;
	v30 =	vand.u32 $0x7FFFFFFF, v12;
	v32 =	vld [tilespmem:s13+$0xFFFFFFD0];
	v5 =	vadd.f32 v14, v5  }
0x27c: {  	v39 =	vmul.f32 $1.442695020e+00, v22;
	v22 =	vsub.f32 $0.0e+00, v28;
	v28 =	vsub.f32 $0.0e+00, v30;
	v30 =	vld [tilespmem:s16+$0xFFFFFFD0];
	v33 =	vpop (erf)  }
0x27d: {  	v24 =	vadd.f32 v24, v20;
	v34 =	vmul.f32 $1.442695020e+00, v18;
	v35 =	vld [tilespmem:s16+$0xFFFFFF90];
	v18 =	vmul.f32 v5, v33;
	v33 =	vpop (erf)  }
0x27e: {  	v22 =	vmul.f32 $1.442695020e+00, v22;
	v27 =	vadd.f32 v27, v19;
	v28 =	vmul.f32 $1.442695020e+00, v28;
	v36 =	vld [tilespmem:s17+$0xFFFFFFD0];
	v37 =	vpop (erf)  }
0x27f: {  	v5 =	vmax.f32 v10, $0.0e+00;
	v38 =	vld [tilespmem:s13+$0xFFFFFED0];
	v10 =	vadd.f32 $2.000000000e+00, v37;
	(erf) = vpow2.f32 v39;
	[tilespmem:s8+$0x0] =	vst v18;
	v14 =	vpop (erf)  }
0x280: {  	v20 =	vmax.f32 v15, $0.0e+00;
	v18 =	vmax.f32 v21, $0.0e+00;
	v39 =	vld [tilespmem:s17+$0xFFFFFED0];
	(erf) = vpow2.f32 v34  }
0x281: {  	v19 =	vmax.f32 v12, $0.0e+00;
	v21 =	vld [tilespmem:s17+$0xFFFFFF10];
	v12 =	vadd.f32 v30, v32;
	(erf) = vrcp.f32 v10  }
0x282: {  	v15 =	vmul.f32 v16, v31;
	v30 =	vld [tilespmem:s17+$0xFFFFFF50];
	v29 =	vadd.f32 v35, v29;
	(erf) = vpow2.f32 v22  }
0x283: {  	v16 =	vmul.f32 v33, v26;
	v22 =	vld [tilespmem:s17+$0xFFFFFF90];
	v10 =	vadd.f32 v36, v12;
	(erf) = vpow2.f32 v28  }
0x284: {  	v14 =	vmul.f32 v14, v25;
	v8 =	vadd.f32 v8, v38;
	v25 =	vld [tilespmem:s11+$0xFFFFFFA0];
	(erf) = vrcp.f32 v23;
	s11 =	smov.u32 s16  }
0x285: {  	v12 =	vmul.f32 v15, v15;
	v23 =	vsub.f32 $0.0e+00, v10;
	v26 =	vld [tilespmem:s9+$0xFFFFFEE0];
	v10 =	vmul.f32 v16, v16  }
0x286: {  	v28 =	vadd.f32 v39, v8;
	v24 =	vadd.f32 v21, v24;
	v31 =	vld [tilespmem:s9+$0xFFFFFF20];
	v8 =	vmul.f32 v14, v14  }
0x287: {  	v27 =	vadd.f32 v30, v27;
	v23 =	vmul.f32 $1.442695020e+00, v23;
	v30 =	vmul.f32 $1.428571490e-01, v12;
	v32 =	vld [tilespmem:s9+$0xFFFFFF60]  }
0x288: {  	v21 =	vmul.f32 $1.428571490e-01, v10;
	v28 =	vsub.f32 $0.0e+00, v28;
	v22 =	vadd.f32 v22, v29;
	v29 =	vpop (erf);
	v33 =	vld [tilespmem:s9+$0xFFFFFFA0];
	s9 =	smov.u32 s17  }
0x289: {  	v24 =	vsub.f32 $0.0e+00, v24;
	v39 =	vadd.f32 $2.000000000e+00, v29;
	v35 =	vpop (erf);
	(erf) = vpow2.f32 v23  }
0x28a: {  	v27 =	vsub.f32 $0.0e+00, v27;
	v23 =	vmul.f32 $1.442695020e+00, v28;
	v40 =	vadd.f32 $2.000000000e+00, v35;
	v36 =	vpop (erf)  }
0x28b: {  	v38 =	vsub.f32 $0.0e+00, v22;
	v36 =	vmul.f32 v36, v37;
	(erf) = vrcp.f32 v39;
	v34 =	vpop (erf)  }
0x28c: {  	v24 =	vmul.f32 $1.442695020e+00, v24;
	v37 =	vadd.f32 $2.000000000e+00, v34;
	(erf) = vrcp.f32 v40;
	v28 =	vpop (erf)  }
0x28d: {  	v27 =	vmul.f32 $1.442695020e+00, v27;
	v39 =	vadd.f32 $2.000000000e+00, v28;
	v40 =	vmul.f32 v36, v36;
	v22 =	vpop (erf)  }
0x28e: {  	v6 =	vadd.f32 v25, v6;
	v38 =	vmul.f32 $1.442695020e+00, v38;
	(erf) = vrcp.f32 v37  }
0x28f: {  	v11 =	vadd.f32 v26, v11;
	v25 =	vmul.f32 $1.428571490e-01, v40;
	(erf) = vrcp.f32 v39  }
0x290: {  	v13 =	vadd.f32 v31, v13;
	v17 =	vadd.f32 v32, v17;
	(erf) = vpow2.f32 v23  }
0x291: {  	v6 =	vadd.f32 v33, v6;
	v23 =	vadd.f32 $2.000000030e-01, v25;
	(erf) = vpow2.f32 v24  }
0x292: {  	v11 =	vsub.f32 $0.0e+00, v11;
	v13 =	vsub.f32 $0.0e+00, v13;
	(erf) = vpow2.f32 v27;
	v24 =	vpop (erf)  }
0x293: {  	v24 =	vadd.f32 $1.000000000e+00, v24;
	v23 =	vmul.f32 v23, v40;
	(erf) = vpow2.f32 v38  }
0x294: {  	v11 =	vmul.f32 $1.442695020e+00, v11;
	v17 =	vsub.f32 $0.0e+00, v17;
	v26 =	vsub.f32 $0.0e+00, v6;
	v25 =	vpop (erf)  }
0x295: {  	v25 =	vmul.f32 v25, v29;
	v23 =	vadd.f32 $3.333333430e-01, v23;
	v6 =	vpop (erf);
	(erf) = vrcp.f32 v24  }
0x296: {  	v13 =	vmul.f32 $1.442695020e+00, v13;
	v24 =	vmul.f32 v6, v35;
	v6 =	vadd.f32 $2.000000030e-01, v30  }
0x297: {  	v27 =	vmul.f32 v25, v25;
	v25 =	vadd.f32 v25, v25;
	v23 =	vmul.f32 v23, v40;
	v29 =	vpop (erf)  }
0x298: {  	v30 =	vmul.f32 v24, v24;
	v24 =	vadd.f32 v24, v24;
	v29 =	vmul.f32 v29, v34;
	v31 =	vpop (erf)  }
0x299: {  	v37 =	vadd.f32 v36, v36;
	v28 =	vmul.f32 v31, v28;
	v23 =	vadd.f32 $1.000000000e+00, v23;
	v32 =	vpop (erf)  }
0x29a: {  	v33 =	vmul.f32 $1.428571490e-01, v27;
	v32 =	vadd.f32 $1.000000000e+00, v32;
	v34 =	vmul.f32 v29, v29;
	v35 =	vpop (erf)  }
0x29b: {  	v35 =	vadd.f32 $1.000000000e+00, v35;
	v36 =	vmul.f32 v28, v28;
	v23 =	vmul.f32 v23, v37;
	v31 =	vpop (erf)  }
0x29c: {  	v9 =	vmax.f32 v9, $0.0e+00;
	v37 =	vmul.f32 $1.428571490e-01, v30;
	v38 =	vmul.f32 $1.428571490e-01, v34;
	v39 =	vpop (erf)  }
0x29d: {  	v33 =	vadd.f32 $2.000000030e-01, v33;
	v40 =	vmul.f32 $1.428571490e-01, v36;
	v9 =	vadd.f32 v23, v9  }
0x29e: {  	v23 =	vadd.f32 $2.000000030e-01, v37;
	v37 =	vadd.f32 $2.000000030e-01, v38;
	(erf) = vrcp.f32 v32;
	v32 =	vpop (erf)  }
0x29f: {  	v33 =	vmul.f32 v33, v27;
	v38 =	vadd.f32 $2.000000030e-01, v40;
	v9 =	vmul.f32 v9, v32  }
0x2a0: {  	s8 =	sadd.s32 $0xA0, s8;
	v31 =	vadd.f32 $1.000000000e+00, v31;
	v23 =	vmul.f32 v23, v30;
	v32 =	vmul.f32 v37, v34  }
0x2a1: {  	v33 =	vadd.f32 $3.333333430e-01, v33;
	v37 =	vadd.f32 $1.000000000e+00, v39;
	v38 =	vmul.f32 v38, v36;
	[tilespmem:s8+$0xFFFFFFF0] =	vst v9  }
0x2a2: {  	v9 =	vadd.f32 $3.333333430e-01, v23;
	v23 =	vadd.f32 $3.333333430e-01, v32;
	v32 =	vld [tilespmem:s13+$0x0];
	(erf) = vrcp.f32 v35  }
0x2a3: {  	v27 =	vmul.f32 v33, v27;
	v33 =	vadd.f32 $3.333333430e-01, v38;
	v35 =	vld [tilespmem:s16+$0x0];
	(erf) = vrcp.f32 v31  }
0x2a4: {  	v29 =	vadd.f32 v29, v29;
	v9 =	vmul.f32 v9, v30;
	(erf) = vrcp.f32 v37  }
0x2a5: {  	v27 =	vadd.f32 $1.000000000e+00, v27;
	v23 =	vmul.f32 v23, v34;
	v33 =	vmul.f32 v33, v36;
	v31 =	vld [tilespmem:s17+$0x0]  }
0x2a6: {  	v17 =	vmul.f32 $1.442695020e+00, v17;
	v28 =	vadd.f32 v28, v28;
	v9 =	vadd.f32 $1.000000000e+00, v9  }
0x2a7: {  	v25 =	vmul.f32 v27, v25;
	v23 =	vadd.f32 $1.000000000e+00, v23;
	v27 =	vadd.f32 $1.000000000e+00, v33;
	v30 =	vpop (erf)  }
0x2a8: {  	v26 =	vmul.f32 $1.442695020e+00, v26;
	v9 =	vmul.f32 v9, v24;
	v24 =	vadd.f32 v35, v32  }
0x2a9: {  	v25 =	vadd.f32 v25, v5;
	v29 =	vmul.f32 v23, v29;
	v27 =	vmul.f32 v27, v28  }
0x2aa: {  	v7 =	vmul.f32 v22, v7;
	v9 =	vadd.f32 v9, v20;
	v5 =	vadd.f32 v31, v24  }
0x2ab: {  	v24 =	vmul.f32 v25, v30;
	v18 =	vadd.f32 v29, v18;
	v19 =	vadd.f32 v27, v19;
	v22 =	vpop (erf)  }
0x2ac: {  	v9 =	vmul.f32 v9, v22;
	v22 =	vand.u32 $0x7FFFFFFF, v5;
	v23 =	vpop (erf);
	(erf) = vpow2.f32 v11  }
0x2ad: {  	[tilespmem:s8+$0xFFFFFF70] =	vst v24;
	v11 =	vmul.f32 v18, v23;
	v18 =	vsub.f32 $0.0e+00, v22;
	v20 =	vpop (erf);
	(erf) = vpow2.f32 v13  }
0x2ae: {  	v13 =	vld [tilespmem:s13+$0xFFFFFF00];
	[tilespmem:s8+$0xFFFFFF90] =	vst v9;
	v9 =	vmul.f32 v19, v20;
	v19 =	vadd.f32 $2.000000030e-01, v21;
	(erf) = vpow2.f32 v17  }
0x2af: {  	v15 =	vadd.f32 v15, v15;
	v17 =	vld [tilespmem:s16+$0xFFFFFF00];
	[tilespmem:s8+$0xFFFFFFB0] =	vst v11;
	v11 =	vmul.f32 $1.442695020e+00, v18;
	(erf) = vpow2.f32 v26  }
0x2b0: {  	v16 =	vadd.f32 v16, v16;
	v20 =	vmul.f32 v7, v7;
	v18 =	vld [tilespmem:s13+$0xFFFFFF40];
	[tilespmem:s8+$0xFFFFFFD0] =	vst v9;
	v9 =	vmul.f32 $1.428571490e-01, v8  }
0x2b1: {  	v6 =	vmul.f32 v6, v12;
	v25 =	vadd.f32 v14, v14;
	v21 =	vld [tilespmem:s16+$0xFFFFFF40];
	(erf) = vpow2.f32 v11  }
0x2b2: {  	v24 =	vmul.f32 v19, v10;
	v19 =	vmul.f32 $1.428571490e-01, v20;
	v11 =	vld [tilespmem:s13+$0xFFFFFF80];
	v9 =	vadd.f32 $2.000000030e-01, v9  }
0x2b3: {  	v6 =	vadd.f32 $3.333333430e-01, v6;
	v7 =	vadd.f32 v7, v7;
	v22 =	vld [tilespmem:s16+$0xFFFFFF80]  }
0x2b4: {  	v19 =	vadd.f32 $2.000000030e-01, v19;
	v13 =	vadd.f32 v17, v13;
	v17 =	vld [tilespmem:s13+$0xFFFFFFC0];
	v9 =	vmul.f32 v9, v8  }
0x2b5: {  	v6 =	vmul.f32 v6, v12;
	v27 =	vadd.f32 $3.333333430e-01, v24;
	v23 =	vld [tilespmem:s16+$0xFFFFFFC0];
	v14 =	vpop (erf)  }
0x2b6: {  	v19 =	vmul.f32 v19, v20;
	v24 =	vld [tilespmem:s17+$0xFFFFFF00];
	v18 =	vadd.f32 v21, v18;
	v14 =	vadd.f32 $1.000000000e+00, v14;
	v21 =	vpop (erf)  }
0x2b7: {  	v10 =	vmul.f32 v27, v10;
	v9 =	vadd.f32 $3.333333430e-01, v9;
	v26 =	vld [tilespmem:s13+$0xFFFFFFE0];
	v21 =	vadd.f32 $1.000000000e+00, v21;
	v12 =	vpop (erf)  }
0x2b8: {  	v22 =	vadd.f32 v22, v11;
	v27 =	vld [tilespmem:s16+$0xFFFFFFE0];
	v11 =	vadd.f32 $1.000000000e+00, v12;
	(erf) = vrcp.f32 v14;
	v12 =	vpop (erf)  }
0x2b9: {  	v19 =	vadd.f32 $3.333333430e-01, v19;
	v28 =	vld [tilespmem:s17+$0xFFFFFF40];
	v12 =	vadd.f32 $1.000000000e+00, v12;
	(erf) = vrcp.f32 v21  }
0x2ba: {  	v8 =	vmul.f32 v9, v8;
	v21 =	vadd.f32 v23, v17;
	v29 =	vld [tilespmem:s17+$0xFFFFFFE0];
	v14 =	vpop (erf);
	(erf) = vrcp.f32 v11  }
0x2bb: {  	v9 =	vadd.f32 v24, v13;
	v30 =	vld [tilespmem:s17+$0xFFFFFF80];
	v13 =	vadd.f32 $2.000000000e+00, v14;
	(erf) = vrcp.f32 v12  }
0x2bc: {  	v6 =	vadd.f32 $1.000000000e+00, v6;
	v17 =	vmul.f32 v19, v20;
	v12 =	vadd.f32 $1.000000000e+00, v10;
	v31 =	vld [tilespmem:s17+$0xFFFFFFC0]  }
0x2bd: {  	v11 =	vld [tilespmem:s13+$0xFFFFFEE0];
	v10 =	vand.u32 $0x7FFFFFFF, v9;
	v19 =	vadd.f32 v27, v26;
	(erf) = vrcp.f32 v13  }
0x2be: {  	v23 =	vld [tilespmem:s16+$0xFFFFFEE0];
	v20 =	vsub.f32 $0.0e+00, v10;
	v10 =	vadd.f32 v28, v18;
	v18 =	vmul.f32 v6, v15  }
.Ltmp4:
0x2bf: {  	v15 =	vmul.f32 v12, v16;
	v16 =	vadd.f32 $1.000000000e+00, v8;
	v13 =	vld [tilespmem:s13+$0xFFFFFF20];
	v6 =	vadd.f32 v29, v19;
	(pc) =	sbr.rel @p0 .LBB2_7-.Ltmp4, $4  }
0x2c0: {  	v27 =	vmul.f32 $1.442695020e+00, v20;
	v24 =	vld [tilespmem:s16+$0xFFFFFF20];
	v26 =	vand.u32 $0x7FFFFFFF, v10;
	v12 =	vadd.f32 v30, v22  }
0x2c1: {  	v22 =	vld [tilespmem:s13+$0xFFFFFF60];
	v8 =	vadd.f32 v31, v21;
	v29 =	vsub.f32 $0.0e+00, v6;
	v21 =	vmul.f32 v16, v25;
	v19 =	vpop (erf)  }
0x2c2: {  	v26 =	vsub.f32 $0.0e+00, v26;
	v25 =	vld [tilespmem:s16+$0xFFFFFF60];
	v6 =	vand.u32 $0x7FFFFFFF, v12;
	(erf) = vpow2.f32 v27;
	v20 =	vpop (erf)  }
0x2c3: {  	v27 =	vsub.f32 $0.0e+00, v6;
	v6 =	vld [tilespmem:s13+$0xFFFFFFA0];
	v28 =	vand.u32 $0x7FFFFFFF, v8;
	v29 =	vmul.f32 $1.442695020e+00, v29;
	s13 =	sadd.s32 $0x140, s13;
	v16 =	vpop (erf)  }
0x2c4: {  	v26 =	vmul.f32 $1.442695020e+00, v26  }
0x2c5: {  	v53 =	vsub.f32 $0.0e+00, v28;
	(erf) = vpow2.f32 v29;
	v27 =	vmul.f32 $1.442695020e+00, v27  }
0x2c6: {  	(erf) = vpow2.f32 v26  }
0x2c7: {  	v26 =	vmul.f32 $1.442695020e+00, v53;
	(erf) = vpow2.f32 v27;
	_ =	sdelay $0x1  }
0x2c8: {  	v27 =	vpop (erf);
	(erf) = vpow2.f32 v26;
	_ =	sdelay $0x1  }
0x2c9: {  	v11 =	vadd.f32 v23, v11;
	v17 =	vadd.f32 $1.000000000e+00, v17;
	v54 =	vpop (erf)  }
0x2ca: {  	v60 =	vld [tilespmem:s9+$0xFFFFFEE0];
	v1 =	vadd.f32 v18, v1;
	v3 =	vadd.f32 v15, v3;
	v55 =	vpop (erf)  }
0x2cb: {  	v59 =	vld [tilespmem:s11+$0xFFFFFFA0];
	v4 =	vadd.f32 v21, v4;
	v56 =	vadd.f32 $2.000000000e+00, v55  }
0x2cc: {  	v62 =	vld [tilespmem:s9+$0xFFFFFF20];
	v13 =	vadd.f32 v24, v13;
	v7 =	vmul.f32 v17, v7;
	v14 =	vmul.f32 v54, v14;
	v29 =	vpop (erf)  }
0x2cd: {  	v32 =	vld [tilespmem:s9+$0xFFFFFF60];
	v1 =	vmul.f32 v1, v19;
	(erf) = vrcp.f32 v56;
	v29 =	vadd.f32 $1.000000000e+00, v29;
	v31 =	vpop (erf)  }
0x2ce: {  	v35 =	vld [tilespmem:s9+$0xFFFFFFA0];
	v22 =	vadd.f32 v25, v22;
	v30 =	vmul.f32 v14, v14;
	v57 =	vadd.f32 $2.000000000e+00, v31;
	v61 =	vpop (erf)  }
0x2cf: {  	v11 =	vadd.f32 v60, v11;
	(erf) = vrcp.f32 v29;
	v63 =	vadd.f32 $2.000000000e+00, v61  }
0x2d0: {  	v6 =	vadd.f32 v59, v6;
	v58 =	vmul.f32 $1.428571490e-01, v30;
	(erf) = vrcp.f32 v57;
	v34 =	vpop (erf)  }
0x2d1: {  	v13 =	vadd.f32 v62, v13;
	(erf) = vrcp.f32 v63;
	v36 =	vadd.f32 $2.000000000e+00, v34  }
0x2d2: {  	v3 =	vmul.f32 v3, v20;
	v38 =	vadd.f32 v32, v22;
	v23 =	vadd.f32 $2.000000030e-01, v58  }
0x2d3: {  	v11 =	vsub.f32 $0.0e+00, v11;
	v6 =	vadd.f32 v35, v6;
	(erf) = vrcp.f32 v36  }
0x2d4: {  	v13 =	vsub.f32 $0.0e+00, v13;
	v17 =	vsub.f32 $0.0e+00, v38;
	v33 =	vmul.f32 v23, v30  }
0x2d5: {  	v4 =	vmul.f32 v4, v16;
	v11 =	vmul.f32 $1.442695020e+00, v11;
	v6 =	vsub.f32 $0.0e+00, v6  }
0x2d6: {  	v13 =	vmul.f32 $1.442695020e+00, v13;
	v17 =	vmul.f32 $1.442695020e+00, v17;
	v15 =	vadd.f32 $3.333333430e-01, v33;
	v37 =	vpop (erf)  }
0x2d7: {  	v6 =	vmul.f32 $1.442695020e+00, v6;
	v16 =	vmul.f32 v37, v55  }
0x2d8: {  	v15 =	vmul.f32 v15, v30;
	(erf) = vpow2.f32 v11;
	v39 =	vpop (erf)  }
0x2d9: {  	v9 =	vmax.f32 v9, $0.0e+00;
	(erf) = vpow2.f32 v13;
	v42 =	vmul.f32 v16, v16;
	v40 =	vpop (erf)  }
0x2da: {  	v10 =	vmax.f32 v10, $0.0e+00;
	v19 =	vmul.f32 v40, v31;
	v41 =	vpop (erf);
	(erf) = vpow2.f32 v17  }
0x2db: {  	v14 =	vadd.f32 v14, v14;
	v11 =	vmul.f32 v41, v61;
	(erf) = vpow2.f32 v6  }
0x2dc: {  	v43 =	vadd.f32 $1.000000000e+00, v15;
	v45 =	vmul.f32 $1.428571490e-01, v42;
	v44 =	vmul.f32 v19, v19;
	v46 =	vpop (erf)  }
0x2dd: {  	v2 =	vadd.f32 v7, v2;
	v47 =	vmul.f32 v11, v11;
	v20 =	vmul.f32 v46, v34  }
0x2de: {  	v6 =	vmul.f32 v43, v14;
	v17 =	vadd.f32 $2.000000030e-01, v45;
	v48 =	vmul.f32 $1.428571490e-01, v44  }
0x2df: {  	v5 =	vmax.f32 v5, $0.0e+00;
	v49 =	vmul.f32 $1.428571490e-01, v47;
	v21 =	vmul.f32 v20, v20  }
0x2e0: {  	v2 =	vmul.f32 v2, v27;
	v17 =	vmul.f32 v17, v42;
	v14 =	vadd.f32 $2.000000030e-01, v48  }
0x2e1: {  	v5 =	vadd.f32 v6, v5;
	v52 =	vpop (erf);
	v50 =	vadd.f32 $2.000000030e-01, v49;
	v51 =	vmul.f32 $1.428571490e-01, v21  }
0x2e2: {  	v23 =	vadd.f32 $1.000000000e+00, v52;
	v17 =	vadd.f32 $3.333333430e-01, v17;
	v53 =	vpop (erf);
	v14 =	vmul.f32 v14, v44  }
0x2e3: {  	v24 =	vadd.f32 $1.000000000e+00, v53;
	v6 =	vmul.f32 v50, v47;
	v7 =	vadd.f32 $2.000000030e-01, v51;
	v54 =	vpop (erf)  }
0x2e4: {  	(erf) = vrcp.f32 v23;
	v14 =	vadd.f32 $3.333333430e-01, v14;
	v25 =	vadd.f32 $1.000000000e+00, v54;
	v55 =	vpop (erf)  }
0x2e5: {  	(erf) = vrcp.f32 v24;
	v7 =	vmul.f32 v7, v21;
	v23 =	vadd.f32 $1.000000000e+00, v55  }
0x2e6: {  	v13 =	vmul.f32 v17, v42;
	v6 =	vadd.f32 $3.333333430e-01, v6;
	(erf) = vrcp.f32 v25  }
0x2e7: {  	v14 =	vmul.f32 v14, v44;
	v7 =	vadd.f32 $3.333333430e-01, v7;
	(erf) = vrcp.f32 v23  }
0x2e8: {  	v56 =	vadd.f32 v16, v16;
	v13 =	vadd.f32 $1.000000000e+00, v13;
	v6 =	vmul.f32 v6, v47  }
0x2e9: {  	v57 =	vadd.f32 v19, v19;
	v14 =	vadd.f32 $1.000000000e+00, v14;
	v7 =	vmul.f32 v7, v21  }
0x2ea: {  	v11 =	vadd.f32 v11, v11;
	v13 =	vmul.f32 v13, v56;
	v6 =	vadd.f32 $1.000000000e+00, v6  }
0x2eb: {  	[tilespmem:s1+$0xFFFFFF80] =	vst v1;
	v1 =	vadd.f32 v20, v20;
	v14 =	vmul.f32 v14, v57;
	v7 =	vadd.f32 $1.000000000e+00, v7  }
0x2ec: {  	v12 =	vmax.f32 v12, $0.0e+00;
	[tilespmem:s1+$0xFFFFFFA0] =	vst v3;
	v58 =	vadd.f32 v13, v9;
	v3 =	vmul.f32 v6, v11  }
0x2ed: {  	[tilespmem:s1+$0xFFFFFFC0] =	vst v4;
	v59 =	vmul.f32 v5, v39;
	v60 =	vpop (erf);
	v61 =	vadd.f32 v14, v10;
	v1 =	vmul.f32 v7, v1  }
0x2ee: {  	v8 =	vmax.f32 v8, $0.0e+00;
	[tilespmem:s1+$0xFFFFFFE0] =	vst v2;
	v2 =	vpop (erf);
	v3 =	vadd.f32 v3, v12;
	v5 =	vmul.f32 v58, v60  }
0x2ef: {  	[tilespmem:s8+$0x0] =	vst v59;
	v2 =	vmul.f32 v61, v2;
	v62 =	vpop (erf);
	v1 =	vadd.f32 v1, v8  }
.Ltmp5:
0x2f0: {  	[tilespmem:s8+$0xFFFFFF80] =	vst v5;
	v63 =	vpop (erf);
	v3 =	vmul.f32 v3, v62;
	(pc) =	sbr.rel @p1 .LBB2_10-.Ltmp5, $4  }
0x2f1: {  	[tilespmem:s8+$0xFFFFFFA0] =	vst v2;
	v1 =	vmul.f32 v1, v63  }
0x2f2: {  	[tilespmem:s8+$0xFFFFFFC0] =	vst v3  }
0x2f3: {  	s24 =	sadd.s32 $0x80, s24;
	[tilespmem:s8+$0xFFFFFFE0] =	vst v1  }
0x2f4: {  	[spmem:s2] =	stream.indirect.scatter.add.f32 [tilespmem:s31], [sflag:$0x4], $0x20, s24, s18, $0xb8;
	[tilespmem:$0x1CAC0] =	vst v63  }
0x2f5: {  	s1 =	sadd.s32 $0x3, s22  }
0x2f6: {  	s8 =	sshll.u32 s1, $0x7  }
0x2f7: {  	[tilespmem:s23], [sflag:$0x2] =	stream.indirect.gather [hbm4b:s4+s18], $0x40, s8, s18, $0xb8;
	[tilespmem:$0x1CAC0] =	vst v63  }
.Ltmp6:
0x2f8: {  	s1 =	sadd.s32 s7, s1;
	(pc) =	sbr.rel .LBB2_4-.Ltmp6, $4  }
0x2f9: {  	s8 =	sadd.s32 $0x2800, s8;
	s1 =	smul.u32 $0x3E8, s1  }
0x2fa: {  	[tilespmem:s25], [sflag:$0x2] =	stream.indirect.gather [hbm4b:s5+s18], $0x40, s8, s18, $0xb8;
	[tilespmem:$0x1CAC0] =	vst v63  }
0x2fb: {  	s21 =	sadd.s32 $0x1, s21;
	s1 =	sadd.s32 s6, s1  }
0x2fc: {  	[tilespmem:s26], [sflag:$0x2] =	stream.linear.gather [hbm4b:s1+s3], $0x1F40, $0x38;
	[tilespmem:$0x1CAC0] =	vst v63  }
.LBB2_11:
0x2fd: {  	_ =	sfence.sel $0x180000  }
0x2fe: {  	[bflag:$0x0] =	sbarrier.arrive $0xFFFF  }
0x2ff: {  	_ =	strace $0x9000004A  }
0x300: {  	s0 =	stileid.u32;
	[bflag:$0x2] =	sbarrier.arrive $0xFFFF  }
0x301: {  	p0 =	sne.s32 s0, $0x0;
	s0 =	rddreg [dreg:$0x2]  }
0x302: {  	s0 =	sadd.s32 @!p0 $0x100000, s0  }
0x303: {  	[sflag:s0] =	ssyncadd.tile.s32 @!p0 $0x1;
	_ =	shalt  }
.Lfunc_end2:
_tile_overlayer_lowered:
.L_overlay_start_2:
0x304: {  	(tag) =	ssettag $0x2  }
0x305: {  	s0 =	rddreg [dreg:$0x0];
	s2 =	stileid.u32  }
0x306: {  	s1 =	rddreg [dreg:$0x1];
	p0 =	sne.s32 s2, $0x0  }
0x307: {  	s3 =	rddreg [dreg:$0x2];
	[bflag:$0x3] =	sbarrier.arrive $0xFFFF;
	s2 =	simm.s32 @!p0 $0x1C05  }
0x308: {  	[timem:s3], [sflag:s2] =	dma.local @!p0 [hbm:s0], s1  }
0x309: {  	s0 =	simm.s32 @!p0 $0x5  }
0x30a: {  	_ =	swait.ge @!p0 [sflag:s0], s1  }
0x30b: {  	s1 =	ssub.s32 @!p0 $0x0, s1;
	[sflag:s0] =	ssyncset.done @!p0 $0x0  }
0x30c: {  	[sflag:s0] =	ssyncadd.s32 @!p0 s1  }
0x30d: {  	[bflag:$0x3] =	sbarrier.arrive $0xFFFF  }
0x30e: {  	_ =	shalt  }

// kernel: kernel.14.cloned.1.call-start
scs
__scs_entry_jumppad:
0x0: {  	(pc) =	sbr.rel $0x88, $3  }
0x1: {  	(tag) =	ssettag $0x0;
	lr =	simm.s32 $0x1  }
0x2: {  	[smem:$0x3F8A] =	sst lr;
	_ =	strace $0xD0000000  }
0x3: {  	_ = 	snop  }
0x4: {  	_ = 	snop  }
0x5: {  	_ = 	snop  }
0x6: {  	_ = 	snop  }
0x7: {  	_ = 	snop  }
__scs_overlays_trampoline_lowered:
0x8: {  	[smem:$0x3F99] =	sst s0  }
0x9: {  	[smem:$0x3F9A] =	sst s1  }
0xa: {  	[smem:$0x3F9B] =	sst s2  }
0xb: {  	[smem:$0x3F9C] =	sst s3  }
0xc: {  	[smem:$0x3F9D] =	sst s4  }
0xd: {  	[smem:$0x3F9E] =	sst s5  }
0xe: {  	[smem:$0x3F9F] =	sst s6  }
0xf: {  	[smem:$0x3FA0] =	sst s7  }
0x10: {  	[smem:$0x3FA1] =	sst s8  }
0x11: {  	[smem:$0x3FA2] =	sst s9;
	s0 =	simm.s32 @!p0 $0x0  }
0x12: {  	s1 =	sld [smem:$0x3F88];
	s0 =	simm.s32 @p0 $0x1  }
0x13: {  	[smem:$0x3FA3] =	sst s0;
	s0 =	simm.s32 @!p1 $0x0  }
0x14: {  	s2 =	sld [smem:$0x3F87];
	s0 =	simm.s32 @p1 $0x1  }
0x15: {  	[smem:$0x3FA4] =	sst s0;
	s0 =	simm.s32 @!p2 $0x0  }
0x16: {  	s3 =	sld [smem:$0x3FDB];
	s0 =	simm.s32 @p2 $0x1  }
0x17: {  	s4 =	simm.s32 $0x1BF5;
	[smem:$0x3FA6] =	sst s0  }
0x18: {  	s0 =	sld [smem:$0x3F89];
	_ =	swait.ge [sflag:s4], $0x0  }
0x19: {  	s7 =	sld [smem:$0x3F8A]  }
0x1a: {  	s8 =	sadd.s32 $0xFFFFE003, lr  }
0x1b: {  	s9 =	sadd.s32 $0xFFFFFEF7, lr;
	s5 =	simm.s32 $0xFFFFFFFF;
	p2 =	slt.u32 s8, $0xFFFFF086  }
0x1c: {  	p1 =	slt.u32 s9, $0xF7A;
	s5 =	simm.s32 @!p2 $0x0  }
0x1d: {  	s5 =	simm.s32 @p1 $0x1;
	p0 =	seq.s32 s7, s2  }
0x1e: {  	s7 =	smul.u32 @!p0 $0xF7A, s2;
	p2 =	seq.s32 @!p0 s5, $0x0  }
0x1f: {  	s9 =	smul.u32 $0xF7A, s1;
	s8 =	simm.s32 @!p0 $0x1BF5;
	p2 =	por !p2, p0  }
0x20: {  	[sflag:s8] =	ssyncset.s32 @!p0 $0xFFFFF086;
	s6 =	sadd.s32 @!p0 s3, s7;
	s7 =	simm.s32 @!p0 $0x108  }
0x21: {  	s3 =	sadd.s32 s3, s9;
	s6 =	sadd.s32 @!p0 $0x88, s6;
	s7 =	simm.s32 @p2 $0x1082  }
0x22: {  	[simem:s7], [sflag:s8] =	dma.local @!p0 [hbm:s6], $0xF7A  }
0x23: {  	s9 =	sor.u32 $0xD0000000, s2;
	s6 =	simm.s32 $0x108;
	_ =	swait.ge @!p0 [sflag:s8], $0x0  }
0x24: {  	s3 =	sadd.s32 $0x88, s3;
	s6 =	simm.s32 @!p1 $0x1082;
	[sflag:s4] =	ssyncset.s32 $0xFFFFF086  }
0x25: {  	[simem:s6], [sflag:s4] =	dma.local [hbm:s3], $0xF7A  }
0x26: {  	[smem:$0x3F8A] =	sst s1;
	(tag) =	ssettag s2;
	_ =	strace s9  }
0x27: {  	s1 =	sld [smem:$0x3F9A]  }
0x28: {  	s2 =	sld [smem:$0x3F9B]  }
0x29: {  	s4 =	sld [smem:$0x3F9D]  }
0x2a: {  	p0 =	seq.s32 s5, $0x0;
	s5 =	sld [smem:$0x3F9E]  }
0x2b: {  	s6 =	sld [smem:$0x3F9F]  }
0x2c: {  	s7 =	sld [smem:$0x3FA0]  }
0x2d: {  	s3 =	simm.s32 $0x108;
	s8 =	sld [smem:$0x3FA1]  }
0x2e: {  	s3 =	simm.s32 @!p0 $0x1082;
	s9 =	sld [smem:$0x3FA2]  }
0x2f: {  	lr =	sadd.s32 s0, s3;
	s0 =	sld [smem:$0x3F99]  }
0x30: {  	s3 =	sld [smem:$0x3F9C]  }
0x31: {  	[smem:$0x3FA5] =	sst s10  }
0x32: {  	s10 =	sld [smem:$0x3FA3];
	_ =	sdelay $0x3  }
0x33: {  	p0 =	seq.s32 s10, $0x1;
	s10 =	sld [smem:$0x3FA5];
	_ =	sdelay $0x3  }
0x34: {  	[smem:$0x3FA5] =	sst s10  }
0x35: {  	s10 =	sld [smem:$0x3FA4];
	_ =	sdelay $0x3  }
0x36: {  	p1 =	seq.s32 s10, $0x1;
	s10 =	sld [smem:$0x3FA5];
	_ =	sdelay $0x3  }
0x37: {  	[smem:$0x3FA5] =	sst s10  }
0x38: {  	s10 =	sld [smem:$0x3FA6]  }
0x39: {  	_ = 	snop;
	(pc) =	sbr.ind lr, $3  }
0x3a: {  	_ = 	snop  }
0x3b: {  	_ = 	snop  }
0x3c: {  	p2 =	seq.s32 s10, $0x1;
	s10 =	sld [smem:$0x3FA5]  }
0x3d: {  	_ =	shalt  }
0x3e: {  	_ =	shalt  }
0x3f: {  	_ =	shalt  }
0x40: {  	_ =	shalt  }
0x41: {  	_ =	shalt  }
0x42: {  	_ =	shalt  }
0x43: {  	_ =	shalt  }
0x44: {  	_ =	shalt  }
0x45: {  	_ =	shalt  }
0x46: {  	_ =	shalt  }
0x47: {  	_ =	shalt  }
0x48: {  	_ =	shalt  }
0x49: {  	_ =	shalt  }
0x4a: {  	_ =	shalt  }
0x4b: {  	_ =	shalt  }
0x4c: {  	_ =	shalt  }
0x4d: {  	_ =	shalt  }
0x4e: {  	_ =	shalt  }
0x4f: {  	_ =	shalt  }
0x50: {  	_ =	shalt  }
0x51: {  	_ =	shalt  }
0x52: {  	_ =	shalt  }
0x53: {  	_ =	shalt  }
0x54: {  	_ =	shalt  }
0x55: {  	_ =	shalt  }
0x56: {  	_ =	shalt  }
0x57: {  	_ =	shalt  }
0x58: {  	_ =	shalt  }
0x59: {  	_ =	shalt  }
0x5a: {  	_ =	shalt  }
0x5b: {  	_ =	shalt  }
0x5c: {  	_ =	shalt  }
0x5d: {  	_ =	shalt  }
0x5e: {  	_ =	shalt  }
0x5f: {  	_ =	shalt  }
0x60: {  	_ =	shalt  }
0x61: {  	_ =	shalt  }
0x62: {  	_ =	shalt  }
0x63: {  	_ =	shalt  }
0x64: {  	_ =	shalt  }
0x65: {  	_ =	shalt  }
0x66: {  	_ =	shalt  }
0x67: {  	_ =	shalt  }
0x68: {  	_ =	shalt  }
0x69: {  	_ =	shalt  }
0x6a: {  	_ =	shalt  }
0x6b: {  	_ =	shalt  }
0x6c: {  	_ =	shalt  }
0x6d: {  	_ =	shalt  }
0x6e: {  	_ =	shalt  }
0x6f: {  	_ =	shalt  }
0x70: {  	_ =	shalt  }
0x71: {  	_ =	shalt  }
0x72: {  	_ =	shalt  }
0x73: {  	_ =	shalt  }
0x74: {  	_ =	shalt  }
0x75: {  	_ =	shalt  }
0x76: {  	_ =	shalt  }
0x77: {  	_ =	shalt  }
0x78: {  	_ =	shalt  }
0x79: {  	_ =	shalt  }
0x7a: {  	_ =	shalt  }
0x7b: {  	_ =	shalt  }
0x7c: {  	_ =	shalt  }
0x7d: {  	_ =	shalt  }
0x7e: {  	_ =	shalt  }
0x7f: {  	_ =	shalt  }
0x80: {  	_ =	shalt  }
0x81: {  	_ =	shalt  }
0x82: {  	_ =	shalt  }
0x83: {  	_ =	shalt  }
0x84: {  	_ =	shalt  }
0x85: {  	_ =	shalt  }
0x86: {  	_ =	shalt  }
0x87: {  	_ =	shalt  }
.Lfunc_end0:
.L_simem_size_0:
called_computation.3_lowered:
.L_overlay_start_0:
0x88: {  	s2 =	sld [smem:$0x3FD9]  }
0x89: {  	s3 =	sld [smem:$0x3FFE];
	_ =	sdelay $0x1  }
0x8a: {  	s1 =	srdreg.scid  }
0x8b: {  	s0 =	sand.u32 $0x1, s1  }
0x8c: {  	s17 =	sshll.u32 s0, $0xA;
	s2 =	sadd.s32 s3, s2  }
0x8d: {  	s2 =	sadd.s32 s2, s17  }
0x8e: {  	[smem:$0x3FB1] =	sst s2  }
0x8f: {  	_ = 	snop  }
0x90: {  	s2 =	sld [smem:$0x3FD0];
	(tm) =	ssettm $0x1  }
0x91: {  	s18 =	sld [smem:$0x3FFB];
	_ =	sdelay $0x3  }
0x92: {  	_ =	strace s18  }
0x93: {  	s3 =	sld [smem:$0x3FFC];
	_ =	sdelay $0x3  }
0x94: {  	_ =	strace s3  }
0x95: {  	s3 =	sld [smem:$0x3FFD];
	_ =	sdelay $0x3  }
0x96: {  	_ =	strace s3  }
0x97: {  	_ =	strace $0x8FFFFFFF  }
0x98: {  	s19 =	sld [smem:$0x3FDB];
	_ =	sdelay $0x1  }
0x99: {  	s4 =	simm.s32 $_scs_section_size  }
0x9a: {  	s5 =	simm.s32 $_size__tile_overlayer_lowered;
	s6 =	simm.s32 $_tile_overlayer_lowered  }
0x9b: {  	s22 =	simm.s32 $0x1BFF;
	s21 =	sshll.u32 s6, $0x1;
	s3 =	sadd.s32 s4, s19  }
0x9c: {  	s7 =	simm.s32 $0x0;
	s20 =	sshll.u32 s5, $0x1;
	s5 =	sadd.s32 s21, s3  }
0x9d: {  	[timem:s7], [sflag:s22] =	dma.local [hbm:s5], s20  }
0x9e: {  	_ =	swait.ge [sflag:s22], s20  }
0x9f: {  	s4 =	ssub.s32 $0x0, s20;
	[sflag:s22] =	ssyncset.done $0x0  }
0xa0: {  	[sflag:s22] =	ssyncadd.s32 s4;
	_ =	sdelay $0x1  }
0xa1: {  	s23 =	simm.s32 $0x1B8B  }
0xa2: {  	_ =	swait.ge [sflag:s23], $0x1  }
0xa3: {  	[sflag:s23] =	ssyncset.done $0x0  }
0xa4: {  	s25 =	simm.s32 $0x1B8E;
	s24 =	sld [smem:$0x3FFE];
	[sflag:s23] =	ssyncadd.s32 $0xFFFFFFFF  }
0xa5: {  	s26 =	simm.s32 $execute0_lowered;
	[smem:$0x3FD2] =	sst s25  }
0xa6: {  	s5 =	sshll.u32 s26, $0x1;
	_ =	strace $0x8000004F;
	[dreg:$0x1] =	wrdreg $0xFFFFFFFF  }
0xa7: {  	s28 =	simm.s32 $_size_execute0_lowered;
	s3 =	sadd.s32 s3, s5;
	[dreg:$0x0] =	wrdreg $0x0  }
0xa8: {  	s5 =	sshll.u32 s28, $0x1;
	[dreg:$0x2] =	wrdreg s3  }
0xa9: {  	[dreg:$0x3] =	wrdreg s5  }
0xaa: {  	[dreg:$0x4] =	wrdreg $0xC0  }
0xab: {  	_ =	task [dreg:s7], $0x5FFFF  }
0xac: {  	[dreg:$0x1] =	wrdreg $0xFFFFFFFF  }
0xad: {  	[dreg:$0x0] =	wrdreg $0x60  }
0xae: {  	[dreg:$0x2] =	wrdreg s24  }
0xaf: {  	[dreg:$0x3] =	wrdreg s2  }
0xb0: {  	[dreg:$0x4] =	wrdreg $0x17AC00  }
0xb1: {  	[dreg:$0x5] =	wrdreg $0x9  }
0xb2: {  	_ =	task.clear_ibuf [dreg:s7], $0x6FFFF;
	_ =	strace $0x9000004F  }
0xb3: {  	s29 =	simm.s32 $0x9;
	_ =	strace $0x80000051  }
0xb4: {  	_ =	swait.ge [sflag:s29], $0x1  }
0xb5: {  	[sflag:s29] =	ssyncadd.s32 $0xFFFFFFFF  }
0xb6: {  	_ =	strace $0x90000051  }
0xb7: {  	_ =	sfence  }
0xb8: {  	s30 =	sld [smem:$0x0];
	_ =	sdelay $0x2  }
0xb9: {  	s31 =	sshll.u32 s1, $0xD;
	s1 =	sshrl.u32 s1, $0x2  }
0xba: {  	s3 =	sand.u32 $0x4000, s31;
	s1 =	sadd.s32 s1, s30  }
0xbb: {  	s0 =	sor.u32 s3, s0;
	s1 =	sshll.u32 s1, $0x11  }
0xbc: {  	s0 =	sor.u32 s1, s0  }
0xbd: {  	s0 =	sadd.s32 $0x8F2B, s0  }
0xbe: {  	[sflag:s0] =	ssyncadd.remote.s32 $0x1  }
0xbf: {  	_ =	sfence.sel $0xFFFF  }
0xc0: {  	[dreg:$0x0] =	wrdreg $0xFFFFFFFF;
	(pc) =	sbr.abs _section_cstart, $3  }
0xc1: {  	[dreg:$0x1] =	wrdreg $0xFFFFFFFF  }
0xc2: {  	_ =	task.clear_ibuf [dreg:s7], $0x2FFFF;
	_ =	strace $0x9FFFFFFF  }
0xc3: {  	(tm) =	ssettm $0x7FFFFFFF  }
tec
execute0_lowered:
.L_overlay_start_1:
0x0: {  	(tag) =	ssettag $0x1  }
0x1: {  	s0 =	rddreg [dreg:$0x0]  }
0x2: {  	s1 =	srdreg.scid;
	s8 =	rddreg [dreg:$0x1]  }
0x3: {  	s2 =	rddreg [dreg:$0x2];
	s14 =	stileid.u32;
	s3 =	simm.s32 $0x0  }
0x4: {  	s18 =	simm.s32 $0x7D;
	s28 =	simm.s32 $0x1;
	s29 =	simm.s32 $0x10B80  }
0x5: {  	s30 =	simm.s32 $0x2;
	s31 =	simm.s32 $0x11B20;
	s19 =	simm.s32 $0x4  }
0x6: {  	s20 =	simm.s32 $0x0;
	s1 =	sand.u32 $0x1, s1;
	s11 =	smul.u32 $0x14000, s14  }
0x7: {  	[smem:$0x7FF] =	sst s3;
	s22 =	smul.u32 $0x5000, s14;
	s4 =	sshll.u32 s1, $0x4  }
0x8: {  	s21 =	ssub.s32 $0x2, s1;
	s1 =	smul.u32 $0x50000, s1;
	s9 =	sor.u32 s14, s4  }
0x9: {  	s6 =	sadd.s32 $0x6000, s0;
	s7 =	sadd.s32 $0x836800, s0;
	s10 =	smul.u32 $0x500, s9  }
0xa: {  	_ =	strace $0x80000050;
	s13 =	sshrl.u32 s21, $0x1;
	s5 =	smul.u32 $0x50, s9  }
0xb: {  	s4 =	sadd.s32 $0x19A00, s0;
	s12 =	smul.u32 $0x9C400, s9;
	s13 =	ssub.s32 s21, s13  }
0xc: {  	s23 =	sshrl.u32 s11, $0x2;
	s9 =	smul.u32 $0x13880, s9;
	s14 =	smax.u32 s13, $0x1  }
0xd: {  	s0 =	sadd.s32 s10, s0;
	s24 =	sshrl.u32 s12, $0x3;
	s10 =	sadd.s32 s23, s2  }
0xe: {  	s25 =	sadd.s32 s7, s9;
	s9 =	simm.s32 $0x2800;
	s23 =	simm.s32 $0x6F40  }
0xf: {  	s15 =	sadd.s32 $0x5BB800, s0;
	s0 =	sadd.s32 $0x5B1800, s0;
	[dreg:$0x6] =	wrdreg s25  }
.Ltmp0:
0x10: {  	s11 =	sadd.s32 s7, s24;
	[dreg:$0x4] =	wrdreg s15;
	(pc) =	sbr.rel .LBB2_1-.Ltmp0, $4  }
0x11: {  	s25 =	simm.s32 $0xADC0;
	[dreg:$0x5] =	wrdreg s0;
	s0 =	sadd.s32 s22, s1  }
0x12: {  	s26 =	sadd.s32 $0x3E8, s11;
	s15 =	simm.s32 $0x5;
	s0 =	sshrl.u32 s0, $0x3  }
0x13: {  	s11 =	simm.s32 $0x12AC0;
	[dreg:$0x7] =	wrdreg s26;
	s0 =	sadd.s32 s8, s0  }
0x14: {  	v0 =	vimm.f32 $0.0e+00;
	s26 =	simm.s32 $0xEC40;
	[dreg:$0x8] =	wrdreg s0;
	s0 =	simm.s32 $0x3  }
.LBB2_10:
0x15: {  	_ =	swait.ge [sflag:s0], $0xFA0  }
0x16: {  	[sflag:s0] =	ssyncset.done $0x0  }
0x17: {  	[sflag:s0] =	ssyncadd.s32 $0xFFFFF060  }
0x18: {  	_ =	swait.ge [sflag:s19], $0xFA0  }
0x19: {  	s1 =	stileid.u32;
	[sflag:s19] =	ssyncset.done $0x0  }
0x1a: {  	s8 =	sshrl.u32 s10, $0x3;
	s20 =	sadd.s32 $0x1, s20;
	[sflag:s19] =	ssyncadd.s32 $0xFFFFF060  }
0x1b: {  	s1 =	sshll.u32 s1, $0x6;
	p0 =	sne.s32 s20, s14;
	[bflag:$0x0] =	sbarrier.arrive $0xFFFF  }
.Ltmp1:
0x1c: {  	s1 =	sor.u32 $0x1C05, s1;
	s9 =	rddreg [dreg:$0x8];
	(pc) =	sbr.rel @!p0 .LBB2_11-.Ltmp1, $4  }
0x1d: {  	[hbm:s9], [sflag:s1] =	dma.local [spmem:s8], $0xA00  }
0x1e: {  	_ =	swait.ge [sflag:s15], $0xA00  }
0x1f: {  	[sflag:s15] =	ssyncset.done $0x0  }
0x20: {  	s11 =	simm.s32 $0x12AC0;
	s9 =	simm.s32 $0x2800;
	[sflag:s15] =	ssyncadd.s32 $0xFFFFF600  }
.LBB2_1:
0x21: {  	s1 =	rddreg [dreg:$0x4]  }
0x22: {  	[tilespmem:s3], [sflag:$0x5] =	stream.linear.gather [hbm4b:s1+s3], $0x2800, $0x38;
	[tilespmem:$0x1CAC0] =	vst v63  }
0x23: {  	_ =	swait.ge [sflag:s15], $0x2800  }
0x24: {  	[sflag:s15] =	ssyncset.done $0x0  }
0x25: {  	s24 =	rddreg [dreg:$0x5];
	[sflag:s15] =	ssyncadd.s32 $0xFFFFD800  }
0x26: {  	[tilespmem:s9], [sflag:$0x5] =	stream.linear.gather [hbm4b:s24+s3], $0x2800, $0x38;
	[tilespmem:$0x1CAC0] =	vst v63  }
0x27: {  	_ =	swait.ge [sflag:s15], $0x2800  }
0x28: {  	[sflag:s15] =	ssyncset.done $0x0  }
0x29: {  	[sflag:s15] =	ssyncadd.s32 $0xFFFFD800  }
0x2a: {  	s8 =	simm.s32 $0x12AC0;
	s1 =	simm.s32 $0x1;
	[tilespmem:s11+$0x0] =	vst v0  }
.LBB2_2:
0x2b: {  	p0 =	sne.s32 s1, $0x4FF  }
.Ltmp2:
0x2c: {  	_ = 	snop;
	(pc) =	sbr.rel @p0 .LBB2_2-.Ltmp2, $3  }
0x2d: {  	_ =	sdelay $0x1  }
0x2e: {  	s1 =	sadd.s32 $0x1, s1;
	s8 =	sadd.s32 $0x10, s8  }
0x2f: {  	[tilespmem:s8+$0x0] =	vst v0  }
0x30: {  	[spmem:s10] =	stream.linear.scatter [tilespmem:s11], [sflag:$0x5], $0x5000, $0x38;
	[tilespmem:$0x1CAC0] =	vst v63  }
0x31: {  	_ =	swait.ge [sflag:s15], $0x5000  }
0x32: {  	[sflag:s15] =	ssyncset.done $0x0  }
0x33: {  	[sflag:s15] =	ssyncadd.s32 $0xFFFFB000  }
0x34: {  	s21 =	simm.s32 $0x0;
	s1 =	simm.s32 $0x5000;
	[bflag:$0x0] =	sbarrier.arrive $0xFFFF  }
0x35: {  	[tilespmem:s1], [sflag:$0x1] =	stream.indirect.gather [hbm4b:s4+s18], $0x40, s21, s18, $0xb8;
	[tilespmem:$0x1CAC0] =	vst v63  }
0x36: {  	s13 =	simm.s32 $0x8E80  }
0x37: {  	[tilespmem:s13], [sflag:$0x1] =	stream.indirect.gather [hbm4b:s6+s18], $0x40, s9, s18, $0xb8;
	[tilespmem:$0x1CAC0] =	vst v63  }
0x38: {  	s8 =	simm.s32 $0xCD00;
	s16 =	rddreg [dreg:$0x6]  }
0x39: {  	[tilespmem:s8], [sflag:$0x1] =	stream.linear.gather [hbm4b:s16+s21], $0x1F40, $0x38;
	[tilespmem:$0x1CAC0] =	vst v63  }
0x3a: {  	s17 =	simm.s32 $0x80  }
0x3b: {  	[tilespmem:s23], [sflag:$0x2] =	stream.indirect.gather [hbm4b:s4+s18], $0x40, s17, s18, $0xb8;
	[tilespmem:$0x1CAC0] =	vst v63  }
0x3c: {  	s22 =	simm.s32 $0x2880  }
0x3d: {  	[tilespmem:s25], [sflag:$0x2] =	stream.indirect.gather [hbm4b:s6+s18], $0x40, s22, s18, $0xb8;
	[tilespmem:$0x1CAC0] =	vst v63  }
0x3e: {  	s24 =	rddreg [dreg:$0x7]  }
0x3f: {  	[tilespmem:s26], [sflag:$0x2] =	stream.linear.gather [hbm4b:s24+s21], $0x1F40, $0x38;
	[tilespmem:$0x1CAC0] =	vst v63  }
.LBB2_4:
0x40: {  	_ =	swait.ge [sflag:s28], $0x1F40  }
0x41: {  	[sflag:s28] =	ssyncset.done $0x0  }
0x42: {  	[sflag:s28] =	ssyncadd.s32 $0xFFFFE0C0  }
0x43: {  	_ =	swait.ge [sflag:s28], $0x1F40  }
0x44: {  	[sflag:s28] =	ssyncset.done $0x0  }
0x45: {  	[sflag:s28] =	ssyncadd.s32 $0xFFFFE0C0  }
0x46: {  	_ =	swait.ge [sflag:s28], $0x1F40  }
0x47: {  	p0 =	seq.s32 s21, $0x0;
	[sflag:s28] =	ssyncset.done $0x0  }
0x48: {  	s1 =	simm.s32 @!p0 $0x3;
	[sflag:s28] =	ssyncadd.s32 $0xFFFFE0C0  }
0x49: {  	_ =	swait.ge @!p0 [sflag:s1], $0xFA0  }
0x4a: {  	[sflag:s1] =	ssyncset.done @!p0 $0x0  }
0x4b: {  	s11 =	simm.s32 $0x50A0;
	[sflag:s1] =	ssyncadd.s32 @!p0 $0xFFFFF060  }
0x4c: {  	s9 =	simm.s32 $0x8F20;
	v1 =	vld [tilespmem:s11+$0x80]  }
0x4d: {  	v2 =	vld [tilespmem:s9+$0x80]  }
0x4e: {  	s8 =	simm.s32 $0xCDA0  }
0x4f: {  	v3 =	vld [tilespmem:s8+$0x80];
	_ =	sdelay $0x1  }
0x50: {  	v4 =	vld [tilespmem:s11+$0xFFFFFF80]  }
0x51: {  	v5 =	vld [tilespmem:s11+$0xFFFFFFC0];
	v1 =	vadd.f32 v2, v1  }
0x52: {  	v8 =	vld [tilespmem:s9+$0x0]  }
0x53: {  	v9 =	vld [tilespmem:s11+$0x40];
	v6 =	vadd.f32 v3, v1  }
0x54: {  	v10 =	vld [tilespmem:s8+$0xFFFFFF80]  }
0x55: {  	v2 =	vld [tilespmem:s9+$0xFFFFFF80];
	v7 =	vand.u32 $0x7FFFFFFF, v6  }
0x56: {  	v1 =	vld [tilespmem:s9+$0xFFFFFFC0];
	v7 =	vsub.f32 $0.0e+00, v7  }
0x57: {  	v11 =	vld [tilespmem:s8+$0xFFFFFFC0]  }
0x58: {  	v3 =	vld [tilespmem:s11+$0x0];
	v7 =	vmul.f32 $1.442695020e+00, v7  }
0x59: {  	v12 =	vld [tilespmem:s9+$0x40]  }
0x5a: {  	v2 =	vadd.f32 v2, v4;
	v4 =	vld [tilespmem:s8+$0x0];
	(erf) = vpow2.f32 v7  }
0x5b: {  	v1 =	vadd.f32 v1, v5;
	v5 =	vld [tilespmem:s8+$0x40]  }
0x5c: {  	v13 =	vld [tilespmem:s11+$0xFFFFFFE0];
	v10 =	vadd.f32 v10, v2  }
0x5d: {  	v16 =	vld [tilespmem:s8+$0x60];
	v2 =	vadd.f32 v8, v3;
	v3 =	vadd.f32 v11, v1  }
0x5e: {  	v18 =	vld [tilespmem:s9+$0xFFFFFFE0];
	v1 =	vadd.f32 v12, v9;
	v11 =	vand.u32 $0x7FFFFFFF, v10  }
0x5f: {  	v12 =	vld [tilespmem:s11+$0x60];
	v2 =	vadd.f32 v4, v2;
	v4 =	vsub.f32 $0.0e+00, v11;
	v11 =	vand.u32 $0x7FFFFFFF, v3  }
0x60: {  	v1 =	vadd.f32 v5, v1;
	v5 =	vsub.f32 $0.0e+00, v11;
	v11 =	vld [tilespmem:s9+$0x60]  }
0x61: {  	v8 =	vld [tilespmem:s11+$0xFFFFFFA0];
	v4 =	vmul.f32 $1.442695020e+00, v4;
	v14 =	vand.u32 $0x7FFFFFFF, v2  }
0x62: {  	v7 =	vld [tilespmem:s9+$0xFFFFFF60];
	v14 =	vsub.f32 $0.0e+00, v14  }
0x63: {  	v9 =	vld [tilespmem:s9+$0xFFFFFFA0];
	v15 =	vand.u32 $0x7FFFFFFF, v1;
	v5 =	vmul.f32 $1.442695020e+00, v5;
	(erf) = vpow2.f32 v4;
	v17 =	vpop (erf)  }
0x64: {  	v4 =	vld [tilespmem:s11+$0x20];
	v15 =	vsub.f32 $0.0e+00, v15;
	v19 =	vadd.f32 $2.000000000e+00, v17  }
0x65: {  	(erf) = vpow2.f32 v5;
	v5 =	vmul.f32 $1.442695020e+00, v14;
	v14 =	vld [tilespmem:s11+$0xFFFFFF60];
	v11 =	vadd.f32 v11, v12  }
0x66: {  	v12 =	vld [tilespmem:s9+$0x20];
	v15 =	vmul.f32 $1.442695020e+00, v15;
	(erf) = vrcp.f32 v19  }
0x67: {  	v19 =	vld [tilespmem:s8+$0xFFFFFF60];
	(erf) = vpow2.f32 v5;
	v5 =	vadd.f32 v16, v11  }
0x68: {  	v11 =	vld [tilespmem:s8+$0xFFFFFFA0];
	(erf) = vpow2.f32 v15  }
0x69: {  	v16 =	vld [tilespmem:s8+$0x20];
	v5 =	vsub.f32 $0.0e+00, v5  }
0x6a: {  	v8 =	vadd.f32 v9, v8;
	v15 =	vld [tilespmem:s8+$0xFFFFFFE0]  }
0x6b: {  	v9 =	vadd.f32 v18, v13;
	v7 =	vadd.f32 v7, v14;
	v5 =	vmul.f32 $1.442695020e+00, v5  }
0x6c: {  	v4 =	vadd.f32 v12, v4;
	v13 =	vpop (erf)  }
0x6d: {  	v12 =	vadd.f32 $2.000000000e+00, v13;
	v7 =	vadd.f32 v19, v7;
	(erf) = vpow2.f32 v5  }
0x6e: {  	v8 =	vadd.f32 v11, v8;
	v11 =	vpop (erf);
	v4 =	vadd.f32 v16, v4  }
0x6f: {  	v5 =	vadd.f32 v15, v9;
	v14 =	vadd.f32 $2.000000000e+00, v11;
	v9 =	vpop (erf)  }
0x70: {  	v8 =	vsub.f32 $0.0e+00, v8;
	(erf) = vrcp.f32 v12;
	v9 =	vmul.f32 v9, v17;
	v15 =	vpop (erf)  }
0x71: {  	v7 =	vsub.f32 $0.0e+00, v7;
	(erf) = vrcp.f32 v14;
	v12 =	vadd.f32 $2.000000000e+00, v15;
	v16 =	vpop (erf)  }
0x72: {  	v8 =	vmul.f32 $1.442695020e+00, v8;
	v17 =	vmul.f32 v9, v9;
	v14 =	vadd.f32 $2.000000000e+00, v16  }
0x73: {  	v7 =	vmul.f32 $1.442695020e+00, v7;
	v5 =	vsub.f32 $0.0e+00, v5;
	(erf) = vrcp.f32 v12  }
0x74: {  	v12 =	vmul.f32 $1.428571490e-01, v17;
	(erf) = vrcp.f32 v14  }
0x75: {  	v4 =	vsub.f32 $0.0e+00, v4;
	v5 =	vmul.f32 $1.442695020e+00, v5;
	(erf) = vpow2.f32 v7  }
0x76: {  	v7 =	vadd.f32 $2.000000030e-01, v12;
	(erf) = vpow2.f32 v8;
	v8 =	vpop (erf)  }
0x77: {  	v4 =	vmul.f32 $1.442695020e+00, v4;
	(erf) = vpow2.f32 v5;
	v5 =	vadd.f32 $1.000000000e+00, v8  }
0x78: {  	v7 =	vmul.f32 v7, v17  }
0x79: {  	(erf) = vpow2.f32 v4  }
0x7a: {  	(erf) = vrcp.f32 v5;
	v4 =	vadd.f32 $3.333333430e-01, v7  }
0x7b: {  	v5 =	vpop (erf)  }
0x7c: {  	v5 =	vmul.f32 v5, v13;
	v7 =	vpop (erf);
	v4 =	vmul.f32 v4, v17  }
0x7d: {  	v7 =	vmul.f32 v7, v11;
	v8 =	vpop (erf)  }
0x7e: {  	v9 =	vadd.f32 v9, v9;
	v11 =	vmul.f32 v5, v5;
	v12 =	vpop (erf);
	v4 =	vadd.f32 $1.000000000e+00, v4  }
0x7f: {  	v8 =	vmul.f32 v8, v15;
	v13 =	vmul.f32 v7, v7;
	v14 =	vpop (erf)  }
0x80: {  	v15 =	vmul.f32 $1.428571490e-01, v11;
	v17 =	vpop (erf);
	v4 =	vmul.f32 v4, v9  }
0x81: {  	v6 =	vmax.f32 v6, $0.0e+00;
	v9 =	vmul.f32 v8, v8;
	v18 =	vpop (erf)  }
0x82: {  	v19 =	vmul.f32 $1.428571490e-01, v13;
	v20 =	vpop (erf);
	v15 =	vadd.f32 $2.000000030e-01, v15;
	v4 =	vadd.f32 v4, v6  }
0x83: {  	v6 =	vmax.f32 v10, $0.0e+00;
	v10 =	vadd.f32 $1.000000000e+00, v14;
	v14 =	vmul.f32 $1.428571490e-01, v9;
	v21 =	vpop (erf)  }
0x84: {  	v19 =	vadd.f32 $2.000000030e-01, v19;
	v15 =	vmul.f32 v15, v11;
	v4 =	vmul.f32 v4, v21  }
0x85: {  	s24 =	simm.s32 $0x10BD0;
	v12 =	vmul.f32 v12, v16;
	v14 =	vadd.f32 $2.000000030e-01, v14  }
0x86: {  	(erf) = vrcp.f32 v10;
	v10 =	vmul.f32 v19, v13;
	v15 =	vadd.f32 $3.333333430e-01, v15;
	[tilespmem:s24+$0x30] =	vst v4  }
0x87: {  	v16 =	vadd.f32 $1.000000000e+00, v17;
	v17 =	vadd.f32 $1.000000000e+00, v18;
	v4 =	vmul.f32 v12, v12;
	v18 =	vld [tilespmem:s11+$0x90]  }
0x88: {  	v14 =	vmul.f32 v14, v9;
	v10 =	vadd.f32 $3.333333430e-01, v10;
	v11 =	vmul.f32 v15, v11;
	v15 =	vld [tilespmem:s9+$0x90]  }
0x89: {  	v5 =	vadd.f32 v5, v5;
	(erf) = vrcp.f32 v16;
	v16 =	vmul.f32 $1.428571490e-01, v4  }
0x8a: {  	v14 =	vadd.f32 $3.333333430e-01, v14;
	v10 =	vmul.f32 v10, v13;
	v13 =	vld [tilespmem:s8+$0x90];
	v11 =	vadd.f32 $1.000000000e+00, v11  }
0x8b: {  	v7 =	vadd.f32 v7, v7;
	(erf) = vrcp.f32 v17;
	v16 =	vadd.f32 $2.000000030e-01, v16  }
0x8c: {  	v9 =	vmul.f32 v14, v9;
	v10 =	vadd.f32 $1.000000000e+00, v10;
	v5 =	vmul.f32 v11, v5  }
0x8d: {  	v3 =	vmax.f32 v3, $0.0e+00;
	v11 =	vadd.f32 v8, v8;
	v8 =	vadd.f32 v15, v18  }
0x8e: {  	v9 =	vadd.f32 $1.000000000e+00, v9;
	v7 =	vmul.f32 v10, v7;
	v5 =	vadd.f32 v5, v6  }
0x8f: {  	s1 =	simm.s32 $0x9060;
	v10 =	vmul.f32 v16, v4;
	v14 =	vpop (erf);
	v6 =	vadd.f32 $1.000000000e+00, v20;
	v8 =	vadd.f32 v13, v8  }
0x90: {  	s12 =	simm.s32 $0x51E0;
	v24 =	vld [tilespmem:s1+$0xFFFFFFC0];
	v9 =	vmul.f32 v9, v11;
	v3 =	vadd.f32 v7, v3;
	v5 =	vmul.f32 v5, v14  }
0x91: {  	v25 =	vld [tilespmem:s12+$0x40];
	v7 =	vadd.f32 $3.333333430e-01, v10;
	(erf) = vrcp.f32 v6;
	v10 =	vand.u32 $0x7FFFFFFF, v8  }
0x92: {  	v28 =	vld [tilespmem:s1+$0x40];
	v2 =	vmax.f32 v2, $0.0e+00;
	[tilespmem:s24+$0xFFFFFFB0] =	vst v5;
	v5 =	vsub.f32 $0.0e+00, v10  }
0x93: {  	v11 =	vld [tilespmem:s9+$0x70];
	v2 =	vadd.f32 v9, v2;
	v4 =	vmul.f32 v7, v4;
	v6 =	vpop (erf)  }
0x94: {  	v3 =	vmul.f32 v3, v6;
	v6 =	vpop (erf);
	v7 =	vld [tilespmem:s11+$0xFFFFFF90];
	v5 =	vmul.f32 $1.442695020e+00, v5  }
0x95: {  	v4 =	vadd.f32 $1.000000000e+00, v4;
	v2 =	vmul.f32 v2, v6;
	v6 =	vadd.f32 v12, v12;
	v12 =	vld [tilespmem:s8+$0x70]  }
0x96: {  	[tilespmem:s24+$0xFFFFFFD0] =	vst v3;
	v3 =	vld [tilespmem:s9+$0xFFFFFF90];
	(erf) = vpow2.f32 v5  }
0x97: {  	v9 =	vld [tilespmem:s11+$0xFFFFFFD0];
	v4 =	vmul.f32 v4, v6  }
0x98: {  	v1 =	vmax.f32 v1, $0.0e+00;
	[tilespmem:s24+$0xFFFFFFF0] =	vst v2;
	v2 =	vld [tilespmem:s9+$0xFFFFFFD0]  }
0x99: {  	v6 =	vld [tilespmem:s8+$0xFFFFFF90];
	v1 =	vadd.f32 v4, v1  }
0x9a: {  	v4 =	vld [tilespmem:s11+$0x70];
	v10 =	vpop (erf)  }
0x9b: {  	v5 =	vld [tilespmem:s11+$0x10];
	v1 =	vmul.f32 v1, v10  }
0x9c: {  	v10 =	vld [tilespmem:s8+$0xFFFFFFD0];
	v3 =	vadd.f32 v3, v7  }
0x9d: {  	[tilespmem:s24+$0x10] =	vst v1;
	v1 =	vld [tilespmem:s9+$0x10]  }
0x9e: {  	v3 =	vadd.f32 v6, v3;
	v6 =	vld [tilespmem:s8+$0x10]  }
0x9f: {  	v2 =	vadd.f32 v2, v9;
	v7 =	vld [tilespmem:s11+$0x50];
	v4 =	vadd.f32 v11, v4;
	v13 =	vpop (erf)  }
0xa0: {  	v9 =	vld [tilespmem:s9+$0x50];
	v11 =	vadd.f32 $2.000000000e+00, v13  }
0xa1: {  	v31 =	vld [tilespmem:s12+$0x60];
	v15 =	vand.u32 $0x7FFFFFFF, v3;
	v2 =	vadd.f32 v10, v2;
	v4 =	vadd.f32 v12, v4  }
0xa2: {  	v14 =	vld [tilespmem:s8+$0x50];
	(erf) = vrcp.f32 v11;
	v11 =	vsub.f32 $0.0e+00, v15  }
0xa3: {  	v19 =	vld [tilespmem:s12+$0xFFFFFF80];
	v4 =	vsub.f32 $0.0e+00, v4;
	v1 =	vadd.f32 v1, v5;
	v15 =	vand.u32 $0x7FFFFFFF, v2  }
0xa4: {  	v10 =	vld [tilespmem:s11+$0xFFFFFF70];
	v5 =	vmul.f32 $1.442695020e+00, v11;
	v11 =	vsub.f32 $0.0e+00, v15  }
0xa5: {  	v7 =	vadd.f32 v9, v7;
	v4 =	vmul.f32 $1.442695020e+00, v4;
	v6 =	vadd.f32 v6, v1;
	v1 =	vld [tilespmem:s12+$0x80]  }
0xa6: {  	(erf) = vpow2.f32 v5;
	v5 =	vmul.f32 $1.442695020e+00, v11;
	v11 =	vld [tilespmem:s1+$0x80]  }
0xa7: {  	s16 =	simm.s32 $0xCEE0;
	v12 =	vld [tilespmem:s9+$0xFFFFFF70];
	v14 =	vadd.f32 v14, v7;
	v7 =	vand.u32 $0x7FFFFFFF, v6;
	(erf) = vpow2.f32 v4  }
0xa8: {  	(erf) = vpow2.f32 v5;
	v5 =	vsub.f32 $0.0e+00, v7;
	v7 =	vld [tilespmem:s16+$0x80]  }
0xa9: {  	v20 =	vld [tilespmem:s1+$0xFFFFFF80]  }
0xaa: {  	v44 =	vld [tilespmem:s8+$0xFFFFFF70]  }
0xab: {  	v16 =	vld [tilespmem:s11+$0xFFFFFFB0];
	v17 =	vand.u32 $0x7FFFFFFF, v14;
	v5 =	vmul.f32 $1.442695020e+00, v5;
	v18 =	vpop (erf);
	v1 =	vadd.f32 v11, v1  }
0xac: {  	v9 =	vld [tilespmem:s9+$0xFFFFFFB0];
	v17 =	vsub.f32 $0.0e+00, v17;
	v13 =	vmul.f32 v18, v13  }
0xad: {  	v15 =	vld [tilespmem:s9+$0xFFFFFFF0];
	(erf) = vpow2.f32 v5;
	v18 =	vadd.f32 v12, v10;
	v5 =	vadd.f32 v7, v1  }
0xae: {  	v25 =	vadd.f32 v28, v25;
	v4 =	vld [tilespmem:s11+$0xFFFFFFF0];
	v11 =	vmul.f32 $1.442695020e+00, v17;
	v23 =	vmul.f32 v13, v13  }
0xaf: {  	v39 =	vld [tilespmem:s8+$0xFFFFFFB0];
	v13 =	vadd.f32 v13, v13;
	v18 =	vadd.f32 v44, v18;
	v10 =	vpop (erf);
	v21 =	vand.u32 $0x7FFFFFFF, v5  }
0xb0: {  	v17 =	vld [tilespmem:s12+$0xFFFFFFC0];
	v1 =	vmul.f32 $1.428571490e-01, v23;
	v12 =	vadd.f32 $2.000000000e+00, v10;
	v22 =	vpop (erf);
	v26 =	vsub.f32 $0.0e+00, v21  }
0xb1: {  	(erf) = vpow2.f32 v11;
	v7 =	vld [tilespmem:s12+$0x0];
	v21 =	vadd.f32 v9, v16;
	v22 =	vadd.f32 $1.000000000e+00, v22  }
0xb2: {  	v11 =	vld [tilespmem:s1+$0x0];
	v18 =	vsub.f32 $0.0e+00, v18;
	v27 =	vpop (erf);
	v1 =	vadd.f32 $2.000000030e-01, v1;
	(erf) = vrcp.f32 v12  }
0xb3: {  	v12 =	vadd.f32 $2.000000000e+00, v27;
	(erf) = vrcp.f32 v22;
	v22 =	vadd.f32 v15, v4;
	v15 =	vld [tilespmem:s16+$0xFFFFFFC0]  }
0xb4: {  	v9 =	vld [tilespmem:s16+$0xFFFFFF80];
	v16 =	vmul.f32 $1.442695020e+00, v26;
	v21 =	vadd.f32 v39, v21;
	v4 =	vmul.f32 v1, v23  }
0xb5: {  	(erf) = vrcp.f32 v12;
	v1 =	vmax.f32 v3, $0.0e+00;
	v12 =	vadd.f32 v20, v19;
	v19 =	vld [tilespmem:s16+$0x0]  }
0xb6: {  	v34 =	vld [tilespmem:s16+$0x60];
	v3 =	vmax.f32 v2, $0.0e+00;
	v2 =	vadd.f32 v24, v17;
	(erf) = vpow2.f32 v16  }
0xb7: {  	v17 =	vld [tilespmem:s16+$0x40];
	v20 =	vpop (erf);
	v16 =	vadd.f32 $3.333333430e-01, v4;
	v4 =	vmax.f32 v6, $0.0e+00;
	v6 =	vadd.f32 v11, v7  }
0xb8: {  	v36 =	vld [tilespmem:s12+$0x20];
	v8 =	vmax.f32 v8, $0.0e+00;
	v11 =	vadd.f32 $2.000000000e+00, v20;
	v15 =	vadd.f32 v15, v2  }
0xb9: {  	v18 =	vmul.f32 $1.442695020e+00, v18;
	v9 =	vadd.f32 v9, v12;
	v16 =	vmul.f32 v16, v23;
	v23 =	vld [tilespmem:s12+$0xFFFFFFA0]  }
0xba: {  	v7 =	vpop (erf);
	(erf) = vrcp.f32 v11;
	v11 =	vld [tilespmem:s1+$0xFFFFFFA0];
	v29 =	vadd.f32 v19, v6;
	v6 =	vand.u32 $0x7FFFFFFF, v15  }
0xbb: {  	v28 =	vld [tilespmem:s12+$0xFFFFFFE0];
	v21 =	vsub.f32 $0.0e+00, v21;
	v2 =	vand.u32 $0x7FFFFFFF, v9;
	v16 =	vadd.f32 $1.000000000e+00, v16  }
0xbc: {  	v19 =	vsub.f32 $0.0e+00, v2;
	v2 =	vmax.f32 v14, $0.0e+00;
	v12 =	vadd.f32 v17, v25;
	v17 =	vld [tilespmem:s1+$0x60];
	v30 =	vpop (erf)  }
0xbd: {  	v25 =	vld [tilespmem:s1+$0xFFFFFFE0];
	v14 =	vsub.f32 $0.0e+00, v6;
	v13 =	vmul.f32 v16, v13;
	v16 =	vand.u32 $0x7FFFFFFF, v29;
	v6 =	vpop (erf)  }
0xbe: {  	v58 =	vld [tilespmem:s12+$0xFFFFFF60];
	v19 =	vmul.f32 $1.442695020e+00, v19;
	v33 =	vand.u32 $0x7FFFFFFF, v12;
	v16 =	vsub.f32 $0.0e+00, v16;
	v32 =	vpop (erf)  }
0xbf: {  	v40 =	vld [tilespmem:s8+$0xFFFFFFF0];
	v14 =	vmul.f32 $1.442695020e+00, v14;
	v23 =	vadd.f32 v11, v23;
	v8 =	vadd.f32 v13, v8;
	v35 =	vpop (erf)  }
0xc0: {  	v59 =	vld [tilespmem:s16+$0xFFFFFFE0];
	(erf) = vpow2.f32 v19;
	v13 =	vsub.f32 $0.0e+00, v33;
	v37 =	vadd.f32 $2.000000000e+00, v35  }
0xc1: {  	v24 =	vld [tilespmem:s1+$0xFFFFFF60];
	v17 =	vadd.f32 v17, v31;
	(erf) = vpow2.f32 v14;
	v14 =	vmul.f32 $1.442695020e+00, v16  }
0xc2: {  	v25 =	vadd.f32 v25, v28;
	v28 =	vld [tilespmem:s16+$0xFFFFFF60];
	v11 =	vmul.f32 $1.442695020e+00, v13;
	(erf) = vrcp.f32 v37  }
0xc3: {  	v16 =	vmax.f32 v9, $0.0e+00;
	v9 =	vld [tilespmem:s16+$0xFFFFFFA0];
	v31 =	vadd.f32 v34, v17;
	(erf) = vpow2.f32 v14  }
0xc4: {  	v22 =	vadd.f32 v40, v22;
	v21 =	vmul.f32 $1.442695020e+00, v21;
	v19 =	vld [tilespmem:s1+$0x20];
	v13 =	vpop (erf);
	(erf) = vpow2.f32 v11  }
0xc5: {  	v26 =	vadd.f32 $2.000000000e+00, v7;
	v13 =	vmul.f32 v13, v20;
	v20 =	vsub.f32 $0.0e+00, v31  }
0xc6: {  	v24 =	vadd.f32 v24, v58;
	v17 =	vmax.f32 v15, $0.0e+00;
	v15 =	vmul.f32 v30, v10;
	v30 =	vld [tilespmem:s16+$0x20]  }
0xc7: {  	v22 =	vsub.f32 $0.0e+00, v22;
	v25 =	vadd.f32 v59, v25;
	v20 =	vmul.f32 $1.442695020e+00, v20  }
0xc8: {  	v24 =	vadd.f32 v28, v24;
	v23 =	vadd.f32 v9, v23;
	(erf) = vrcp.f32 v26  }
0xc9: {  	v14 =	vmul.f32 v32, v27;
	v26 =	vadd.f32 v19, v36;
	v27 =	vpop (erf);
	(erf) = vpow2.f32 v20  }
0xca: {  	v22 =	vmul.f32 $1.442695020e+00, v22;
	v24 =	vsub.f32 $0.0e+00, v24;
	v23 =	vsub.f32 $0.0e+00, v23;
	v28 =	vpop (erf)  }
0xcb: {  	v6 =	vmul.f32 v8, v6;
	v26 =	vadd.f32 v30, v26;
	v60 =	vadd.f32 $2.000000000e+00, v27;
	v30 =	vpop (erf)  }
0xcc: {  	v24 =	vmul.f32 $1.442695020e+00, v24;
	v62 =	vadd.f32 $2.000000000e+00, v28;
	v30 =	vmul.f32 v30, v35;
	v63 =	vpop (erf)  }
0xcd: {  	v61 =	vld [tilespmem:s9+$0x30];
	v23 =	vmul.f32 $1.442695020e+00, v23;
	(erf) = vrcp.f32 v60;
	v45 =	vadd.f32 $2.000000000e+00, v63;
	v46 =	vpop (erf)  }
0xce: {  	v31 =	vld [tilespmem:s11+$0x30];
	(erf) = vrcp.f32 v62;
	v38 =	vmul.f32 v30, v30;
	v47 =	vadd.f32 $2.000000000e+00, v46  }
0xcf: {  	v25 =	vsub.f32 $0.0e+00, v25;
	v11 =	vmul.f32 v15, v15;
	(erf) = vrcp.f32 v45  }
0xd0: {  	v49 =	vld [tilespmem:s8+$0x30];
	v48 =	vmul.f32 $1.428571490e-01, v38;
	(erf) = vrcp.f32 v47  }
0xd1: {  	v25 =	vmul.f32 $1.442695020e+00, v25;
	v26 =	vsub.f32 $0.0e+00, v26;
	(erf) = vpow2.f32 v24;
	v24 =	vpop (erf)  }
0xd2: {  	v10 =	vmul.f32 v14, v14;
	v32 =	vadd.f32 $2.000000030e-01, v48;
	(erf) = vpow2.f32 v23;
	v23 =	vpop (erf)  }
0xd3: {  	v31 =	vadd.f32 v61, v31;
	v26 =	vmul.f32 $1.442695020e+00, v26;
	v23 =	vadd.f32 $1.000000000e+00, v23  }
0xd4: {  	(erf) = vpow2.f32 v25;
	v25 =	vmul.f32 v32, v38  }
0xd5: {  	v9 =	vmul.f32 v13, v13;
	(erf) = vpow2.f32 v26;
	v26 =	vadd.f32 v49, v31  }
0xd6: {  	v19 =	vmul.f32 $1.428571490e-01, v11;
	v20 =	vmul.f32 $1.428571490e-01, v10;
	v25 =	vadd.f32 $3.333333430e-01, v25  }
0xd7: {  	v7 =	vmul.f32 v24, v7;
	(erf) = vrcp.f32 v23;
	v26 =	vsub.f32 $0.0e+00, v26;
	v23 =	vpop (erf)  }
0xd8: {  	v5 =	vmax.f32 v5, $0.0e+00;
	v23 =	vmul.f32 v23, v27;
	v27 =	vpop (erf);
	v25 =	vmul.f32 v25, v38  }
0xd9: {  	v30 =	vadd.f32 v30, v30;
	v26 =	vmul.f32 $1.442695020e+00, v26;
	v27 =	vmul.f32 v27, v28;
	v28 =	vpop (erf)  }
0xda: {  	v31 =	vmul.f32 v23, v23;
	v50 =	vpop (erf);
	v25 =	vadd.f32 $1.000000000e+00, v25;
	v28 =	vmul.f32 v28, v63  }
0xdb: {  	v12 =	vmax.f32 v12, $0.0e+00;
	v51 =	vmul.f32 v27, v27;
	v32 =	vmul.f32 v50, v46  }
0xdc: {  	v29 =	vmax.f32 v29, $0.0e+00;
	v52 =	vpop (erf);
	v25 =	vmul.f32 v25, v30;
	v30 =	vmul.f32 $1.428571490e-01, v31  }
0xdd: {  	v23 =	vadd.f32 v23, v23;
	v34 =	vadd.f32 $1.000000000e+00, v52;
	v53 =	vpop (erf);
	v54 =	vmul.f32 v28, v28  }
0xde: {  	v55 =	vpop (erf);
	v56 =	vmul.f32 v32, v32;
	v57 =	vmul.f32 $1.428571490e-01, v51;
	v30 =	vadd.f32 $2.000000030e-01, v30  }
0xdf: {  	v35 =	vadd.f32 $1.000000000e+00, v53;
	v58 =	vpop (erf);
	v5 =	vadd.f32 v25, v5;
	v25 =	vmul.f32 $1.428571490e-01, v54  }
0xe0: {  	v59 =	vpop (erf);
	v60 =	vmul.f32 $1.428571490e-01, v56;
	v39 =	vadd.f32 $2.000000030e-01, v57;
	v30 =	vmul.f32 v30, v31  }
0xe1: {  	(erf) = vrcp.f32 v34;
	v5 =	vmul.f32 v5, v59;
	v25 =	vadd.f32 $2.000000030e-01, v25  }
0xe2: {  	s17 =	simm.s32 $0x10C70;
	v34 =	vadd.f32 $2.000000030e-01, v60;
	v39 =	vmul.f32 v39, v51;
	v30 =	vadd.f32 $3.333333430e-01, v30  }
0xe3: {  	v37 =	vadd.f32 $1.000000000e+00, v55;
	(erf) = vrcp.f32 v35;
	v25 =	vmul.f32 v25, v54;
	[tilespmem:s17+$0x30] =	vst v5  }
0xe4: {  	v34 =	vmul.f32 v34, v56;
	v5 =	vadd.f32 $3.333333430e-01, v39;
	v61 =	vld [tilespmem:s12+$0x90];
	v30 =	vmul.f32 v30, v31  }
0xe5: {  	v27 =	vadd.f32 v27, v27;
	(erf) = vrcp.f32 v37;
	v62 =	vld [tilespmem:s1+$0x90];
	v25 =	vadd.f32 $3.333333430e-01, v25  }
0xe6: {  	v31 =	vadd.f32 $3.333333430e-01, v34;
	v5 =	vmul.f32 v5, v51;
	v30 =	vadd.f32 $1.000000000e+00, v30  }
0xe7: {  	v28 =	vadd.f32 v28, v28;
	v40 =	vadd.f32 $1.000000000e+00, v58;
	v63 =	vld [tilespmem:s16+$0x90];
	v25 =	vmul.f32 v25, v54  }
0xe8: {  	v31 =	vmul.f32 v31, v56;
	v5 =	vadd.f32 $1.000000000e+00, v5;
	v23 =	vmul.f32 v30, v23  }
0xe9: {  	v32 =	vadd.f32 v32, v32;
	(erf) = vrcp.f32 v40;
	v25 =	vadd.f32 $1.000000000e+00, v25  }
0xea: {  	v30 =	vadd.f32 $1.000000000e+00, v31;
	v5 =	vmul.f32 v5, v27;
	v27 =	vadd.f32 v62, v61  }
0xeb: {  	(erf) = vpow2.f32 v18;
	v16 =	vadd.f32 v23, v16;
	v25 =	vmul.f32 v25, v28  }
0xec: {  	v28 =	vmul.f32 v30, v32;
	v17 =	vadd.f32 v5, v17;
	v5 =	vadd.f32 v63, v27;
	v23 =	vpop (erf)  }
0xed: {  	v19 =	vadd.f32 $2.000000030e-01, v19;
	(erf) = vpow2.f32 v21;
	v16 =	vmul.f32 v16, v23;
	v24 =	vpop (erf)  }
0xee: {  	v27 =	vld [tilespmem:s12+$0x70];
	v23 =	vadd.f32 v25, v29;
	v17 =	vmul.f32 v17, v24;
	v24 =	vand.u32 $0x7FFFFFFF, v5  }
0xef: {  	v12 =	vadd.f32 v28, v12;
	(erf) = vpow2.f32 v22;
	v28 =	vld [tilespmem:s1+$0x70];
	v25 =	vpop (erf);
	[tilespmem:s17+$0xFFFFFFB0] =	vst v16;
	v18 =	vsub.f32 $0.0e+00, v24  }
0xf0: {  	v20 =	vadd.f32 $2.000000030e-01, v20;
	(erf) = vpow2.f32 v26;
	v16 =	vmul.f32 v23, v25;
	v21 =	vld [tilespmem:s12+$0xFFFFFF90]  }
0xf1: {  	v25 =	vadd.f32 v14, v14;
	v14 =	vmul.f32 v19, v11;
	[tilespmem:s17+$0xFFFFFFD0] =	vst v17;
	v17 =	vld [tilespmem:s1+$0xFFFFFF90];
	v18 =	vmul.f32 $1.442695020e+00, v18  }
0xf2: {  	v20 =	vmul.f32 v20, v10;
	v23 =	vpop (erf);
	v22 =	vld [tilespmem:s12+$0xFFFFFFD0];
	[tilespmem:s17+$0xFFFFFFF0] =	vst v16;
	v16 =	vmul.f32 $1.428571490e-01, v9  }
0xf3: {  	v24 =	vld [tilespmem:s1+$0xFFFFFFD0];
	v14 =	vadd.f32 $3.333333430e-01, v14;
	v12 =	vmul.f32 v12, v23;
	(erf) = vpow2.f32 v18  }
0xf4: {  	v15 =	vadd.f32 v15, v15;
	v19 =	vadd.f32 v13, v13;
	v23 =	vmul.f32 v7, v7;
	v18 =	vld [tilespmem:s12+$0x10]  }
0xf5: {  	v11 =	vmul.f32 v14, v11;
	v14 =	vadd.f32 $3.333333430e-01, v20;
	[tilespmem:s17+$0x10] =	vst v12;
	v12 =	vadd.f32 $2.000000030e-01, v16;
	v16 =	vld [tilespmem:s1+$0x10]  }
0xf6: {  	v7 =	vadd.f32 v7, v7;
	v27 =	vadd.f32 v28, v27;
	v20 =	vpop (erf);
	v13 =	vmul.f32 $1.428571490e-01, v23  }
0xf7: {  	v20 =	vadd.f32 $1.000000000e+00, v20;
	v8 =	vadd.f32 v17, v21;
	v21 =	vld [tilespmem:s16+$0xFFFFFF90];
	v12 =	vmul.f32 v12, v9  }
0xf8: {  	v26 =	vld [tilespmem:s12+$0x50];
	v13 =	vadd.f32 $2.000000030e-01, v13;
	v22 =	vadd.f32 v24, v22;
	v24 =	vpop (erf)  }
0xf9: {  	v17 =	vld [tilespmem:s1+$0x50];
	v10 =	vmul.f32 v14, v10;
	v24 =	vadd.f32 $1.000000000e+00, v24;
	v14 =	vpop (erf);
	v12 =	vadd.f32 $3.333333430e-01, v12  }
0xfa: {  	(erf) = vrcp.f32 v20;
	v20 =	vld [tilespmem:s16+$0xFFFFFFD0];
	v18 =	vadd.f32 v16, v18;
	v16 =	vadd.f32 $1.000000000e+00, v14;
	v14 =	vpop (erf)  }
0xfb: {  	v13 =	vmul.f32 v13, v23;
	(erf) = vrcp.f32 v24;
	v24 =	vld [tilespmem:s16+$0x70];
	v29 =	vadd.f32 $1.000000000e+00, v14  }
0xfc: {  	v12 =	vmul.f32 v12, v9;
	v9 =	vadd.f32 v21, v8;
	v14 =	vpop (erf);
	(erf) = vrcp.f32 v16  }
0xfd: {  	v30 =	vld [tilespmem:s16+$0x10];
	v13 =	vadd.f32 $3.333333430e-01, v13;
	v8 =	vadd.f32 $2.000000000e+00, v14;
	(erf) = vrcp.f32 v29  }
0xfe: {  	v26 =	vadd.f32 v17, v26;
	v21 =	vld [tilespmem:s16+$0x50];
	v29 =	vadd.f32 $1.000000000e+00, v10;
	v10 =	vand.u32 $0x7FFFFFFF, v9  }
0xff: {  	v16 =	vadd.f32 $1.000000000e+00, v11;
	v11 =	vld [tilespmem:s12+$0xFFFFFF70];
	(erf) = vrcp.f32 v8;
	v8 =	vsub.f32 $0.0e+00, v10  }
0x100: {  	v17 =	vmul.f32 v13, v23;
	v23 =	vld [tilespmem:s1+$0xFFFFFF70];
	v10 =	vadd.f32 v20, v22;
	v20 =	vadd.f32 v24, v27  }
0x101: {  	v13 =	vld [tilespmem:s12+$0xFFFFFFB0];
	v16 =	vmul.f32 v16, v15;
	v15 =	vmul.f32 v29, v25;
	v25 =	vadd.f32 $1.000000000e+00, v12  }
0x102: {  	v24 =	vld [tilespmem:s1+$0xFFFFFFB0];
	v12 =	vadd.f32 v30, v18;
	v27 =	vmul.f32 $1.442695020e+00, v8;
	v18 =	vand.u32 $0x7FFFFFFF, v10  }
0x103: {  	v22 =	vld [tilespmem:s12+$0xFFFFFFF0];
	v8 =	vadd.f32 v21, v26;
	v29 =	vsub.f32 $0.0e+00, v20;
	v21 =	vmul.f32 v25, v19;
	v19 =	vpop (erf)  }
0x104: {  	s8 =	simm.s32 $0xCEE0;
	s9 =	simm.s32 $0x9060;
	[tilespmem:s24+$0x40] =	vst v6;
	v25 =	vld [tilespmem:s1+$0xFFFFFFF0];
	v6 =	vand.u32 $0x7FFFFFFF, v12;
	v26 =	vsub.f32 $0.0e+00, v18;
	v20 =	vpop (erf);
	(erf) = vpow2.f32 v27  }
0x105: {  	s22 =	sshll.u32 s21, $0x1;
	s11 =	simm.s32 $0x5;
	v28 =	vand.u32 $0x7FFFFFFF, v8;
	v27 =	vsub.f32 $0.0e+00, v6;
	v6 =	vld [tilespmem:s12+$0x30];
	v29 =	vmul.f32 $1.442695020e+00, v29;
	s12 =	simm.s32 $0x5320;
	v18 =	vpop (erf)  }
.LBB2_5:
0x106: {  	v30 =	vld [tilespmem:s12+$0x80];
	v11 =	vadd.f32 v23, v11;
	v32 =	vmul.f32 $1.442695020e+00, v26;
	v26 =	vsub.f32 $0.0e+00, v28;
	s1 =	sadd.s32 $0x140, s1;
	v28 =	vpop (erf)  }
0x107: {  	v31 =	vld [tilespmem:s1+$0x80];
	v13 =	vadd.f32 v24, v13;
	v24 =	vmul.f32 $1.442695020e+00, v27;
	(erf) = vpow2.f32 v29  }
0x108: {  	s11 =	sadd.s32 $0x5, s11;
	s16 =	sadd.s32 $0x140, s16;
	v29 =	vadd.f32 $1.000000000e+00, v17;
	v27 =	vld [tilespmem:s12+$0xFFFFFF80];
	v26 =	vmul.f32 $1.442695020e+00, v26;
	(erf) = vpow2.f32 v32;
	v23 =	vpop (erf)  }
0x109: {  	p1 =	slt.u32 s11, $0x78;
	v32 =	vld [tilespmem:s16+$0x80];
	v17 =	vadd.f32 v25, v22;
	v14 =	vmul.f32 v23, v14;
	(erf) = vpow2.f32 v24  }
0x10a: {  	v9 =	vmax.f32 v9, $0.0e+00;
	v7 =	vmul.f32 v29, v7;
	v22 =	vld [tilespmem:s1+$0xFFFFFF80];
	(erf) = vpow2.f32 v26  }
0x10b: {  	v10 =	vmax.f32 v10, $0.0e+00;
	v12 =	vmax.f32 v12, $0.0e+00;
	v23 =	vld [tilespmem:s12+$0xFFFFFFC0];
	v24 =	vmul.f32 v14, v14  }
0x10c: {  	v8 =	vmax.f32 v8, $0.0e+00;
	v16 =	vadd.f32 v16, v1;
	v1 =	vmovc v9;
	v25 =	vld [tilespmem:s1+$0xFFFFFFC0];
	v26 =	vadd.f32 v31, v30  }
0x10d: {  	v15 =	vadd.f32 v15, v3;
	v21 =	vadd.f32 v21, v4;
	v29 =	vld [tilespmem:s12+$0x0];
	v30 =	vmul.f32 $1.428571490e-01, v24;
	v31 =	vpop (erf)  }
0x10e: {  	v3 =	vmovc v10;
	v4 =	vmovc v12;
	v16 =	vmul.f32 v16, v19;
	v33 =	vld [tilespmem:s1+$0x0];
	v9 =	vadd.f32 v32, v26;
	v32 =	vadd.f32 $2.000000000e+00, v31  }
0x10f: {  	v15 =	vmul.f32 v15, v20;
	v10 =	vadd.f32 v22, v27;
	v12 =	vld [tilespmem:s12+$0x40];
	v19 =	vadd.f32 $2.000000030e-01, v30  }
0x110: {  	v20 =	vld [tilespmem:s1+$0x40];
	v22 =	vand.u32 $0x7FFFFFFF, v9;
	(erf) = vrcp.f32 v32;
	v26 =	vpop (erf);
	[tilespmem:s24+$0xFFFFFFC0] =	vst v16;
	v16 =	vadd.f32 v7, v2  }
0x111: {  	v27 =	vld [tilespmem:s16+$0xFFFFFF80];
	v35 =	vsub.f32 $0.0e+00, v22;
	v22 =	vadd.f32 $1.000000000e+00, v26;
	v34 =	vmul.f32 v19, v24;
	v26 =	vpop (erf);
	[tilespmem:s24+$0xFFFFFFE0] =	vst v15  }
0x112: {  	v18 =	vmul.f32 v21, v18;
	v15 =	vadd.f32 v25, v23;
	v19 =	vld [tilespmem:s16+$0xFFFFFFC0];
	v23 =	vadd.f32 $2.000000000e+00, v26;
	v25 =	vpop (erf)  }
0x113: {  	v21 =	vld [tilespmem:s16+$0x0];
	v30 =	vmul.f32 $1.442695020e+00, v35;
	v32 =	vadd.f32 $3.333333430e-01, v34;
	v7 =	vpop (erf);
	(erf) = vrcp.f32 v22  }
0x114: {  	v2 =	vmovc v8;
	v22 =	vadd.f32 v33, v29;
	v33 =	vadd.f32 $2.000000000e+00, v25;
	v29 =	vld [tilespmem:s16+$0x40];
	(erf) = vrcp.f32 v23;
	[tilespmem:s24+$0x0] =	vst v18  }
0x115: {  	v8 =	vld [tilespmem:s1+$0xFFFFFF60];
	v12 =	vadd.f32 v20, v12;
	(erf) = vpow2.f32 v30;
	v18 =	vmul.f32 v32, v24  }
0x116: {  	v23 =	vadd.f32 $2.000000000e+00, v7;
	v10 =	vadd.f32 v27, v10;
	v20 =	vld [tilespmem:s12+$0xFFFFFFA0];
	(erf) = vrcp.f32 v33  }
0x117: {  	v14 =	vadd.f32 v14, v14;
	v16 =	vmul.f32 v16, v28;
	v24 =	vld [tilespmem:s1+$0xFFFFFFA0];
	v18 =	vadd.f32 $1.000000000e+00, v18  }
0x118: {  	v15 =	vadd.f32 v19, v15;
	v27 =	vand.u32 $0x7FFFFFFF, v10;
	v19 =	vld [tilespmem:s12+$0xFFFFFFE0];
	v21 =	vadd.f32 v21, v22  }
0x119: {  	v22 =	vsub.f32 $0.0e+00, v27;
	v27 =	vld [tilespmem:s1+$0xFFFFFFE0];
	v12 =	vadd.f32 v29, v12;
	v14 =	vmul.f32 v18, v14;
	v28 =	vpop (erf);
	[tilespmem:s24+$0x20] =	vst v16;
	s24 =	smov.u32 s17  }
0x11a: {  	v5 =	vmax.f32 v5, $0.0e+00;
	v16 =	vand.u32 $0x7FFFFFFF, v15;
	v18 =	vand.u32 $0x7FFFFFFF, v21;
	v29 =	vld [tilespmem:s12+$0x20]  }
0x11b: {  	v16 =	vsub.f32 $0.0e+00, v16;
	v30 =	vand.u32 $0x7FFFFFFF, v12;
	v32 =	vld [tilespmem:s12+$0x60];
	v5 =	vadd.f32 v14, v5  }
0x11c: {  	v39 =	vmul.f32 $1.442695020e+00, v22;
	v18 =	vsub.f32 $0.0e+00, v18;
	v22 =	vsub.f32 $0.0e+00, v30;
	v30 =	vld [tilespmem:s1+$0x60];
	v33 =	vpop (erf)  }
0x11d: {  	v24 =	vadd.f32 v24, v20;
	v16 =	vmul.f32 $1.442695020e+00, v16;
	v34 =	vld [tilespmem:s1+$0x20];
	v20 =	vmul.f32 v5, v33;
	v33 =	vpop (erf)  }
0x11e: {  	v35 =	vmul.f32 $1.442695020e+00, v18;
	v27 =	vadd.f32 v27, v19;
	v22 =	vmul.f32 $1.442695020e+00, v22;
	v36 =	vld [tilespmem:s16+$0x60];
	v37 =	vpop (erf)  }
0x11f: {  	v5 =	vmax.f32 v10, $0.0e+00;
	v38 =	vld [tilespmem:s12+$0xFFFFFF60];
	v10 =	vadd.f32 $2.000000000e+00, v37;
	(erf) = vpow2.f32 v39;
	[tilespmem:s17+$0x40] =	vst v20;
	v14 =	vpop (erf)  }
0x120: {  	v18 =	vmax.f32 v21, $0.0e+00;
	v20 =	vmax.f32 v15, $0.0e+00;
	v39 =	vld [tilespmem:s16+$0xFFFFFF60];
	(erf) = vpow2.f32 v16  }
0x121: {  	v19 =	vmax.f32 v12, $0.0e+00;
	v21 =	vld [tilespmem:s16+$0xFFFFFFA0];
	v12 =	vadd.f32 v30, v32;
	(erf) = vrcp.f32 v10  }
0x122: {  	v15 =	vmul.f32 v28, v31;
	v30 =	vld [tilespmem:s16+$0xFFFFFFE0];
	v29 =	vadd.f32 v34, v29;
	(erf) = vpow2.f32 v35  }
0x123: {  	v16 =	vmul.f32 v33, v26;
	v28 =	vld [tilespmem:s16+$0x20];
	v10 =	vadd.f32 v36, v12;
	(erf) = vpow2.f32 v22  }
0x124: {  	v14 =	vmul.f32 v14, v25;
	v8 =	vadd.f32 v8, v38;
	v25 =	vld [tilespmem:s9+$0x30];
	(erf) = vrcp.f32 v23;
	s9 =	smov.u32 s1  }
0x125: {  	v12 =	vmul.f32 v15, v15;
	v22 =	vsub.f32 $0.0e+00, v10;
	v23 =	vld [tilespmem:s8+$0xFFFFFF70];
	v10 =	vmul.f32 v16, v16  }
0x126: {  	v26 =	vadd.f32 v39, v8;
	v24 =	vadd.f32 v21, v24;
	v31 =	vld [tilespmem:s8+$0xFFFFFFB0];
	v8 =	vmul.f32 v14, v14  }
0x127: {  	v27 =	vadd.f32 v30, v27;
	v22 =	vmul.f32 $1.442695020e+00, v22;
	v30 =	vmul.f32 $1.428571490e-01, v12;
	v32 =	vld [tilespmem:s8+$0xFFFFFFF0]  }
0x128: {  	v21 =	vmul.f32 $1.428571490e-01, v10;
	v26 =	vsub.f32 $0.0e+00, v26;
	v28 =	vadd.f32 v28, v29;
	v29 =	vpop (erf);
	v33 =	vld [tilespmem:s8+$0x30];
	s8 =	smov.u32 s16  }
0x129: {  	v24 =	vsub.f32 $0.0e+00, v24;
	v39 =	vadd.f32 $2.000000000e+00, v29;
	v35 =	vpop (erf);
	(erf) = vpow2.f32 v22  }
0x12a: {  	v27 =	vsub.f32 $0.0e+00, v27;
	v26 =	vmul.f32 $1.442695020e+00, v26;
	v41 =	vadd.f32 $2.000000000e+00, v35;
	v36 =	vpop (erf)  }
0x12b: {  	v28 =	vsub.f32 $0.0e+00, v28;
	v36 =	vmul.f32 v36, v37;
	(erf) = vrcp.f32 v39;
	v34 =	vpop (erf)  }
0x12c: {  	v24 =	vmul.f32 $1.442695020e+00, v24;
	v37 =	vadd.f32 $2.000000000e+00, v34;
	(erf) = vrcp.f32 v41;
	v38 =	vpop (erf)  }
0x12d: {  	v27 =	vmul.f32 $1.442695020e+00, v27;
	v39 =	vadd.f32 $2.000000000e+00, v38;
	v40 =	vmul.f32 v36, v36;
	v22 =	vpop (erf)  }
0x12e: {  	v6 =	vadd.f32 v25, v6;
	v28 =	vmul.f32 $1.442695020e+00, v28;
	(erf) = vrcp.f32 v37  }
0x12f: {  	v11 =	vadd.f32 v23, v11;
	v25 =	vmul.f32 $1.428571490e-01, v40;
	(erf) = vrcp.f32 v39  }
0x130: {  	v13 =	vadd.f32 v31, v13;
	v17 =	vadd.f32 v32, v17;
	(erf) = vpow2.f32 v26  }
0x131: {  	v6 =	vadd.f32 v33, v6;
	v23 =	vadd.f32 $2.000000030e-01, v25;
	(erf) = vpow2.f32 v24  }
0x132: {  	v11 =	vsub.f32 $0.0e+00, v11;
	v13 =	vsub.f32 $0.0e+00, v13;
	(erf) = vpow2.f32 v27;
	v24 =	vpop (erf)  }
0x133: {  	v24 =	vadd.f32 $1.000000000e+00, v24;
	v23 =	vmul.f32 v23, v40;
	(erf) = vpow2.f32 v28  }
0x134: {  	v11 =	vmul.f32 $1.442695020e+00, v11;
	v17 =	vsub.f32 $0.0e+00, v17;
	v26 =	vsub.f32 $0.0e+00, v6;
	v25 =	vpop (erf)  }
0x135: {  	v25 =	vmul.f32 v25, v29;
	v23 =	vadd.f32 $3.333333430e-01, v23;
	v6 =	vpop (erf);
	(erf) = vrcp.f32 v24  }
0x136: {  	v13 =	vmul.f32 $1.442695020e+00, v13;
	v24 =	vmul.f32 v6, v35;
	v6 =	vadd.f32 $2.000000030e-01, v30  }
0x137: {  	v27 =	vmul.f32 v25, v25;
	v25 =	vadd.f32 v25, v25;
	v23 =	vmul.f32 v23, v40;
	v28 =	vpop (erf)  }
0x138: {  	v29 =	vmul.f32 v24, v24;
	v24 =	vadd.f32 v24, v24;
	v28 =	vmul.f32 v28, v34;
	v30 =	vpop (erf)  }
0x139: {  	v37 =	vadd.f32 v36, v36;
	v30 =	vmul.f32 v30, v38;
	v23 =	vadd.f32 $1.000000000e+00, v23;
	v32 =	vpop (erf)  }
0x13a: {  	v33 =	vmul.f32 $1.428571490e-01, v27;
	v32 =	vadd.f32 $1.000000000e+00, v32;
	v34 =	vmul.f32 v28, v28;
	v35 =	vpop (erf)  }
0x13b: {  	v35 =	vadd.f32 $1.000000000e+00, v35;
	v36 =	vmul.f32 v30, v30;
	v23 =	vmul.f32 v23, v37;
	v31 =	vpop (erf)  }
0x13c: {  	v9 =	vmax.f32 v9, $0.0e+00;
	v37 =	vmul.f32 $1.428571490e-01, v29;
	v38 =	vmul.f32 $1.428571490e-01, v34;
	v39 =	vpop (erf)  }
0x13d: {  	v33 =	vadd.f32 $2.000000030e-01, v33;
	v40 =	vmul.f32 $1.428571490e-01, v36;
	v9 =	vadd.f32 v23, v9  }
0x13e: {  	v23 =	vadd.f32 $2.000000030e-01, v37;
	v37 =	vadd.f32 $2.000000030e-01, v38;
	(erf) = vrcp.f32 v32;
	v32 =	vpop (erf)  }
0x13f: {  	v33 =	vmul.f32 v33, v27;
	v38 =	vadd.f32 $2.000000030e-01, v40;
	v9 =	vmul.f32 v9, v32  }
0x140: {  	s17 =	sadd.s32 $0xA0, s17;
	v31 =	vadd.f32 $1.000000000e+00, v31;
	v23 =	vmul.f32 v23, v29;
	v32 =	vmul.f32 v37, v34  }
0x141: {  	v33 =	vadd.f32 $3.333333430e-01, v33;
	v37 =	vadd.f32 $1.000000000e+00, v39;
	v38 =	vmul.f32 v38, v36;
	[tilespmem:s17+$0x30] =	vst v9  }
0x142: {  	v9 =	vadd.f32 $3.333333430e-01, v23;
	v23 =	vadd.f32 $3.333333430e-01, v32;
	v32 =	vld [tilespmem:s12+$0x90];
	(erf) = vrcp.f32 v35  }
0x143: {  	v27 =	vmul.f32 v33, v27;
	v33 =	vadd.f32 $3.333333430e-01, v38;
	v35 =	vld [tilespmem:s1+$0x90];
	(erf) = vrcp.f32 v31  }
0x144: {  	v28 =	vadd.f32 v28, v28;
	v9 =	vmul.f32 v9, v29;
	(erf) = vrcp.f32 v37  }
0x145: {  	v27 =	vadd.f32 $1.000000000e+00, v27;
	v23 =	vmul.f32 v23, v34;
	v33 =	vmul.f32 v33, v36;
	v31 =	vld [tilespmem:s16+$0x90]  }
0x146: {  	v17 =	vmul.f32 $1.442695020e+00, v17;
	v30 =	vadd.f32 v30, v30;
	v9 =	vadd.f32 $1.000000000e+00, v9  }
0x147: {  	v25 =	vmul.f32 v27, v25;
	v23 =	vadd.f32 $1.000000000e+00, v23;
	v27 =	vadd.f32 $1.000000000e+00, v33;
	v29 =	vpop (erf)  }
0x148: {  	v26 =	vmul.f32 $1.442695020e+00, v26;
	v9 =	vmul.f32 v9, v24;
	v24 =	vadd.f32 v35, v32  }
0x149: {  	v25 =	vadd.f32 v25, v5;
	v28 =	vmul.f32 v23, v28;
	v27 =	vmul.f32 v27, v30  }
0x14a: {  	v7 =	vmul.f32 v22, v7;
	v9 =	vadd.f32 v9, v20;
	v5 =	vadd.f32 v31, v24  }
0x14b: {  	v24 =	vmul.f32 v25, v29;
	v18 =	vadd.f32 v28, v18;
	v19 =	vadd.f32 v27, v19;
	v22 =	vpop (erf)  }
0x14c: {  	v9 =	vmul.f32 v9, v22;
	v22 =	vand.u32 $0x7FFFFFFF, v5;
	v23 =	vpop (erf);
	(erf) = vpow2.f32 v11  }
0x14d: {  	[tilespmem:s17+$0xFFFFFFB0] =	vst v24;
	v11 =	vmul.f32 v18, v23;
	v18 =	vsub.f32 $0.0e+00, v22;
	v20 =	vpop (erf);
	(erf) = vpow2.f32 v13  }
0x14e: {  	v13 =	vld [tilespmem:s12+$0xFFFFFF90];
	[tilespmem:s17+$0xFFFFFFD0] =	vst v9;
	v9 =	vmul.f32 v19, v20;
	v19 =	vadd.f32 $2.000000030e-01, v21;
	(erf) = vpow2.f32 v17  }
0x14f: {  	v15 =	vadd.f32 v15, v15;
	v17 =	vld [tilespmem:s1+$0xFFFFFF90];
	[tilespmem:s17+$0xFFFFFFF0] =	vst v11;
	v11 =	vmul.f32 $1.442695020e+00, v18;
	(erf) = vpow2.f32 v26  }
0x150: {  	v20 =	vadd.f32 v16, v16;
	v16 =	vmul.f32 v7, v7;
	v18 =	vld [tilespmem:s12+$0xFFFFFFD0];
	[tilespmem:s17+$0x10] =	vst v9;
	v9 =	vmul.f32 $1.428571490e-01, v8  }
0x151: {  	v6 =	vmul.f32 v6, v12;
	v25 =	vadd.f32 v14, v14;
	v21 =	vld [tilespmem:s1+$0xFFFFFFD0];
	(erf) = vpow2.f32 v11  }
0x152: {  	v24 =	vmul.f32 v19, v10;
	v19 =	vmul.f32 $1.428571490e-01, v16;
	v11 =	vld [tilespmem:s12+$0x10];
	v9 =	vadd.f32 $2.000000030e-01, v9  }
0x153: {  	v6 =	vadd.f32 $3.333333430e-01, v6;
	v7 =	vadd.f32 v7, v7;
	v22 =	vld [tilespmem:s1+$0x10]  }
0x154: {  	v19 =	vadd.f32 $2.000000030e-01, v19;
	v13 =	vadd.f32 v17, v13;
	v17 =	vld [tilespmem:s12+$0x50];
	v9 =	vmul.f32 v9, v8  }
0x155: {  	v6 =	vmul.f32 v6, v12;
	v27 =	vadd.f32 $3.333333430e-01, v24;
	v23 =	vld [tilespmem:s1+$0x50];
	v14 =	vpop (erf)  }
0x156: {  	v19 =	vmul.f32 v19, v16;
	v24 =	vld [tilespmem:s16+$0xFFFFFF90];
	v18 =	vadd.f32 v21, v18;
	v14 =	vadd.f32 $1.000000000e+00, v14;
	v21 =	vpop (erf)  }
0x157: {  	v10 =	vmul.f32 v27, v10;
	v9 =	vadd.f32 $3.333333430e-01, v9;
	v26 =	vld [tilespmem:s12+$0x70];
	v21 =	vadd.f32 $1.000000000e+00, v21;
	v12 =	vpop (erf)  }
0x158: {  	v22 =	vadd.f32 v22, v11;
	v27 =	vld [tilespmem:s1+$0x70];
	v11 =	vadd.f32 $1.000000000e+00, v12;
	(erf) = vrcp.f32 v14;
	v12 =	vpop (erf)  }
0x159: {  	v19 =	vadd.f32 $3.333333430e-01, v19;
	v28 =	vld [tilespmem:s16+$0xFFFFFFD0];
	v12 =	vadd.f32 $1.000000000e+00, v12;
	(erf) = vrcp.f32 v21  }
0x15a: {  	v8 =	vmul.f32 v9, v8;
	v21 =	vadd.f32 v23, v17;
	v29 =	vld [tilespmem:s16+$0x70];
	v14 =	vpop (erf);
	(erf) = vrcp.f32 v11  }
0x15b: {  	v9 =	vadd.f32 v24, v13;
	v30 =	vld [tilespmem:s16+$0x10];
	v13 =	vadd.f32 $2.000000000e+00, v14;
	(erf) = vrcp.f32 v12  }
0x15c: {  	v6 =	vadd.f32 $1.000000000e+00, v6;
	v17 =	vmul.f32 v19, v16;
	v12 =	vadd.f32 $1.000000000e+00, v10;
	v31 =	vld [tilespmem:s16+$0x50]  }
0x15d: {  	v11 =	vld [tilespmem:s12+$0xFFFFFF70];
	v10 =	vand.u32 $0x7FFFFFFF, v9;
	v19 =	vadd.f32 v27, v26;
	(erf) = vrcp.f32 v13  }
0x15e: {  	v16 =	vmul.f32 v6, v15;
	v23 =	vld [tilespmem:s1+$0xFFFFFF70];
	v24 =	vsub.f32 $0.0e+00, v10;
	v10 =	vadd.f32 v28, v18  }
.Ltmp3:
0x15f: {  	v15 =	vmul.f32 v12, v20;
	v18 =	vadd.f32 $1.000000000e+00, v8;
	v13 =	vld [tilespmem:s12+$0xFFFFFFB0];
	v6 =	vadd.f32 v29, v19;
	(pc) =	sbr.rel @p1 .LBB2_5-.Ltmp3, $4  }
0x160: {  	v27 =	vmul.f32 $1.442695020e+00, v24;
	v24 =	vld [tilespmem:s1+$0xFFFFFFB0];
	v26 =	vand.u32 $0x7FFFFFFF, v10;
	v12 =	vadd.f32 v30, v22  }
0x161: {  	v22 =	vld [tilespmem:s12+$0xFFFFFFF0];
	v8 =	vadd.f32 v31, v21;
	v29 =	vsub.f32 $0.0e+00, v6;
	v21 =	vmul.f32 v18, v25;
	v19 =	vpop (erf)  }
0x162: {  	v26 =	vsub.f32 $0.0e+00, v26;
	v25 =	vld [tilespmem:s1+$0xFFFFFFF0];
	v6 =	vand.u32 $0x7FFFFFFF, v12;
	(erf) = vpow2.f32 v27;
	v20 =	vpop (erf)  }
0x163: {  	v27 =	vsub.f32 $0.0e+00, v6;
	v6 =	vld [tilespmem:s12+$0x30];
	v28 =	vand.u32 $0x7FFFFFFF, v8;
	v29 =	vmul.f32 $1.442695020e+00, v29;
	s12 =	sadd.s32 $0x140, s12;
	v18 =	vpop (erf)  }
0x164: {  	v26 =	vmul.f32 $1.442695020e+00, v26  }
0x165: {  	(erf) = vpow2.f32 v29  }
0x166: {  	v27 =	vmul.f32 $1.442695020e+00, v27;
	(erf) = vpow2.f32 v26  }
0x167: {  	v26 =	vsub.f32 $0.0e+00, v28;
	_ =	sdelay $0x1  }
0x168: {  	(erf) = vpow2.f32 v27;
	v26 =	vmul.f32 $1.442695020e+00, v26  }
0x169: {  	v27 =	vpop (erf)  }
0x16a: {  	v28 =	vpop (erf);
	(erf) = vpow2.f32 v26  }
0x16b: {  	v14 =	vmul.f32 v28, v14  }
0x16c: {  	v17 =	vadd.f32 $1.000000000e+00, v17;
	v26 =	vpop (erf)  }
0x16d: {  	v11 =	vadd.f32 v23, v11;
	v28 =	vadd.f32 $2.000000000e+00, v26;
	v30 =	vmul.f32 v14, v14;
	v29 =	vpop (erf)  }
0x16e: {  	v13 =	vadd.f32 v24, v13;
	v24 =	vld [tilespmem:s8+$0xFFFFFF70];
	v7 =	vmul.f32 v17, v7;
	v29 =	vadd.f32 $1.000000000e+00, v29;
	v31 =	vpop (erf)  }
0x16f: {  	v17 =	vld [tilespmem:s8+$0xFFFFFFF0];
	(erf) = vrcp.f32 v28;
	v23 =	vmul.f32 $1.428571490e-01, v30;
	v28 =	vadd.f32 $2.000000000e+00, v31  }
0x170: {  	v1 =	vadd.f32 v16, v1;
	v3 =	vadd.f32 v15, v3;
	(erf) = vrcp.f32 v29;
	v29 =	vld [tilespmem:s9+$0x30]  }
0x171: {  	v22 =	vadd.f32 v25, v22;
	v25 =	vpop (erf);
	v23 =	vadd.f32 $2.000000030e-01, v23;
	(erf) = vrcp.f32 v28;
	v28 =	vld [tilespmem:s8+$0xFFFFFFB0]  }
0x172: {  	v4 =	vadd.f32 v21, v4;
	v1 =	vmul.f32 v1, v19;
	v16 =	vadd.f32 $2.000000000e+00, v25  }
0x173: {  	v3 =	vmul.f32 v3, v20;
	v11 =	vadd.f32 v24, v11;
	v15 =	vmul.f32 v23, v30;
	v21 =	vpop (erf);
	v23 =	vld [tilespmem:s8+$0x30]  }
0x174: {  	v2 =	vadd.f32 v7, v2;
	(erf) = vrcp.f32 v16;
	v19 =	vadd.f32 $2.000000000e+00, v21  }
0x175: {  	v4 =	vmul.f32 v4, v18;
	v17 =	vadd.f32 v17, v22;
	v11 =	vsub.f32 $0.0e+00, v11  }
0x176: {  	(erf) = vrcp.f32 v19;
	v6 =	vadd.f32 v29, v6;
	v13 =	vadd.f32 v28, v13  }
0x177: {  	v17 =	vsub.f32 $0.0e+00, v17;
	v11 =	vmul.f32 $1.442695020e+00, v11;
	v15 =	vadd.f32 $3.333333430e-01, v15  }
0x178: {  	v2 =	vmul.f32 v2, v27;
	v16 =	vpop (erf);
	v6 =	vadd.f32 v23, v6;
	v13 =	vsub.f32 $0.0e+00, v13  }
0x179: {  	v17 =	vmul.f32 $1.442695020e+00, v17;
	(erf) = vpow2.f32 v11;
	v18 =	vpop (erf)  }
0x17a: {  	v15 =	vmul.f32 v15, v30;
	v6 =	vsub.f32 $0.0e+00, v6;
	v19 =	vpop (erf);
	v13 =	vmul.f32 $1.442695020e+00, v13  }
0x17b: {  	v16 =	vmul.f32 v16, v26;
	v19 =	vmul.f32 v19, v31  }
0x17c: {  	v6 =	vmul.f32 $1.442695020e+00, v6;
	(erf) = vpow2.f32 v13  }
0x17d: {  	v11 =	vpop (erf);
	v13 =	vmul.f32 v16, v16;
	(erf) = vpow2.f32 v17  }
0x17e: {  	v14 =	vadd.f32 v14, v14;
	v11 =	vmul.f32 v11, v25;
	(erf) = vpow2.f32 v6  }
0x17f: {  	v6 =	vadd.f32 $1.000000000e+00, v15;
	v15 =	vmul.f32 v19, v19;
	v17 =	vmul.f32 $1.428571490e-01, v13;
	v20 =	vpop (erf)  }
0x180: {  	v9 =	vmax.f32 v9, $0.0e+00;
	v22 =	vmul.f32 v11, v11;
	v20 =	vmul.f32 v20, v21  }
0x181: {  	v6 =	vmul.f32 v6, v14;
	v14 =	vmul.f32 $1.428571490e-01, v15;
	v17 =	vadd.f32 $2.000000030e-01, v17  }
0x182: {  	v5 =	vmax.f32 v5, $0.0e+00;
	v23 =	vpop (erf);
	v7 =	vmul.f32 $1.428571490e-01, v22;
	v21 =	vmul.f32 v20, v20  }
0x183: {  	v23 =	vadd.f32 $1.000000000e+00, v23;
	v14 =	vadd.f32 $2.000000030e-01, v14;
	v17 =	vmul.f32 v17, v13  }
0x184: {  	v5 =	vadd.f32 v6, v5;
	v6 =	vadd.f32 $2.000000030e-01, v7;
	v7 =	vmul.f32 $1.428571490e-01, v21  }
0x185: {  	v11 =	vadd.f32 v11, v11;
	v14 =	vmul.f32 v14, v15;
	v17 =	vadd.f32 $3.333333430e-01, v17;
	v24 =	vpop (erf)  }
0x186: {  	(erf) = vrcp.f32 v23;
	v7 =	vadd.f32 $2.000000030e-01, v7;
	v24 =	vadd.f32 $1.000000000e+00, v24;
	v25 =	vpop (erf)  }
0x187: {  	v6 =	vmul.f32 v6, v22;
	v14 =	vadd.f32 $3.333333430e-01, v14;
	v25 =	vadd.f32 $1.000000000e+00, v25;
	v23 =	vpop (erf)  }
0x188: {  	v7 =	vmul.f32 v7, v21;
	v23 =	vadd.f32 $1.000000000e+00, v23;
	(erf) = vrcp.f32 v24  }
0x189: {  	v13 =	vmul.f32 v17, v13;
	v6 =	vadd.f32 $3.333333430e-01, v6;
	(erf) = vrcp.f32 v25  }
0x18a: {  	v14 =	vmul.f32 v14, v15;
	v7 =	vadd.f32 $3.333333430e-01, v7;
	(erf) = vrcp.f32 v23  }
0x18b: {  	v15 =	vadd.f32 v16, v16;
	v6 =	vmul.f32 v6, v22;
	v13 =	vadd.f32 $1.000000000e+00, v13  }
0x18c: {  	v16 =	vadd.f32 v19, v19;
	v14 =	vadd.f32 $1.000000000e+00, v14;
	v7 =	vmul.f32 v7, v21  }
0x18d: {  	[tilespmem:s24+$0xFFFFFFC0] =	vst v1;
	v1 =	vadd.f32 v20, v20;
	v13 =	vmul.f32 v13, v15;
	v6 =	vadd.f32 $1.000000000e+00, v6  }
0x18e: {  	[tilespmem:s24+$0x0] =	vst v4;
	v4 =	vmul.f32 v5, v18;
	v14 =	vmul.f32 v14, v16;
	v7 =	vadd.f32 $1.000000000e+00, v7  }
0x18f: {  	v10 =	vmax.f32 v10, $0.0e+00;
	[tilespmem:s24+$0xFFFFFFE0] =	vst v3;
	v3 =	vmul.f32 v6, v11;
	v6 =	vadd.f32 v13, v9  }
0x190: {  	v12 =	vmax.f32 v12, $0.0e+00;
	v5 =	vpop (erf);
	v1 =	vmul.f32 v7, v1;
	v7 =	vadd.f32 v14, v10  }
0x191: {  	v8 =	vmax.f32 v8, $0.0e+00;
	[tilespmem:s24+$0x20] =	vst v2;
	v3 =	vadd.f32 v3, v12;
	v5 =	vmul.f32 v6, v5;
	v2 =	vpop (erf)  }
0x192: {  	[tilespmem:s17+$0x40] =	vst v4;
	v1 =	vadd.f32 v1, v8;
	v4 =	vpop (erf);
	v2 =	vmul.f32 v7, v2  }
0x193: {  	[tilespmem:s17+$0xFFFFFFC0] =	vst v5;
	v6 =	vpop (erf);
	v3 =	vmul.f32 v3, v4  }
0x194: {  	[tilespmem:s17+$0xFFFFFFE0] =	vst v2;
	v1 =	vmul.f32 v1, v6  }
0x195: {  	s1 =	sshll.u32 s21, $0x8;
	p1 =	seq.s32 s21, $0x27;
	[tilespmem:s17+$0x0] =	vst v3  }
0x196: {  	s11 =	simm.s32 @!p1 $0x5000;
	s24 =	sand.u32 $0x3FFFFF00, s1;
	s1 =	sadd.s32 @!p1 $0x2, s22;
	[tilespmem:s17+$0x20] =	vst v1  }
0x197: {  	[spmem:s2] =	stream.indirect.scatter.add.f32 [tilespmem:s29], [sflag:$0x3], $0x20, s24, s18, $0xb8;
	[tilespmem:$0x1CAC0] =	vst v63  }
0x198: {  	s9 =	simm.s32 @!p1 $0x7D;
	s8 =	sshll.u32 @!p1 s1, $0x7;
	s1 =	sadd.s32 @!p1 s5, s1  }
0x199: {  	[tilespmem:s11], [sflag:$0x1] =	stream.indirect.gather @!p1 [hbm4b:s4+s9], $0x40, s8, s9, $0xb8;
	[tilespmem:$0x1CAC0] =	vst v63  }
0x19a: {  	s1 =	smul.u32 @!p1 $0x3E8, s1;
	s8 =	sadd.s32 @!p1 $0x2800, s8;
	s11 =	simm.s32 @!p1 $0x8E80  }
0x19b: {  	[tilespmem:s11], [sflag:$0x1] =	stream.indirect.gather @!p1 [hbm4b:s6+s9], $0x40, s8, s9, $0xb8;
	[tilespmem:$0x1CAC0] =	vst v63  }
0x19c: {  	s1 =	sadd.s32 @!p1 s7, s1;
	s8 =	simm.s32 @!p1 $0x0;
	s9 =	simm.s32 @!p1 $0xCD00  }
0x19d: {  	[tilespmem:s9], [sflag:$0x1] =	stream.linear.gather @!p1 [hbm4b:s1+s8], $0x1F40, $0x38;
	[tilespmem:$0x1CAC0] =	vst v63  }
0x19e: {  	_ =	swait.ge [sflag:s30], $0x1F40  }
0x19f: {  	[sflag:s30] =	ssyncset.done $0x0  }
0x1a0: {  	[sflag:s30] =	ssyncadd.s32 $0xFFFFE0C0  }
0x1a1: {  	_ =	swait.ge [sflag:s30], $0x1F40  }
0x1a2: {  	[sflag:s30] =	ssyncset.done $0x0  }
0x1a3: {  	[sflag:s30] =	ssyncadd.s32 $0xFFFFE0C0  }
0x1a4: {  	_ =	swait.ge [sflag:s30], $0x1F40  }
0x1a5: {  	[sflag:s30] =	ssyncset.done $0x0  }
0x1a6: {  	s1 =	simm.s32 @!p0 $0x4;
	[sflag:s30] =	ssyncadd.s32 $0xFFFFE0C0  }
0x1a7: {  	_ =	swait.ge @!p0 [sflag:s1], $0xFA0  }
0x1a8: {  	[sflag:s1] =	ssyncset.done @!p0 $0x0  }
0x1a9: {  	s9 =	simm.s32 $0x7070;
	[sflag:s1] =	ssyncadd.s32 @!p0 $0xFFFFF060  }
0x1aa: {  	s8 =	simm.s32 $0xAEF0;
	v1 =	vld [tilespmem:s9+$0xFFFFFFF0]  }
0x1ab: {  	v2 =	vld [tilespmem:s8+$0xFFFFFFF0]  }
0x1ac: {  	s12 =	simm.s32 $0xED70  }
0x1ad: {  	v3 =	vld [tilespmem:s12+$0xFFFFFFF0];
	_ =	sdelay $0x1  }
0x1ae: {  	v4 =	vld [tilespmem:s9+$0xFFFFFEF0]  }
0x1af: {  	v5 =	vld [tilespmem:s9+$0xFFFFFF30];
	v1 =	vadd.f32 v2, v1  }
0x1b0: {  	v8 =	vld [tilespmem:s8+$0xFFFFFF70]  }
0x1b1: {  	v9 =	vld [tilespmem:s9+$0xFFFFFFB0];
	v6 =	vadd.f32 v3, v1  }
0x1b2: {  	v10 =	vld [tilespmem:s12+$0xFFFFFEF0]  }
0x1b3: {  	v2 =	vld [tilespmem:s8+$0xFFFFFEF0];
	v7 =	vand.u32 $0x7FFFFFFF, v6  }
0x1b4: {  	v1 =	vld [tilespmem:s8+$0xFFFFFF30];
	v7 =	vsub.f32 $0.0e+00, v7  }
0x1b5: {  	v11 =	vld [tilespmem:s12+$0xFFFFFF30]  }
0x1b6: {  	v3 =	vld [tilespmem:s9+$0xFFFFFF70];
	v7 =	vmul.f32 $1.442695020e+00, v7  }
0x1b7: {  	v12 =	vld [tilespmem:s8+$0xFFFFFFB0]  }
0x1b8: {  	v2 =	vadd.f32 v2, v4;
	v4 =	vld [tilespmem:s12+$0xFFFFFF70];
	(erf) = vpow2.f32 v7  }
0x1b9: {  	v1 =	vadd.f32 v1, v5;
	v5 =	vld [tilespmem:s12+$0xFFFFFFB0]  }
0x1ba: {  	v13 =	vld [tilespmem:s9+$0xFFFFFF50];
	v10 =	vadd.f32 v10, v2  }
0x1bb: {  	v16 =	vld [tilespmem:s12+$0xFFFFFFD0];
	v2 =	vadd.f32 v8, v3;
	v3 =	vadd.f32 v11, v1  }
0x1bc: {  	v18 =	vld [tilespmem:s8+$0xFFFFFF50];
	v1 =	vadd.f32 v12, v9;
	v11 =	vand.u32 $0x7FFFFFFF, v10  }
0x1bd: {  	v12 =	vld [tilespmem:s9+$0xFFFFFFD0];
	v2 =	vadd.f32 v4, v2;
	v4 =	vsub.f32 $0.0e+00, v11;
	v11 =	vand.u32 $0x7FFFFFFF, v3  }
0x1be: {  	v1 =	vadd.f32 v5, v1;
	v5 =	vsub.f32 $0.0e+00, v11;
	v11 =	vld [tilespmem:s8+$0xFFFFFFD0]  }
0x1bf: {  	v8 =	vld [tilespmem:s9+$0xFFFFFF10];
	v4 =	vmul.f32 $1.442695020e+00, v4;
	v14 =	vand.u32 $0x7FFFFFFF, v2  }
0x1c0: {  	v7 =	vld [tilespmem:s8+$0xFFFFFED0];
	v14 =	vsub.f32 $0.0e+00, v14  }
0x1c1: {  	v9 =	vld [tilespmem:s8+$0xFFFFFF10];
	v15 =	vand.u32 $0x7FFFFFFF, v1;
	v5 =	vmul.f32 $1.442695020e+00, v5;
	(erf) = vpow2.f32 v4;
	v17 =	vpop (erf)  }
0x1c2: {  	v4 =	vld [tilespmem:s9+$0xFFFFFF90];
	v15 =	vsub.f32 $0.0e+00, v15;
	v19 =	vadd.f32 $2.000000000e+00, v17  }
0x1c3: {  	(erf) = vpow2.f32 v5;
	v5 =	vmul.f32 $1.442695020e+00, v14;
	v14 =	vld [tilespmem:s9+$0xFFFFFED0];
	v11 =	vadd.f32 v11, v12  }
0x1c4: {  	v12 =	vld [tilespmem:s8+$0xFFFFFF90];
	v15 =	vmul.f32 $1.442695020e+00, v15;
	(erf) = vrcp.f32 v19  }
0x1c5: {  	v19 =	vld [tilespmem:s12+$0xFFFFFED0];
	(erf) = vpow2.f32 v5;
	v5 =	vadd.f32 v16, v11  }
0x1c6: {  	v11 =	vld [tilespmem:s12+$0xFFFFFF10];
	(erf) = vpow2.f32 v15  }
0x1c7: {  	v16 =	vld [tilespmem:s12+$0xFFFFFF90];
	v5 =	vsub.f32 $0.0e+00, v5  }
0x1c8: {  	v8 =	vadd.f32 v9, v8;
	v15 =	vld [tilespmem:s12+$0xFFFFFF50]  }
0x1c9: {  	v9 =	vadd.f32 v18, v13;
	v7 =	vadd.f32 v7, v14;
	v5 =	vmul.f32 $1.442695020e+00, v5  }
0x1ca: {  	v4 =	vadd.f32 v12, v4;
	v13 =	vpop (erf)  }
0x1cb: {  	v12 =	vadd.f32 $2.000000000e+00, v13;
	v7 =	vadd.f32 v19, v7;
	(erf) = vpow2.f32 v5  }
0x1cc: {  	v8 =	vadd.f32 v11, v8;
	v11 =	vpop (erf);
	v4 =	vadd.f32 v16, v4  }
0x1cd: {  	v5 =	vadd.f32 v15, v9;
	v14 =	vadd.f32 $2.000000000e+00, v11;
	v9 =	vpop (erf)  }
0x1ce: {  	v8 =	vsub.f32 $0.0e+00, v8;
	(erf) = vrcp.f32 v12;
	v9 =	vmul.f32 v9, v17;
	v15 =	vpop (erf)  }
0x1cf: {  	v7 =	vsub.f32 $0.0e+00, v7;
	(erf) = vrcp.f32 v14;
	v12 =	vadd.f32 $2.000000000e+00, v15;
	v16 =	vpop (erf)  }
0x1d0: {  	v8 =	vmul.f32 $1.442695020e+00, v8;
	v17 =	vmul.f32 v9, v9;
	v14 =	vadd.f32 $2.000000000e+00, v16  }
0x1d1: {  	v7 =	vmul.f32 $1.442695020e+00, v7;
	v5 =	vsub.f32 $0.0e+00, v5;
	(erf) = vrcp.f32 v12  }
0x1d2: {  	v12 =	vmul.f32 $1.428571490e-01, v17;
	(erf) = vrcp.f32 v14  }
0x1d3: {  	v4 =	vsub.f32 $0.0e+00, v4;
	v5 =	vmul.f32 $1.442695020e+00, v5;
	(erf) = vpow2.f32 v7  }
0x1d4: {  	v7 =	vadd.f32 $2.000000030e-01, v12;
	(erf) = vpow2.f32 v8;
	v8 =	vpop (erf)  }
0x1d5: {  	v4 =	vmul.f32 $1.442695020e+00, v4;
	(erf) = vpow2.f32 v5;
	v5 =	vadd.f32 $1.000000000e+00, v8  }
0x1d6: {  	v7 =	vmul.f32 v7, v17  }
0x1d7: {  	(erf) = vpow2.f32 v4  }
0x1d8: {  	(erf) = vrcp.f32 v5;
	v4 =	vadd.f32 $3.333333430e-01, v7  }
0x1d9: {  	v5 =	vpop (erf)  }
0x1da: {  	v5 =	vmul.f32 v5, v13;
	v7 =	vpop (erf);
	v4 =	vmul.f32 v4, v17  }
0x1db: {  	v7 =	vmul.f32 v7, v11;
	v8 =	vpop (erf)  }
0x1dc: {  	v9 =	vadd.f32 v9, v9;
	v11 =	vmul.f32 v5, v5;
	v12 =	vpop (erf);
	v4 =	vadd.f32 $1.000000000e+00, v4  }
0x1dd: {  	v8 =	vmul.f32 v8, v15;
	v13 =	vmul.f32 v7, v7;
	v14 =	vpop (erf)  }
0x1de: {  	v15 =	vmul.f32 $1.428571490e-01, v11;
	v17 =	vpop (erf);
	v4 =	vmul.f32 v4, v9  }
0x1df: {  	v6 =	vmax.f32 v6, $0.0e+00;
	v18 =	vpop (erf)  }
0x1e0: {  	v19 =	vmul.f32 $1.428571490e-01, v13;
	v20 =	vpop (erf);
	v15 =	vadd.f32 $2.000000030e-01, v15;
	v4 =	vadd.f32 v4, v6  }
0x1e1: {  	v9 =	vmul.f32 v8, v8;
	v6 =	vmax.f32 v10, $0.0e+00;
	v10 =	vadd.f32 $1.000000000e+00, v14;
	v21 =	vpop (erf)  }
0x1e2: {  	v19 =	vadd.f32 $2.000000030e-01, v19;
	v15 =	vmul.f32 v15, v11;
	v4 =	vmul.f32 v4, v21  }
0x1e3: {  	s1 =	simm.s32 $0x11BB0;
	v12 =	vmul.f32 v12, v16;
	v16 =	vadd.f32 $1.000000000e+00, v17;
	v14 =	vmul.f32 $1.428571490e-01, v9  }
0x1e4: {  	(erf) = vrcp.f32 v10;
	v10 =	vmul.f32 v19, v13;
	v15 =	vadd.f32 $3.333333430e-01, v15;
	[tilespmem:s1+$0xFFFFFFF0] =	vst v4  }
0x1e5: {  	v17 =	vadd.f32 $1.000000000e+00, v18;
	v14 =	vadd.f32 $2.000000030e-01, v14;
	v18 =	vld [tilespmem:s9+$0x0]  }
0x1e6: {  	v4 =	vmul.f32 v12, v12;
	v10 =	vadd.f32 $3.333333430e-01, v10;
	v11 =	vmul.f32 v15, v11;
	v15 =	vld [tilespmem:s8+$0x0]  }
0x1e7: {  	v5 =	vadd.f32 v5, v5;
	(erf) = vrcp.f32 v16;
	v14 =	vmul.f32 v14, v9  }
0x1e8: {  	v16 =	vmul.f32 $1.428571490e-01, v4;
	v10 =	vmul.f32 v10, v13;
	v13 =	vld [tilespmem:s12+$0x0];
	v11 =	vadd.f32 $1.000000000e+00, v11  }
0x1e9: {  	v7 =	vadd.f32 v7, v7;
	(erf) = vrcp.f32 v17;
	v14 =	vadd.f32 $3.333333430e-01, v14  }
0x1ea: {  	v16 =	vadd.f32 $2.000000030e-01, v16;
	v10 =	vadd.f32 $1.000000000e+00, v10;
	v5 =	vmul.f32 v11, v5  }
0x1eb: {  	v11 =	vadd.f32 v8, v8;
	v8 =	vadd.f32 v15, v18  }
0x1ec: {  	v3 =	vmax.f32 v3, $0.0e+00;
	v9 =	vmul.f32 v14, v9;
	v5 =	vadd.f32 v5, v6  }
0x1ed: {  	s16 =	simm.s32 $0xB030;
	v7 =	vmul.f32 v10, v7;
	v10 =	vmul.f32 v16, v4;
	v14 =	vpop (erf);
	v8 =	vadd.f32 v13, v8  }
0x1ee: {  	s13 =	simm.s32 $0x71B0;
	v24 =	vld [tilespmem:s16+$0xFFFFFF30];
	v9 =	vadd.f32 $1.000000000e+00, v9;
	v6 =	vadd.f32 $1.000000000e+00, v20;
	v5 =	vmul.f32 v5, v14  }
0x1ef: {  	v25 =	vld [tilespmem:s13+$0xFFFFFFB0];
	v3 =	vadd.f32 v7, v3;
	v7 =	vadd.f32 $3.333333430e-01, v10;
	v10 =	vand.u32 $0x7FFFFFFF, v8  }
0x1f0: {  	v28 =	vld [tilespmem:s16+$0xFFFFFFB0];
	v9 =	vmul.f32 v9, v11;
	[tilespmem:s1+$0xFFFFFF70] =	vst v5;
	v5 =	vsub.f32 $0.0e+00, v10  }
0x1f1: {  	s17 =	simm.s32 $0xEEB0;
	v31 =	vld [tilespmem:s13+$0xFFFFFFD0];
	v2 =	vmax.f32 v2, $0.0e+00;
	(erf) = vrcp.f32 v6;
	v4 =	vmul.f32 v7, v4  }
0x1f2: {  	v34 =	vld [tilespmem:s17+$0xFFFFFFD0];
	v2 =	vadd.f32 v9, v2;
	v6 =	vpop (erf);
	v5 =	vmul.f32 $1.442695020e+00, v5  }
0x1f3: {  	v11 =	vld [tilespmem:s8+$0xFFFFFFE0];
	v3 =	vmul.f32 v3, v6;
	v6 =	vpop (erf);
	v4 =	vadd.f32 $1.000000000e+00, v4  }
0x1f4: {  	v7 =	vld [tilespmem:s9+$0xFFFFFF00];
	v2 =	vmul.f32 v2, v6;
	v6 =	vadd.f32 v12, v12;
	(erf) = vpow2.f32 v5  }
0x1f5: {  	[tilespmem:s1+$0xFFFFFF90] =	vst v3;
	v3 =	vld [tilespmem:s8+$0xFFFFFF00]  }
0x1f6: {  	v9 =	vld [tilespmem:s9+$0xFFFFFF40];
	v4 =	vmul.f32 v4, v6  }
0x1f7: {  	v1 =	vmax.f32 v1, $0.0e+00;
	v6 =	vld [tilespmem:s12+$0xFFFFFF00]  }
0x1f8: {  	v1 =	vadd.f32 v4, v1;
	v4 =	vld [tilespmem:s9+$0xFFFFFFE0]  }
0x1f9: {  	[tilespmem:s1+$0xFFFFFFB0] =	vst v2;
	v2 =	vld [tilespmem:s8+$0xFFFFFF40]  }
0x1fa: {  	v12 =	vld [tilespmem:s12+$0xFFFFFFE0];
	v10 =	vpop (erf)  }
0x1fb: {  	v1 =	vmul.f32 v1, v10;
	v10 =	vld [tilespmem:s12+$0xFFFFFF40];
	v3 =	vadd.f32 v3, v7  }
0x1fc: {  	v5 =	vld [tilespmem:s9+$0xFFFFFF80]  }
0x1fd: {  	[tilespmem:s1+$0xFFFFFFD0] =	vst v1;
	v1 =	vld [tilespmem:s8+$0xFFFFFF80];
	v3 =	vadd.f32 v6, v3;
	v4 =	vadd.f32 v11, v4;
	v13 =	vpop (erf)  }
0x1fe: {  	v2 =	vadd.f32 v2, v9;
	v7 =	vld [tilespmem:s9+$0xFFFFFFC0];
	v11 =	vadd.f32 $2.000000000e+00, v13  }
0x1ff: {  	v9 =	vld [tilespmem:s8+$0xFFFFFFC0];
	v15 =	vand.u32 $0x7FFFFFFF, v3;
	v4 =	vadd.f32 v12, v4  }
0x200: {  	v6 =	vld [tilespmem:s12+$0xFFFFFF80];
	v2 =	vadd.f32 v10, v2;
	(erf) = vrcp.f32 v11;
	v11 =	vsub.f32 $0.0e+00, v15  }
0x201: {  	v14 =	vld [tilespmem:s12+$0xFFFFFFC0];
	v4 =	vsub.f32 $0.0e+00, v4  }
0x202: {  	v19 =	vld [tilespmem:s13+$0xFFFFFEF0];
	v1 =	vadd.f32 v1, v5;
	v15 =	vand.u32 $0x7FFFFFFF, v2;
	v5 =	vmul.f32 $1.442695020e+00, v11  }
0x203: {  	v20 =	vld [tilespmem:s16+$0xFFFFFEF0];
	v4 =	vmul.f32 $1.442695020e+00, v4;
	v11 =	vsub.f32 $0.0e+00, v15  }
0x204: {  	v10 =	vld [tilespmem:s9+$0xFFFFFEE0];
	v7 =	vadd.f32 v9, v7;
	(erf) = vpow2.f32 v5  }
0x205: {  	v6 =	vadd.f32 v6, v1;
	v1 =	vld [tilespmem:s13+$0xFFFFFFF0];
	v5 =	vmul.f32 $1.442695020e+00, v11;
	(erf) = vpow2.f32 v4  }
0x206: {  	v14 =	vadd.f32 v14, v7;
	v11 =	vld [tilespmem:s16+$0xFFFFFFF0]  }
0x207: {  	v12 =	vld [tilespmem:s8+$0xFFFFFEE0];
	v7 =	vand.u32 $0x7FFFFFFF, v6;
	(erf) = vpow2.f32 v5  }
0x208: {  	v17 =	vand.u32 $0x7FFFFFFF, v14;
	v5 =	vsub.f32 $0.0e+00, v7;
	v7 =	vld [tilespmem:s17+$0xFFFFFFF0]  }
0x209: {  	v44 =	vld [tilespmem:s12+$0xFFFFFEE0];
	v17 =	vsub.f32 $0.0e+00, v17;
	v18 =	vpop (erf)  }
0x20a: {  	v16 =	vld [tilespmem:s9+$0xFFFFFF20];
	v5 =	vmul.f32 $1.442695020e+00, v5;
	v13 =	vmul.f32 v18, v13  }
0x20b: {  	v15 =	vld [tilespmem:s8+$0xFFFFFF60];
	v1 =	vadd.f32 v11, v1;
	v11 =	vmul.f32 $1.442695020e+00, v17  }
0x20c: {  	v25 =	vadd.f32 v28, v25;
	v4 =	vld [tilespmem:s9+$0xFFFFFF60];
	(erf) = vpow2.f32 v5;
	v23 =	vmul.f32 v13, v13  }
0x20d: {  	v9 =	vld [tilespmem:s8+$0xFFFFFF20];
	v18 =	vadd.f32 v12, v10;
	v5 =	vadd.f32 v7, v1;
	v10 =	vpop (erf)  }
0x20e: {  	v17 =	vld [tilespmem:s13+$0xFFFFFF30];
	(erf) = vpow2.f32 v11;
	v1 =	vmul.f32 $1.428571490e-01, v23;
	v12 =	vadd.f32 $2.000000000e+00, v10;
	v22 =	vpop (erf)  }
0x20f: {  	v7 =	vld [tilespmem:s13+$0xFFFFFF70];
	v13 =	vadd.f32 v13, v13;
	v21 =	vand.u32 $0x7FFFFFFF, v5;
	v22 =	vadd.f32 $1.000000000e+00, v22  }
0x210: {  	v11 =	vld [tilespmem:s16+$0xFFFFFF70];
	v26 =	vsub.f32 $0.0e+00, v21;
	v27 =	vpop (erf);
	v1 =	vadd.f32 $2.000000030e-01, v1;
	(erf) = vrcp.f32 v12  }
0x211: {  	v12 =	vadd.f32 $2.000000000e+00, v27;
	(erf) = vrcp.f32 v22;
	v22 =	vadd.f32 v15, v4;
	v15 =	vld [tilespmem:s17+$0xFFFFFF30]  }
0x212: {  	v21 =	vadd.f32 v9, v16;
	v9 =	vld [tilespmem:s17+$0xFFFFFEF0];
	v16 =	vmul.f32 $1.442695020e+00, v26;
	v4 =	vmul.f32 v1, v23  }
0x213: {  	(erf) = vrcp.f32 v12;
	v1 =	vmax.f32 v3, $0.0e+00;
	v12 =	vadd.f32 v20, v19;
	v19 =	vld [tilespmem:s17+$0xFFFFFF70]  }
0x214: {  	v39 =	vld [tilespmem:s12+$0xFFFFFF20];
	v3 =	vmax.f32 v2, $0.0e+00;
	v2 =	vadd.f32 v24, v17;
	(erf) = vpow2.f32 v16  }
0x215: {  	v17 =	vld [tilespmem:s17+$0xFFFFFFB0];
	v20 =	vpop (erf);
	v16 =	vadd.f32 $3.333333430e-01, v4;
	v4 =	vmax.f32 v6, $0.0e+00;
	v6 =	vadd.f32 v11, v7  }
0x216: {  	v36 =	vld [tilespmem:s13+$0xFFFFFF90];
	v8 =	vmax.f32 v8, $0.0e+00;
	v11 =	vadd.f32 $2.000000000e+00, v20;
	v15 =	vadd.f32 v15, v2  }
0x217: {  	v18 =	vadd.f32 v44, v18;
	v9 =	vadd.f32 v9, v12;
	v16 =	vmul.f32 v16, v23;
	v23 =	vld [tilespmem:s13+$0xFFFFFF10]  }
0x218: {  	v7 =	vpop (erf);
	(erf) = vrcp.f32 v11;
	v11 =	vld [tilespmem:s16+$0xFFFFFF10];
	v29 =	vadd.f32 v19, v6;
	v6 =	vand.u32 $0x7FFFFFFF, v15  }
0x219: {  	v28 =	vld [tilespmem:s13+$0xFFFFFF50];
	v21 =	vadd.f32 v39, v21;
	v2 =	vand.u32 $0x7FFFFFFF, v9;
	v16 =	vadd.f32 $1.000000000e+00, v16  }
0x21a: {  	v19 =	vsub.f32 $0.0e+00, v2;
	v2 =	vmax.f32 v14, $0.0e+00;
	v12 =	vadd.f32 v17, v25;
	v17 =	vld [tilespmem:s16+$0xFFFFFFD0];
	v30 =	vpop (erf)  }
0x21b: {  	v25 =	vld [tilespmem:s16+$0xFFFFFF50];
	v14 =	vsub.f32 $0.0e+00, v6;
	v13 =	vmul.f32 v16, v13;
	v16 =	vand.u32 $0x7FFFFFFF, v29;
	v6 =	vpop (erf)  }
0x21c: {  	v58 =	vld [tilespmem:s13+$0xFFFFFED0];
	v19 =	vmul.f32 $1.442695020e+00, v19;
	v33 =	vand.u32 $0x7FFFFFFF, v12;
	v16 =	vsub.f32 $0.0e+00, v16;
	v32 =	vpop (erf)  }
0x21d: {  	v59 =	vld [tilespmem:s17+$0xFFFFFF50];
	v14 =	vmul.f32 $1.442695020e+00, v14;
	v23 =	vadd.f32 v11, v23;
	v8 =	vadd.f32 v13, v8;
	v35 =	vpop (erf)  }
0x21e: {  	v40 =	vld [tilespmem:s12+$0xFFFFFF60];
	(erf) = vpow2.f32 v19;
	v13 =	vsub.f32 $0.0e+00, v33;
	v37 =	vadd.f32 $2.000000000e+00, v35  }
0x21f: {  	v24 =	vld [tilespmem:s16+$0xFFFFFED0];
	v17 =	vadd.f32 v17, v31;
	(erf) = vpow2.f32 v14;
	v14 =	vmul.f32 $1.442695020e+00, v16  }
0x220: {  	v25 =	vadd.f32 v25, v28;
	v28 =	vld [tilespmem:s17+$0xFFFFFED0];
	v11 =	vmul.f32 $1.442695020e+00, v13;
	(erf) = vrcp.f32 v37  }
0x221: {  	v16 =	vmax.f32 v9, $0.0e+00;
	v9 =	vld [tilespmem:s17+$0xFFFFFF10];
	v31 =	vadd.f32 v34, v17;
	(erf) = vpow2.f32 v14  }
0x222: {  	v18 =	vsub.f32 $0.0e+00, v18;
	v21 =	vsub.f32 $0.0e+00, v21;
	v19 =	vld [tilespmem:s16+$0xFFFFFF90];
	v13 =	vpop (erf);
	(erf) = vpow2.f32 v11  }
0x223: {  	v26 =	vadd.f32 $2.000000000e+00, v7;
	v13 =	vmul.f32 v13, v20;
	v20 =	vsub.f32 $0.0e+00, v31  }
0x224: {  	v24 =	vadd.f32 v24, v58;
	v17 =	vmax.f32 v15, $0.0e+00;
	v15 =	vmul.f32 v30, v10;
	v30 =	vld [tilespmem:s17+$0xFFFFFF90]  }
0x225: {  	v22 =	vadd.f32 v40, v22;
	v25 =	vadd.f32 v59, v25;
	v20 =	vmul.f32 $1.442695020e+00, v20  }
0x226: {  	v24 =	vadd.f32 v28, v24;
	v23 =	vadd.f32 v9, v23;
	(erf) = vrcp.f32 v26  }
0x227: {  	v14 =	vmul.f32 v32, v27;
	v26 =	vadd.f32 v19, v36;
	v27 =	vpop (erf);
	(erf) = vpow2.f32 v20  }
0x228: {  	v24 =	vsub.f32 $0.0e+00, v24;
	v23 =	vsub.f32 $0.0e+00, v23;
	v28 =	vpop (erf)  }
0x229: {  	v18 =	vmul.f32 $1.442695020e+00, v18;
	v26 =	vadd.f32 v30, v26;
	v60 =	vadd.f32 $2.000000000e+00, v27;
	v30 =	vpop (erf)  }
0x22a: {  	v24 =	vmul.f32 $1.442695020e+00, v24;
	v62 =	vadd.f32 $2.000000000e+00, v28;
	v30 =	vmul.f32 v30, v35;
	v63 =	vpop (erf)  }
0x22b: {  	v23 =	vmul.f32 $1.442695020e+00, v23;
	(erf) = vrcp.f32 v60;
	v45 =	vadd.f32 $2.000000000e+00, v63;
	v46 =	vpop (erf)  }
0x22c: {  	(erf) = vrcp.f32 v62;
	v38 =	vmul.f32 v30, v30;
	v47 =	vadd.f32 $2.000000000e+00, v46  }
0x22d: {  	v21 =	vmul.f32 $1.442695020e+00, v21;
	v22 =	vsub.f32 $0.0e+00, v22;
	(erf) = vrcp.f32 v45  }
0x22e: {  	v25 =	vsub.f32 $0.0e+00, v25;
	v48 =	vmul.f32 $1.428571490e-01, v38;
	(erf) = vrcp.f32 v47  }
0x22f: {  	v22 =	vmul.f32 $1.442695020e+00, v22;
	v26 =	vsub.f32 $0.0e+00, v26;
	(erf) = vpow2.f32 v24;
	v24 =	vpop (erf)  }
0x230: {  	v61 =	vld [tilespmem:s8+$0xFFFFFFA0];
	v25 =	vmul.f32 $1.442695020e+00, v25;
	v32 =	vadd.f32 $2.000000030e-01, v48;
	(erf) = vpow2.f32 v23;
	v23 =	vpop (erf)  }
0x231: {  	v31 =	vld [tilespmem:s9+$0xFFFFFFA0];
	v11 =	vmul.f32 v15, v15;
	v26 =	vmul.f32 $1.442695020e+00, v26;
	v23 =	vadd.f32 $1.000000000e+00, v23  }
0x232: {  	v5 =	vmax.f32 v5, $0.0e+00;
	(erf) = vpow2.f32 v25;
	v25 =	vmul.f32 v32, v38  }
0x233: {  	v49 =	vld [tilespmem:s12+$0xFFFFFFA0];
	v12 =	vmax.f32 v12, $0.0e+00;
	v10 =	vmul.f32 v14, v14;
	v9 =	vmul.f32 v13, v13  }
0x234: {  	v19 =	vmul.f32 $1.428571490e-01, v11;
	(erf) = vpow2.f32 v26;
	v25 =	vadd.f32 $3.333333430e-01, v25  }
0x235: {  	v29 =	vmax.f32 v29, $0.0e+00;
	v20 =	vmul.f32 $1.428571490e-01, v10;
	(erf) = vrcp.f32 v23;
	v23 =	vpop (erf)  }
0x236: {  	v31 =	vadd.f32 v61, v31;
	v23 =	vmul.f32 v23, v27;
	v27 =	vpop (erf);
	v25 =	vmul.f32 v25, v38  }
0x237: {  	v30 =	vadd.f32 v30, v30;
	v7 =	vmul.f32 v24, v7;
	v27 =	vmul.f32 v27, v28;
	v28 =	vpop (erf)  }
0x238: {  	v26 =	vadd.f32 v49, v31;
	v31 =	vmul.f32 v23, v23;
	v50 =	vpop (erf);
	v25 =	vadd.f32 $1.000000000e+00, v25  }
0x239: {  	v19 =	vadd.f32 $2.000000030e-01, v19;
	v28 =	vmul.f32 v28, v63;
	v32 =	vmul.f32 v50, v46  }
0x23a: {  	v20 =	vadd.f32 $2.000000030e-01, v20;
	v25 =	vmul.f32 v25, v30;
	v30 =	vmul.f32 $1.428571490e-01, v31  }
0x23b: {  	v23 =	vadd.f32 v23, v23;
	v51 =	vmul.f32 v27, v27;
	v52 =	vpop (erf);
	v54 =	vmul.f32 v28, v28  }
0x23c: {  	v34 =	vadd.f32 $1.000000000e+00, v52;
	v53 =	vpop (erf);
	v56 =	vmul.f32 v32, v32;
	v30 =	vadd.f32 $2.000000030e-01, v30  }
0x23d: {  	v55 =	vpop (erf);
	v57 =	vmul.f32 $1.428571490e-01, v51;
	v5 =	vadd.f32 v25, v5;
	v25 =	vmul.f32 $1.428571490e-01, v54  }
0x23e: {  	v27 =	vadd.f32 v27, v27;
	v58 =	vpop (erf);
	v60 =	vmul.f32 $1.428571490e-01, v56;
	v30 =	vmul.f32 v30, v31  }
0x23f: {  	(erf) = vrcp.f32 v34;
	v59 =	vpop (erf);
	v39 =	vadd.f32 $2.000000030e-01, v57;
	v25 =	vadd.f32 $2.000000030e-01, v25  }
0x240: {  	v5 =	vmul.f32 v5, v59;
	v34 =	vadd.f32 $2.000000030e-01, v60;
	v30 =	vadd.f32 $3.333333430e-01, v30  }
0x241: {  	s8 =	simm.s32 $0x11C50;
	v35 =	vadd.f32 $1.000000000e+00, v53;
	v39 =	vmul.f32 v39, v51;
	v25 =	vmul.f32 v25, v54  }
0x242: {  	v37 =	vadd.f32 $1.000000000e+00, v55;
	[tilespmem:s8+$0xFFFFFFF0] =	vst v5;
	v34 =	vmul.f32 v34, v56;
	v30 =	vmul.f32 v30, v31  }
0x243: {  	(erf) = vrcp.f32 v35;
	v5 =	vadd.f32 $3.333333430e-01, v39;
	v61 =	vld [tilespmem:s13+$0x0];
	v25 =	vadd.f32 $3.333333430e-01, v25  }
0x244: {  	(erf) = vrcp.f32 v37;
	v62 =	vld [tilespmem:s16+$0x0];
	v31 =	vadd.f32 $3.333333430e-01, v34;
	v30 =	vadd.f32 $1.000000000e+00, v30  }
0x245: {  	v40 =	vadd.f32 $1.000000000e+00, v58;
	v5 =	vmul.f32 v5, v51;
	v25 =	vmul.f32 v25, v54  }
0x246: {  	v28 =	vadd.f32 v28, v28;
	v63 =	vld [tilespmem:s17+$0x0];
	v31 =	vmul.f32 v31, v56;
	v23 =	vmul.f32 v30, v23  }
0x247: {  	v32 =	vadd.f32 v32, v32;
	(erf) = vrcp.f32 v40;
	v5 =	vadd.f32 $1.000000000e+00, v5  }
0x248: {  	(erf) = vpow2.f32 v18;
	v25 =	vadd.f32 $1.000000000e+00, v25;
	v30 =	vadd.f32 $1.000000000e+00, v31  }
0x249: {  	v5 =	vmul.f32 v5, v27;
	v27 =	vadd.f32 v62, v61;
	v16 =	vadd.f32 v23, v16  }
0x24a: {  	v26 =	vsub.f32 $0.0e+00, v26;
	v25 =	vmul.f32 v25, v28;
	v28 =	vmul.f32 v30, v32;
	v23 =	vpop (erf)  }
0x24b: {  	v17 =	vadd.f32 v5, v17;
	v5 =	vadd.f32 v63, v27;
	v16 =	vmul.f32 v16, v23  }
0x24c: {  	v26 =	vmul.f32 $1.442695020e+00, v26;
	v27 =	vld [tilespmem:s13+$0xFFFFFFE0];
	(erf) = vpow2.f32 v21;
	v23 =	vadd.f32 v25, v29;
	v24 =	vpop (erf)  }
0x24d: {  	v12 =	vadd.f32 v28, v12;
	v28 =	vld [tilespmem:s16+$0xFFFFFFE0];
	v17 =	vmul.f32 v17, v24;
	v24 =	vand.u32 $0x7FFFFFFF, v5;
	[tilespmem:s8+$0xFFFFFF70] =	vst v16  }
0x24e: {  	v20 =	vmul.f32 v20, v10;
	(erf) = vpow2.f32 v22;
	v25 =	vpop (erf);
	v18 =	vsub.f32 $0.0e+00, v24;
	v21 =	vld [tilespmem:s13+$0xFFFFFF00]  }
0x24f: {  	(erf) = vpow2.f32 v26;
	v16 =	vmul.f32 v23, v25;
	[tilespmem:s8+$0xFFFFFF90] =	vst v17;
	v17 =	vld [tilespmem:s16+$0xFFFFFF00]  }
0x250: {  	v25 =	vadd.f32 v14, v14;
	v14 =	vmul.f32 v19, v11;
	v23 =	vpop (erf);
	v18 =	vmul.f32 $1.442695020e+00, v18;
	v22 =	vld [tilespmem:s13+$0xFFFFFF40]  }
0x251: {  	[tilespmem:s8+$0xFFFFFFB0] =	vst v16;
	v16 =	vmul.f32 $1.428571490e-01, v9;
	v24 =	vld [tilespmem:s16+$0xFFFFFF40];
	v12 =	vmul.f32 v12, v23  }
0x252: {  	v14 =	vadd.f32 $3.333333430e-01, v14;
	v23 =	vmul.f32 v7, v7;
	(erf) = vpow2.f32 v18;
	v18 =	vld [tilespmem:s13+$0xFFFFFF80]  }
0x253: {  	v19 =	vadd.f32 v13, v13;
	[tilespmem:s8+$0xFFFFFFD0] =	vst v12;
	v12 =	vadd.f32 $2.000000030e-01, v16;
	v16 =	vld [tilespmem:s16+$0xFFFFFF80]  }
0x254: {  	v11 =	vmul.f32 v14, v11;
	v14 =	vadd.f32 $3.333333430e-01, v20;
	v13 =	vmul.f32 $1.428571490e-01, v23;
	v26 =	vld [tilespmem:s13+$0xFFFFFFC0]  }
0x255: {  	v6 =	vmul.f32 v8, v6;
	v15 =	vadd.f32 v15, v15;
	v8 =	vadd.f32 v17, v21;
	v17 =	vld [tilespmem:s16+$0xFFFFFFC0]  }
0x256: {  	v27 =	vadd.f32 v28, v27;
	v20 =	vpop (erf);
	v21 =	vld [tilespmem:s17+$0xFFFFFF00];
	v13 =	vadd.f32 $2.000000030e-01, v13;
	v12 =	vmul.f32 v12, v9  }
0x257: {  	v20 =	vadd.f32 $1.000000000e+00, v20;
	v10 =	vmul.f32 v14, v10;
	v22 =	vadd.f32 v24, v22;
	v24 =	vpop (erf)  }
0x258: {  	v24 =	vadd.f32 $1.000000000e+00, v24;
	v14 =	vpop (erf);
	v13 =	vmul.f32 v13, v23;
	v12 =	vadd.f32 $3.333333430e-01, v12  }
0x259: {  	(erf) = vrcp.f32 v20;
	v20 =	vld [tilespmem:s17+$0xFFFFFF40];
	v16 =	vadd.f32 v16, v18;
	v18 =	vadd.f32 $1.000000000e+00, v14;
	v14 =	vpop (erf)  }
0x25a: {  	(erf) = vrcp.f32 v24;
	v24 =	vld [tilespmem:s17+$0xFFFFFFE0];
	v29 =	vadd.f32 $1.000000000e+00, v14;
	v13 =	vadd.f32 $3.333333430e-01, v13  }
0x25b: {  	v30 =	vld [tilespmem:s17+$0xFFFFFF80];
	v26 =	vadd.f32 v17, v26;
	v12 =	vmul.f32 v12, v9;
	v9 =	vadd.f32 v21, v8;
	v14 =	vpop (erf)  }
0x25c: {  	(erf) = vrcp.f32 v18;
	v18 =	vadd.f32 $1.000000000e+00, v11;
	v8 =	vadd.f32 $2.000000000e+00, v14  }
0x25d: {  	v21 =	vld [tilespmem:s17+$0xFFFFFFC0];
	(erf) = vrcp.f32 v29;
	v29 =	vadd.f32 $1.000000000e+00, v10;
	v10 =	vand.u32 $0x7FFFFFFF, v9  }
0x25e: {  	v17 =	vmul.f32 v13, v23;
	(erf) = vrcp.f32 v8;
	v8 =	vsub.f32 $0.0e+00, v10  }
0x25f: {  	v11 =	vld [tilespmem:s13+$0xFFFFFEE0];
	v18 =	vmul.f32 v18, v15;
	v10 =	vadd.f32 v20, v22;
	v20 =	vadd.f32 v24, v27  }
0x260: {  	v23 =	vld [tilespmem:s16+$0xFFFFFEE0];
	v15 =	vmul.f32 v29, v25;
	v25 =	vadd.f32 $1.000000000e+00, v12;
	v12 =	vadd.f32 v30, v16  }
0x261: {  	v13 =	vld [tilespmem:s13+$0xFFFFFF20];
	v27 =	vmul.f32 $1.442695020e+00, v8;
	v16 =	vand.u32 $0x7FFFFFFF, v10  }
0x262: {  	v24 =	vld [tilespmem:s16+$0xFFFFFF20];
	v8 =	vadd.f32 v21, v26;
	v26 =	vsub.f32 $0.0e+00, v16;
	v16 =	vand.u32 $0x7FFFFFFF, v12  }
0x263: {  	v22 =	vld [tilespmem:s13+$0xFFFFFF60];
	v29 =	vsub.f32 $0.0e+00, v20;
	v21 =	vmul.f32 v25, v19;
	v19 =	vpop (erf)  }
0x264: {  	s11 =	simm.s32 $0xB030;
	s9 =	simm.s32 $0xEEB0;
	v7 =	vadd.f32 v7, v7;
	v25 =	vld [tilespmem:s16+$0xFFFFFF60];
	v20 =	vpop (erf);
	(erf) = vpow2.f32 v27  }
0x265: {  	s12 =	simm.s32 $0x5;
	[tilespmem:s1+$0x0] =	vst v6;
	v6 =	vld [tilespmem:s13+$0xFFFFFFA0];
	s13 =	simm.s32 $0x72F0;
	v28 =	vand.u32 $0x7FFFFFFF, v8;
	v27 =	vsub.f32 $0.0e+00, v16;
	v29 =	vmul.f32 $1.442695020e+00, v29;
	v16 =	vpop (erf)  }
.LBB2_7:
0x266: {  	v30 =	vld [tilespmem:s13+$0xFFFFFFF0];
	v11 =	vadd.f32 v23, v11;
	v32 =	vmul.f32 $1.442695020e+00, v26;
	v26 =	vsub.f32 $0.0e+00, v28;
	s16 =	sadd.s32 $0x140, s16;
	v28 =	vpop (erf)  }
0x267: {  	v31 =	vld [tilespmem:s16+$0xFFFFFFF0];
	v13 =	vadd.f32 v24, v13;
	v24 =	vmul.f32 $1.442695020e+00, v27;
	(erf) = vpow2.f32 v29  }
0x268: {  	s12 =	sadd.s32 $0x5, s12;
	s17 =	sadd.s32 $0x140, s17;
	v29 =	vadd.f32 $1.000000000e+00, v17;
	v27 =	vld [tilespmem:s13+$0xFFFFFEF0];
	v26 =	vmul.f32 $1.442695020e+00, v26;
	(erf) = vpow2.f32 v32;
	v23 =	vpop (erf)  }
0x269: {  	p0 =	slt.u32 s12, $0x78;
	v32 =	vld [tilespmem:s17+$0xFFFFFFF0];
	v17 =	vadd.f32 v25, v22;
	v14 =	vmul.f32 v23, v14;
	(erf) = vpow2.f32 v24  }
0x26a: {  	v9 =	vmax.f32 v9, $0.0e+00;
	v7 =	vmul.f32 v29, v7;
	v22 =	vld [tilespmem:s16+$0xFFFFFEF0];
	(erf) = vpow2.f32 v26  }
0x26b: {  	v10 =	vmax.f32 v10, $0.0e+00;
	v12 =	vmax.f32 v12, $0.0e+00;
	v23 =	vld [tilespmem:s13+$0xFFFFFF30];
	v24 =	vmul.f32 v14, v14  }
0x26c: {  	v8 =	vmax.f32 v8, $0.0e+00;
	v18 =	vadd.f32 v18, v1;
	v1 =	vmovc v9;
	v25 =	vld [tilespmem:s16+$0xFFFFFF30];
	v26 =	vadd.f32 v31, v30  }
0x26d: {  	v15 =	vadd.f32 v15, v3;
	v21 =	vadd.f32 v21, v4;
	v29 =	vld [tilespmem:s13+$0xFFFFFF70];
	v30 =	vmul.f32 $1.428571490e-01, v24;
	v31 =	vpop (erf)  }
0x26e: {  	v3 =	vmovc v10;
	v4 =	vmovc v12;
	v18 =	vmul.f32 v18, v19;
	v33 =	vld [tilespmem:s16+$0xFFFFFF70];
	v9 =	vadd.f32 v32, v26;
	v32 =	vadd.f32 $2.000000000e+00, v31  }
0x26f: {  	v15 =	vmul.f32 v15, v20;
	v10 =	vadd.f32 v22, v27;
	v12 =	vld [tilespmem:s13+$0xFFFFFFB0];
	v19 =	vadd.f32 $2.000000030e-01, v30  }
0x270: {  	v20 =	vld [tilespmem:s16+$0xFFFFFFB0];
	v22 =	vand.u32 $0x7FFFFFFF, v9;
	(erf) = vrcp.f32 v32;
	v26 =	vpop (erf);
	[tilespmem:s1+$0xFFFFFF80] =	vst v18;
	v18 =	vadd.f32 v7, v2  }
0x271: {  	v27 =	vld [tilespmem:s17+$0xFFFFFEF0];
	v35 =	vsub.f32 $0.0e+00, v22;
	v22 =	vadd.f32 $1.000000000e+00, v26;
	v34 =	vmul.f32 v19, v24;
	v26 =	vpop (erf);
	[tilespmem:s1+$0xFFFFFFA0] =	vst v15  }
0x272: {  	v16 =	vmul.f32 v21, v16;
	v15 =	vadd.f32 v25, v23;
	v19 =	vld [tilespmem:s17+$0xFFFFFF30];
	v23 =	vadd.f32 $2.000000000e+00, v26;
	v25 =	vpop (erf)  }
0x273: {  	v21 =	vld [tilespmem:s17+$0xFFFFFF70];
	v30 =	vmul.f32 $1.442695020e+00, v35;
	v32 =	vadd.f32 $3.333333430e-01, v34;
	v7 =	vpop (erf);
	(erf) = vrcp.f32 v22  }
0x274: {  	v2 =	vmovc v8;
	v22 =	vadd.f32 v33, v29;
	v33 =	vadd.f32 $2.000000000e+00, v25;
	v29 =	vld [tilespmem:s17+$0xFFFFFFB0];
	(erf) = vrcp.f32 v23;
	[tilespmem:s1+$0xFFFFFFC0] =	vst v16  }
0x275: {  	v8 =	vld [tilespmem:s16+$0xFFFFFED0];
	v12 =	vadd.f32 v20, v12;
	(erf) = vpow2.f32 v30;
	v16 =	vmul.f32 v32, v24  }
0x276: {  	v23 =	vadd.f32 $2.000000000e+00, v7;
	v10 =	vadd.f32 v27, v10;
	v20 =	vld [tilespmem:s13+$0xFFFFFF10];
	(erf) = vrcp.f32 v33  }
0x277: {  	v14 =	vadd.f32 v14, v14;
	v18 =	vmul.f32 v18, v28;
	v24 =	vld [tilespmem:s16+$0xFFFFFF10];
	v30 =	vadd.f32 $1.000000000e+00, v16  }
0x278: {  	v15 =	vadd.f32 v19, v15;
	v27 =	vand.u32 $0x7FFFFFFF, v10;
	v19 =	vld [tilespmem:s13+$0xFFFFFF50];
	v21 =	vadd.f32 v21, v22  }
0x279: {  	v22 =	vsub.f32 $0.0e+00, v27;
	v27 =	vld [tilespmem:s16+$0xFFFFFF50];
	v12 =	vadd.f32 v29, v12;
	v14 =	vmul.f32 v30, v14;
	v16 =	vpop (erf);
	[tilespmem:s1+$0xFFFFFFE0] =	vst v18;
	s1 =	smov.u32 s8  }
0x27a: {  	v5 =	vmax.f32 v5, $0.0e+00;
	v18 =	vand.u32 $0x7FFFFFFF, v15;
	v28 =	vand.u32 $0x7FFFFFFF, v21;
	v29 =	vld [tilespmem:s13+$0xFFFFFF90]  }
0x27b: {  	v18 =	vsub.f32 $0.0e+00, v18;
	v30 =	vand.u32 $0x7FFFFFFF, v12;
	v32 =	vld [tilespmem:s13+$0xFFFFFFD0];
	v5 =	vadd.f32 v14, v5  }
0x27c: {  	v39 =	vmul.f32 $1.442695020e+00, v22;
	v22 =	vsub.f32 $0.0e+00, v28;
	v28 =	vsub.f32 $0.0e+00, v30;
	v30 =	vld [tilespmem:s16+$0xFFFFFFD0];
	v33 =	vpop (erf)  }
0x27d: {  	v24 =	vadd.f32 v24, v20;
	v34 =	vmul.f32 $1.442695020e+00, v18;
	v35 =	vld [tilespmem:s16+$0xFFFFFF90];
	v18 =	vmul.f32 v5, v33;
	v33 =	vpop (erf)  }
0x27e: {  	v22 =	vmul.f32 $1.442695020e+00, v22;
	v27 =	vadd.f32 v27, v19;
	v28 =	vmul.f32 $1.442695020e+00, v28;
	v36 =	vld [tilespmem:s17+$0xFFFFFFD0];
	v37 =	vpop (erf)  }
0x27f: {  	v5 =	vmax.f32 v10, $0.0e+00;
	v38 =	vld [tilespmem:s13+$0xFFFFFED0];
	v10 =	vadd.f32 $2.000000000e+00, v37;
	(erf) = vpow2.f32 v39;
	[tilespmem:s8+$0x0] =	vst v18;
	v14 =	vpop (erf)  }
0x280: {  	v20 =	vmax.f32 v15, $0.0e+00;
	v18 =	vmax.f32 v21, $0.0e+00;
	v39 =	vld [tilespmem:s17+$0xFFFFFED0];
	(erf) = vpow2.f32 v34  }
0x281: {  	v19 =	vmax.f32 v12, $0.0e+00;
	v21 =	vld [tilespmem:s17+$0xFFFFFF10];
	v12 =	vadd.f32 v30, v32;
	(erf) = vrcp.f32 v10  }
0x282: {  	v15 =	vmul.f32 v16, v31;
	v30 =	vld [tilespmem:s17+$0xFFFFFF50];
	v29 =	vadd.f32 v35, v29;
	(erf) = vpow2.f32 v22  }
0x283: {  	v16 =	vmul.f32 v33, v26;
	v22 =	vld [tilespmem:s17+$0xFFFFFF90];
	v10 =	vadd.f32 v36, v12;
	(erf) = vpow2.f32 v28  }
0x284: {  	v14 =	vmul.f32 v14, v25;
	v8 =	vadd.f32 v8, v38;
	v25 =	vld [tilespmem:s11+$0xFFFFFFA0];
	(erf) = vrcp.f32 v23;
	s11 =	smov.u32 s16  }
0x285: {  	v12 =	vmul.f32 v15, v15;
	v23 =	vsub.f32 $0.0e+00, v10;
	v26 =	vld [tilespmem:s9+$0xFFFFFEE0];
	v10 =	vmul.f32 v16, v16  }
0x286: {  	v28 =	vadd.f32 v39, v8;
	v24 =	vadd.f32 v21, v24;
	v31 =	vld [tilespmem:s9+$0xFFFFFF20];
	v8 =	vmul.f32 v14, v14  }
0x287: {  	v27 =	vadd.f32 v30, v27;
	v23 =	vmul.f32 $1.442695020e+00, v23;
	v30 =	vmul.f32 $1.428571490e-01, v12;
	v32 =	vld [tilespmem:s9+$0xFFFFFF60]  }
0x288: {  	v21 =	vmul.f32 $1.428571490e-01, v10;
	v28 =	vsub.f32 $0.0e+00, v28;
	v22 =	vadd.f32 v22, v29;
	v29 =	vpop (erf);
	v33 =	vld [tilespmem:s9+$0xFFFFFFA0];
	s9 =	smov.u32 s17  }
0x289: {  	v24 =	vsub.f32 $0.0e+00, v24;
	v39 =	vadd.f32 $2.000000000e+00, v29;
	v35 =	vpop (erf);
	(erf) = vpow2.f32 v23  }
0x28a: {  	v27 =	vsub.f32 $0.0e+00, v27;
	v23 =	vmul.f32 $1.442695020e+00, v28;
	v40 =	vadd.f32 $2.000000000e+00, v35;
	v36 =	vpop (erf)  }
0x28b: {  	v38 =	vsub.f32 $0.0e+00, v22;
	v36 =	vmul.f32 v36, v37;
	(erf) = vrcp.f32 v39;
	v34 =	vpop (erf)  }
0x28c: {  	v24 =	vmul.f32 $1.442695020e+00, v24;
	v37 =	vadd.f32 $2.000000000e+00, v34;
	(erf) = vrcp.f32 v40;
	v28 =	vpop (erf)  }
0x28d: {  	v27 =	vmul.f32 $1.442695020e+00, v27;
	v39 =	vadd.f32 $2.000000000e+00, v28;
	v40 =	vmul.f32 v36, v36;
	v22 =	vpop (erf)  }
0x28e: {  	v6 =	vadd.f32 v25, v6;
	v38 =	vmul.f32 $1.442695020e+00, v38;
	(erf) = vrcp.f32 v37  }
0x28f: {  	v11 =	vadd.f32 v26, v11;
	v25 =	vmul.f32 $1.428571490e-01, v40;
	(erf) = vrcp.f32 v39  }
0x290: {  	v13 =	vadd.f32 v31, v13;
	v17 =	vadd.f32 v32, v17;
	(erf) = vpow2.f32 v23  }
0x291: {  	v6 =	vadd.f32 v33, v6;
	v23 =	vadd.f32 $2.000000030e-01, v25;
	(erf) = vpow2.f32 v24  }
0x292: {  	v11 =	vsub.f32 $0.0e+00, v11;
	v13 =	vsub.f32 $0.0e+00, v13;
	(erf) = vpow2.f32 v27;
	v24 =	vpop (erf)  }
0x293: {  	v24 =	vadd.f32 $1.000000000e+00, v24;
	v23 =	vmul.f32 v23, v40;
	(erf) = vpow2.f32 v38  }
0x294: {  	v11 =	vmul.f32 $1.442695020e+00, v11;
	v17 =	vsub.f32 $0.0e+00, v17;
	v26 =	vsub.f32 $0.0e+00, v6;
	v25 =	vpop (erf)  }
0x295: {  	v25 =	vmul.f32 v25, v29;
	v23 =	vadd.f32 $3.333333430e-01, v23;
	v6 =	vpop (erf);
	(erf) = vrcp.f32 v24  }
0x296: {  	v13 =	vmul.f32 $1.442695020e+00, v13;
	v24 =	vmul.f32 v6, v35;
	v6 =	vadd.f32 $2.000000030e-01, v30  }
0x297: {  	v27 =	vmul.f32 v25, v25;
	v25 =	vadd.f32 v25, v25;
	v23 =	vmul.f32 v23, v40;
	v29 =	vpop (erf)  }
0x298: {  	v30 =	vmul.f32 v24, v24;
	v24 =	vadd.f32 v24, v24;
	v29 =	vmul.f32 v29, v34;
	v31 =	vpop (erf)  }
0x299: {  	v37 =	vadd.f32 v36, v36;
	v28 =	vmul.f32 v31, v28;
	v23 =	vadd.f32 $1.000000000e+00, v23;
	v32 =	vpop (erf)  }
0x29a: {  	v33 =	vmul.f32 $1.428571490e-01, v27;
	v32 =	vadd.f32 $1.000000000e+00, v32;
	v34 =	vmul.f32 v29, v29;
	v35 =	vpop (erf)  }
0x29b: {  	v35 =	vadd.f32 $1.000000000e+00, v35;
	v36 =	vmul.f32 v28, v28;
	v23 =	vmul.f32 v23, v37;
	v31 =	vpop (erf)  }
0x29c: {  	v9 =	vmax.f32 v9, $0.0e+00;
	v37 =	vmul.f32 $1.428571490e-01, v30;
	v38 =	vmul.f32 $1.428571490e-01, v34;
	v39 =	vpop (erf)  }
0x29d: {  	v33 =	vadd.f32 $2.000000030e-01, v33;
	v40 =	vmul.f32 $1.428571490e-01, v36;
	v9 =	vadd.f32 v23, v9  }
0x29e: {  	v23 =	vadd.f32 $2.000000030e-01, v37;
	v37 =	vadd.f32 $2.000000030e-01, v38;
	(erf) = vrcp.f32 v32;
	v32 =	vpop (erf)  }
0x29f: {  	v33 =	vmul.f32 v33, v27;
	v38 =	vadd.f32 $2.000000030e-01, v40;
	v9 =	vmul.f32 v9, v32  }
0x2a0: {  	s8 =	sadd.s32 $0xA0, s8;
	v31 =	vadd.f32 $1.000000000e+00, v31;
	v23 =	vmul.f32 v23, v30;
	v32 =	vmul.f32 v37, v34  }
0x2a1: {  	v33 =	vadd.f32 $3.333333430e-01, v33;
	v37 =	vadd.f32 $1.000000000e+00, v39;
	v38 =	vmul.f32 v38, v36;
	[tilespmem:s8+$0xFFFFFFF0] =	vst v9  }
0x2a2: {  	v9 =	vadd.f32 $3.333333430e-01, v23;
	v23 =	vadd.f32 $3.333333430e-01, v32;
	v32 =	vld [tilespmem:s13+$0x0];
	(erf) = vrcp.f32 v35  }
0x2a3: {  	v27 =	vmul.f32 v33, v27;
	v33 =	vadd.f32 $3.333333430e-01, v38;
	v35 =	vld [tilespmem:s16+$0x0];
	(erf) = vrcp.f32 v31  }
0x2a4: {  	v29 =	vadd.f32 v29, v29;
	v9 =	vmul.f32 v9, v30;
	(erf) = vrcp.f32 v37  }
0x2a5: {  	v27 =	vadd.f32 $1.000000000e+00, v27;
	v23 =	vmul.f32 v23, v34;
	v33 =	vmul.f32 v33, v36;
	v31 =	vld [tilespmem:s17+$0x0]  }
0x2a6: {  	v17 =	vmul.f32 $1.442695020e+00, v17;
	v28 =	vadd.f32 v28, v28;
	v9 =	vadd.f32 $1.000000000e+00, v9  }
0x2a7: {  	v25 =	vmul.f32 v27, v25;
	v23 =	vadd.f32 $1.000000000e+00, v23;
	v27 =	vadd.f32 $1.000000000e+00, v33;
	v30 =	vpop (erf)  }
0x2a8: {  	v26 =	vmul.f32 $1.442695020e+00, v26;
	v9 =	vmul.f32 v9, v24;
	v24 =	vadd.f32 v35, v32  }
0x2a9: {  	v25 =	vadd.f32 v25, v5;
	v29 =	vmul.f32 v23, v29;
	v27 =	vmul.f32 v27, v28  }
0x2aa: {  	v7 =	vmul.f32 v22, v7;
	v9 =	vadd.f32 v9, v20;
	v5 =	vadd.f32 v31, v24  }
0x2ab: {  	v24 =	vmul.f32 v25, v30;
	v18 =	vadd.f32 v29, v18;
	v19 =	vadd.f32 v27, v19;
	v22 =	vpop (erf)  }
0x2ac: {  	v9 =	vmul.f32 v9, v22;
	v22 =	vand.u32 $0x7FFFFFFF, v5;
	v23 =	vpop (erf);
	(erf) = vpow2.f32 v11  }
0x2ad: {  	[tilespmem:s8+$0xFFFFFF70] =	vst v24;
	v11 =	vmul.f32 v18, v23;
	v18 =	vsub.f32 $0.0e+00, v22;
	v20 =	vpop (erf);
	(erf) = vpow2.f32 v13  }
0x2ae: {  	v13 =	vld [tilespmem:s13+$0xFFFFFF00];
	[tilespmem:s8+$0xFFFFFF90] =	vst v9;
	v9 =	vmul.f32 v19, v20;
	v19 =	vadd.f32 $2.000000030e-01, v21;
	(erf) = vpow2.f32 v17  }
0x2af: {  	v15 =	vadd.f32 v15, v15;
	v17 =	vld [tilespmem:s16+$0xFFFFFF00];
	[tilespmem:s8+$0xFFFFFFB0] =	vst v11;
	v11 =	vmul.f32 $1.442695020e+00, v18;
	(erf) = vpow2.f32 v26  }
0x2b0: {  	v16 =	vadd.f32 v16, v16;
	v20 =	vmul.f32 v7, v7;
	v18 =	vld [tilespmem:s13+$0xFFFFFF40];
	[tilespmem:s8+$0xFFFFFFD0] =	vst v9;
	v9 =	vmul.f32 $1.428571490e-01, v8  }
0x2b1: {  	v6 =	vmul.f32 v6, v12;
	v25 =	vadd.f32 v14, v14;
	v21 =	vld [tilespmem:s16+$0xFFFFFF40];
	(erf) = vpow2.f32 v11  }
0x2b2: {  	v24 =	vmul.f32 v19, v10;
	v19 =	vmul.f32 $1.428571490e-01, v20;
	v11 =	vld [tilespmem:s13+$0xFFFFFF80];
	v9 =	vadd.f32 $2.000000030e-01, v9  }
0x2b3: {  	v6 =	vadd.f32 $3.333333430e-01, v6;
	v7 =	vadd.f32 v7, v7;
	v22 =	vld [tilespmem:s16+$0xFFFFFF80]  }
0x2b4: {  	v19 =	vadd.f32 $2.000000030e-01, v19;
	v13 =	vadd.f32 v17, v13;
	v17 =	vld [tilespmem:s13+$0xFFFFFFC0];
	v9 =	vmul.f32 v9, v8  }
0x2b5: {  	v6 =	vmul.f32 v6, v12;
	v27 =	vadd.f32 $3.333333430e-01, v24;
	v23 =	vld [tilespmem:s16+$0xFFFFFFC0];
	v14 =	vpop (erf)  }
0x2b6: {  	v19 =	vmul.f32 v19, v20;
	v24 =	vld [tilespmem:s17+$0xFFFFFF00];
	v18 =	vadd.f32 v21, v18;
	v14 =	vadd.f32 $1.000000000e+00, v14;
	v21 =	vpop (erf)  }
0x2b7: {  	v10 =	vmul.f32 v27, v10;
	v9 =	vadd.f32 $3.333333430e-01, v9;
	v26 =	vld [tilespmem:s13+$0xFFFFFFE0];
	v21 =	vadd.f32 $1.000000000e+00, v21;
	v12 =	vpop (erf)  }
0x2b8: {  	v22 =	vadd.f32 v22, v11;
	v27 =	vld [tilespmem:s16+$0xFFFFFFE0];
	v11 =	vadd.f32 $1.000000000e+00, v12;
	(erf) = vrcp.f32 v14;
	v12 =	vpop (erf)  }
0x2b9: {  	v19 =	vadd.f32 $3.333333430e-01, v19;
	v28 =	vld [tilespmem:s17+$0xFFFFFF40];
	v12 =	vadd.f32 $1.000000000e+00, v12;
	(erf) = vrcp.f32 v21  }
0x2ba: {  	v8 =	vmul.f32 v9, v8;
	v21 =	vadd.f32 v23, v17;
	v29 =	vld [tilespmem:s17+$0xFFFFFFE0];
	v14 =	vpop (erf);
	(erf) = vrcp.f32 v11  }
0x2bb: {  	v9 =	vadd.f32 v24, v13;
	v30 =	vld [tilespmem:s17+$0xFFFFFF80];
	v13 =	vadd.f32 $2.000000000e+00, v14;
	(erf) = vrcp.f32 v12  }
0x2bc: {  	v6 =	vadd.f32 $1.000000000e+00, v6;
	v17 =	vmul.f32 v19, v20;
	v12 =	vadd.f32 $1.000000000e+00, v10;
	v31 =	vld [tilespmem:s17+$0xFFFFFFC0]  }
0x2bd: {  	v11 =	vld [tilespmem:s13+$0xFFFFFEE0];
	v10 =	vand.u32 $0x7FFFFFFF, v9;
	v19 =	vadd.f32 v27, v26;
	(erf) = vrcp.f32 v13  }
0x2be: {  	v23 =	vld [tilespmem:s16+$0xFFFFFEE0];
	v20 =	vsub.f32 $0.0e+00, v10;
	v10 =	vadd.f32 v28, v18;
	v18 =	vmul.f32 v6, v15  }
.Ltmp4:
0x2bf: {  	v15 =	vmul.f32 v12, v16;
	v16 =	vadd.f32 $1.000000000e+00, v8;
	v13 =	vld [tilespmem:s13+$0xFFFFFF20];
	v6 =	vadd.f32 v29, v19;
	(pc) =	sbr.rel @p0 .LBB2_7-.Ltmp4, $4  }
0x2c0: {  	v27 =	vmul.f32 $1.442695020e+00, v20;
	v24 =	vld [tilespmem:s16+$0xFFFFFF20];
	v26 =	vand.u32 $0x7FFFFFFF, v10;
	v12 =	vadd.f32 v30, v22  }
0x2c1: {  	v22 =	vld [tilespmem:s13+$0xFFFFFF60];
	v8 =	vadd.f32 v31, v21;
	v29 =	vsub.f32 $0.0e+00, v6;
	v21 =	vmul.f32 v16, v25;
	v19 =	vpop (erf)  }
0x2c2: {  	v26 =	vsub.f32 $0.0e+00, v26;
	v25 =	vld [tilespmem:s16+$0xFFFFFF60];
	v6 =	vand.u32 $0x7FFFFFFF, v12;
	(erf) = vpow2.f32 v27;
	v20 =	vpop (erf)  }
0x2c3: {  	v27 =	vsub.f32 $0.0e+00, v6;
	v6 =	vld [tilespmem:s13+$0xFFFFFFA0];
	v28 =	vand.u32 $0x7FFFFFFF, v8;
	v29 =	vmul.f32 $1.442695020e+00, v29;
	s13 =	sadd.s32 $0x140, s13;
	v16 =	vpop (erf)  }
0x2c4: {  	v26 =	vmul.f32 $1.442695020e+00, v26  }
0x2c5: {  	v53 =	vsub.f32 $0.0e+00, v28;
	(erf) = vpow2.f32 v29;
	v27 =	vmul.f32 $1.442695020e+00, v27  }
0x2c6: {  	(erf) = vpow2.f32 v26  }
0x2c7: {  	v26 =	vmul.f32 $1.442695020e+00, v53;
	(erf) = vpow2.f32 v27;
	_ =	sdelay $0x1  }
0x2c8: {  	v27 =	vpop (erf);
	(erf) = vpow2.f32 v26;
	_ =	sdelay $0x1  }
0x2c9: {  	v11 =	vadd.f32 v23, v11;
	v17 =	vadd.f32 $1.000000000e+00, v17;
	v54 =	vpop (erf)  }
0x2ca: {  	v60 =	vld [tilespmem:s9+$0xFFFFFEE0];
	v1 =	vadd.f32 v18, v1;
	v3 =	vadd.f32 v15, v3;
	v55 =	vpop (erf)  }
0x2cb: {  	v59 =	vld [tilespmem:s11+$0xFFFFFFA0];
	v4 =	vadd.f32 v21, v4;
	v56 =	vadd.f32 $2.000000000e+00, v55  }
0x2cc: {  	v62 =	vld [tilespmem:s9+$0xFFFFFF20];
	v13 =	vadd.f32 v24, v13;
	v7 =	vmul.f32 v17, v7;
	v14 =	vmul.f32 v54, v14;
	v29 =	vpop (erf)  }
0x2cd: {  	v32 =	vld [tilespmem:s9+$0xFFFFFF60];
	v1 =	vmul.f32 v1, v19;
	(erf) = vrcp.f32 v56;
	v29 =	vadd.f32 $1.000000000e+00, v29;
	v31 =	vpop (erf)  }
0x2ce: {  	v35 =	vld [tilespmem:s9+$0xFFFFFFA0];
	v22 =	vadd.f32 v25, v22;
	v30 =	vmul.f32 v14, v14;
	v57 =	vadd.f32 $2.000000000e+00, v31;
	v61 =	vpop (erf)  }
0x2cf: {  	v11 =	vadd.f32 v60, v11;
	(erf) = vrcp.f32 v29;
	v63 =	vadd.f32 $2.000000000e+00, v61  }
0x2d0: {  	v6 =	vadd.f32 v59, v6;
	v58 =	vmul.f32 $1.428571490e-01, v30;
	(erf) = vrcp.f32 v57;
	v34 =	vpop (erf)  }
0x2d1: {  	v13 =	vadd.f32 v62, v13;
	(erf) = vrcp.f32 v63;
	v36 =	vadd.f32 $2.000000000e+00, v34  }
0x2d2: {  	v3 =	vmul.f32 v3, v20;
	v38 =	vadd.f32 v32, v22;
	v23 =	vadd.f32 $2.000000030e-01, v58  }
0x2d3: {  	v11 =	vsub.f32 $0.0e+00, v11;
	v6 =	vadd.f32 v35, v6;
	(erf) = vrcp.f32 v36  }
0x2d4: {  	v13 =	vsub.f32 $0.0e+00, v13;
	v17 =	vsub.f32 $0.0e+00, v38;
	v33 =	vmul.f32 v23, v30  }
0x2d5: {  	v4 =	vmul.f32 v4, v16;
	v11 =	vmul.f32 $1.442695020e+00, v11;
	v6 =	vsub.f32 $0.0e+00, v6  }
0x2d6: {  	v13 =	vmul.f32 $1.442695020e+00, v13;
	v17 =	vmul.f32 $1.442695020e+00, v17;
	v15 =	vadd.f32 $3.333333430e-01, v33;
	v37 =	vpop (erf)  }
0x2d7: {  	v6 =	vmul.f32 $1.442695020e+00, v6;
	v16 =	vmul.f32 v37, v55  }
0x2d8: {  	v15 =	vmul.f32 v15, v30;
	(erf) = vpow2.f32 v11;
	v39 =	vpop (erf)  }
0x2d9: {  	v9 =	vmax.f32 v9, $0.0e+00;
	(erf) = vpow2.f32 v13;
	v42 =	vmul.f32 v16, v16;
	v40 =	vpop (erf)  }
0x2da: {  	v10 =	vmax.f32 v10, $0.0e+00;
	v19 =	vmul.f32 v40, v31;
	v41 =	vpop (erf);
	(erf) = vpow2.f32 v17  }
0x2db: {  	v14 =	vadd.f32 v14, v14;
	v11 =	vmul.f32 v41, v61;
	(erf) = vpow2.f32 v6  }
0x2dc: {  	v43 =	vadd.f32 $1.000000000e+00, v15;
	v45 =	vmul.f32 $1.428571490e-01, v42;
	v44 =	vmul.f32 v19, v19;
	v46 =	vpop (erf)  }
0x2dd: {  	v2 =	vadd.f32 v7, v2;
	v47 =	vmul.f32 v11, v11;
	v20 =	vmul.f32 v46, v34  }
0x2de: {  	v6 =	vmul.f32 v43, v14;
	v17 =	vadd.f32 $2.000000030e-01, v45;
	v48 =	vmul.f32 $1.428571490e-01, v44  }
0x2df: {  	v5 =	vmax.f32 v5, $0.0e+00;
	v49 =	vmul.f32 $1.428571490e-01, v47;
	v21 =	vmul.f32 v20, v20  }
0x2e0: {  	v2 =	vmul.f32 v2, v27;
	v17 =	vmul.f32 v17, v42;
	v14 =	vadd.f32 $2.000000030e-01, v48  }
0x2e1: {  	v5 =	vadd.f32 v6, v5;
	v52 =	vpop (erf);
	v50 =	vadd.f32 $2.000000030e-01, v49;
	v51 =	vmul.f32 $1.428571490e-01, v21  }
0x2e2: {  	v23 =	vadd.f32 $1.000000000e+00, v52;
	v17 =	vadd.f32 $3.333333430e-01, v17;
	v53 =	vpop (erf);
	v14 =	vmul.f32 v14, v44  }
0x2e3: {  	v24 =	vadd.f32 $1.000000000e+00, v53;
	v6 =	vmul.f32 v50, v47;
	v7 =	vadd.f32 $2.000000030e-01, v51;
	v54 =	vpop (erf)  }
0x2e4: {  	(erf) = vrcp.f32 v23;
	v14 =	vadd.f32 $3.333333430e-01, v14;
	v25 =	vadd.f32 $1.000000000e+00, v54;
	v55 =	vpop (erf)  }
0x2e5: {  	(erf) = vrcp.f32 v24;
	v7 =	vmul.f32 v7, v21;
	v23 =	vadd.f32 $1.000000000e+00, v55  }
0x2e6: {  	v13 =	vmul.f32 v17, v42;
	v6 =	vadd.f32 $3.333333430e-01, v6;
	(erf) = vrcp.f32 v25  }
0x2e7: {  	v14 =	vmul.f32 v14, v44;
	v7 =	vadd.f32 $3.333333430e-01, v7;
	(erf) = vrcp.f32 v23  }
0x2e8: {  	v56 =	vadd.f32 v16, v16;
	v13 =	vadd.f32 $1.000000000e+00, v13;
	v6 =	vmul.f32 v6, v47  }
0x2e9: {  	v57 =	vadd.f32 v19, v19;
	v14 =	vadd.f32 $1.000000000e+00, v14;
	v7 =	vmul.f32 v7, v21  }
0x2ea: {  	v11 =	vadd.f32 v11, v11;
	v13 =	vmul.f32 v13, v56;
	v6 =	vadd.f32 $1.000000000e+00, v6  }
0x2eb: {  	[tilespmem:s1+$0xFFFFFF80] =	vst v1;
	v1 =	vadd.f32 v20, v20;
	v14 =	vmul.f32 v14, v57;
	v7 =	vadd.f32 $1.000000000e+00, v7  }
0x2ec: {  	v12 =	vmax.f32 v12, $0.0e+00;
	[tilespmem:s1+$0xFFFFFFA0] =	vst v3;
	v58 =	vadd.f32 v13, v9;
	v3 =	vmul.f32 v6, v11  }
0x2ed: {  	[tilespmem:s1+$0xFFFFFFC0] =	vst v4;
	v59 =	vmul.f32 v5, v39;
	v60 =	vpop (erf);
	v61 =	vadd.f32 v14, v10;
	v1 =	vmul.f32 v7, v1  }
0x2ee: {  	v8 =	vmax.f32 v8, $0.0e+00;
	[tilespmem:s1+$0xFFFFFFE0] =	vst v2;
	v2 =	vpop (erf);
	v3 =	vadd.f32 v3, v12;
	v5 =	vmul.f32 v58, v60  }
0x2ef: {  	[tilespmem:s8+$0x0] =	vst v59;
	v2 =	vmul.f32 v61, v2;
	v62 =	vpop (erf);
	v1 =	vadd.f32 v1, v8  }
.Ltmp5:
0x2f0: {  	[tilespmem:s8+$0xFFFFFF80] =	vst v5;
	v63 =	vpop (erf);
	v3 =	vmul.f32 v3, v62;
	(pc) =	sbr.rel @p1 .LBB2_10-.Ltmp5, $4  }
0x2f1: {  	[tilespmem:s8+$0xFFFFFFA0] =	vst v2;
	v1 =	vmul.f32 v1, v63  }
0x2f2: {  	[tilespmem:s8+$0xFFFFFFC0] =	vst v3  }
0x2f3: {  	s24 =	sadd.s32 $0x80, s24;
	[tilespmem:s8+$0xFFFFFFE0] =	vst v1  }
0x2f4: {  	[spmem:s2] =	stream.indirect.scatter.add.f32 [tilespmem:s31], [sflag:$0x4], $0x20, s24, s18, $0xb8;
	[tilespmem:$0x1CAC0] =	vst v63  }
0x2f5: {  	s1 =	sadd.s32 $0x3, s22  }
0x2f6: {  	s8 =	sshll.u32 s1, $0x7  }
0x2f7: {  	[tilespmem:s23], [sflag:$0x2] =	stream.indirect.gather [hbm4b:s4+s18], $0x40, s8, s18, $0xb8;
	[tilespmem:$0x1CAC0] =	vst v63  }
.Ltmp6:
0x2f8: {  	s1 =	sadd.s32 s5, s1;
	(pc) =	sbr.rel .LBB2_4-.Ltmp6, $4  }
0x2f9: {  	s8 =	sadd.s32 $0x2800, s8;
	s1 =	smul.u32 $0x3E8, s1  }
0x2fa: {  	[tilespmem:s25], [sflag:$0x2] =	stream.indirect.gather [hbm4b:s6+s18], $0x40, s8, s18, $0xb8;
	[tilespmem:$0x1CAC0] =	vst v63  }
0x2fb: {  	s21 =	sadd.s32 $0x1, s21;
	s1 =	sadd.s32 s7, s1  }
0x2fc: {  	[tilespmem:s26], [sflag:$0x2] =	stream.linear.gather [hbm4b:s1+s3], $0x1F40, $0x38;
	[tilespmem:$0x1CAC0] =	vst v63  }
.LBB2_11:
0x2fd: {  	_ =	sfence.sel $0x180000  }
0x2fe: {  	[bflag:$0x0] =	sbarrier.arrive $0xFFFF  }
0x2ff: {  	_ =	strace $0x90000050  }
0x300: {  	s0 =	stileid.u32;
	[bflag:$0x2] =	sbarrier.arrive $0xFFFF  }
0x301: {  	p0 =	sne.s32 s0, $0x0;
	s0 =	rddreg [dreg:$0x3]  }
0x302: {  	s0 =	sadd.s32 @!p0 $0x100000, s0  }
0x303: {  	[sflag:s0] =	ssyncadd.tile.s32 @!p0 $0x1;
	_ =	shalt  }
.Lfunc_end2:
_tile_overlayer_lowered:
.L_overlay_start_2:
0x304: {  	(tag) =	ssettag $0x2  }
0x305: {  	s0 =	rddreg [dreg:$0x0];
	s2 =	stileid.u32  }
0x306: {  	s1 =	rddreg [dreg:$0x1];
	p0 =	sne.s32 s2, $0x0  }
0x307: {  	s3 =	rddreg [dreg:$0x2];
	[bflag:$0x3] =	sbarrier.arrive $0xFFFF;
	s2 =	simm.s32 @!p0 $0x1C05  }
0x308: {  	[timem:s3], [sflag:s2] =	dma.local @!p0 [hbm:s0], s1  }
0x309: {  	s0 =	simm.s32 @!p0 $0x5  }
0x30a: {  	_ =	swait.ge @!p0 [sflag:s0], s1  }
0x30b: {  	s1 =	ssub.s32 @!p0 $0x0, s1;
	[sflag:s0] =	ssyncset.done @!p0 $0x0  }
0x30c: {  	[sflag:s0] =	ssyncadd.s32 @!p0 s1  }
0x30d: {  	[bflag:$0x3] =	sbarrier.arrive $0xFFFF  }
0x30e: {  	_ =	shalt  }

// kernel: sparse-core-data-format-call.1.cloned.1.call-start
scs
called_computation.1_lowered:
.L_overlay_start_0:
0x0: {  	s1 =	sld [smem:$0x3FD9]  }
0x1: {  	s2 =	sld [smem:$0x3FFE];
	_ =	sdelay $0x1  }
0x2: {  	s3 =	srdreg.scid  }
0x3: {  	s0 =	sand.u32 $0x1, s3  }
0x4: {  	s17 =	sshll.u32 s0, $0xA;
	s1 =	sadd.s32 s2, s1  }
0x5: {  	s1 =	sadd.s32 s1, s17  }
0x6: {  	[smem:$0x3FB1] =	sst s1  }
0x7: {  	_ = 	snop  }
0x8: {  	(tm) =	ssettm $0x1  }
0x9: {  	s18 =	sld [smem:$0x3FFB];
	_ =	sdelay $0x3  }
0xa: {  	_ =	strace s18  }
0xb: {  	s1 =	sld [smem:$0x3FFC];
	_ =	sdelay $0x3  }
0xc: {  	_ =	strace s1  }
0xd: {  	s1 =	sld [smem:$0x3FFD];
	_ =	sdelay $0x3  }
0xe: {  	_ =	strace s1  }
0xf: {  	_ =	strace $0x8FFFFFFF  }
0x10: {  	s19 =	sld [smem:$0x3FDB];
	_ =	sdelay $0x1  }
0x11: {  	s20 =	simm.s32 $_scs_section_size  }
0x12: {  	s4 =	simm.s32 $_size__tile_overlayer_lowered;
	s5 =	simm.s32 $_tile_overlayer_lowered  }
0x13: {  	s23 =	simm.s32 $0x1BFF;
	s22 =	sshll.u32 s5, $0x1;
	s1 =	sadd.s32 s20, s19  }
0x14: {  	s6 =	simm.s32 $0x0;
	s21 =	sshll.u32 s4, $0x1;
	s4 =	sadd.s32 s22, s1  }
0x15: {  	[timem:s6], [sflag:s23] =	dma.local [hbm:s4], s21  }
0x16: {  	_ =	swait.ge [sflag:s23], s21  }
0x17: {  	s2 =	ssub.s32 $0x0, s21;
	[sflag:s23] =	ssyncset.done $0x0  }
0x18: {  	[sflag:s23] =	ssyncadd.s32 s2;
	_ =	sdelay $0x1  }
0x19: {  	s24 =	simm.s32 $0x1B8B  }
0x1a: {  	_ =	swait.ge [sflag:s24], $0x1  }
0x1b: {  	[sflag:s24] =	ssyncset.done $0x0  }
0x1c: {  	s26 =	simm.s32 $0x1B8E;
	s25 =	sld [smem:$0x3FFE];
	[sflag:s24] =	ssyncadd.s32 $0xFFFFFFFF  }
0x1d: {  	s27 =	simm.s32 $execute0_lowered;
	[smem:$0x3FD2] =	sst s26  }
0x1e: {  	s4 =	sshll.u32 s27, $0x1;
	_ =	strace $0x80000046;
	[dreg:$0x1] =	wrdreg $0xFFFFFFFF  }
0x1f: {  	s28 =	simm.s32 $_size_execute0_lowered;
	s1 =	sadd.s32 s1, s4;
	[dreg:$0x0] =	wrdreg $0x0  }
0x20: {  	s4 =	sshll.u32 s28, $0x1;
	[dreg:$0x2] =	wrdreg s1  }
0x21: {  	[dreg:$0x3] =	wrdreg s4  }
0x22: {  	[dreg:$0x4] =	wrdreg $0xC0  }
0x23: {  	_ =	task [dreg:s6], $0x5FFFF  }
0x24: {  	[dreg:$0x1] =	wrdreg $0xFFFFFFFF  }
0x25: {  	[dreg:$0x0] =	wrdreg $0x60  }
0x26: {  	[dreg:$0x2] =	wrdreg s25  }
0x27: {  	[dreg:$0x3] =	wrdreg $0x9  }
0x28: {  	_ =	task.clear_ibuf [dreg:s6], $0x4FFFF;
	_ =	strace $0x90000046  }
0x29: {  	s29 =	simm.s32 $0x9;
	_ =	strace $0x80000048  }
0x2a: {  	_ =	swait.ge [sflag:s29], $0x1  }
0x2b: {  	[sflag:s29] =	ssyncadd.s32 $0xFFFFFFFF  }
0x2c: {  	_ =	strace $0x90000048  }
0x2d: {  	_ =	sfence  }
0x2e: {  	s30 =	sld [smem:$0x0];
	_ =	sdelay $0x2  }
0x2f: {  	s31 =	sshll.u32 s3, $0xD;
	s3 =	sshrl.u32 s3, $0x2  }
0x30: {  	s2 =	sand.u32 $0x4000, s31;
	s1 =	sadd.s32 s3, s30  }
0x31: {  	s0 =	sor.u32 s2, s0;
	s1 =	sshll.u32 s1, $0x11  }
0x32: {  	s0 =	sor.u32 s1, s0  }
0x33: {  	s0 =	sadd.s32 $0x8F2B, s0  }
0x34: {  	[sflag:s0] =	ssyncadd.remote.s32 $0x1  }
0x35: {  	_ =	sfence.sel $0xFFFF  }
0x36: {  	[dreg:$0x0] =	wrdreg $0xFFFFFFFF;
	(pc) =	sbr.abs _section_cstart, $3  }
0x37: {  	[dreg:$0x1] =	wrdreg $0xFFFFFFFF  }
0x38: {  	_ =	task.clear_ibuf [dreg:s6], $0x2FFFF;
	_ =	strace $0x9FFFFFFF  }
0x39: {  	(tm) =	ssettm $0x7FFFFFFF  }
tec
execute0_lowered:
.L_overlay_start_1:
0x0: {  	(tag) =	ssettag $0x1  }
0x1: {  	s0 =	srdreg.scid  }
0x2: {  	s1 =	sshll.u32 s0, $0x4  }
0x3: {  	s4 =	rddreg [dreg:$0x0];
	s0 =	stileid.u32;
	s1 =	sand.u32 $0x10, s1  }
0x4: {  	s7 =	simm.s32 $0x1;
	s8 =	simm.s32 $0x2;
	s1 =	sor.u32 s0, s1  }
0x5: {  	s9 =	simm.s32 $0x0;
	s12 =	simm.s32 $0x0;
	s2 =	sshll.u32 s1, $0x2  }
0x6: {  	s11 =	simm.s32 $0x0;
	s3 =	sadd.s32 $0xA8400, s4;
	s6 =	ssub.s32 $0x1388, s2  }
.Ltmp0:
0x7: {  	s4 =	sadd.s32 $0x319400, s4;
	s5 =	sand.u32 $0x7C, s6;
	(pc) =	sbr.rel .LBB1_1-.Ltmp0, $4  }
0x8: {  	s1 =	rddreg [dreg:$0x1];
	_ =	strace $0x80000047;
	p0 =	sne.s32 s5, $0x0  }
0x9: {  	s6 =	sshrl.u32 s6, $0x7;
	s5 =	simm.s32 $0x1;
	s7 =	simm.s32 @!p0 $0x0  }
0xa: {  	s10 =	smov.u32 s2;
	[sflag:s5] =	ssyncpa.u1 $0x0;
	s6 =	sadd.s32 s7, s6  }
0xb: {  	[sflag:s8] =	ssyncpa.u1 $0x0;
	s8 =	simm.s32 $0x0;
	s7 =	sadd.s32 $0x1, s6  }
.LBB1_9:
0xc: {  	s14 =	sadd.s32 $0x80, s10  }
0xd: {  	p1 =	sgt.s32 s14, $0x1387  }
0xe: {  	s14 =	smov.u32 @p1 s2;
	p1 =	sne.s32 s11, s7  }
.Ltmp1:
0xf: {  	p0 =	slt.u32 s11, $0x2;
	(pc) =	sbr.rel @!p1 .LBB1_10-.Ltmp1, $4  }
0x10: {  	s13 =	simm.s32 @!p0 $0x2  }
0x11: {  	s15 =	sadd.s32 $0x1, s11;
	_ =	swait.ge @!p0 [sflag:s13], $0x4000  }
0x12: {  	s12 =	smov.u32 s10;
	s9 =	sadd.s32 $0x4000, s9;
	[sflag:s13] =	ssyncset.done @!p0 $0x0  }
0x13: {  	s11 =	smov.u32 s15;
	s10 =	smov.u32 s14;
	[sflag:s13] =	ssyncadd.s32 @!p0 $0xFFFFC000  }
.LBB1_1:
0x14: {  	p0 =	sge.u32 s11, s6  }
0x15: {  	s13 =	sxor.u32 @!p0 $0xFFFFFFFF, s11  }
0x16: {  	s31 =	sadd.s32 $0xFFFFFFFF, s11;
	s14 =	sshll.u32 @!p0 s10, $0x9;
	s13 =	sshll.u32 @!p0 s13, $0xE  }
0x17: {  	s15 =	simm.s32 @!p0 $0x0;
	s14 =	sadd.s32 @!p0 s3, s14;
	s13 =	sand.u32 @!p0 $0x4000, s13  }
0x18: {  	[tilespmem:s13], [sflag:$0x1] =	stream.linear.gather @!p0 [hbm4b:s14+s15], $0x4000, $0x38;
	[tilespmem:$0x10000] =	vst v63  }
0x19: {  	p0 =	sge.u32 s31, s6  }
.Ltmp2:
0x1a: {  	_ = 	snop;
	(pc) =	sbr.rel @p0 .LBB1_9-.Ltmp2, $1  }
0x1b: {  	_ =	sdelay $0x3  }
0x1c: {  	s14 =	sand.u32 $0x4000, s9  }
0x1d: {  	_ =	swait.ge [sflag:s5], $0x4000;
	s15 =	sshll.u32 s11, $0xE;
	s16 =	simm.s32 $0x0  }
0x1e: {  	s13 =	sor.u32 $0x40, s14;
	[sflag:s5] =	ssyncset.done $0x0;
	s15 =	sand.u32 $0x4000, s15  }
0x1f: {  	s14 =	sor.u32 $0x8040, s14;
	[sflag:s5] =	ssyncadd.s32 $0xFFFFC000;
	s15 =	sor.u32 $0x8000, s15  }
.LBB1_3:
0x20: {  	s17 =	smov.u32 s14;
	s18 =	smov.u32 s13;
	s19 =	simm.s32 $0x0  }
.LBB1_4:
0x21: {  	v0 =	vmov s17;
	v2 =	vld [tilespmem:s18+$0x30]  }
0x22: {  	v4 =	vld [tilespmem:s18+$0xFFFFFFD0]  }
0x23: {  	v6 =	vld [tilespmem:s18+$0xFFFFFFE0]  }
0x24: {  	v7 =	vld [tilespmem:s18+$0xFFFFFFF0]  }
0x25: {  	s20 =	simm.s32 $0x0;
	v1 =	vld [tilespmem:s18+$0x0]  }
0x26: {  	v3 =	vld [tilespmem:s18+$0x10];
	[tilespmem:v0+s20+$0x30 ss:$0x1] =	vst.idx.msk $0xffff, v2  }
0x27: {  	v5 =	vld [tilespmem:s18+$0x20];
	[tilespmem:v0+s20+$0xFFFFFFD0 ss:$0x1] =	vst.idx.msk $0xffff, v4  }
0x28: {  	s21 =	sadd.s32 $0x80, s18;
	v2 =	vld [tilespmem:s18+$0xFFFFFFC0];
	[tilespmem:v0+s20+$0xFFFFFFE0 ss:$0x1] =	vst.idx.msk $0xffff, v6  }
0x29: {  	s22 =	simm.s32 $0x800;
	s23 =	simm.s32 $0x1000;
	v4 =	vld [tilespmem:s21+$0x30];
	[tilespmem:v0+s20+$0xFFFFFFF0 ss:$0x1] =	vst.idx.msk $0xffff, v7  }
.LBB1_5:
0x2a: {  	p0 =	sne.s32 s23, $0x3800;
	v6 =	vld [tilespmem:s21+$0xFFFFFFD0];
	[tilespmem:v0+s20+$0x0 ss:$0x1] =	vst.idx.msk $0xffff, v1  }
0x2b: {  	v7 =	vld [tilespmem:s21+$0xFFFFFFE0];
	[tilespmem:v0+s20+$0x10 ss:$0x1] =	vst.idx.msk $0xffff, v3  }
0x2c: {  	v8 =	vld [tilespmem:s21+$0xFFFFFFF0];
	[tilespmem:v0+s20+$0x20 ss:$0x1] =	vst.idx.msk $0xffff, v5  }
.Ltmp3:
0x2d: {  	v1 =	vld [tilespmem:s21+$0x0];
	[tilespmem:v0+s20+$0xFFFFFFC0 ss:$0x1] =	vst.idx.msk $0xffff, v2;
	s20 =	sshra.s32 s22, $0x2;
	s22 =	smov.u32 s23;
	(pc) =	sbr.rel @p0 .LBB1_5-.Ltmp3, $4  }
0x2e: {  	v3 =	vld [tilespmem:s21+$0x10];
	[tilespmem:v0+s20+$0x30 ss:$0x1] =	vst.idx.msk $0xffff, v4  }
0x2f: {  	[tilespmem:v0+s20+$0xFFFFFFD0 ss:$0x1] =	vst.idx.msk $0xffff, v6;
	v5 =	vld [tilespmem:s21+$0x20]  }
0x30: {  	v2 =	vld [tilespmem:s21+$0xFFFFFFC0];
	[tilespmem:v0+s20+$0xFFFFFFE0 ss:$0x1] =	vst.idx.msk $0xffff, v7;
	s21 =	sadd.s32 $0x80, s21  }
0x31: {  	s23 =	sadd.s32 $0x800, s23;
	v4 =	vld [tilespmem:s21+$0x30];
	[tilespmem:v0+s20+$0xFFFFFFF0 ss:$0x1] =	vst.idx.msk $0xffff, v8  }
0x32: {  	_ =	sdelay $0x3  }
0x33: {  	v6 =	vld [tilespmem:s21+$0xFFFFFFD0];
	[tilespmem:v0+s20+$0x0 ss:$0x1] =	vst.idx.msk $0xffff, v1  }
0x34: {  	v58 =	vld [tilespmem:s21+$0xFFFFFFE0];
	[tilespmem:v0+s20+$0x10 ss:$0x1] =	vst.idx.msk $0xffff, v3  }
0x35: {  	v59 =	vld [tilespmem:s21+$0xFFFFFFF0];
	[tilespmem:v0+s20+$0x20 ss:$0x1] =	vst.idx.msk $0xffff, v5  }
0x36: {  	s22 =	sshra.s32 s22, $0x2;
	v60 =	vld [tilespmem:s21+$0x0];
	[tilespmem:v0+s20+$0xFFFFFFC0 ss:$0x1] =	vst.idx.msk $0xffff, v2  }
0x37: {  	v61 =	vld [tilespmem:s21+$0x10];
	[tilespmem:v0+s22+$0x30 ss:$0x1] =	vst.idx.msk $0xffff, v4  }
0x38: {  	v62 =	vld [tilespmem:s21+$0x20];
	s19 =	sadd.s32 $0x1, s19;
	[tilespmem:v0+s22+$0xFFFFFFD0 ss:$0x1] =	vst.idx.msk $0xffff, v6  }
0x39: {  	v63 =	vld [tilespmem:s21+$0xFFFFFFC0];
	p0 =	sne.s32 s19, $0x4;
	[tilespmem:v0+s22+$0xFFFFFFE0 ss:$0x1] =	vst.idx.msk $0xffff, v58  }
.Ltmp4:
0x3a: {  	[tilespmem:v0+s22+$0xFFFFFFF0 ss:$0x1] =	vst.idx.msk $0xffff, v59;
	(pc) =	sbr.rel @p0 .LBB1_4-.Ltmp4, $4  }
0x3b: {  	[tilespmem:v0+s22+$0x0 ss:$0x1] =	vst.idx.msk $0xffff, v60  }
0x3c: {  	[tilespmem:v0+s22+$0x10 ss:$0x1] =	vst.idx.msk $0xffff, v61  }
0x3d: {  	[tilespmem:v0+s22+$0x20 ss:$0x1] =	vst.idx.msk $0xffff, v62  }
0x3e: {  	s18 =	sadd.s32 $0x400, s18;
	s17 =	sadd.s32 $0x80, s17;
	[tilespmem:v0+s22+$0xFFFFFFC0 ss:$0x1] =	vst.idx.msk $0xffff, v63  }
0x3f: {  	s16 =	sadd.s32 $0x1, s16  }
0x40: {  	p0 =	sne.s32 s16, $0x4  }
.Ltmp5:
0x41: {  	_ = 	snop;
	(pc) =	sbr.rel @p0 .LBB1_3-.Ltmp5, $2  }
0x42: {  	_ =	sdelay $0x2  }
0x43: {  	s13 =	sadd.s32 $0x1000, s13;
	s14 =	sadd.s32 $0x1000, s14  }
.Ltmp6:
0x44: {  	(pc) =	sbr.rel .LBB1_9-.Ltmp6, $4  }
0x45: {  	_ = 	snop  }
0x46: {  	s12 =	sshll.u32 s12, $0x9  }
0x47: {  	s12 =	sadd.s32 s4, s12  }
0x48: {  	[hbm4b:s12+s8] =	stream.linear.scatter [tilespmem:s15], [sflag:$0x2], $0x4000, $0x38;
	[tilespmem:$0x10000] =	vst v63  }
.LBB1_10:
0x49: {  	_ =	sfence.sel $0x180000  }
0x4a: {  	s2 =	simm.s32 $0x1;
	[bflag:$0x0] =	sbarrier.arrive $0xFFFF  }
0x4b: {  	s31 =	simm.s32 $0x2;
	[sflag:s2] =	ssyncpa.u1 $0x1  }
0x4c: {  	[sflag:s31] =	ssyncpa.u1 $0x1  }
0x4d: {  	p0 =	sne.s32 s0, $0x0;
	_ =	strace $0x90000047  }
0x4e: {  	s0 =	sadd.s32 @!p0 $0x100000, s1;
	[bflag:$0x2] =	sbarrier.arrive $0xFFFF  }
0x4f: {  	[sflag:s0] =	ssyncadd.tile.s32 @!p0 $0x1;
	_ =	shalt  }
.Lfunc_end1:
_tile_overlayer_lowered:
.L_overlay_start_2:
0x50: {  	(tag) =	ssettag $0x2  }
0x51: {  	s0 =	rddreg [dreg:$0x0];
	s2 =	stileid.u32  }
0x52: {  	s1 =	rddreg [dreg:$0x1];
	p0 =	sne.s32 s2, $0x0  }
0x53: {  	s3 =	rddreg [dreg:$0x2];
	[bflag:$0x3] =	sbarrier.arrive $0xFFFF;
	s2 =	simm.s32 @!p0 $0x1C01  }
0x54: {  	[timem:s3], [sflag:s2] =	dma.local @!p0 [hbm:s0], s1  }
0x55: {  	s0 =	simm.s32 @!p0 $0x1  }
0x56: {  	_ =	swait.ge @!p0 [sflag:s0], s1  }
0x57: {  	s1 =	ssub.s32 @!p0 $0x0, s1;
	[sflag:s0] =	ssyncset.done @!p0 $0x0  }
0x58: {  	[sflag:s0] =	ssyncadd.s32 @!p0 s1  }
0x59: {  	[bflag:$0x3] =	sbarrier.arrive $0xFFFF  }
0x5a: {  	_ =	shalt  }

// kernel: sparse-core-data-format-call.cloned.1.call-start
scs
called_computation_lowered:
.L_overlay_start_0:
0x0: {  	s2 =	sld [smem:$0x3FD9]  }
0x1: {  	s3 =	sld [smem:$0x3FFE];
	_ =	sdelay $0x1  }
0x2: {  	s1 =	srdreg.scid  }
0x3: {  	s0 =	sand.u32 $0x1, s1  }
0x4: {  	s18 =	sshll.u32 s0, $0xA;
	s2 =	sadd.s32 s3, s2  }
0x5: {  	s2 =	sadd.s32 s2, s18  }
0x6: {  	[smem:$0x3FB1] =	sst s2  }
0x7: {  	_ = 	snop  }
0x8: {  	(tm) =	ssettm $0x1  }
0x9: {  	s19 =	sld [smem:$0x3FFB];
	_ =	sdelay $0x3  }
0xa: {  	_ =	strace s19  }
0xb: {  	s2 =	sld [smem:$0x3FFC];
	_ =	sdelay $0x3  }
0xc: {  	_ =	strace s2  }
0xd: {  	s2 =	sld [smem:$0x3FFD];
	_ =	sdelay $0x3  }
0xe: {  	_ =	strace s2  }
0xf: {  	_ =	strace $0x8FFFFFFF  }
0x10: {  	s20 =	sld [smem:$0x3FDB];
	_ =	sdelay $0x1  }
0x11: {  	s21 =	simm.s32 $_scs_section_size  }
0x12: {  	s4 =	simm.s32 $_size__tile_overlayer_lowered;
	s5 =	simm.s32 $_tile_overlayer_lowered  }
0x13: {  	s6 =	simm.s32 $0x1BFF;
	s22 =	sshll.u32 s5, $0x1;
	s3 =	sadd.s32 s21, s20  }
0x14: {  	s23 =	simm.s32 $0x0;
	s4 =	sshll.u32 s4, $0x1;
	s5 =	sadd.s32 s22, s3  }
0x15: {  	[timem:s23], [sflag:s6] =	dma.local [hbm:s5], s4  }
0x16: {  	_ =	swait.ge [sflag:s6], s4  }
0x17: {  	s4 =	ssub.s32 $0x0, s4;
	[sflag:s6] =	ssyncset.done $0x0  }
0x18: {  	[sflag:s6] =	ssyncadd.s32 s4;
	_ =	sdelay $0x1  }
0x19: {  	s24 =	simm.s32 $0x1B8B  }
0x1a: {  	_ =	swait.ge [sflag:s24], $0x1  }
0x1b: {  	[sflag:s24] =	ssyncset.done $0x0  }
0x1c: {  	[sflag:s24] =	ssyncadd.s32 $0xFFFFFFFF  }
0x1d: {  	s4 =	sld [smem:$0x0]  }
0x1e: {  	s5 =	sand.u32 $0xFFFFFFFE, s1  }
0x1f: {  	p0 =	sne.s32 s1, s5  }
0x20: {  	s5 =	sshll.u32 @p0 s5, $0xE  }
0x21: {  	s5 =	sadd.s32 @p0 $0x11B8D, s5;
	s6 =	sshll.u32 @p0 s4, $0x11  }
0x22: {  	s5 =	sor.u32 @p0 s6, s5  }
0x23: {  	[sflag:s5] =	ssyncadd.remote.s32 @p0 $0x1;
	_ =	sdelay $0x1  }
0x24: {  	s5 =	simm.s32 @p0 $0x1B8D  }
0x25: {  	_ =	swait.eq @p0 [sflag:s5], $0x1  }
0x26: {  	[sflag:s5] =	ssyncadd.s32 @p0 $0xFFFFFFFF  }
0x27: {  	s6 =	sshll.u32 @!p0 s1, $0xE  }
0x28: {  	s6 =	sor.u32 @!p0 $0x4000, s6;
	s5 =	simm.s32 @!p0 $0x1B8D  }
0x29: {  	s4 =	sshll.u32 @!p0 s4, $0x11;
	s6 =	sadd.s32 @!p0 $0x11B8D, s6;
	_ =	swait.eq @!p0 [sflag:s5], $0x1  }
0x2a: {  	s4 =	sor.u32 @!p0 s4, s6;
	[sflag:s5] =	ssyncadd.s32 @!p0 $0xFFFFFFFF  }
0x2b: {  	s26 =	simm.s32 $0x1B8E;
	s25 =	sld [smem:$0x3FFE];
	[sflag:s4] =	ssyncadd.remote.s32 @!p0 $0x1  }
0x2c: {  	s27 =	simm.s32 $execute0_lowered;
	[smem:$0x3FD2] =	sst s26  }
0x2d: {  	s5 =	sshll.u32 s27, $0x1;
	_ =	strace $0x8000004C;
	[dreg:$0x1] =	wrdreg $0xFFFFFFFF  }
0x2e: {  	s28 =	simm.s32 $_size_execute0_lowered;
	s3 =	sadd.s32 s3, s5;
	[dreg:$0x0] =	wrdreg $0x0  }
0x2f: {  	s5 =	sshll.u32 s28, $0x1;
	[dreg:$0x2] =	wrdreg s3  }
0x30: {  	[dreg:$0x3] =	wrdreg s5  }
0x31: {  	[dreg:$0x4] =	wrdreg $0xC0  }
0x32: {  	_ =	task [dreg:s23], $0x5FFFF  }
0x33: {  	[dreg:$0x1] =	wrdreg $0xFFFFFFFF  }
0x34: {  	[dreg:$0x0] =	wrdreg $0x60  }
0x35: {  	[dreg:$0x2] =	wrdreg s25  }
0x36: {  	[dreg:$0x3] =	wrdreg $0x9  }
0x37: {  	_ =	task.clear_ibuf [dreg:s23], $0x4FFFF;
	_ =	strace $0x9000004C  }
0x38: {  	s29 =	simm.s32 $0x9;
	_ =	strace $0x8000004E  }
0x39: {  	_ =	swait.ge [sflag:s29], $0x1  }
0x3a: {  	[sflag:s29] =	ssyncadd.s32 $0xFFFFFFFF  }
0x3b: {  	_ =	strace $0x9000004E  }
0x3c: {  	_ =	sfence  }
0x3d: {  	s30 =	sld [smem:$0x0];
	_ =	sdelay $0x2  }
0x3e: {  	s31 =	sshll.u32 s1, $0xD;
	s1 =	sshrl.u32 s1, $0x2  }
0x3f: {  	s4 =	sand.u32 $0x4000, s31;
	s1 =	sadd.s32 s1, s30  }
0x40: {  	s0 =	sor.u32 s4, s0;
	s1 =	sshll.u32 s1, $0x11  }
0x41: {  	s0 =	sor.u32 s1, s0  }
0x42: {  	s0 =	sadd.s32 $0x8F2B, s0  }
0x43: {  	[sflag:s0] =	ssyncadd.remote.s32 $0x1  }
0x44: {  	_ =	sfence.sel $0xFFFF  }
0x45: {  	[dreg:$0x0] =	wrdreg $0xFFFFFFFF;
	(pc) =	sbr.abs _section_cstart, $3  }
0x46: {  	[dreg:$0x1] =	wrdreg $0xFFFFFFFF  }
0x47: {  	_ =	task.clear_ibuf [dreg:s23], $0x2FFFF;
	_ =	strace $0x9FFFFFFF  }
0x48: {  	(tm) =	ssettm $0x7FFFFFFF  }
0x49: {  	_ =	shalt  }
tec
execute0_lowered:
.L_overlay_start_1:
0x0: {  	(tag) =	ssettag $0x1  }
0x1: {  	s0 =	srdreg.scid  }
0x2: {  	s1 =	sshll.u32 s0, $0x4  }
0x3: {  	s4 =	rddreg [dreg:$0x0];
	s0 =	stileid.u32;
	s1 =	sand.u32 $0x10, s1  }
0x4: {  	s7 =	simm.s32 $0x1;
	s8 =	simm.s32 $0x2;
	s2 =	sor.u32 s0, s1  }
0x5: {  	s9 =	simm.s32 $0x0;
	s12 =	simm.s32 $0x0;
	s2 =	sshll.u32 s2, $0x2  }
0x6: {  	s11 =	simm.s32 $0x0;
	s3 =	sadd.s32 $0x5C5800, s4;
	s6 =	ssub.s32 $0x1388, s2  }
.Ltmp0:
0x7: {  	s4 =	sadd.s32 $0x836800, s4;
	s5 =	sand.u32 $0x7C, s6;
	(pc) =	sbr.rel .LBB1_1-.Ltmp0, $4  }
0x8: {  	s1 =	rddreg [dreg:$0x1];
	_ =	strace $0x8000004D;
	p0 =	sne.s32 s5, $0x0  }
0x9: {  	s6 =	sshrl.u32 s6, $0x7;
	s5 =	simm.s32 $0x1;
	s7 =	simm.s32 @!p0 $0x0  }
0xa: {  	s10 =	smov.u32 s2;
	[sflag:s5] =	ssyncpa.u1 $0x0;
	s6 =	sadd.s32 s7, s6  }
0xb: {  	[sflag:s8] =	ssyncpa.u1 $0x0;
	s8 =	simm.s32 $0x0;
	s7 =	sadd.s32 $0x1, s6  }
.LBB1_9:
0xc: {  	s14 =	sadd.s32 $0x80, s10  }
0xd: {  	p1 =	sgt.s32 s14, $0x1387  }
0xe: {  	s14 =	smov.u32 @p1 s2;
	p1 =	sne.s32 s11, s7  }
.Ltmp1:
0xf: {  	p0 =	slt.u32 s11, $0x2;
	(pc) =	sbr.rel @!p1 .LBB1_10-.Ltmp1, $4  }
0x10: {  	s13 =	simm.s32 @!p0 $0x2  }
0x11: {  	s15 =	sadd.s32 $0x1, s11;
	_ =	swait.ge @!p0 [sflag:s13], $0x4000  }
0x12: {  	s12 =	smov.u32 s10;
	s9 =	sadd.s32 $0x4000, s9;
	[sflag:s13] =	ssyncset.done @!p0 $0x0  }
0x13: {  	s11 =	smov.u32 s15;
	s10 =	smov.u32 s14;
	[sflag:s13] =	ssyncadd.s32 @!p0 $0xFFFFC000  }
.LBB1_1:
0x14: {  	p0 =	sge.u32 s11, s6  }
0x15: {  	s13 =	sxor.u32 @!p0 $0xFFFFFFFF, s11  }
0x16: {  	s31 =	sadd.s32 $0xFFFFFFFF, s11;
	s14 =	sshll.u32 @!p0 s10, $0x9;
	s13 =	sshll.u32 @!p0 s13, $0xE  }
0x17: {  	s15 =	simm.s32 @!p0 $0x0;
	s14 =	sadd.s32 @!p0 s3, s14;
	s13 =	sand.u32 @!p0 $0x4000, s13  }
0x18: {  	[tilespmem:s13], [sflag:$0x1] =	stream.linear.gather @!p0 [hbm4b:s14+s15], $0x4000, $0x38;
	[tilespmem:$0x10000] =	vst v63  }
0x19: {  	p0 =	sge.u32 s31, s6  }
.Ltmp2:
0x1a: {  	_ = 	snop;
	(pc) =	sbr.rel @p0 .LBB1_9-.Ltmp2, $1  }
0x1b: {  	_ =	sdelay $0x3  }
0x1c: {  	s14 =	sand.u32 $0x4000, s9  }
0x1d: {  	_ =	swait.ge [sflag:s5], $0x4000;
	s15 =	sshll.u32 s11, $0xE;
	s16 =	simm.s32 $0x0  }
0x1e: {  	s13 =	sor.u32 $0x40, s14;
	[sflag:s5] =	ssyncset.done $0x0;
	s15 =	sand.u32 $0x4000, s15  }
0x1f: {  	s14 =	sor.u32 $0x8040, s14;
	[sflag:s5] =	ssyncadd.s32 $0xFFFFC000;
	s15 =	sor.u32 $0x8000, s15  }
.LBB1_3:
0x20: {  	s17 =	smov.u32 s14;
	s18 =	smov.u32 s13;
	s19 =	simm.s32 $0x0  }
.LBB1_4:
0x21: {  	v0 =	vmov s17;
	v2 =	vld [tilespmem:s18+$0x30]  }
0x22: {  	v4 =	vld [tilespmem:s18+$0xFFFFFFD0]  }
0x23: {  	v6 =	vld [tilespmem:s18+$0xFFFFFFE0]  }
0x24: {  	v7 =	vld [tilespmem:s18+$0xFFFFFFF0]  }
0x25: {  	s20 =	simm.s32 $0x0;
	v1 =	vld [tilespmem:s18+$0x0]  }
0x26: {  	v3 =	vld [tilespmem:s18+$0x10];
	[tilespmem:v0+s20+$0x30 ss:$0x1] =	vst.idx.msk $0xffff, v2  }
0x27: {  	v5 =	vld [tilespmem:s18+$0x20];
	[tilespmem:v0+s20+$0xFFFFFFD0 ss:$0x1] =	vst.idx.msk $0xffff, v4  }
0x28: {  	s21 =	sadd.s32 $0x80, s18;
	v2 =	vld [tilespmem:s18+$0xFFFFFFC0];
	[tilespmem:v0+s20+$0xFFFFFFE0 ss:$0x1] =	vst.idx.msk $0xffff, v6  }
0x29: {  	s22 =	simm.s32 $0x800;
	s23 =	simm.s32 $0x1000;
	v4 =	vld [tilespmem:s21+$0x30];
	[tilespmem:v0+s20+$0xFFFFFFF0 ss:$0x1] =	vst.idx.msk $0xffff, v7  }
.LBB1_5:
0x2a: {  	p0 =	sne.s32 s23, $0x3800;
	v6 =	vld [tilespmem:s21+$0xFFFFFFD0];
	[tilespmem:v0+s20+$0x0 ss:$0x1] =	vst.idx.msk $0xffff, v1  }
0x2b: {  	v7 =	vld [tilespmem:s21+$0xFFFFFFE0];
	[tilespmem:v0+s20+$0x10 ss:$0x1] =	vst.idx.msk $0xffff, v3  }
0x2c: {  	v8 =	vld [tilespmem:s21+$0xFFFFFFF0];
	[tilespmem:v0+s20+$0x20 ss:$0x1] =	vst.idx.msk $0xffff, v5  }
.Ltmp3:
0x2d: {  	v1 =	vld [tilespmem:s21+$0x0];
	[tilespmem:v0+s20+$0xFFFFFFC0 ss:$0x1] =	vst.idx.msk $0xffff, v2;
	s20 =	sshra.s32 s22, $0x2;
	s22 =	smov.u32 s23;
	(pc) =	sbr.rel @p0 .LBB1_5-.Ltmp3, $4  }
0x2e: {  	v3 =	vld [tilespmem:s21+$0x10];
	[tilespmem:v0+s20+$0x30 ss:$0x1] =	vst.idx.msk $0xffff, v4  }
0x2f: {  	[tilespmem:v0+s20+$0xFFFFFFD0 ss:$0x1] =	vst.idx.msk $0xffff, v6;
	v5 =	vld [tilespmem:s21+$0x20]  }
0x30: {  	v2 =	vld [tilespmem:s21+$0xFFFFFFC0];
	[tilespmem:v0+s20+$0xFFFFFFE0 ss:$0x1] =	vst.idx.msk $0xffff, v7;
	s21 =	sadd.s32 $0x80, s21  }
0x31: {  	s23 =	sadd.s32 $0x800, s23;
	v4 =	vld [tilespmem:s21+$0x30];
	[tilespmem:v0+s20+$0xFFFFFFF0 ss:$0x1] =	vst.idx.msk $0xffff, v8  }
0x32: {  	_ =	sdelay $0x3  }
0x33: {  	v6 =	vld [tilespmem:s21+$0xFFFFFFD0];
	[tilespmem:v0+s20+$0x0 ss:$0x1] =	vst.idx.msk $0xffff, v1  }
0x34: {  	v58 =	vld [tilespmem:s21+$0xFFFFFFE0];
	[tilespmem:v0+s20+$0x10 ss:$0x1] =	vst.idx.msk $0xffff, v3  }
0x35: {  	v59 =	vld [tilespmem:s21+$0xFFFFFFF0];
	[tilespmem:v0+s20+$0x20 ss:$0x1] =	vst.idx.msk $0xffff, v5  }
0x36: {  	s22 =	sshra.s32 s22, $0x2;
	v60 =	vld [tilespmem:s21+$0x0];
	[tilespmem:v0+s20+$0xFFFFFFC0 ss:$0x1] =	vst.idx.msk $0xffff, v2  }
0x37: {  	v61 =	vld [tilespmem:s21+$0x10];
	[tilespmem:v0+s22+$0x30 ss:$0x1] =	vst.idx.msk $0xffff, v4  }
0x38: {  	v62 =	vld [tilespmem:s21+$0x20];
	s19 =	sadd.s32 $0x1, s19;
	[tilespmem:v0+s22+$0xFFFFFFD0 ss:$0x1] =	vst.idx.msk $0xffff, v6  }
0x39: {  	v63 =	vld [tilespmem:s21+$0xFFFFFFC0];
	p0 =	sne.s32 s19, $0x4;
	[tilespmem:v0+s22+$0xFFFFFFE0 ss:$0x1] =	vst.idx.msk $0xffff, v58  }
.Ltmp4:
0x3a: {  	[tilespmem:v0+s22+$0xFFFFFFF0 ss:$0x1] =	vst.idx.msk $0xffff, v59;
	(pc) =	sbr.rel @p0 .LBB1_4-.Ltmp4, $4  }
0x3b: {  	[tilespmem:v0+s22+$0x0 ss:$0x1] =	vst.idx.msk $0xffff, v60  }
0x3c: {  	[tilespmem:v0+s22+$0x10 ss:$0x1] =	vst.idx.msk $0xffff, v61  }
0x3d: {  	[tilespmem:v0+s22+$0x20 ss:$0x1] =	vst.idx.msk $0xffff, v62  }
0x3e: {  	s18 =	sadd.s32 $0x400, s18;
	s17 =	sadd.s32 $0x80, s17;
	[tilespmem:v0+s22+$0xFFFFFFC0 ss:$0x1] =	vst.idx.msk $0xffff, v63  }
0x3f: {  	s16 =	sadd.s32 $0x1, s16  }
0x40: {  	p0 =	sne.s32 s16, $0x4  }
.Ltmp5:
0x41: {  	_ = 	snop;
	(pc) =	sbr.rel @p0 .LBB1_3-.Ltmp5, $2  }
0x42: {  	_ =	sdelay $0x2  }
0x43: {  	s13 =	sadd.s32 $0x1000, s13;
	s14 =	sadd.s32 $0x1000, s14  }
.Ltmp6:
0x44: {  	(pc) =	sbr.rel .LBB1_9-.Ltmp6, $4  }
0x45: {  	_ = 	snop  }
0x46: {  	s12 =	sshll.u32 s12, $0x9  }
0x47: {  	s12 =	sadd.s32 s4, s12  }
0x48: {  	[hbm4b:s12+s8] =	stream.linear.scatter [tilespmem:s15], [sflag:$0x2], $0x4000, $0x38;
	[tilespmem:$0x10000] =	vst v63  }
.LBB1_10:
0x49: {  	_ =	sfence.sel $0x180000  }
0x4a: {  	s2 =	simm.s32 $0x1;
	[bflag:$0x0] =	sbarrier.arrive $0xFFFF  }
0x4b: {  	s31 =	simm.s32 $0x2;
	[sflag:s2] =	ssyncpa.u1 $0x1  }
0x4c: {  	[sflag:s31] =	ssyncpa.u1 $0x1  }
0x4d: {  	p0 =	sne.s32 s0, $0x0;
	_ =	strace $0x9000004D  }
0x4e: {  	s0 =	sadd.s32 @!p0 $0x100000, s1;
	[bflag:$0x2] =	sbarrier.arrive $0xFFFF  }
0x4f: {  	[sflag:s0] =	ssyncadd.tile.s32 @!p0 $0x1;
	_ =	shalt  }
.Lfunc_end1:
_tile_overlayer_lowered:
.L_overlay_start_2:
0x50: {  	(tag) =	ssettag $0x2  }
0x51: {  	s0 =	rddreg [dreg:$0x0];
	s2 =	stileid.u32  }
0x52: {  	s1 =	rddreg [dreg:$0x1];
	p0 =	sne.s32 s2, $0x0  }
0x53: {  	s3 =	rddreg [dreg:$0x2];
	[bflag:$0x3] =	sbarrier.arrive $0xFFFF;
	s2 =	simm.s32 @!p0 $0x1C01  }
0x54: {  	[timem:s3], [sflag:s2] =	dma.local @!p0 [hbm:s0], s1  }
0x55: {  	s0 =	simm.s32 @!p0 $0x1  }
0x56: {  	_ =	swait.ge @!p0 [sflag:s0], s1  }
0x57: {  	s1 =	ssub.s32 @!p0 $0x0, s1;
	[sflag:s0] =	ssyncset.done @!p0 $0x0  }
0x58: {  	[sflag:s0] =	ssyncadd.s32 @!p0 s1  }
0x59: {  	[bflag:$0x3] =	sbarrier.arrive $0xFFFF  }
0x5a: {  	_ =	shalt  }

</sc_bundles>
